<compile_context>
chip_gen: v7x
topology: tpu7x:2x2x1
jax: 0.10.2.dev20260603
libtpu: 0.0.44.dev20260713+nightly
codegen_flags: <defaults>
</compile_context>

<pallas_src>
import functools

import jax
import jax.numpy as jnp
from jax import lax
from jax.experimental import pallas as pl
from jax.experimental.pallas import tpu as pltpu
from jax.experimental.pallas import tpu_sc as plsc

_D = 1024
_E = 8
_LANES = 16
_KC = _D // _LANES
_TSUB = 4
_NW = 32
_TC_BLOCK = 1024
_N_SC = 1024


def _router_block(x_ref, wt_ref, b_ref, out_ref):
    logits = jax.lax.dot_general(
        x_ref[...], wt_ref[...], (((1,), (0,)), ((), ())),
        precision=jax.lax.Precision.DEFAULT,
        preferred_element_type=jnp.float32)
    logits = logits + b_ref[...]
    m = jnp.max(logits, axis=-1, keepdims=True)
    e = jnp.exp(logits - m)
    out_ref[...] = e / jnp.sum(e, axis=-1, keepdims=True)


def _tc_router(x, Wt, b, n_tc):
    return pl.pallas_call(
        _router_block,
        grid=(n_tc // _TC_BLOCK,),
        in_specs=[
            pl.BlockSpec((_TC_BLOCK, _D), lambda i: (i, 0)),
            pl.BlockSpec((_D, _E), lambda i: (0, 0)),
            pl.BlockSpec((1, _E), lambda i: (0, 0)),
        ],
        out_specs=pl.BlockSpec((_TC_BLOCK, _E), lambda i: (i, 0)),
        out_shape=jax.ShapeDtypeStruct((n_tc, _E), jnp.float32),
        compiler_params=pltpu.CompilerParams(
            dimension_semantics=("arbitrary",),
        ),
    )(x, Wt, b.reshape(1, _E))


def _sc_router_body(base_tok, x_hbm, w_hbm, b2_hbm, out_hbm,
                    w_v, b_v, x_v, out_v):
    nc = 2
    wid = lax.axis_index("s") * nc + lax.axis_index("c")
    tok_per_w = _N_SC // _NW
    nblk = tok_per_w // _LANES
    base = base_tok + wid * tok_per_w

    pltpu.sync_copy(w_hbm, w_v)
    pltpu.sync_copy(b2_hbm, b_v)

    tok_iota = lax.iota(jnp.int32, _LANES)
    b2 = b_v[...]

    def blk_body(blk, _):
        tok0 = base + blk * _LANES
        pltpu.sync_copy(x_hbm.at[pl.ds(tok0, _LANES)], x_v)

        svals = [[None] * _E for _ in range(_LANES)]
        for sub in range(_LANES // _TSUB):
            def kc_body(kc, accs):
                accs = list(accs)
                for t in range(_TSUB):
                    xv = x_v[sub * _TSUB + t, pl.ds(kc * _LANES, _LANES)]
                    for e in range(_E):
                        wv = w_v[e, pl.ds(kc * _LANES, _LANES)]
                        accs[t * _E + e] = accs[t * _E + e] + xv * wv
                return tuple(accs)

            init = tuple(jnp.zeros((_LANES,), jnp.float32)
                         for _ in range(_TSUB * _E))
            accs = lax.fori_loop(0, _KC, kc_body, init)
            for t in range(_TSUB):
                for e in range(_E):
                    svals[sub * _TSUB + t][e] = jnp.sum(accs[t * _E + e])

        for p in range(_LANES // 2):
            v = jnp.zeros((_LANES,), jnp.float32)
            for e in range(_E):
                v = jnp.where(tok_iota == e, svals[2 * p][e], v)
                v = jnp.where(tok_iota == e + _E, svals[2 * p + 1][e], v)
            ev = jnp.exp(v + b2)
            cs = plsc.cumsum(ev)
            s0 = cs[_E - 1]
            s1 = cs[_LANES - 1] - s0
            out_v[p, :] = ev / jnp.where(tok_iota < _E, s0, s1)

        row0 = pl.multiple_of((tok0 - base_tok) // 2, _LANES // 2)
        pltpu.sync_copy(out_v, out_hbm.at[pl.ds(row0, _LANES // 2)])
        return ()

    lax.fori_loop(0, nblk, blk_body, ())


def _sc_router(x, W, b2, base_tok):
    mesh = plsc.VectorSubcoreMesh(core_axis_name="c", subcore_axis_name="s")
    f = functools.partial(
        pl.kernel,
        mesh=mesh,
        out_type=jax.ShapeDtypeStruct((_N_SC // 2, _LANES), jnp.float32),
        scratch_types=[
            pltpu.VMEM((_E, _D), jnp.float32),
            pltpu.VMEM((_LANES,), jnp.float32),
            pltpu.VMEM((_LANES, _D), jnp.float32),
            pltpu.VMEM((_LANES // 2, _LANES), jnp.float32),
        ],
        compiler_params=pltpu.CompilerParams(needs_layout_passes=False),
    )(functools.partial(_sc_router_body, base_tok))
    return f(x, W, b2)


def kernel(x, W, b):
    n = x.shape[0]
    n_tc = n - _N_SC
    out_tc = _tc_router(x, W.T, b, n_tc)
    b2 = jnp.concatenate([b, b])
    out_sc = _sc_router(x, W, b2, n_tc).reshape(_N_SC, _E)
    return jnp.concatenate([out_tc, out_sc], axis=0)

# --- scband reference (transcript-rebuilt; emitter-appended) ---
"""Pipeline reference for scband-top-level-router-50551765074002 (READ-ONLY COPY).

The authoritative reference and input builder live on the scoring server;
editing this copy changes nothing except your own understanding.
"""

import jax, jax.numpy as jnp
import numpy as np

HIDDEN_DIM = 1024
NUM_EXPERTS = 8
N_TOKENS = 32768

def setup_inputs(seed: int = 0) -> dict:
    key = jax.random.key(seed)
    k_x, k_w, k_b = jax.random.split(key, 3)
    x = jax.random.normal(k_x, (N_TOKENS, HIDDEN_DIM), dtype=jnp.float32)
    # nn.Linear(hidden_dim, num_experts): weight [num_experts, hidden_dim], bias [num_experts]
    bound = 1.0 / np.sqrt(HIDDEN_DIM)
    W = jax.random.uniform(k_w, (NUM_EXPERTS, HIDDEN_DIM), dtype=jnp.float32, minval=-bound, maxval=bound)
    b = jax.random.uniform(k_b, (NUM_EXPERTS,), dtype=jnp.float32, minval=-bound, maxval=bound)
    return {"x": x, "W": W, "b": b}

def reference(x, W, b):
    logits = x @ W.T + b
    probs = jax.nn.softmax(logits, axis=-1)
    return probs

if __name__ == "__main__":
    import jax
    _d = setup_inputs()
    print(jax.jit(kernel)(*tuple(_d.values())))

</pallas_src>

<mosaic_0001>
#map = affine_map<(d0, d1) -> (0, 0)>
#map1 = affine_map<(d0, d1) -> (0)>
module attributes {stable_mosaic.version = 14 : i64} {
  func.func @_sc_router_body(%arg0: i32, %arg1: i32, %arg2: memref<32768x1024xf32, #tpu.memory_space<hbm>>, %arg3: memref<8x1024xf32, #tpu.memory_space<hbm>>, %arg4: memref<16xf32, #tpu.memory_space<hbm>>, %arg5: memref<512x16xf32, #tpu.memory_space<hbm>>, %arg6: memref<8x1024xf32, #tpu.memory_space<vmem>>, %arg7: memref<16xf32, #tpu.memory_space<vmem>>, %arg8: memref<16x1024xf32, #tpu.memory_space<vmem>>, %arg9: memref<8x16xf32, #tpu.memory_space<vmem>>) attributes {dimension_semantics = [#tpu.dimension_semantics<core_parallel>, #tpu.dimension_semantics<subcore_parallel>], iteration_bounds = array<i64: 2, 16>, scalar_prefetch = 0 : i64, scratch_operands = 4 : i64, tpu.core_type = #tpu.core_type<sc_vector_subcore>, window_params = [{transform_indices = #map}, {transform_indices = #map}, {transform_indices = #map1}, {transform_indices = #map}]} {
    %mul3A = arith.constant 2 : i32
    %mul3A_0 = arith.muli %arg1, %mul3A : i32
    %add3A = arith.addi %mul3A_0, %arg0 : i32
    %mul3A_1 = arith.constant 32 : i32
    %mul3A_2 = arith.muli %add3A, %mul3A_1 : i32
    %add3A_3 = arith.constant 31744 : i32
    %add3A_4 = arith.addi %add3A_3, %mul3A_2 : i32
    "tpu.region"() ({
      %run_scoped3A = tpu.sem_alloc : memref<!tpu.dma_semaphore, #tpu.memory_space<semaphore_mem>>
      tpu.enqueue_dma source(%arg3 : memref<8x1024xf32, #tpu.memory_space<hbm>>) target(%arg6 : memref<8x1024xf32, #tpu.memory_space<vmem>>) target_semaphore(%run_scoped3A : memref<!tpu.dma_semaphore, #tpu.memory_space<semaphore_mem>>)
      tpu.wait_dma2 semaphore(%run_scoped3A : memref<!tpu.dma_semaphore, #tpu.memory_space<semaphore_mem>>) src(%arg3 : memref<8x1024xf32, #tpu.memory_space<hbm>>) dst(%arg6 : memref<8x1024xf32, #tpu.memory_space<vmem>>)
      tpu.yield
    }) : () -> ()
    "tpu.region"() ({
      %run_scoped3A = tpu.sem_alloc : memref<!tpu.dma_semaphore, #tpu.memory_space<semaphore_mem>>
      tpu.enqueue_dma source(%arg4 : memref<16xf32, #tpu.memory_space<hbm>>) target(%arg7 : memref<16xf32, #tpu.memory_space<vmem>>) target_semaphore(%run_scoped3A : memref<!tpu.dma_semaphore, #tpu.memory_space<semaphore_mem>>)
      tpu.wait_dma2 semaphore(%run_scoped3A : memref<!tpu.dma_semaphore, #tpu.memory_space<semaphore_mem>>) src(%arg4 : memref<16xf32, #tpu.memory_space<hbm>>) dst(%arg7 : memref<16xf32, #tpu.memory_space<vmem>>)
      tpu.yield
    }) : () -> ()
    %iota3A = tpu.iota {dimensions = array<i32: 0>} : vector<16xi32>
    %get3A = arith.constant 0 : index
    %get3A_5 = tpu.vector_load %arg7[%get3A] {strides = array<i32>} : memref<16xf32, #tpu.memory_space<vmem>>, vector<16xf32>,
    %scan3A = arith.constant 0 : i32
    %scan3A_6 = arith.constant 2 : i32
    %scan3A_7 = arith.addi %scan3A, %scan3A_6 : i32
    %scan3A_8 = arith.constant 1 : i32
    scf.for %scan3A_10 = %scan3A to %scan3A_7 step %scan3A_8  : i32 {
      %mul3A_11 = arith.constant 16 : i32
      %mul3A_12 = arith.muli %scan3A_10, %mul3A_11 : i32
      %add3A_13 = arith.addi %add3A_4, %mul3A_12 : i32
      "tpu.region"() ({
        %run_scoped3A = tpu.sem_alloc : memref<!tpu.dma_semaphore, #tpu.memory_space<semaphore_mem>>
        %dma_start3A = arith.constant 0 : i32
        %dma_start3A_1639 = tpu.memref_slice %arg2[%add3A_13, %dma_start3A] : memref<32768x1024xf32, #tpu.memory_space<hbm>> -> memref<16x1024xf32, #tpu.memory_space<hbm>>
        %dma_start3A_1640 = arith.constant 0 : i32
        %dma_start3A_1641 = tpu.memref_slice %arg2[%add3A_13, %dma_start3A_1640] : memref<32768x1024xf32, #tpu.memory_space<hbm>> -> memref<16x1024xf32, #tpu.memory_space<hbm>>
        tpu.enqueue_dma source(%dma_start3A_1641 : memref<16x1024xf32, #tpu.memory_space<hbm>>) target(%arg8 : memref<16x1024xf32, #tpu.memory_space<vmem>>) target_semaphore(%run_scoped3A : memref<!tpu.dma_semaphore, #tpu.memory_space<semaphore_mem>>)
        %dma_wait3A = arith.constant 0 : i32
        %dma_wait3A_1642 = tpu.memref_slice %arg2[%add3A_13, %dma_wait3A] : memref<32768x1024xf32, #tpu.memory_space<hbm>> -> memref<16x1024xf32, #tpu.memory_space<hbm>>
        %dma_wait3A_1643 = arith.constant 0 : i32
        %dma_wait3A_1644 = tpu.memref_slice %arg2[%add3A_13, %dma_wait3A_1643] : memref<32768x1024xf32, #tpu.memory_space<hbm>> -> memref<16x1024xf32, #tpu.memory_space<hbm>>
        tpu.wait_dma2 semaphore(%run_scoped3A : memref<!tpu.dma_semaphore, #tpu.memory_space<semaphore_mem>>) src(%dma_wait3A_1644 : memref<16x1024xf32, #tpu.memory_space<hbm>>) dst(%arg8 : memref<16x1024xf32, #tpu.memory_space<vmem>>)
        tpu.yield
      }) : () -> ()
      %broadcast_in_dim3A = arith.constant 0.000000e+00 : f32
      %broadcast_in_dim3A_14 = vector.broadcast %broadcast_in_dim3A : f32 to vector<16xf32>
      %broadcast_in_dim3A_15 = arith.constant 0.000000e+00 : f32
      %broadcast_in_dim3A_16 = vector.broadcast %broadcast_in_dim3A_15 : f32 to vector<16xf32>
      %broadcast_in_dim3A_17 = arith.constant 0.000000e+00 : f32
      %broadcast_in_dim3A_18 = vector.broadcast %broadcast_in_dim3A_17 : f32 to vector<16xf32>
      %broadcast_in_dim3A_19 = arith.constant 0.000000e+00 : f32
      %broadcast_in_dim3A_20 = vector.broadcast %broadcast_in_dim3A_19 : f32 to vector<16xf32>
      %broadcast_in_dim3A_21 = arith.constant 0.000000e+00 : f32
      %broadcast_in_dim3A_22 = vector.broadcast %broadcast_in_dim3A_21 : f32 to vector<16xf32>
      %broadcast_in_dim3A_23 = arith.constant 0.000000e+00 : f32
      %broadcast_in_dim3A_24 = vector.broadcast %broadcast_in_dim3A_23 : f32 to vector<16xf32>
      %broadcast_in_dim3A_25 = arith.constant 0.000000e+00 : f32
      %broadcast_in_dim3A_26 = vector.broadcast %broadcast_in_dim3A_25 : f32 to vector<16xf32>
      %broadcast_in_dim3A_27 = arith.constant 0.000000e+00 : f32
      %broadcast_in_dim3A_28 = vector.broadcast %broadcast_in_dim3A_27 : f32 to vector<16xf32>
      %broadcast_in_dim3A_29 = arith.constant 0.000000e+00 : f32
      %broadcast_in_dim3A_30 = vector.broadcast %broadcast_in_dim3A_29 : f32 to vector<16xf32>
      %broadcast_in_dim3A_31 = arith.constant 0.000000e+00 : f32
      %broadcast_in_dim3A_32 = vector.broadcast %broadcast_in_dim3A_31 : f32 to vector<16xf32>
      %broadcast_in_dim3A_33 = arith.constant 0.000000e+00 : f32
      %broadcast_in_dim3A_34 = vector.broadcast %broadcast_in_dim3A_33 : f32 to vector<16xf32>
      %broadcast_in_dim3A_35 = arith.constant 0.000000e+00 : f32
      %broadcast_in_dim3A_36 = vector.broadcast %broadcast_in_dim3A_35 : f32 to vector<16xf32>
      %broadcast_in_dim3A_37 = arith.constant 0.000000e+00 : f32
      %broadcast_in_dim3A_38 = vector.broadcast %broadcast_in_dim3A_37 : f32 to vector<16xf32>
      %broadcast_in_dim3A_39 = arith.constant 0.000000e+00 : f32
      %broadcast_in_dim3A_40 = vector.broadcast %broadcast_in_dim3A_39 : f32 to vector<16xf32>
      %broadcast_in_dim3A_41 = arith.constant 0.000000e+00 : f32
      %broadcast_in_dim3A_42 = vector.broadcast %broadcast_in_dim3A_41 : f32 to vector<16xf32>
      %broadcast_in_dim3A_43 = arith.constant 0.000000e+00 : f32
      %broadcast_in_dim3A_44 = vector.broadcast %broadcast_in_dim3A_43 : f32 to vector<16xf32>
      %broadcast_in_dim3A_45 = arith.constant 0.000000e+00 : f32
      %broadcast_in_dim3A_46 = vector.broadcast %broadcast_in_dim3A_45 : f32 to vector<16xf32>
      %broadcast_in_dim3A_47 = arith.constant 0.000000e+00 : f32
      %broadcast_in_dim3A_48 = vector.broadcast %broadcast_in_dim3A_47 : f32 to vector<16xf32>
      %broadcast_in_dim3A_49 = arith.constant 0.000000e+00 : f32
      %broadcast_in_dim3A_50 = vector.broadcast %broadcast_in_dim3A_49 : f32 to vector<16xf32>
      %broadcast_in_dim3A_51 = arith.constant 0.000000e+00 : f32
      %broadcast_in_dim3A_52 = vector.broadcast %broadcast_in_dim3A_51 : f32 to vector<16xf32>
      %broadcast_in_dim3A_53 = arith.constant 0.000000e+00 : f32
      %broadcast_in_dim3A_54 = vector.broadcast %broadcast_in_dim3A_53 : f32 to vector<16xf32>
      %broadcast_in_dim3A_55 = arith.constant 0.000000e+00 : f32
      %broadcast_in_dim3A_56 = vector.broadcast %broadcast_in_dim3A_55 : f32 to vector<16xf32>
      %broadcast_in_dim3A_57 = arith.constant 0.000000e+00 : f32
      %broadcast_in_dim3A_58 = vector.broadcast %broadcast_in_dim3A_57 : f32 to vector<16xf32>
      %broadcast_in_dim3A_59 = arith.constant 0.000000e+00 : f32
      %broadcast_in_dim3A_60 = vector.broadcast %broadcast_in_dim3A_59 : f32 to vector<16xf32>
      %broadcast_in_dim3A_61 = arith.constant 0.000000e+00 : f32
      %broadcast_in_dim3A_62 = vector.broadcast %broadcast_in_dim3A_61 : f32 to vector<16xf32>
      %broadcast_in_dim3A_63 = arith.constant 0.000000e+00 : f32
      %broadcast_in_dim3A_64 = vector.broadcast %broadcast_in_dim3A_63 : f32 to vector<16xf32>
      %broadcast_in_dim3A_65 = arith.constant 0.000000e+00 : f32
      %broadcast_in_dim3A_66 = vector.broadcast %broadcast_in_dim3A_65 : f32 to vector<16xf32>
      %broadcast_in_dim3A_67 = arith.constant 0.000000e+00 : f32
      %broadcast_in_dim3A_68 = vector.broadcast %broadcast_in_dim3A_67 : f32 to vector<16xf32>
      %broadcast_in_dim3A_69 = arith.constant 0.000000e+00 : f32
      %broadcast_in_dim3A_70 = vector.broadcast %broadcast_in_dim3A_69 : f32 to vector<16xf32>
      %broadcast_in_dim3A_71 = arith.constant 0.000000e+00 : f32
      %broadcast_in_dim3A_72 = vector.broadcast %broadcast_in_dim3A_71 : f32 to vector<16xf32>
      %broadcast_in_dim3A_73 = arith.constant 0.000000e+00 : f32
      %broadcast_in_dim3A_74 = vector.broadcast %broadcast_in_dim3A_73 : f32 to vector<16xf32>
      %broadcast_in_dim3A_75 = arith.constant 0.000000e+00 : f32
      %broadcast_in_dim3A_76 = vector.broadcast %broadcast_in_dim3A_75 : f32 to vector<16xf32>
      %scan3A_77 = arith.constant 0 : i32
      %scan3A_78 = arith.constant 64 : i32
      %scan3A_79 = arith.addi %scan3A_77, %scan3A_78 : i32
      %scan3A_80 = arith.constant 1 : i32
      %scan3A_81:32 = scf.for %scan3A_1639 = %scan3A_77 to %scan3A_79 step %scan3A_80 iter_args(%scan3A_1640 = %broadcast_in_dim3A_14, %scan3A_1641 = %broadcast_in_dim3A_16, %scan3A_1642 = %broadcast_in_dim3A_18, %scan3A_1643 = %broadcast_in_dim3A_20, %scan3A_1644 = %broadcast_in_dim3A_22, %scan3A_1645 = %broadcast_in_dim3A_24, %scan3A_1646 = %broadcast_in_dim3A_26, %scan3A_1647 = %broadcast_in_dim3A_28, %scan3A_1648 = %broadcast_in_dim3A_30, %scan3A_1649 = %broadcast_in_dim3A_32, %scan3A_1650 = %broadcast_in_dim3A_34, %scan3A_1651 = %broadcast_in_dim3A_36, %scan3A_1652 = %broadcast_in_dim3A_38, %scan3A_1653 = %broadcast_in_dim3A_40, %scan3A_1654 = %broadcast_in_dim3A_42, %scan3A_1655 = %broadcast_in_dim3A_44, %scan3A_1656 = %broadcast_in_dim3A_46, %scan3A_1657 = %broadcast_in_dim3A_48, %scan3A_1658 = %broadcast_in_dim3A_50, %scan3A_1659 = %broadcast_in_dim3A_52, %scan3A_1660 = %broadcast_in_dim3A_54, %scan3A_1661 = %broadcast_in_dim3A_56, %scan3A_1662 = %broadcast_in_dim3A_58, %scan3A_1663 = %broadcast_in_dim3A_60, %scan3A_1664 = %broadcast_in_dim3A_62, %scan3A_1665 = %broadcast_in_dim3A_64, %scan3A_1666 = %broadcast_in_dim3A_66, %scan3A_1667 = %broadcast_in_dim3A_68, %scan3A_1668 = %broadcast_in_dim3A_70, %scan3A_1669 = %broadcast_in_dim3A_72, %scan3A_1670 = %broadcast_in_dim3A_74, %scan3A_1671 = %broadcast_in_dim3A_76) -> (vector<16xf32>, vector<16xf32>, vector<16xf32>, vector<16xf32>, vector<16xf32>, vector<16xf32>, vector<16xf32>, vector<16xf32>, vector<16xf32>, vector<16xf32>, vector<16xf32>, vector<16xf32>, vector<16xf32>, vector<16xf32>, vector<16xf32>, vector<16xf32>, vector<16xf32>, vector<16xf32>, vector<16xf32>, vector<16xf32>, vector<16xf32>, vector<16xf32>, vector<16xf32>, vector<16xf32>, vector<16xf32>, vector<16xf32>, vector<16xf32>, vector<16xf32>, vector<16xf32>, vector<16xf32>, vector<16xf32>, vector<16xf32>)  : i32 {
        %mul3A_1672 = arith.constant 16 : i32
        %mul3A_1673 = arith.muli %scan3A_1639, %mul3A_1672 : i32
        %get3A_1674 = arith.constant 0 : i32
        %get3A_1675 = arith.index_cast %get3A_1674 : i32 to index
        %get3A_1676 = arith.index_cast %mul3A_1673 : i32 to index
        %get3A_1677 = tpu.vector_load %arg8[%get3A_1675, %get3A_1676] {strides = array<i32>} : memref<16x1024xf32, #tpu.memory_space<vmem>>, vector<16xf32>,
        %mul3A_1678 = arith.constant 16 : i32
        %mul3A_1679 = arith.muli %scan3A_1639, %mul3A_1678 : i32
        %get3A_1680 = arith.constant 0 : i32
        %get3A_1681 = arith.index_cast %get3A_1680 : i32 to index
        %get3A_1682 = arith.index_cast %mul3A_1679 : i32 to index
        %get3A_1683 = tpu.vector_load %arg6[%get3A_1681, %get3A_1682] {strides = array<i32>} : memref<8x1024xf32, #tpu.memory_space<vmem>>, vector<16xf32>,
        %mul3A_1684 = arith.mulf %get3A_1677, %get3A_1683 : vector<16xf32>
        %add3A_1685 = arith.addf %scan3A_1640, %mul3A_1684 : vector<16xf32>
        %mul3A_1686 = arith.constant 16 : i32
        %mul3A_1687 = arith.muli %scan3A_1639, %mul3A_1686 : i32
        %get3A_1688 = arith.constant 1 : i32
        %get3A_1689 = arith.index_cast %get3A_1688 : i32 to index
        %get3A_1690 = arith.index_cast %mul3A_1687 : i32 to index
        %get3A_1691 = tpu.vector_load %arg6[%get3A_1689, %get3A_1690] {strides = array<i32>} : memref<8x1024xf32, #tpu.memory_space<vmem>>, vector<16xf32>,
        %mul3A_1692 = arith.mulf %get3A_1677, %get3A_1691 : vector<16xf32>
        %add3A_1693 = arith.addf %scan3A_1641, %mul3A_1692 : vector<16xf32>
        %mul3A_1694 = arith.constant 16 : i32
        %mul3A_1695 = arith.muli %scan3A_1639, %mul3A_1694 : i32
        %get3A_1696 = arith.constant 2 : i32
        %get3A_1697 = arith.index_cast %get3A_1696 : i32 to index
        %get3A_1698 = arith.index_cast %mul3A_1695 : i32 to index
        %get3A_1699 = tpu.vector_load %arg6[%get3A_1697, %get3A_1698] {strides = array<i32>} : memref<8x1024xf32, #tpu.memory_space<vmem>>, vector<16xf32>,
        %mul3A_1700 = arith.mulf %get3A_1677, %get3A_1699 : vector<16xf32>
        %add3A_1701 = arith.addf %scan3A_1642, %mul3A_1700 : vector<16xf32>
        %mul3A_1702 = arith.constant 16 : i32
        %mul3A_1703 = arith.muli %scan3A_1639, %mul3A_1702 : i32
        %get3A_1704 = arith.constant 3 : i32
        %get3A_1705 = arith.index_cast %get3A_1704 : i32 to index
        %get3A_1706 = arith.index_cast %mul3A_1703 : i32 to index
        %get3A_1707 = tpu.vector_load %arg6[%get3A_1705, %get3A_1706] {strides = array<i32>} : memref<8x1024xf32, #tpu.memory_space<vmem>>, vector<16xf32>,
        %mul3A_1708 = arith.mulf %get3A_1677, %get3A_1707 : vector<16xf32>
        %add3A_1709 = arith.addf %scan3A_1643, %mul3A_1708 : vector<16xf32>
        %mul3A_1710 = arith.constant 16 : i32
        %mul3A_1711 = arith.muli %scan3A_1639, %mul3A_1710 : i32
        %get3A_1712 = arith.constant 4 : i32
        %get3A_1713 = arith.index_cast %get3A_1712 : i32 to index
        %get3A_1714 = arith.index_cast %mul3A_1711 : i32 to index
        %get3A_1715 = tpu.vector_load %arg6[%get3A_1713, %get3A_1714] {strides = array<i32>} : memref<8x1024xf32, #tpu.memory_space<vmem>>, vector<16xf32>,
        %mul3A_1716 = arith.mulf %get3A_1677, %get3A_1715 : vector<16xf32>
        %add3A_1717 = arith.addf %scan3A_1644, %mul3A_1716 : vector<16xf32>
        %mul3A_1718 = arith.constant 16 : i32
        %mul3A_1719 = arith.muli %scan3A_1639, %mul3A_1718 : i32
        %get3A_1720 = arith.constant 5 : i32
        %get3A_1721 = arith.index_cast %get3A_1720 : i32 to index
        %get3A_1722 = arith.index_cast %mul3A_1719 : i32 to index
        %get3A_1723 = tpu.vector_load %arg6[%get3A_1721, %get3A_1722] {strides = array<i32>} : memref<8x1024xf32, #tpu.memory_space<vmem>>, vector<16xf32>,
        %mul3A_1724 = arith.mulf %get3A_1677, %get3A_1723 : vector<16xf32>
        %add3A_1725 = arith.addf %scan3A_1645, %mul3A_1724 : vector<16xf32>
        %mul3A_1726 = arith.constant 16 : i32
        %mul3A_1727 = arith.muli %scan3A_1639, %mul3A_1726 : i32
        %get3A_1728 = arith.constant 6 : i32
        %get3A_1729 = arith.index_cast %get3A_1728 : i32 to index
        %get3A_1730 = arith.index_cast %mul3A_1727 : i32 to index
        %get3A_1731 = tpu.vector_load %arg6[%get3A_1729, %get3A_1730] {strides = array<i32>} : memref<8x1024xf32, #tpu.memory_space<vmem>>, vector<16xf32>,
        %mul3A_1732 = arith.mulf %get3A_1677, %get3A_1731 : vector<16xf32>
        %add3A_1733 = arith.addf %scan3A_1646, %mul3A_1732 : vector<16xf32>
        %mul3A_1734 = arith.constant 16 : i32
        %mul3A_1735 = arith.muli %scan3A_1639, %mul3A_1734 : i32
        %get3A_1736 = arith.constant 7 : i32
        %get3A_1737 = arith.index_cast %get3A_1736 : i32 to index
        %get3A_1738 = arith.index_cast %mul3A_1735 : i32 to index
        %get3A_1739 = tpu.vector_load %arg6[%get3A_1737, %get3A_1738] {strides = array<i32>} : memref<8x1024xf32, #tpu.memory_space<vmem>>, vector<16xf32>,
        %mul3A_1740 = arith.mulf %get3A_1677, %get3A_1739 : vector<16xf32>
        %add3A_1741 = arith.addf %scan3A_1647, %mul3A_1740 : vector<16xf32>
        %mul3A_1742 = arith.constant 16 : i32
        %mul3A_1743 = arith.muli %scan3A_1639, %mul3A_1742 : i32
        %get3A_1744 = arith.constant 1 : i32
        %get3A_1745 = arith.index_cast %get3A_1744 : i32 to index
        %get3A_1746 = arith.index_cast %mul3A_1743 : i32 to index
        %get3A_1747 = tpu.vector_load %arg8[%get3A_1745, %get3A_1746] {strides = array<i32>} : memref<16x1024xf32, #tpu.memory_space<vmem>>, vector<16xf32>,
        %mul3A_1748 = arith.constant 16 : i32
        %mul3A_1749 = arith.muli %scan3A_1639, %mul3A_1748 : i32
        %get3A_1750 = arith.constant 0 : i32
        %get3A_1751 = arith.index_cast %get3A_1750 : i32 to index
        %get3A_1752 = arith.index_cast %mul3A_1749 : i32 to index
        %get3A_1753 = tpu.vector_load %arg6[%get3A_1751, %get3A_1752] {strides = array<i32>} : memref<8x1024xf32, #tpu.memory_space<vmem>>, vector<16xf32>,
        %mul3A_1754 = arith.mulf %get3A_1747, %get3A_1753 : vector<16xf32>
        %add3A_1755 = arith.addf %scan3A_1648, %mul3A_1754 : vector<16xf32>
        %mul3A_1756 = arith.constant 16 : i32
        %mul3A_1757 = arith.muli %scan3A_1639, %mul3A_1756 : i32
        %get3A_1758 = arith.constant 1 : i32
        %get3A_1759 = arith.index_cast %get3A_1758 : i32 to index
        %get3A_1760 = arith.index_cast %mul3A_1757 : i32 to index
        %get3A_1761 = tpu.vector_load %arg6[%get3A_1759, %get3A_1760] {strides = array<i32>} : memref<8x1024xf32, #tpu.memory_space<vmem>>, vector<16xf32>,
        %mul3A_1762 = arith.mulf %get3A_1747, %get3A_1761 : vector<16xf32>
        %add3A_1763 = arith.addf %scan3A_1649, %mul3A_1762 : vector<16xf32>
        %mul3A_1764 = arith.constant 16 : i32
        %mul3A_1765 = arith.muli %scan3A_1639, %mul3A_1764 : i32
        %get3A_1766 = arith.constant 2 : i32
        %get3A_1767 = arith.index_cast %get3A_1766 : i32 to index
        %get3A_1768 = arith.index_cast %mul3A_1765 : i32 to index
        %get3A_1769 = tpu.vector_load %arg6[%get3A_1767, %get3A_1768] {strides = array<i32>} : memref<8x1024xf32, #tpu.memory_space<vmem>>, vector<16xf32>,
        %mul3A_1770 = arith.mulf %get3A_1747, %get3A_1769 : vector<16xf32>
        %add3A_1771 = arith.addf %scan3A_1650, %mul3A_1770 : vector<16xf32>
        %mul3A_1772 = arith.constant 16 : i32
        %mul3A_1773 = arith.muli %scan3A_1639, %mul3A_1772 : i32
        %get3A_1774 = arith.constant 3 : i32
        %get3A_1775 = arith.index_cast %get3A_1774 : i32 to index
        %get3A_1776 = arith.index_cast %mul3A_1773 : i32 to index
        %get3A_1777 = tpu.vector_load %arg6[%get3A_1775, %get3A_1776] {strides = array<i32>} : memref<8x1024xf32, #tpu.memory_space<vmem>>, vector<16xf32>,
        %mul3A_1778 = arith.mulf %get3A_1747, %get3A_1777 : vector<16xf32>
        %add3A_1779 = arith.addf %scan3A_1651, %mul3A_1778 : vector<16xf32>
        %mul3A_1780 = arith.constant 16 : i32
        %mul3A_1781 = arith.muli %scan3A_1639, %mul3A_1780 : i32
        %get3A_1782 = arith.constant 4 : i32
        %get3A_1783 = arith.index_cast %get3A_1782 : i32 to index
        %get3A_1784 = arith.index_cast %mul3A_1781 : i32 to index
        %get3A_1785 = tpu.vector_load %arg6[%get3A_1783, %get3A_1784] {strides = array<i32>} : memref<8x1024xf32, #tpu.memory_space<vmem>>, vector<16xf32>,
        %mul3A_1786 = arith.mulf %get3A_1747, %get3A_1785 : vector<16xf32>
        %add3A_1787 = arith.addf %scan3A_1652, %mul3A_1786 : vector<16xf32>
        %mul3A_1788 = arith.constant 16 : i32
        %mul3A_1789 = arith.muli %scan3A_1639, %mul3A_1788 : i32
        %get3A_1790 = arith.constant 5 : i32
        %get3A_1791 = arith.index_cast %get3A_1790 : i32 to index
        %get3A_1792 = arith.index_cast %mul3A_1789 : i32 to index
        %get3A_1793 = tpu.vector_load %arg6[%get3A_1791, %get3A_1792] {strides = array<i32>} : memref<8x1024xf32, #tpu.memory_space<vmem>>, vector<16xf32>,
        %mul3A_1794 = arith.mulf %get3A_1747, %get3A_1793 : vector<16xf32>
        %add3A_1795 = arith.addf %scan3A_1653, %mul3A_1794 : vector<16xf32>
        %mul3A_1796 = arith.constant 16 : i32
        %mul3A_1797 = arith.muli %scan3A_1639, %mul3A_1796 : i32
        %get3A_1798 = arith.constant 6 : i32
        %get3A_1799 = arith.index_cast %get3A_1798 : i32 to index
        %get3A_1800 = arith.index_cast %mul3A_1797 : i32 to index
        %get3A_1801 = tpu.vector_load %arg6[%get3A_1799, %get3A_1800] {strides = array<i32>} : memref<8x1024xf32, #tpu.memory_space<vmem>>, vector<16xf32>,
        %mul3A_1802 = arith.mulf %get3A_1747, %get3A_1801 : vector<16xf32>
        %add3A_1803 = arith.addf %scan3A_1654, %mul3A_1802 : vector<16xf32>
        %mul3A_1804 = arith.constant 16 : i32
        %mul3A_1805 = arith.muli %scan3A_1639, %mul3A_1804 : i32
        %get3A_1806 = arith.constant 7 : i32
        %get3A_1807 = arith.index_cast %get3A_1806 : i32 to index
        %get3A_1808 = arith.index_cast %mul3A_1805 : i32 to index
        %get3A_1809 = tpu.vector_load %arg6[%get3A_1807, %get3A_1808] {strides = array<i32>} : memref<8x1024xf32, #tpu.memory_space<vmem>>, vector<16xf32>,
        %mul3A_1810 = arith.mulf %get3A_1747, %get3A_1809 : vector<16xf32>
        %add3A_1811 = arith.addf %scan3A_1655, %mul3A_1810 : vector<16xf32>
        %mul3A_1812 = arith.constant 16 : i32
        %mul3A_1813 = arith.muli %scan3A_1639, %mul3A_1812 : i32
        %get3A_1814 = arith.constant 2 : i32
        %get3A_1815 = arith.index_cast %get3A_1814 : i32 to index
        %get3A_1816 = arith.index_cast %mul3A_1813 : i32 to index
        %get3A_1817 = tpu.vector_load %arg8[%get3A_1815, %get3A_1816] {strides = array<i32>} : memref<16x1024xf32, #tpu.memory_space<vmem>>, vector<16xf32>,
        %mul3A_1818 = arith.constant 16 : i32
        %mul3A_1819 = arith.muli %scan3A_1639, %mul3A_1818 : i32
        %get3A_1820 = arith.constant 0 : i32
        %get3A_1821 = arith.index_cast %get3A_1820 : i32 to index
        %get3A_1822 = arith.index_cast %mul3A_1819 : i32 to index
        %get3A_1823 = tpu.vector_load %arg6[%get3A_1821, %get3A_1822] {strides = array<i32>} : memref<8x1024xf32, #tpu.memory_space<vmem>>, vector<16xf32>,
        %mul3A_1824 = arith.mulf %get3A_1817, %get3A_1823 : vector<16xf32>
        %add3A_1825 = arith.addf %scan3A_1656, %mul3A_1824 : vector<16xf32>
        %mul3A_1826 = arith.constant 16 : i32
        %mul3A_1827 = arith.muli %scan3A_1639, %mul3A_1826 : i32
        %get3A_1828 = arith.constant 1 : i32
        %get3A_1829 = arith.index_cast %get3A_1828 : i32 to index
        %get3A_1830 = arith.index_cast %mul3A_1827 : i32 to index
        %get3A_1831 = tpu.vector_load %arg6[%get3A_1829, %get3A_1830] {strides = array<i32>} : memref<8x1024xf32, #tpu.memory_space<vmem>>, vector<16xf32>,
        %mul3A_1832 = arith.mulf %get3A_1817, %get3A_1831 : vector<16xf32>
        %add3A_1833 = arith.addf %scan3A_1657, %mul3A_1832 : vector<16xf32>
        %mul3A_1834 = arith.constant 16 : i32
        %mul3A_1835 = arith.muli %scan3A_1639, %mul3A_1834 : i32
        %get3A_1836 = arith.constant 2 : i32
        %get3A_1837 = arith.index_cast %get3A_1836 : i32 to index
        %get3A_1838 = arith.index_cast %mul3A_1835 : i32 to index
        %get3A_1839 = tpu.vector_load %arg6[%get3A_1837, %get3A_1838] {strides = array<i32>} : memref<8x1024xf32, #tpu.memory_space<vmem>>, vector<16xf32>,
        %mul3A_1840 = arith.mulf %get3A_1817, %get3A_1839 : vector<16xf32>
        %add3A_1841 = arith.addf %scan3A_1658, %mul3A_1840 : vector<16xf32>
        %mul3A_1842 = arith.constant 16 : i32
        %mul3A_1843 = arith.muli %scan3A_1639, %mul3A_1842 : i32
        %get3A_1844 = arith.constant 3 : i32
        %get3A_1845 = arith.index_cast %get3A_1844 : i32 to index
        %get3A_1846 = arith.index_cast %mul3A_1843 : i32 to index
        %get3A_1847 = tpu.vector_load %arg6[%get3A_1845, %get3A_1846] {strides = array<i32>} : memref<8x1024xf32, #tpu.memory_space<vmem>>, vector<16xf32>,
        %mul3A_1848 = arith.mulf %get3A_1817, %get3A_1847 : vector<16xf32>
        %add3A_1849 = arith.addf %scan3A_1659, %mul3A_1848 : vector<16xf32>
        %mul3A_1850 = arith.constant 16 : i32
        %mul3A_1851 = arith.muli %scan3A_1639, %mul3A_1850 : i32
        %get3A_1852 = arith.constant 4 : i32
        %get3A_1853 = arith.index_cast %get3A_1852 : i32 to index
        %get3A_1854 = arith.index_cast %mul3A_1851 : i32 to index
        %get3A_1855 = tpu.vector_load %arg6[%get3A_1853, %get3A_1854] {strides = array<i32>} : memref<8x1024xf32, #tpu.memory_space<vmem>>, vector<16xf32>,
        %mul3A_1856 = arith.mulf %get3A_1817, %get3A_1855 : vector<16xf32>
        %add3A_1857 = arith.addf %scan3A_1660, %mul3A_1856 : vector<16xf32>
        %mul3A_1858 = arith.constant 16 : i32
        %mul3A_1859 = arith.muli %scan3A_1639, %mul3A_1858 : i32
        %get3A_1860 = arith.constant 5 : i32
        %get3A_1861 = arith.index_cast %get3A_1860 : i32 to index
        %get3A_1862 = arith.index_cast %mul3A_1859 : i32 to index
        %get3A_1863 = tpu.vector_load %arg6[%get3A_1861, %get3A_1862] {strides = array<i32>} : memref<8x1024xf32, #tpu.memory_space<vmem>>, vector<16xf32>,
        %mul3A_1864 = arith.mulf %get3A_1817, %get3A_1863 : vector<16xf32>
        %add3A_1865 = arith.addf %scan3A_1661, %mul3A_1864 : vector<16xf32>
        %mul3A_1866 = arith.constant 16 : i32
        %mul3A_1867 = arith.muli %scan3A_1639, %mul3A_1866 : i32
        %get3A_1868 = arith.constant 6 : i32
        %get3A_1869 = arith.index_cast %get3A_1868 : i32 to index
        %get3A_1870 = arith.index_cast %mul3A_1867 : i32 to index
        %get3A_1871 = tpu.vector_load %arg6[%get3A_1869, %get3A_1870] {strides = array<i32>} : memref<8x1024xf32, #tpu.memory_space<vmem>>, vector<16xf32>,
        %mul3A_1872 = arith.mulf %get3A_1817, %get3A_1871 : vector<16xf32>
        %add3A_1873 = arith.addf %scan3A_1662, %mul3A_1872 : vector<16xf32>
        %mul3A_1874 = arith.constant 16 : i32
        %mul3A_1875 = arith.muli %scan3A_1639, %mul3A_1874 : i32
        %get3A_1876 = arith.constant 7 : i32
        %get3A_1877 = arith.index_cast %get3A_1876 : i32 to index
        %get3A_1878 = arith.index_cast %mul3A_1875 : i32 to index
        %get3A_1879 = tpu.vector_load %arg6[%get3A_1877, %get3A_1878] {strides = array<i32>} : memref<8x1024xf32, #tpu.memory_space<vmem>>, vector<16xf32>,
        %mul3A_1880 = arith.mulf %get3A_1817, %get3A_1879 : vector<16xf32>
        %add3A_1881 = arith.addf %scan3A_1663, %mul3A_1880 : vector<16xf32>
        %mul3A_1882 = arith.constant 16 : i32
        %mul3A_1883 = arith.muli %scan3A_1639, %mul3A_1882 : i32
        %get3A_1884 = arith.constant 3 : i32
        %get3A_1885 = arith.index_cast %get3A_1884 : i32 to index
        %get3A_1886 = arith.index_cast %mul3A_1883 : i32 to index
        %get3A_1887 = tpu.vector_load %arg8[%get3A_1885, %get3A_1886] {strides = array<i32>} : memref<16x1024xf32, #tpu.memory_space<vmem>>, vector<16xf32>,
        %mul3A_1888 = arith.constant 16 : i32
        %mul3A_1889 = arith.muli %scan3A_1639, %mul3A_1888 : i32
        %get3A_1890 = arith.constant 0 : i32
        %get3A_1891 = arith.index_cast %get3A_1890 : i32 to index
        %get3A_1892 = arith.index_cast %mul3A_1889 : i32 to index
        %get3A_1893 = tpu.vector_load %arg6[%get3A_1891, %get3A_1892] {strides = array<i32>} : memref<8x1024xf32, #tpu.memory_space<vmem>>, vector<16xf32>,
        %mul3A_1894 = arith.mulf %get3A_1887, %get3A_1893 : vector<16xf32>
        %add3A_1895 = arith.addf %scan3A_1664, %mul3A_1894 : vector<16xf32>
        %mul3A_1896 = arith.constant 16 : i32
        %mul3A_1897 = arith.muli %scan3A_1639, %mul3A_1896 : i32
        %get3A_1898 = arith.constant 1 : i32
        %get3A_1899 = arith.index_cast %get3A_1898 : i32 to index
        %get3A_1900 = arith.index_cast %mul3A_1897 : i32 to index
        %get3A_1901 = tpu.vector_load %arg6[%get3A_1899, %get3A_1900] {strides = array<i32>} : memref<8x1024xf32, #tpu.memory_space<vmem>>, vector<16xf32>,
        %mul3A_1902 = arith.mulf %get3A_1887, %get3A_1901 : vector<16xf32>
        %add3A_1903 = arith.addf %scan3A_1665, %mul3A_1902 : vector<16xf32>
        %mul3A_1904 = arith.constant 16 : i32
        %mul3A_1905 = arith.muli %scan3A_1639, %mul3A_1904 : i32
        %get3A_1906 = arith.constant 2 : i32
        %get3A_1907 = arith.index_cast %get3A_1906 : i32 to index
        %get3A_1908 = arith.index_cast %mul3A_1905 : i32 to index
        %get3A_1909 = tpu.vector_load %arg6[%get3A_1907, %get3A_1908] {strides = array<i32>} : memref<8x1024xf32, #tpu.memory_space<vmem>>, vector<16xf32>,
        %mul3A_1910 = arith.mulf %get3A_1887, %get3A_1909 : vector<16xf32>
        %add3A_1911 = arith.addf %scan3A_1666, %mul3A_1910 : vector<16xf32>
        %mul3A_1912 = arith.constant 16 : i32
        %mul3A_1913 = arith.muli %scan3A_1639, %mul3A_1912 : i32
        %get3A_1914 = arith.constant 3 : i32
        %get3A_1915 = arith.index_cast %get3A_1914 : i32 to index
        %get3A_1916 = arith.index_cast %mul3A_1913 : i32 to index
        %get3A_1917 = tpu.vector_load %arg6[%get3A_1915, %get3A_1916] {strides = array<i32>} : memref<8x1024xf32, #tpu.memory_space<vmem>>, vector<16xf32>,
        %mul3A_1918 = arith.mulf %get3A_1887, %get3A_1917 : vector<16xf32>
        %add3A_1919 = arith.addf %scan3A_1667, %mul3A_1918 : vector<16xf32>
        %mul3A_1920 = arith.constant 16 : i32
        %mul3A_1921 = arith.muli %scan3A_1639, %mul3A_1920 : i32
        %get3A_1922 = arith.constant 4 : i32
        %get3A_1923 = arith.index_cast %get3A_1922 : i32 to index
        %get3A_1924 = arith.index_cast %mul3A_1921 : i32 to index
        %get3A_1925 = tpu.vector_load %arg6[%get3A_1923, %get3A_1924] {strides = array<i32>} : memref<8x1024xf32, #tpu.memory_space<vmem>>, vector<16xf32>,
        %mul3A_1926 = arith.mulf %get3A_1887, %get3A_1925 : vector<16xf32>
        %add3A_1927 = arith.addf %scan3A_1668, %mul3A_1926 : vector<16xf32>
        %mul3A_1928 = arith.constant 16 : i32
        %mul3A_1929 = arith.muli %scan3A_1639, %mul3A_1928 : i32
        %get3A_1930 = arith.constant 5 : i32
        %get3A_1931 = arith.index_cast %get3A_1930 : i32 to index
        %get3A_1932 = arith.index_cast %mul3A_1929 : i32 to index
        %get3A_1933 = tpu.vector_load %arg6[%get3A_1931, %get3A_1932] {strides = array<i32>} : memref<8x1024xf32, #tpu.memory_space<vmem>>, vector<16xf32>,
        %mul3A_1934 = arith.mulf %get3A_1887, %get3A_1933 : vector<16xf32>
        %add3A_1935 = arith.addf %scan3A_1669, %mul3A_1934 : vector<16xf32>
        %mul3A_1936 = arith.constant 16 : i32
        %mul3A_1937 = arith.muli %scan3A_1639, %mul3A_1936 : i32
        %get3A_1938 = arith.constant 6 : i32
        %get3A_1939 = arith.index_cast %get3A_1938 : i32 to index
        %get3A_1940 = arith.index_cast %mul3A_1937 : i32 to index
        %get3A_1941 = tpu.vector_load %arg6[%get3A_1939, %get3A_1940] {strides = array<i32>} : memref<8x1024xf32, #tpu.memory_space<vmem>>, vector<16xf32>,
        %mul3A_1942 = arith.mulf %get3A_1887, %get3A_1941 : vector<16xf32>
        %add3A_1943 = arith.addf %scan3A_1670, %mul3A_1942 : vector<16xf32>
        %mul3A_1944 = arith.constant 16 : i32
        %mul3A_1945 = arith.muli %scan3A_1639, %mul3A_1944 : i32
        %get3A_1946 = arith.constant 7 : i32
        %get3A_1947 = arith.index_cast %get3A_1946 : i32 to index
        %get3A_1948 = arith.index_cast %mul3A_1945 : i32 to index
        %get3A_1949 = tpu.vector_load %arg6[%get3A_1947, %get3A_1948] {strides = array<i32>} : memref<8x1024xf32, #tpu.memory_space<vmem>>, vector<16xf32>,
        %mul3A_1950 = arith.mulf %get3A_1887, %get3A_1949 : vector<16xf32>
        %add3A_1951 = arith.addf %scan3A_1671, %mul3A_1950 : vector<16xf32>
        scf.yield %add3A_1685, %add3A_1693, %add3A_1701, %add3A_1709, %add3A_1717, %add3A_1725, %add3A_1733, %add3A_1741, %add3A_1755, %add3A_1763, %add3A_1771, %add3A_1779, %add3A_1787, %add3A_1795, %add3A_1803, %add3A_1811, %add3A_1825, %add3A_1833, %add3A_1841, %add3A_1849, %add3A_1857, %add3A_1865, %add3A_1873, %add3A_1881, %add3A_1895, %add3A_1903, %add3A_1911, %add3A_1919, %add3A_1927, %add3A_1935, %add3A_1943, %add3A_1951 : vector<16xf32>, vector<16xf32>, vector<16xf32>, vector<16xf32>, vector<16xf32>, vector<16xf32>, vector<16xf32>, vector<16xf32>, vector<16xf32>, vector<16xf32>, vector<16xf32>, vector<16xf32>, vector<16xf32>, vector<16xf32>, vector<16xf32>, vector<16xf32>, vector<16xf32>, vector<16xf32>, vector<16xf32>, vector<16xf32>, vector<16xf32>, vector<16xf32>, vector<16xf32>, vector<16xf32>, vector<16xf32>, vector<16xf32>, vector<16xf32>, vector<16xf32>, vector<16xf32>, vector<16xf32>, vector<16xf32>, vector<16xf32>
      }
      %scan3A_82 = arith.constant 64 : i32
      %reduce_sum3A = arith.constant true
      %reduce_sum3A_83 = vector.broadcast %reduce_sum3A : i1 to vector<16xi1>
      %reduce_sum3A_84 = tpu.scan <sum>, %scan3A_81#0 masked %reduce_sum3A_83 : vector<16xf32>, vector<16xi1> -> vector<16xf32>
      %reduce_sum3A_85 = vector.extract %reduce_sum3A_84[15] : f32 from vector<16xf32>
      %reduce_sum3A_86 = arith.constant true
      %reduce_sum3A_87 = vector.broadcast %reduce_sum3A_86 : i1 to vector<16xi1>
      %reduce_sum3A_88 = tpu.scan <sum>, %scan3A_81#1 masked %reduce_sum3A_87 : vector<16xf32>, vector<16xi1> -> vector<16xf32>
      %reduce_sum3A_89 = vector.extract %reduce_sum3A_88[15] : f32 from vector<16xf32>
      %reduce_sum3A_90 = arith.constant true
      %reduce_sum3A_91 = vector.broadcast %reduce_sum3A_90 : i1 to vector<16xi1>
      %reduce_sum3A_92 = tpu.scan <sum>, %scan3A_81#2 masked %reduce_sum3A_91 : vector<16xf32>, vector<16xi1> -> vector<16xf32>
      %reduce_sum3A_93 = vector.extract %reduce_sum3A_92[15] : f32 from vector<16xf32>
      %reduce_sum3A_94 = arith.constant true
      %reduce_sum3A_95 = vector.broadcast %reduce_sum3A_94 : i1 to vector<16xi1>
      %reduce_sum3A_96 = tpu.scan <sum>, %scan3A_81#3 masked %reduce_sum3A_95 : vector<16xf32>, vector<16xi1> -> vector<16xf32>
      %reduce_sum3A_97 = vector.extract %reduce_sum3A_96[15] : f32 from vector<16xf32>
      %reduce_sum3A_98 = arith.constant true
      %reduce_sum3A_99 = vector.broadcast %reduce_sum3A_98 : i1 to vector<16xi1>
      %reduce_sum3A_100 = tpu.scan <sum>, %scan3A_81#4 masked %reduce_sum3A_99 : vector<16xf32>, vector<16xi1> -> vector<16xf32>
      %reduce_sum3A_101 = vector.extract %reduce_sum3A_100[15] : f32 from vector<16xf32>
      %reduce_sum3A_102 = arith.constant true
      %reduce_sum3A_103 = vector.broadcast %reduce_sum3A_102 : i1 to vector<16xi1>
      %reduce_sum3A_104 = tpu.scan <sum>, %scan3A_81#5 masked %reduce_sum3A_103 : vector<16xf32>, vector<16xi1> -> vector<16xf32>
      %reduce_sum3A_105 = vector.extract %reduce_sum3A_104[15] : f32 from vector<16xf32>
      %reduce_sum3A_106 = arith.constant true
      %reduce_sum3A_107 = vector.broadcast %reduce_sum3A_106 : i1 to vector<16xi1>
      %reduce_sum3A_108 = tpu.scan <sum>, %scan3A_81#6 masked %reduce_sum3A_107 : vector<16xf32>, vector<16xi1> -> vector<16xf32>
      %reduce_sum3A_109 = vector.extract %reduce_sum3A_108[15] : f32 from vector<16xf32>
      %reduce_sum3A_110 = arith.constant true
      %reduce_sum3A_111 = vector.broadcast %reduce_sum3A_110 : i1 to vector<16xi1>
      %reduce_sum3A_112 = tpu.scan <sum>, %scan3A_81#7 masked %reduce_sum3A_111 : vector<16xf32>, vector<16xi1> -> vector<16xf32>
      %reduce_sum3A_113 = vector.extract %reduce_sum3A_112[15] : f32 from vector<16xf32>
      %reduce_sum3A_114 = arith.constant true
      %reduce_sum3A_115 = vector.broadcast %reduce_sum3A_114 : i1 to vector<16xi1>
      %reduce_sum3A_116 = tpu.scan <sum>, %scan3A_81#8 masked %reduce_sum3A_115 : vector<16xf32>, vector<16xi1> -> vector<16xf32>
      %reduce_sum3A_117 = vector.extract %reduce_sum3A_116[15] : f32 from vector<16xf32>
      %reduce_sum3A_118 = arith.constant true
      %reduce_sum3A_119 = vector.broadcast %reduce_sum3A_118 : i1 to vector<16xi1>
      %reduce_sum3A_120 = tpu.scan <sum>, %scan3A_81#9 masked %reduce_sum3A_119 : vector<16xf32>, vector<16xi1> -> vector<16xf32>
      %reduce_sum3A_121 = vector.extract %reduce_sum3A_120[15] : f32 from vector<16xf32>
      %reduce_sum3A_122 = arith.constant true
      %reduce_sum3A_123 = vector.broadcast %reduce_sum3A_122 : i1 to vector<16xi1>
      %reduce_sum3A_124 = tpu.scan <sum>, %scan3A_81#10 masked %reduce_sum3A_123 : vector<16xf32>, vector<16xi1> -> vector<16xf32>
      %reduce_sum3A_125 = vector.extract %reduce_sum3A_124[15] : f32 from vector<16xf32>
      %reduce_sum3A_126 = arith.constant true
      %reduce_sum3A_127 = vector.broadcast %reduce_sum3A_126 : i1 to vector<16xi1>
      %reduce_sum3A_128 = tpu.scan <sum>, %scan3A_81#11 masked %reduce_sum3A_127 : vector<16xf32>, vector<16xi1> -> vector<16xf32>
      %reduce_sum3A_129 = vector.extract %reduce_sum3A_128[15] : f32 from vector<16xf32>
      %reduce_sum3A_130 = arith.constant true
      %reduce_sum3A_131 = vector.broadcast %reduce_sum3A_130 : i1 to vector<16xi1>
      %reduce_sum3A_132 = tpu.scan <sum>, %scan3A_81#12 masked %reduce_sum3A_131 : vector<16xf32>, vector<16xi1> -> vector<16xf32>
      %reduce_sum3A_133 = vector.extract %reduce_sum3A_132[15] : f32 from vector<16xf32>
      %reduce_sum3A_134 = arith.constant true
      %reduce_sum3A_135 = vector.broadcast %reduce_sum3A_134 : i1 to vector<16xi1>
      %reduce_sum3A_136 = tpu.scan <sum>, %scan3A_81#13 masked %reduce_sum3A_135 : vector<16xf32>, vector<16xi1> -> vector<16xf32>
      %reduce_sum3A_137 = vector.extract %reduce_sum3A_136[15] : f32 from vector<16xf32>
      %reduce_sum3A_138 = arith.constant true
      %reduce_sum3A_139 = vector.broadcast %reduce_sum3A_138 : i1 to vector<16xi1>
      %reduce_sum3A_140 = tpu.scan <sum>, %scan3A_81#14 masked %reduce_sum3A_139 : vector<16xf32>, vector<16xi1> -> vector<16xf32>
      %reduce_sum3A_141 = vector.extract %reduce_sum3A_140[15] : f32 from vector<16xf32>
      %reduce_sum3A_142 = arith.constant true
      %reduce_sum3A_143 = vector.broadcast %reduce_sum3A_142 : i1 to vector<16xi1>
      %reduce_sum3A_144 = tpu.scan <sum>, %scan3A_81#15 masked %reduce_sum3A_143 : vector<16xf32>, vector<16xi1> -> vector<16xf32>
      %reduce_sum3A_145 = vector.extract %reduce_sum3A_144[15] : f32 from vector<16xf32>
      %reduce_sum3A_146 = arith.constant true
      %reduce_sum3A_147 = vector.broadcast %reduce_sum3A_146 : i1 to vector<16xi1>
      %reduce_sum3A_148 = tpu.scan <sum>, %scan3A_81#16 masked %reduce_sum3A_147 : vector<16xf32>, vector<16xi1> -> vector<16xf32>
      %reduce_sum3A_149 = vector.extract %reduce_sum3A_148[15] : f32 from vector<16xf32>
      %reduce_sum3A_150 = arith.constant true
      %reduce_sum3A_151 = vector.broadcast %reduce_sum3A_150 : i1 to vector<16xi1>
      %reduce_sum3A_152 = tpu.scan <sum>, %scan3A_81#17 masked %reduce_sum3A_151 : vector<16xf32>, vector<16xi1> -> vector<16xf32>
      %reduce_sum3A_153 = vector.extract %reduce_sum3A_152[15] : f32 from vector<16xf32>
      %reduce_sum3A_154 = arith.constant true
      %reduce_sum3A_155 = vector.broadcast %reduce_sum3A_154 : i1 to vector<16xi1>
      %reduce_sum3A_156 = tpu.scan <sum>, %scan3A_81#18 masked %reduce_sum3A_155 : vector<16xf32>, vector<16xi1> -> vector<16xf32>
      %reduce_sum3A_157 = vector.extract %reduce_sum3A_156[15] : f32 from vector<16xf32>
      %reduce_sum3A_158 = arith.constant true
      %reduce_sum3A_159 = vector.broadcast %reduce_sum3A_158 : i1 to vector<16xi1>
      %reduce_sum3A_160 = tpu.scan <sum>, %scan3A_81#19 masked %reduce_sum3A_159 : vector<16xf32>, vector<16xi1> -> vector<16xf32>
      %reduce_sum3A_161 = vector.extract %reduce_sum3A_160[15] : f32 from vector<16xf32>
      %reduce_sum3A_162 = arith.constant true
      %reduce_sum3A_163 = vector.broadcast %reduce_sum3A_162 : i1 to vector<16xi1>
      %reduce_sum3A_164 = tpu.scan <sum>, %scan3A_81#20 masked %reduce_sum3A_163 : vector<16xf32>, vector<16xi1> -> vector<16xf32>
      %reduce_sum3A_165 = vector.extract %reduce_sum3A_164[15] : f32 from vector<16xf32>
      %reduce_sum3A_166 = arith.constant true
      %reduce_sum3A_167 = vector.broadcast %reduce_sum3A_166 : i1 to vector<16xi1>
      %reduce_sum3A_168 = tpu.scan <sum>, %scan3A_81#21 masked %reduce_sum3A_167 : vector<16xf32>, vector<16xi1> -> vector<16xf32>
      %reduce_sum3A_169 = vector.extract %reduce_sum3A_168[15] : f32 from vector<16xf32>
      %reduce_sum3A_170 = arith.constant true
      %reduce_sum3A_171 = vector.broadcast %reduce_sum3A_170 : i1 to vector<16xi1>
      %reduce_sum3A_172 = tpu.scan <sum>, %scan3A_81#22 masked %reduce_sum3A_171 : vector<16xf32>, vector<16xi1> -> vector<16xf32>
      %reduce_sum3A_173 = vector.extract %reduce_sum3A_172[15] : f32 from vector<16xf32>
      %reduce_sum3A_174 = arith.constant true
      %reduce_sum3A_175 = vector.broadcast %reduce_sum3A_174 : i1 to vector<16xi1>
      %reduce_sum3A_176 = tpu.scan <sum>, %scan3A_81#23 masked %reduce_sum3A_175 : vector<16xf32>, vector<16xi1> -> vector<16xf32>
      %reduce_sum3A_177 = vector.extract %reduce_sum3A_176[15] : f32 from vector<16xf32>
      %reduce_sum3A_178 = arith.constant true
      %reduce_sum3A_179 = vector.broadcast %reduce_sum3A_178 : i1 to vector<16xi1>
      %reduce_sum3A_180 = tpu.scan <sum>, %scan3A_81#24 masked %reduce_sum3A_179 : vector<16xf32>, vector<16xi1> -> vector<16xf32>
      %reduce_sum3A_181 = vector.extract %reduce_sum3A_180[15] : f32 from vector<16xf32>
      %reduce_sum3A_182 = arith.constant true
      %reduce_sum3A_183 = vector.broadcast %reduce_sum3A_182 : i1 to vector<16xi1>
      %reduce_sum3A_184 = tpu.scan <sum>, %scan3A_81#25 masked %reduce_sum3A_183 : vector<16xf32>, vector<16xi1> -> vector<16xf32>
      %reduce_sum3A_185 = vector.extract %reduce_sum3A_184[15] : f32 from vector<16xf32>
      %reduce_sum3A_186 = arith.constant true
      %reduce_sum3A_187 = vector.broadcast %reduce_sum3A_186 : i1 to vector<16xi1>
      %reduce_sum3A_188 = tpu.scan <sum>, %scan3A_81#26 masked %reduce_sum3A_187 : vector<16xf32>, vector<16xi1> -> vector<16xf32>
      %reduce_sum3A_189 = vector.extract %reduce_sum3A_188[15] : f32 from vector<16xf32>
      %reduce_sum3A_190 = arith.constant true
      %reduce_sum3A_191 = vector.broadcast %reduce_sum3A_190 : i1 to vector<16xi1>
      %reduce_sum3A_192 = tpu.scan <sum>, %scan3A_81#27 masked %reduce_sum3A_191 : vector<16xf32>, vector<16xi1> -> vector<16xf32>
      %reduce_sum3A_193 = vector.extract %reduce_sum3A_192[15] : f32 from vector<16xf32>
      %reduce_sum3A_194 = arith.constant true
      %reduce_sum3A_195 = vector.broadcast %reduce_sum3A_194 : i1 to vector<16xi1>
      %reduce_sum3A_196 = tpu.scan <sum>, %scan3A_81#28 masked %reduce_sum3A_195 : vector<16xf32>, vector<16xi1> -> vector<16xf32>
      %reduce_sum3A_197 = vector.extract %reduce_sum3A_196[15] : f32 from vector<16xf32>
      %reduce_sum3A_198 = arith.constant true
      %reduce_sum3A_199 = vector.broadcast %reduce_sum3A_198 : i1 to vector<16xi1>
      %reduce_sum3A_200 = tpu.scan <sum>, %scan3A_81#29 masked %reduce_sum3A_199 : vector<16xf32>, vector<16xi1> -> vector<16xf32>
      %reduce_sum3A_201 = vector.extract %reduce_sum3A_200[15] : f32 from vector<16xf32>
      %reduce_sum3A_202 = arith.constant true
      %reduce_sum3A_203 = vector.broadcast %reduce_sum3A_202 : i1 to vector<16xi1>
      %reduce_sum3A_204 = tpu.scan <sum>, %scan3A_81#30 masked %reduce_sum3A_203 : vector<16xf32>, vector<16xi1> -> vector<16xf32>
      %reduce_sum3A_205 = vector.extract %reduce_sum3A_204[15] : f32 from vector<16xf32>
      %reduce_sum3A_206 = arith.constant true
      %reduce_sum3A_207 = vector.broadcast %reduce_sum3A_206 : i1 to vector<16xi1>
      %reduce_sum3A_208 = tpu.scan <sum>, %scan3A_81#31 masked %reduce_sum3A_207 : vector<16xf32>, vector<16xi1> -> vector<16xf32>
      %reduce_sum3A_209 = vector.extract %reduce_sum3A_208[15] : f32 from vector<16xf32>
      %broadcast_in_dim3A_210 = arith.constant 0.000000e+00 : f32
      %broadcast_in_dim3A_211 = vector.broadcast %broadcast_in_dim3A_210 : f32 to vector<16xf32>
      %broadcast_in_dim3A_212 = arith.constant 0.000000e+00 : f32
      %broadcast_in_dim3A_213 = vector.broadcast %broadcast_in_dim3A_212 : f32 to vector<16xf32>
      %broadcast_in_dim3A_214 = arith.constant 0.000000e+00 : f32
      %broadcast_in_dim3A_215 = vector.broadcast %broadcast_in_dim3A_214 : f32 to vector<16xf32>
      %broadcast_in_dim3A_216 = arith.constant 0.000000e+00 : f32
      %broadcast_in_dim3A_217 = vector.broadcast %broadcast_in_dim3A_216 : f32 to vector<16xf32>
      %broadcast_in_dim3A_218 = arith.constant 0.000000e+00 : f32
      %broadcast_in_dim3A_219 = vector.broadcast %broadcast_in_dim3A_218 : f32 to vector<16xf32>
      %broadcast_in_dim3A_220 = arith.constant 0.000000e+00 : f32
      %broadcast_in_dim3A_221 = vector.broadcast %broadcast_in_dim3A_220 : f32 to vector<16xf32>
      %broadcast_in_dim3A_222 = arith.constant 0.000000e+00 : f32
      %broadcast_in_dim3A_223 = vector.broadcast %broadcast_in_dim3A_222 : f32 to vector<16xf32>
      %broadcast_in_dim3A_224 = arith.constant 0.000000e+00 : f32
      %broadcast_in_dim3A_225 = vector.broadcast %broadcast_in_dim3A_224 : f32 to vector<16xf32>
      %broadcast_in_dim3A_226 = arith.constant 0.000000e+00 : f32
      %broadcast_in_dim3A_227 = vector.broadcast %broadcast_in_dim3A_226 : f32 to vector<16xf32>
      %broadcast_in_dim3A_228 = arith.constant 0.000000e+00 : f32
      %broadcast_in_dim3A_229 = vector.broadcast %broadcast_in_dim3A_228 : f32 to vector<16xf32>
      %broadcast_in_dim3A_230 = arith.constant 0.000000e+00 : f32
      %broadcast_in_dim3A_231 = vector.broadcast %broadcast_in_dim3A_230 : f32 to vector<16xf32>
      %broadcast_in_dim3A_232 = arith.constant 0.000000e+00 : f32
      %broadcast_in_dim3A_233 = vector.broadcast %broadcast_in_dim3A_232 : f32 to vector<16xf32>
      %broadcast_in_dim3A_234 = arith.constant 0.000000e+00 : f32
      %broadcast_in_dim3A_235 = vector.broadcast %broadcast_in_dim3A_234 : f32 to vector<16xf32>
      %broadcast_in_dim3A_236 = arith.constant 0.000000e+00 : f32
      %broadcast_in_dim3A_237 = vector.broadcast %broadcast_in_dim3A_236 : f32 to vector<16xf32>
      %broadcast_in_dim3A_238 = arith.constant 0.000000e+00 : f32
      %broadcast_in_dim3A_239 = vector.broadcast %broadcast_in_dim3A_238 : f32 to vector<16xf32>
      %broadcast_in_dim3A_240 = arith.constant 0.000000e+00 : f32
      %broadcast_in_dim3A_241 = vector.broadcast %broadcast_in_dim3A_240 : f32 to vector<16xf32>
      %broadcast_in_dim3A_242 = arith.constant 0.000000e+00 : f32
      %broadcast_in_dim3A_243 = vector.broadcast %broadcast_in_dim3A_242 : f32 to vector<16xf32>
      %broadcast_in_dim3A_244 = arith.constant 0.000000e+00 : f32
      %broadcast_in_dim3A_245 = vector.broadcast %broadcast_in_dim3A_244 : f32 to vector<16xf32>
      %broadcast_in_dim3A_246 = arith.constant 0.000000e+00 : f32
      %broadcast_in_dim3A_247 = vector.broadcast %broadcast_in_dim3A_246 : f32 to vector<16xf32>
      %broadcast_in_dim3A_248 = arith.constant 0.000000e+00 : f32
      %broadcast_in_dim3A_249 = vector.broadcast %broadcast_in_dim3A_248 : f32 to vector<16xf32>
      %broadcast_in_dim3A_250 = arith.constant 0.000000e+00 : f32
      %broadcast_in_dim3A_251 = vector.broadcast %broadcast_in_dim3A_250 : f32 to vector<16xf32>
      %broadcast_in_dim3A_252 = arith.constant 0.000000e+00 : f32
      %broadcast_in_dim3A_253 = vector.broadcast %broadcast_in_dim3A_252 : f32 to vector<16xf32>
      %broadcast_in_dim3A_254 = arith.constant 0.000000e+00 : f32
      %broadcast_in_dim3A_255 = vector.broadcast %broadcast_in_dim3A_254 : f32 to vector<16xf32>
      %broadcast_in_dim3A_256 = arith.constant 0.000000e+00 : f32
      %broadcast_in_dim3A_257 = vector.broadcast %broadcast_in_dim3A_256 : f32 to vector<16xf32>
      %broadcast_in_dim3A_258 = arith.constant 0.000000e+00 : f32
      %broadcast_in_dim3A_259 = vector.broadcast %broadcast_in_dim3A_258 : f32 to vector<16xf32>
      %broadcast_in_dim3A_260 = arith.constant 0.000000e+00 : f32
      %broadcast_in_dim3A_261 = vector.broadcast %broadcast_in_dim3A_260 : f32 to vector<16xf32>
      %broadcast_in_dim3A_262 = arith.constant 0.000000e+00 : f32
      %broadcast_in_dim3A_263 = vector.broadcast %broadcast_in_dim3A_262 : f32 to vector<16xf32>
      %broadcast_in_dim3A_264 = arith.constant 0.000000e+00 : f32
      %broadcast_in_dim3A_265 = vector.broadcast %broadcast_in_dim3A_264 : f32 to vector<16xf32>
      %broadcast_in_dim3A_266 = arith.constant 0.000000e+00 : f32
      %broadcast_in_dim3A_267 = vector.broadcast %broadcast_in_dim3A_266 : f32 to vector<16xf32>
      %broadcast_in_dim3A_268 = arith.constant 0.000000e+00 : f32
      %broadcast_in_dim3A_269 = vector.broadcast %broadcast_in_dim3A_268 : f32 to vector<16xf32>
      %broadcast_in_dim3A_270 = arith.constant 0.000000e+00 : f32
      %broadcast_in_dim3A_271 = vector.broadcast %broadcast_in_dim3A_270 : f32 to vector<16xf32>
      %broadcast_in_dim3A_272 = arith.constant 0.000000e+00 : f32
      %broadcast_in_dim3A_273 = vector.broadcast %broadcast_in_dim3A_272 : f32 to vector<16xf32>
      %scan3A_274 = arith.constant 0 : i32
      %scan3A_275 = arith.constant 64 : i32
      %scan3A_276 = arith.addi %scan3A_274, %scan3A_275 : i32
      %scan3A_277 = arith.constant 1 : i32
      %scan3A_278:32 = scf.for %scan3A_1639 = %scan3A_274 to %scan3A_276 step %scan3A_277 iter_args(%scan3A_1640 = %broadcast_in_dim3A_211, %scan3A_1641 = %broadcast_in_dim3A_213, %scan3A_1642 = %broadcast_in_dim3A_215, %scan3A_1643 = %broadcast_in_dim3A_217, %scan3A_1644 = %broadcast_in_dim3A_219, %scan3A_1645 = %broadcast_in_dim3A_221, %scan3A_1646 = %broadcast_in_dim3A_223, %scan3A_1647 = %broadcast_in_dim3A_225, %scan3A_1648 = %broadcast_in_dim3A_227, %scan3A_1649 = %broadcast_in_dim3A_229, %scan3A_1650 = %broadcast_in_dim3A_231, %scan3A_1651 = %broadcast_in_dim3A_233, %scan3A_1652 = %broadcast_in_dim3A_235, %scan3A_1653 = %broadcast_in_dim3A_237, %scan3A_1654 = %broadcast_in_dim3A_239, %scan3A_1655 = %broadcast_in_dim3A_241, %scan3A_1656 = %broadcast_in_dim3A_243, %scan3A_1657 = %broadcast_in_dim3A_245, %scan3A_1658 = %broadcast_in_dim3A_247, %scan3A_1659 = %broadcast_in_dim3A_249, %scan3A_1660 = %broadcast_in_dim3A_251, %scan3A_1661 = %broadcast_in_dim3A_253, %scan3A_1662 = %broadcast_in_dim3A_255, %scan3A_1663 = %broadcast_in_dim3A_257, %scan3A_1664 = %broadcast_in_dim3A_259, %scan3A_1665 = %broadcast_in_dim3A_261, %scan3A_1666 = %broadcast_in_dim3A_263, %scan3A_1667 = %broadcast_in_dim3A_265, %scan3A_1668 = %broadcast_in_dim3A_267, %scan3A_1669 = %broadcast_in_dim3A_269, %scan3A_1670 = %broadcast_in_dim3A_271, %scan3A_1671 = %broadcast_in_dim3A_273) -> (vector<16xf32>, vector<16xf32>, vector<16xf32>, vector<16xf32>, vector<16xf32>, vector<16xf32>, vector<16xf32>, vector<16xf32>, vector<16xf32>, vector<16xf32>, vector<16xf32>, vector<16xf32>, vector<16xf32>, vector<16xf32>, vector<16xf32>, vector<16xf32>, vector<16xf32>, vector<16xf32>, vector<16xf32>, vector<16xf32>, vector<16xf32>, vector<16xf32>, vector<16xf32>, vector<16xf32>, vector<16xf32>, vector<16xf32>, vector<16xf32>, vector<16xf32>, vector<16xf32>, vector<16xf32>, vector<16xf32>, vector<16xf32>)  : i32 {
        %mul3A_1672 = arith.constant 16 : i32
        %mul3A_1673 = arith.muli %scan3A_1639, %mul3A_1672 : i32
        %get3A_1674 = arith.constant 4 : i32
        %get3A_1675 = arith.index_cast %get3A_1674 : i32 to index
        %get3A_1676 = arith.index_cast %mul3A_1673 : i32 to index
        %get3A_1677 = tpu.vector_load %arg8[%get3A_1675, %get3A_1676] {strides = array<i32>} : memref<16x1024xf32, #tpu.memory_space<vmem>>, vector<16xf32>,
        %mul3A_1678 = arith.constant 16 : i32
        %mul3A_1679 = arith.muli %scan3A_1639, %mul3A_1678 : i32
        %get3A_1680 = arith.constant 0 : i32
        %get3A_1681 = arith.index_cast %get3A_1680 : i32 to index
        %get3A_1682 = arith.index_cast %mul3A_1679 : i32 to index
        %get3A_1683 = tpu.vector_load %arg6[%get3A_1681, %get3A_1682] {strides = array<i32>} : memref<8x1024xf32, #tpu.memory_space<vmem>>, vector<16xf32>,
        %mul3A_1684 = arith.mulf %get3A_1677, %get3A_1683 : vector<16xf32>
        %add3A_1685 = arith.addf %scan3A_1640, %mul3A_1684 : vector<16xf32>
        %mul3A_1686 = arith.constant 16 : i32
        %mul3A_1687 = arith.muli %scan3A_1639, %mul3A_1686 : i32
        %get3A_1688 = arith.constant 1 : i32
        %get3A_1689 = arith.index_cast %get3A_1688 : i32 to index
        %get3A_1690 = arith.index_cast %mul3A_1687 : i32 to index
        %get3A_1691 = tpu.vector_load %arg6[%get3A_1689, %get3A_1690] {strides = array<i32>} : memref<8x1024xf32, #tpu.memory_space<vmem>>, vector<16xf32>,
        %mul3A_1692 = arith.mulf %get3A_1677, %get3A_1691 : vector<16xf32>
        %add3A_1693 = arith.addf %scan3A_1641, %mul3A_1692 : vector<16xf32>
        %mul3A_1694 = arith.constant 16 : i32
        %mul3A_1695 = arith.muli %scan3A_1639, %mul3A_1694 : i32
        %get3A_1696 = arith.constant 2 : i32
        %get3A_1697 = arith.index_cast %get3A_1696 : i32 to index
        %get3A_1698 = arith.index_cast %mul3A_1695 : i32 to index
        %get3A_1699 = tpu.vector_load %arg6[%get3A_1697, %get3A_1698] {strides = array<i32>} : memref<8x1024xf32, #tpu.memory_space<vmem>>, vector<16xf32>,
        %mul3A_1700 = arith.mulf %get3A_1677, %get3A_1699 : vector<16xf32>
        %add3A_1701 = arith.addf %scan3A_1642, %mul3A_1700 : vector<16xf32>
        %mul3A_1702 = arith.constant 16 : i32
        %mul3A_1703 = arith.muli %scan3A_1639, %mul3A_1702 : i32
        %get3A_1704 = arith.constant 3 : i32
        %get3A_1705 = arith.index_cast %get3A_1704 : i32 to index
        %get3A_1706 = arith.index_cast %mul3A_1703 : i32 to index
        %get3A_1707 = tpu.vector_load %arg6[%get3A_1705, %get3A_1706] {strides = array<i32>} : memref<8x1024xf32, #tpu.memory_space<vmem>>, vector<16xf32>,
        %mul3A_1708 = arith.mulf %get3A_1677, %get3A_1707 : vector<16xf32>
        %add3A_1709 = arith.addf %scan3A_1643, %mul3A_1708 : vector<16xf32>
        %mul3A_1710 = arith.constant 16 : i32
        %mul3A_1711 = arith.muli %scan3A_1639, %mul3A_1710 : i32
        %get3A_1712 = arith.constant 4 : i32
        %get3A_1713 = arith.index_cast %get3A_1712 : i32 to index
        %get3A_1714 = arith.index_cast %mul3A_1711 : i32 to index
        %get3A_1715 = tpu.vector_load %arg6[%get3A_1713, %get3A_1714] {strides = array<i32>} : memref<8x1024xf32, #tpu.memory_space<vmem>>, vector<16xf32>,
        %mul3A_1716 = arith.mulf %get3A_1677, %get3A_1715 : vector<16xf32>
        %add3A_1717 = arith.addf %scan3A_1644, %mul3A_1716 : vector<16xf32>
        %mul3A_1718 = arith.constant 16 : i32
        %mul3A_1719 = arith.muli %scan3A_1639, %mul3A_1718 : i32
        %get3A_1720 = arith.constant 5 : i32
        %get3A_1721 = arith.index_cast %get3A_1720 : i32 to index
        %get3A_1722 = arith.index_cast %mul3A_1719 : i32 to index
        %get3A_1723 = tpu.vector_load %arg6[%get3A_1721, %get3A_1722] {strides = array<i32>} : memref<8x1024xf32, #tpu.memory_space<vmem>>, vector<16xf32>,
        %mul3A_1724 = arith.mulf %get3A_1677, %get3A_1723 : vector<16xf32>
        %add3A_1725 = arith.addf %scan3A_1645, %mul3A_1724 : vector<16xf32>
        %mul3A_1726 = arith.constant 16 : i32
        %mul3A_1727 = arith.muli %scan3A_1639, %mul3A_1726 : i32
        %get3A_1728 = arith.constant 6 : i32
        %get3A_1729 = arith.index_cast %get3A_1728 : i32 to index
        %get3A_1730 = arith.index_cast %mul3A_1727 : i32 to index
        %get3A_1731 = tpu.vector_load %arg6[%get3A_1729, %get3A_1730] {strides = array<i32>} : memref<8x1024xf32, #tpu.memory_space<vmem>>, vector<16xf32>,
        %mul3A_1732 = arith.mulf %get3A_1677, %get3A_1731 : vector<16xf32>
        %add3A_1733 = arith.addf %scan3A_1646, %mul3A_1732 : vector<16xf32>
        %mul3A_1734 = arith.constant 16 : i32
        %mul3A_1735 = arith.muli %scan3A_1639, %mul3A_1734 : i32
        %get3A_1736 = arith.constant 7 : i32
        %get3A_1737 = arith.index_cast %get3A_1736 : i32 to index
        %get3A_1738 = arith.index_cast %mul3A_1735 : i32 to index
        %get3A_1739 = tpu.vector_load %arg6[%get3A_1737, %get3A_1738] {strides = array<i32>} : memref<8x1024xf32, #tpu.memory_space<vmem>>, vector<16xf32>,
        %mul3A_1740 = arith.mulf %get3A_1677, %get3A_1739 : vector<16xf32>
        %add3A_1741 = arith.addf %scan3A_1647, %mul3A_1740 : vector<16xf32>
        %mul3A_1742 = arith.constant 16 : i32
        %mul3A_1743 = arith.muli %scan3A_1639, %mul3A_1742 : i32
        %get3A_1744 = arith.constant 5 : i32
        %get3A_1745 = arith.index_cast %get3A_1744 : i32 to index
        %get3A_1746 = arith.index_cast %mul3A_1743 : i32 to index
        %get3A_1747 = tpu.vector_load %arg8[%get3A_1745, %get3A_1746] {strides = array<i32>} : memref<16x1024xf32, #tpu.memory_space<vmem>>, vector<16xf32>,
        %mul3A_1748 = arith.constant 16 : i32
        %mul3A_1749 = arith.muli %scan3A_1639, %mul3A_1748 : i32
        %get3A_1750 = arith.constant 0 : i32
        %get3A_1751 = arith.index_cast %get3A_1750 : i32 to index
        %get3A_1752 = arith.index_cast %mul3A_1749 : i32 to index
        %get3A_1753 = tpu.vector_load %arg6[%get3A_1751, %get3A_1752] {strides = array<i32>} : memref<8x1024xf32, #tpu.memory_space<vmem>>, vector<16xf32>,
        %mul3A_1754 = arith.mulf %get3A_1747, %get3A_1753 : vector<16xf32>
        %add3A_1755 = arith.addf %scan3A_1648, %mul3A_1754 : vector<16xf32>
        %mul3A_1756 = arith.constant 16 : i32
        %mul3A_1757 = arith.muli %scan3A_1639, %mul3A_1756 : i32
        %get3A_1758 = arith.constant 1 : i32
        %get3A_1759 = arith.index_cast %get3A_1758 : i32 to index
        %get3A_1760 = arith.index_cast %mul3A_1757 : i32 to index
        %get3A_1761 = tpu.vector_load %arg6[%get3A_1759, %get3A_1760] {strides = array<i32>} : memref<8x1024xf32, #tpu.memory_space<vmem>>, vector<16xf32>,
        %mul3A_1762 = arith.mulf %get3A_1747, %get3A_1761 : vector<16xf32>
        %add3A_1763 = arith.addf %scan3A_1649, %mul3A_1762 : vector<16xf32>
        %mul3A_1764 = arith.constant 16 : i32
        %mul3A_1765 = arith.muli %scan3A_1639, %mul3A_1764 : i32
        %get3A_1766 = arith.constant 2 : i32
        %get3A_1767 = arith.index_cast %get3A_1766 : i32 to index
        %get3A_1768 = arith.index_cast %mul3A_1765 : i32 to index
        %get3A_1769 = tpu.vector_load %arg6[%get3A_1767, %get3A_1768] {strides = array<i32>} : memref<8x1024xf32, #tpu.memory_space<vmem>>, vector<16xf32>,
        %mul3A_1770 = arith.mulf %get3A_1747, %get3A_1769 : vector<16xf32>
        %add3A_1771 = arith.addf %scan3A_1650, %mul3A_1770 : vector<16xf32>
        %mul3A_1772 = arith.constant 16 : i32
        %mul3A_1773 = arith.muli %scan3A_1639, %mul3A_1772 : i32
        %get3A_1774 = arith.constant 3 : i32
        %get3A_1775 = arith.index_cast %get3A_1774 : i32 to index
        %get3A_1776 = arith.index_cast %mul3A_1773 : i32 to index
        %get3A_1777 = tpu.vector_load %arg6[%get3A_1775, %get3A_1776] {strides = array<i32>} : memref<8x1024xf32, #tpu.memory_space<vmem>>, vector<16xf32>,
        %mul3A_1778 = arith.mulf %get3A_1747, %get3A_1777 : vector<16xf32>
        %add3A_1779 = arith.addf %scan3A_1651, %mul3A_1778 : vector<16xf32>
        %mul3A_1780 = arith.constant 16 : i32
        %mul3A_1781 = arith.muli %scan3A_1639, %mul3A_1780 : i32
        %get3A_1782 = arith.constant 4 : i32
        %get3A_1783 = arith.index_cast %get3A_1782 : i32 to index
        %get3A_1784 = arith.index_cast %mul3A_1781 : i32 to index
        %get3A_1785 = tpu.vector_load %arg6[%get3A_1783, %get3A_1784] {strides = array<i32>} : memref<8x1024xf32, #tpu.memory_space<vmem>>, vector<16xf32>,
        %mul3A_1786 = arith.mulf %get3A_1747, %get3A_1785 : vector<16xf32>
        %add3A_1787 = arith.addf %scan3A_1652, %mul3A_1786 : vector<16xf32>
        %mul3A_1788 = arith.constant 16 : i32
        %mul3A_1789 = arith.muli %scan3A_1639, %mul3A_1788 : i32
        %get3A_1790 = arith.constant 5 : i32
        %get3A_1791 = arith.index_cast %get3A_1790 : i32 to index
        %get3A_1792 = arith.index_cast %mul3A_1789 : i32 to index
        %get3A_1793 = tpu.vector_load %arg6[%get3A_1791, %get3A_1792] {strides = array<i32>} : memref<8x1024xf32, #tpu.memory_space<vmem>>, vector<16xf32>,
        %mul3A_1794 = arith.mulf %get3A_1747, %get3A_1793 : vector<16xf32>
        %add3A_1795 = arith.addf %scan3A_1653, %mul3A_1794 : vector<16xf32>
        %mul3A_1796 = arith.constant 16 : i32
        %mul3A_1797 = arith.muli %scan3A_1639, %mul3A_1796 : i32
        %get3A_1798 = arith.constant 6 : i32
        %get3A_1799 = arith.index_cast %get3A_1798 : i32 to index
        %get3A_1800 = arith.index_cast %mul3A_1797 : i32 to index
        %get3A_1801 = tpu.vector_load %arg6[%get3A_1799, %get3A_1800] {strides = array<i32>} : memref<8x1024xf32, #tpu.memory_space<vmem>>, vector<16xf32>,
        %mul3A_1802 = arith.mulf %get3A_1747, %get3A_1801 : vector<16xf32>
        %add3A_1803 = arith.addf %scan3A_1654, %mul3A_1802 : vector<16xf32>
        %mul3A_1804 = arith.constant 16 : i32
        %mul3A_1805 = arith.muli %scan3A_1639, %mul3A_1804 : i32
        %get3A_1806 = arith.constant 7 : i32
        %get3A_1807 = arith.index_cast %get3A_1806 : i32 to index
        %get3A_1808 = arith.index_cast %mul3A_1805 : i32 to index
        %get3A_1809 = tpu.vector_load %arg6[%get3A_1807, %get3A_1808] {strides = array<i32>} : memref<8x1024xf32, #tpu.memory_space<vmem>>, vector<16xf32>,
        %mul3A_1810 = arith.mulf %get3A_1747, %get3A_1809 : vector<16xf32>
        %add3A_1811 = arith.addf %scan3A_1655, %mul3A_1810 : vector<16xf32>
        %mul3A_1812 = arith.constant 16 : i32
        %mul3A_1813 = arith.muli %scan3A_1639, %mul3A_1812 : i32
        %get3A_1814 = arith.constant 6 : i32
        %get3A_1815 = arith.index_cast %get3A_1814 : i32 to index
        %get3A_1816 = arith.index_cast %mul3A_1813 : i32 to index
        %get3A_1817 = tpu.vector_load %arg8[%get3A_1815, %get3A_1816] {strides = array<i32>} : memref<16x1024xf32, #tpu.memory_space<vmem>>, vector<16xf32>,
        %mul3A_1818 = arith.constant 16 : i32
        %mul3A_1819 = arith.muli %scan3A_1639, %mul3A_1818 : i32
        %get3A_1820 = arith.constant 0 : i32
        %get3A_1821 = arith.index_cast %get3A_1820 : i32 to index
        %get3A_1822 = arith.index_cast %mul3A_1819 : i32 to index
        %get3A_1823 = tpu.vector_load %arg6[%get3A_1821, %get3A_1822] {strides = array<i32>} : memref<8x1024xf32, #tpu.memory_space<vmem>>, vector<16xf32>,
        %mul3A_1824 = arith.mulf %get3A_1817, %get3A_1823 : vector<16xf32>
        %add3A_1825 = arith.addf %scan3A_1656, %mul3A_1824 : vector<16xf32>
        %mul3A_1826 = arith.constant 16 : i32
        %mul3A_1827 = arith.muli %scan3A_1639, %mul3A_1826 : i32
        %get3A_1828 = arith.constant 1 : i32
        %get3A_1829 = arith.index_cast %get3A_1828 : i32 to index
        %get3A_1830 = arith.index_cast %mul3A_1827 : i32 to index
        %get3A_1831 = tpu.vector_load %arg6[%get3A_1829, %get3A_1830] {strides = array<i32>} : memref<8x1024xf32, #tpu.memory_space<vmem>>, vector<16xf32>,
        %mul3A_1832 = arith.mulf %get3A_1817, %get3A_1831 : vector<16xf32>
        %add3A_1833 = arith.addf %scan3A_1657, %mul3A_1832 : vector<16xf32>
        %mul3A_1834 = arith.constant 16 : i32
        %mul3A_1835 = arith.muli %scan3A_1639, %mul3A_1834 : i32
        %get3A_1836 = arith.constant 2 : i32
        %get3A_1837 = arith.index_cast %get3A_1836 : i32 to index
        %get3A_1838 = arith.index_cast %mul3A_1835 : i32 to index
        %get3A_1839 = tpu.vector_load %arg6[%get3A_1837, %get3A_1838] {strides = array<i32>} : memref<8x1024xf32, #tpu.memory_space<vmem>>, vector<16xf32>,
        %mul3A_1840 = arith.mulf %get3A_1817, %get3A_1839 : vector<16xf32>
        %add3A_1841 = arith.addf %scan3A_1658, %mul3A_1840 : vector<16xf32>
        %mul3A_1842 = arith.constant 16 : i32
        %mul3A_1843 = arith.muli %scan3A_1639, %mul3A_1842 : i32
        %get3A_1844 = arith.constant 3 : i32
        %get3A_1845 = arith.index_cast %get3A_1844 : i32 to index
        %get3A_1846 = arith.index_cast %mul3A_1843 : i32 to index
        %get3A_1847 = tpu.vector_load %arg6[%get3A_1845, %get3A_1846] {strides = array<i32>} : memref<8x1024xf32, #tpu.memory_space<vmem>>, vector<16xf32>,
        %mul3A_1848 = arith.mulf %get3A_1817, %get3A_1847 : vector<16xf32>
        %add3A_1849 = arith.addf %scan3A_1659, %mul3A_1848 : vector<16xf32>
        %mul3A_1850 = arith.constant 16 : i32
        %mul3A_1851 = arith.muli %scan3A_1639, %mul3A_1850 : i32
        %get3A_1852 = arith.constant 4 : i32
        %get3A_1853 = arith.index_cast %get3A_1852 : i32 to index
        %get3A_1854 = arith.index_cast %mul3A_1851 : i32 to index
        %get3A_1855 = tpu.vector_load %arg6[%get3A_1853, %get3A_1854] {strides = array<i32>} : memref<8x1024xf32, #tpu.memory_space<vmem>>, vector<16xf32>,
        %mul3A_1856 = arith.mulf %get3A_1817, %get3A_1855 : vector<16xf32>
        %add3A_1857 = arith.addf %scan3A_1660, %mul3A_1856 : vector<16xf32>
        %mul3A_1858 = arith.constant 16 : i32
        %mul3A_1859 = arith.muli %scan3A_1639, %mul3A_1858 : i32
        %get3A_1860 = arith.constant 5 : i32
        %get3A_1861 = arith.index_cast %get3A_1860 : i32 to index
        %get3A_1862 = arith.index_cast %mul3A_1859 : i32 to index
        %get3A_1863 = tpu.vector_load %arg6[%get3A_1861, %get3A_1862] {strides = array<i32>} : memref<8x1024xf32, #tpu.memory_space<vmem>>, vector<16xf32>,
        %mul3A_1864 = arith.mulf %get3A_1817, %get3A_1863 : vector<16xf32>
        %add3A_1865 = arith.addf %scan3A_1661, %mul3A_1864 : vector<16xf32>
        %mul3A_1866 = arith.constant 16 : i32
        %mul3A_1867 = arith.muli %scan3A_1639, %mul3A_1866 : i32
        %get3A_1868 = arith.constant 6 : i32
        %get3A_1869 = arith.index_cast %get3A_1868 : i32 to index
        %get3A_1870 = arith.index_cast %mul3A_1867 : i32 to index
        %get3A_1871 = tpu.vector_load %arg6[%get3A_1869, %get3A_1870] {strides = array<i32>} : memref<8x1024xf32, #tpu.memory_space<vmem>>, vector<16xf32>,
        %mul3A_1872 = arith.mulf %get3A_1817, %get3A_1871 : vector<16xf32>
        %add3A_1873 = arith.addf %scan3A_1662, %mul3A_1872 : vector<16xf32>
        %mul3A_1874 = arith.constant 16 : i32
        %mul3A_1875 = arith.muli %scan3A_1639, %mul3A_1874 : i32
        %get3A_1876 = arith.constant 7 : i32
        %get3A_1877 = arith.index_cast %get3A_1876 : i32 to index
        %get3A_1878 = arith.index_cast %mul3A_1875 : i32 to index
        %get3A_1879 = tpu.vector_load %arg6[%get3A_1877, %get3A_1878] {strides = array<i32>} : memref<8x1024xf32, #tpu.memory_space<vmem>>, vector<16xf32>,
        %mul3A_1880 = arith.mulf %get3A_1817, %get3A_1879 : vector<16xf32>
        %add3A_1881 = arith.addf %scan3A_1663, %mul3A_1880 : vector<16xf32>
        %mul3A_1882 = arith.constant 16 : i32
        %mul3A_1883 = arith.muli %scan3A_1639, %mul3A_1882 : i32
        %get3A_1884 = arith.constant 7 : i32
        %get3A_1885 = arith.index_cast %get3A_1884 : i32 to index
        %get3A_1886 = arith.index_cast %mul3A_1883 : i32 to index
        %get3A_1887 = tpu.vector_load %arg8[%get3A_1885, %get3A_1886] {strides = array<i32>} : memref<16x1024xf32, #tpu.memory_space<vmem>>, vector<16xf32>,
        %mul3A_1888 = arith.constant 16 : i32
        %mul3A_1889 = arith.muli %scan3A_1639, %mul3A_1888 : i32
        %get3A_1890 = arith.constant 0 : i32
        %get3A_1891 = arith.index_cast %get3A_1890 : i32 to index
        %get3A_1892 = arith.index_cast %mul3A_1889 : i32 to index
        %get3A_1893 = tpu.vector_load %arg6[%get3A_1891, %get3A_1892] {strides = array<i32>} : memref<8x1024xf32, #tpu.memory_space<vmem>>, vector<16xf32>,
        %mul3A_1894 = arith.mulf %get3A_1887, %get3A_1893 : vector<16xf32>
        %add3A_1895 = arith.addf %scan3A_1664, %mul3A_1894 : vector<16xf32>
        %mul3A_1896 = arith.constant 16 : i32
        %mul3A_1897 = arith.muli %scan3A_1639, %mul3A_1896 : i32
        %get3A_1898 = arith.constant 1 : i32
        %get3A_1899 = arith.index_cast %get3A_1898 : i32 to index
        %get3A_1900 = arith.index_cast %mul3A_1897 : i32 to index
        %get3A_1901 = tpu.vector_load %arg6[%get3A_1899, %get3A_1900] {strides = array<i32>} : memref<8x1024xf32, #tpu.memory_space<vmem>>, vector<16xf32>,
        %mul3A_1902 = arith.mulf %get3A_1887, %get3A_1901 : vector<16xf32>
        %add3A_1903 = arith.addf %scan3A_1665, %mul3A_1902 : vector<16xf32>
        %mul3A_1904 = arith.constant 16 : i32
        %mul3A_1905 = arith.muli %scan3A_1639, %mul3A_1904 : i32
        %get3A_1906 = arith.constant 2 : i32
        %get3A_1907 = arith.index_cast %get3A_1906 : i32 to index
        %get3A_1908 = arith.index_cast %mul3A_1905 : i32 to index
        %get3A_1909 = tpu.vector_load %arg6[%get3A_1907, %get3A_1908] {strides = array<i32>} : memref<8x1024xf32, #tpu.memory_space<vmem>>, vector<16xf32>,
        %mul3A_1910 = arith.mulf %get3A_1887, %get3A_1909 : vector<16xf32>
        %add3A_1911 = arith.addf %scan3A_1666, %mul3A_1910 : vector<16xf32>
        %mul3A_1912 = arith.constant 16 : i32
        %mul3A_1913 = arith.muli %scan3A_1639, %mul3A_1912 : i32
        %get3A_1914 = arith.constant 3 : i32
        %get3A_1915 = arith.index_cast %get3A_1914 : i32 to index
        %get3A_1916 = arith.index_cast %mul3A_1913 : i32 to index
        %get3A_1917 = tpu.vector_load %arg6[%get3A_1915, %get3A_1916] {strides = array<i32>} : memref<8x1024xf32, #tpu.memory_space<vmem>>, vector<16xf32>,
        %mul3A_1918 = arith.mulf %get3A_1887, %get3A_1917 : vector<16xf32>
        %add3A_1919 = arith.addf %scan3A_1667, %mul3A_1918 : vector<16xf32>
        %mul3A_1920 = arith.constant 16 : i32
        %mul3A_1921 = arith.muli %scan3A_1639, %mul3A_1920 : i32
        %get3A_1922 = arith.constant 4 : i32
        %get3A_1923 = arith.index_cast %get3A_1922 : i32 to index
        %get3A_1924 = arith.index_cast %mul3A_1921 : i32 to index
        %get3A_1925 = tpu.vector_load %arg6[%get3A_1923, %get3A_1924] {strides = array<i32>} : memref<8x1024xf32, #tpu.memory_space<vmem>>, vector<16xf32>,
        %mul3A_1926 = arith.mulf %get3A_1887, %get3A_1925 : vector<16xf32>
        %add3A_1927 = arith.addf %scan3A_1668, %mul3A_1926 : vector<16xf32>
        %mul3A_1928 = arith.constant 16 : i32
        %mul3A_1929 = arith.muli %scan3A_1639, %mul3A_1928 : i32
        %get3A_1930 = arith.constant 5 : i32
        %get3A_1931 = arith.index_cast %get3A_1930 : i32 to index
        %get3A_1932 = arith.index_cast %mul3A_1929 : i32 to index
        %get3A_1933 = tpu.vector_load %arg6[%get3A_1931, %get3A_1932] {strides = array<i32>} : memref<8x1024xf32, #tpu.memory_space<vmem>>, vector<16xf32>,
        %mul3A_1934 = arith.mulf %get3A_1887, %get3A_1933 : vector<16xf32>
        %add3A_1935 = arith.addf %scan3A_1669, %mul3A_1934 : vector<16xf32>
        %mul3A_1936 = arith.constant 16 : i32
        %mul3A_1937 = arith.muli %scan3A_1639, %mul3A_1936 : i32
        %get3A_1938 = arith.constant 6 : i32
        %get3A_1939 = arith.index_cast %get3A_1938 : i32 to index
        %get3A_1940 = arith.index_cast %mul3A_1937 : i32 to index
        %get3A_1941 = tpu.vector_load %arg6[%get3A_1939, %get3A_1940] {strides = array<i32>} : memref<8x1024xf32, #tpu.memory_space<vmem>>, vector<16xf32>,
        %mul3A_1942 = arith.mulf %get3A_1887, %get3A_1941 : vector<16xf32>
        %add3A_1943 = arith.addf %scan3A_1670, %mul3A_1942 : vector<16xf32>
        %mul3A_1944 = arith.constant 16 : i32
        %mul3A_1945 = arith.muli %scan3A_1639, %mul3A_1944 : i32
        %get3A_1946 = arith.constant 7 : i32
        %get3A_1947 = arith.index_cast %get3A_1946 : i32 to index
        %get3A_1948 = arith.index_cast %mul3A_1945 : i32 to index
        %get3A_1949 = tpu.vector_load %arg6[%get3A_1947, %get3A_1948] {strides = array<i32>} : memref<8x1024xf32, #tpu.memory_space<vmem>>, vector<16xf32>,
        %mul3A_1950 = arith.mulf %get3A_1887, %get3A_1949 : vector<16xf32>
        %add3A_1951 = arith.addf %scan3A_1671, %mul3A_1950 : vector<16xf32>
        scf.yield %add3A_1685, %add3A_1693, %add3A_1701, %add3A_1709, %add3A_1717, %add3A_1725, %add3A_1733, %add3A_1741, %add3A_1755, %add3A_1763, %add3A_1771, %add3A_1779, %add3A_1787, %add3A_1795, %add3A_1803, %add3A_1811, %add3A_1825, %add3A_1833, %add3A_1841, %add3A_1849, %add3A_1857, %add3A_1865, %add3A_1873, %add3A_1881, %add3A_1895, %add3A_1903, %add3A_1911, %add3A_1919, %add3A_1927, %add3A_1935, %add3A_1943, %add3A_1951 : vector<16xf32>, vector<16xf32>, vector<16xf32>, vector<16xf32>, vector<16xf32>, vector<16xf32>, vector<16xf32>, vector<16xf32>, vector<16xf32>, vector<16xf32>, vector<16xf32>, vector<16xf32>, vector<16xf32>, vector<16xf32>, vector<16xf32>, vector<16xf32>, vector<16xf32>, vector<16xf32>, vector<16xf32>, vector<16xf32>, vector<16xf32>, vector<16xf32>, vector<16xf32>, vector<16xf32>, vector<16xf32>, vector<16xf32>, vector<16xf32>, vector<16xf32>, vector<16xf32>, vector<16xf32>, vector<16xf32>, vector<16xf32>
      }
      %scan3A_279 = arith.constant 64 : i32
      %reduce_sum3A_280 = arith.constant true
      %reduce_sum3A_281 = vector.broadcast %reduce_sum3A_280 : i1 to vector<16xi1>
      %reduce_sum3A_282 = tpu.scan <sum>, %scan3A_278#0 masked %reduce_sum3A_281 : vector<16xf32>, vector<16xi1> -> vector<16xf32>
      %reduce_sum3A_283 = vector.extract %reduce_sum3A_282[15] : f32 from vector<16xf32>
      %reduce_sum3A_284 = arith.constant true
      %reduce_sum3A_285 = vector.broadcast %reduce_sum3A_284 : i1 to vector<16xi1>
      %reduce_sum3A_286 = tpu.scan <sum>, %scan3A_278#1 masked %reduce_sum3A_285 : vector<16xf32>, vector<16xi1> -> vector<16xf32>
      %reduce_sum3A_287 = vector.extract %reduce_sum3A_286[15] : f32 from vector<16xf32>
      %reduce_sum3A_288 = arith.constant true
      %reduce_sum3A_289 = vector.broadcast %reduce_sum3A_288 : i1 to vector<16xi1>
      %reduce_sum3A_290 = tpu.scan <sum>, %scan3A_278#2 masked %reduce_sum3A_289 : vector<16xf32>, vector<16xi1> -> vector<16xf32>
      %reduce_sum3A_291 = vector.extract %reduce_sum3A_290[15] : f32 from vector<16xf32>
      %reduce_sum3A_292 = arith.constant true
      %reduce_sum3A_293 = vector.broadcast %reduce_sum3A_292 : i1 to vector<16xi1>
      %reduce_sum3A_294 = tpu.scan <sum>, %scan3A_278#3 masked %reduce_sum3A_293 : vector<16xf32>, vector<16xi1> -> vector<16xf32>
      %reduce_sum3A_295 = vector.extract %reduce_sum3A_294[15] : f32 from vector<16xf32>
      %reduce_sum3A_296 = arith.constant true
      %reduce_sum3A_297 = vector.broadcast %reduce_sum3A_296 : i1 to vector<16xi1>
      %reduce_sum3A_298 = tpu.scan <sum>, %scan3A_278#4 masked %reduce_sum3A_297 : vector<16xf32>, vector<16xi1> -> vector<16xf32>
      %reduce_sum3A_299 = vector.extract %reduce_sum3A_298[15] : f32 from vector<16xf32>
      %reduce_sum3A_300 = arith.constant true
      %reduce_sum3A_301 = vector.broadcast %reduce_sum3A_300 : i1 to vector<16xi1>
      %reduce_sum3A_302 = tpu.scan <sum>, %scan3A_278#5 masked %reduce_sum3A_301 : vector<16xf32>, vector<16xi1> -> vector<16xf32>
      %reduce_sum3A_303 = vector.extract %reduce_sum3A_302[15] : f32 from vector<16xf32>
      %reduce_sum3A_304 = arith.constant true
      %reduce_sum3A_305 = vector.broadcast %reduce_sum3A_304 : i1 to vector<16xi1>
      %reduce_sum3A_306 = tpu.scan <sum>, %scan3A_278#6 masked %reduce_sum3A_305 : vector<16xf32>, vector<16xi1> -> vector<16xf32>
      %reduce_sum3A_307 = vector.extract %reduce_sum3A_306[15] : f32 from vector<16xf32>
      %reduce_sum3A_308 = arith.constant true
      %reduce_sum3A_309 = vector.broadcast %reduce_sum3A_308 : i1 to vector<16xi1>
      %reduce_sum3A_310 = tpu.scan <sum>, %scan3A_278#7 masked %reduce_sum3A_309 : vector<16xf32>, vector<16xi1> -> vector<16xf32>
      %reduce_sum3A_311 = vector.extract %reduce_sum3A_310[15] : f32 from vector<16xf32>
      %reduce_sum3A_312 = arith.constant true
      %reduce_sum3A_313 = vector.broadcast %reduce_sum3A_312 : i1 to vector<16xi1>
      %reduce_sum3A_314 = tpu.scan <sum>, %scan3A_278#8 masked %reduce_sum3A_313 : vector<16xf32>, vector<16xi1> -> vector<16xf32>
      %reduce_sum3A_315 = vector.extract %reduce_sum3A_314[15] : f32 from vector<16xf32>
      %reduce_sum3A_316 = arith.constant true
      %reduce_sum3A_317 = vector.broadcast %reduce_sum3A_316 : i1 to vector<16xi1>
      %reduce_sum3A_318 = tpu.scan <sum>, %scan3A_278#9 masked %reduce_sum3A_317 : vector<16xf32>, vector<16xi1> -> vector<16xf32>
      %reduce_sum3A_319 = vector.extract %reduce_sum3A_318[15] : f32 from vector<16xf32>
      %reduce_sum3A_320 = arith.constant true
      %reduce_sum3A_321 = vector.broadcast %reduce_sum3A_320 : i1 to vector<16xi1>
      %reduce_sum3A_322 = tpu.scan <sum>, %scan3A_278#10 masked %reduce_sum3A_321 : vector<16xf32>, vector<16xi1> -> vector<16xf32>
      %reduce_sum3A_323 = vector.extract %reduce_sum3A_322[15] : f32 from vector<16xf32>
      %reduce_sum3A_324 = arith.constant true
      %reduce_sum3A_325 = vector.broadcast %reduce_sum3A_324 : i1 to vector<16xi1>
      %reduce_sum3A_326 = tpu.scan <sum>, %scan3A_278#11 masked %reduce_sum3A_325 : vector<16xf32>, vector<16xi1> -> vector<16xf32>
      %reduce_sum3A_327 = vector.extract %reduce_sum3A_326[15] : f32 from vector<16xf32>
      %reduce_sum3A_328 = arith.constant true
      %reduce_sum3A_329 = vector.broadcast %reduce_sum3A_328 : i1 to vector<16xi1>
      %reduce_sum3A_330 = tpu.scan <sum>, %scan3A_278#12 masked %reduce_sum3A_329 : vector<16xf32>, vector<16xi1> -> vector<16xf32>
      %reduce_sum3A_331 = vector.extract %reduce_sum3A_330[15] : f32 from vector<16xf32>
      %reduce_sum3A_332 = arith.constant true
      %reduce_sum3A_333 = vector.broadcast %reduce_sum3A_332 : i1 to vector<16xi1>
      %reduce_sum3A_334 = tpu.scan <sum>, %scan3A_278#13 masked %reduce_sum3A_333 : vector<16xf32>, vector<16xi1> -> vector<16xf32>
      %reduce_sum3A_335 = vector.extract %reduce_sum3A_334[15] : f32 from vector<16xf32>
      %reduce_sum3A_336 = arith.constant true
      %reduce_sum3A_337 = vector.broadcast %reduce_sum3A_336 : i1 to vector<16xi1>
      %reduce_sum3A_338 = tpu.scan <sum>, %scan3A_278#14 masked %reduce_sum3A_337 : vector<16xf32>, vector<16xi1> -> vector<16xf32>
      %reduce_sum3A_339 = vector.extract %reduce_sum3A_338[15] : f32 from vector<16xf32>
      %reduce_sum3A_340 = arith.constant true
      %reduce_sum3A_341 = vector.broadcast %reduce_sum3A_340 : i1 to vector<16xi1>
      %reduce_sum3A_342 = tpu.scan <sum>, %scan3A_278#15 masked %reduce_sum3A_341 : vector<16xf32>, vector<16xi1> -> vector<16xf32>
      %reduce_sum3A_343 = vector.extract %reduce_sum3A_342[15] : f32 from vector<16xf32>
      %reduce_sum3A_344 = arith.constant true
      %reduce_sum3A_345 = vector.broadcast %reduce_sum3A_344 : i1 to vector<16xi1>
      %reduce_sum3A_346 = tpu.scan <sum>, %scan3A_278#16 masked %reduce_sum3A_345 : vector<16xf32>, vector<16xi1> -> vector<16xf32>
      %reduce_sum3A_347 = vector.extract %reduce_sum3A_346[15] : f32 from vector<16xf32>
      %reduce_sum3A_348 = arith.constant true
      %reduce_sum3A_349 = vector.broadcast %reduce_sum3A_348 : i1 to vector<16xi1>
      %reduce_sum3A_350 = tpu.scan <sum>, %scan3A_278#17 masked %reduce_sum3A_349 : vector<16xf32>, vector<16xi1> -> vector<16xf32>
      %reduce_sum3A_351 = vector.extract %reduce_sum3A_350[15] : f32 from vector<16xf32>
      %reduce_sum3A_352 = arith.constant true
      %reduce_sum3A_353 = vector.broadcast %reduce_sum3A_352 : i1 to vector<16xi1>
      %reduce_sum3A_354 = tpu.scan <sum>, %scan3A_278#18 masked %reduce_sum3A_353 : vector<16xf32>, vector<16xi1> -> vector<16xf32>
      %reduce_sum3A_355 = vector.extract %reduce_sum3A_354[15] : f32 from vector<16xf32>
      %reduce_sum3A_356 = arith.constant true
      %reduce_sum3A_357 = vector.broadcast %reduce_sum3A_356 : i1 to vector<16xi1>
      %reduce_sum3A_358 = tpu.scan <sum>, %scan3A_278#19 masked %reduce_sum3A_357 : vector<16xf32>, vector<16xi1> -> vector<16xf32>
      %reduce_sum3A_359 = vector.extract %reduce_sum3A_358[15] : f32 from vector<16xf32>
      %reduce_sum3A_360 = arith.constant true
      %reduce_sum3A_361 = vector.broadcast %reduce_sum3A_360 : i1 to vector<16xi1>
      %reduce_sum3A_362 = tpu.scan <sum>, %scan3A_278#20 masked %reduce_sum3A_361 : vector<16xf32>, vector<16xi1> -> vector<16xf32>
      %reduce_sum3A_363 = vector.extract %reduce_sum3A_362[15] : f32 from vector<16xf32>
      %reduce_sum3A_364 = arith.constant true
      %reduce_sum3A_365 = vector.broadcast %reduce_sum3A_364 : i1 to vector<16xi1>
      %reduce_sum3A_366 = tpu.scan <sum>, %scan3A_278#21 masked %reduce_sum3A_365 : vector<16xf32>, vector<16xi1> -> vector<16xf32>
      %reduce_sum3A_367 = vector.extract %reduce_sum3A_366[15] : f32 from vector<16xf32>
      %reduce_sum3A_368 = arith.constant true
      %reduce_sum3A_369 = vector.broadcast %reduce_sum3A_368 : i1 to vector<16xi1>
      %reduce_sum3A_370 = tpu.scan <sum>, %scan3A_278#22 masked %reduce_sum3A_369 : vector<16xf32>, vector<16xi1> -> vector<16xf32>
      %reduce_sum3A_371 = vector.extract %reduce_sum3A_370[15] : f32 from vector<16xf32>
      %reduce_sum3A_372 = arith.constant true
      %reduce_sum3A_373 = vector.broadcast %reduce_sum3A_372 : i1 to vector<16xi1>
      %reduce_sum3A_374 = tpu.scan <sum>, %scan3A_278#23 masked %reduce_sum3A_373 : vector<16xf32>, vector<16xi1> -> vector<16xf32>
      %reduce_sum3A_375 = vector.extract %reduce_sum3A_374[15] : f32 from vector<16xf32>
      %reduce_sum3A_376 = arith.constant true
      %reduce_sum3A_377 = vector.broadcast %reduce_sum3A_376 : i1 to vector<16xi1>
      %reduce_sum3A_378 = tpu.scan <sum>, %scan3A_278#24 masked %reduce_sum3A_377 : vector<16xf32>, vector<16xi1> -> vector<16xf32>
      %reduce_sum3A_379 = vector.extract %reduce_sum3A_378[15] : f32 from vector<16xf32>
      %reduce_sum3A_380 = arith.constant true
      %reduce_sum3A_381 = vector.broadcast %reduce_sum3A_380 : i1 to vector<16xi1>
      %reduce_sum3A_382 = tpu.scan <sum>, %scan3A_278#25 masked %reduce_sum3A_381 : vector<16xf32>, vector<16xi1> -> vector<16xf32>
      %reduce_sum3A_383 = vector.extract %reduce_sum3A_382[15] : f32 from vector<16xf32>
      %reduce_sum3A_384 = arith.constant true
      %reduce_sum3A_385 = vector.broadcast %reduce_sum3A_384 : i1 to vector<16xi1>
      %reduce_sum3A_386 = tpu.scan <sum>, %scan3A_278#26 masked %reduce_sum3A_385 : vector<16xf32>, vector<16xi1> -> vector<16xf32>
      %reduce_sum3A_387 = vector.extract %reduce_sum3A_386[15] : f32 from vector<16xf32>
      %reduce_sum3A_388 = arith.constant true
      %reduce_sum3A_389 = vector.broadcast %reduce_sum3A_388 : i1 to vector<16xi1>
      %reduce_sum3A_390 = tpu.scan <sum>, %scan3A_278#27 masked %reduce_sum3A_389 : vector<16xf32>, vector<16xi1> -> vector<16xf32>
      %reduce_sum3A_391 = vector.extract %reduce_sum3A_390[15] : f32 from vector<16xf32>
      %reduce_sum3A_392 = arith.constant true
      %reduce_sum3A_393 = vector.broadcast %reduce_sum3A_392 : i1 to vector<16xi1>
      %reduce_sum3A_394 = tpu.scan <sum>, %scan3A_278#28 masked %reduce_sum3A_393 : vector<16xf32>, vector<16xi1> -> vector<16xf32>
      %reduce_sum3A_395 = vector.extract %reduce_sum3A_394[15] : f32 from vector<16xf32>
      %reduce_sum3A_396 = arith.constant true
      %reduce_sum3A_397 = vector.broadcast %reduce_sum3A_396 : i1 to vector<16xi1>
      %reduce_sum3A_398 = tpu.scan <sum>, %scan3A_278#29 masked %reduce_sum3A_397 : vector<16xf32>, vector<16xi1> -> vector<16xf32>
      %reduce_sum3A_399 = vector.extract %reduce_sum3A_398[15] : f32 from vector<16xf32>
      %reduce_sum3A_400 = arith.constant true
      %reduce_sum3A_401 = vector.broadcast %reduce_sum3A_400 : i1 to vector<16xi1>
      %reduce_sum3A_402 = tpu.scan <sum>, %scan3A_278#30 masked %reduce_sum3A_401 : vector<16xf32>, vector<16xi1> -> vector<16xf32>
      %reduce_sum3A_403 = vector.extract %reduce_sum3A_402[15] : f32 from vector<16xf32>
      %reduce_sum3A_404 = arith.constant true
      %reduce_sum3A_405 = vector.broadcast %reduce_sum3A_404 : i1 to vector<16xi1>
      %reduce_sum3A_406 = tpu.scan <sum>, %scan3A_278#31 masked %reduce_sum3A_405 : vector<16xf32>, vector<16xi1> -> vector<16xf32>
      %reduce_sum3A_407 = vector.extract %reduce_sum3A_406[15] : f32 from vector<16xf32>
      %broadcast_in_dim3A_408 = arith.constant 0.000000e+00 : f32
      %broadcast_in_dim3A_409 = vector.broadcast %broadcast_in_dim3A_408 : f32 to vector<16xf32>
      %broadcast_in_dim3A_410 = arith.constant 0.000000e+00 : f32
      %broadcast_in_dim3A_411 = vector.broadcast %broadcast_in_dim3A_410 : f32 to vector<16xf32>
      %broadcast_in_dim3A_412 = arith.constant 0.000000e+00 : f32
      %broadcast_in_dim3A_413 = vector.broadcast %broadcast_in_dim3A_412 : f32 to vector<16xf32>
      %broadcast_in_dim3A_414 = arith.constant 0.000000e+00 : f32
      %broadcast_in_dim3A_415 = vector.broadcast %broadcast_in_dim3A_414 : f32 to vector<16xf32>
      %broadcast_in_dim3A_416 = arith.constant 0.000000e+00 : f32
      %broadcast_in_dim3A_417 = vector.broadcast %broadcast_in_dim3A_416 : f32 to vector<16xf32>
      %broadcast_in_dim3A_418 = arith.constant 0.000000e+00 : f32
      %broadcast_in_dim3A_419 = vector.broadcast %broadcast_in_dim3A_418 : f32 to vector<16xf32>
      %broadcast_in_dim3A_420 = arith.constant 0.000000e+00 : f32
      %broadcast_in_dim3A_421 = vector.broadcast %broadcast_in_dim3A_420 : f32 to vector<16xf32>
      %broadcast_in_dim3A_422 = arith.constant 0.000000e+00 : f32
      %broadcast_in_dim3A_423 = vector.broadcast %broadcast_in_dim3A_422 : f32 to vector<16xf32>
      %broadcast_in_dim3A_424 = arith.constant 0.000000e+00 : f32
      %broadcast_in_dim3A_425 = vector.broadcast %broadcast_in_dim3A_424 : f32 to vector<16xf32>
      %broadcast_in_dim3A_426 = arith.constant 0.000000e+00 : f32
      %broadcast_in_dim3A_427 = vector.broadcast %broadcast_in_dim3A_426 : f32 to vector<16xf32>
      %broadcast_in_dim3A_428 = arith.constant 0.000000e+00 : f32
      %broadcast_in_dim3A_429 = vector.broadcast %broadcast_in_dim3A_428 : f32 to vector<16xf32>
      %broadcast_in_dim3A_430 = arith.constant 0.000000e+00 : f32
      %broadcast_in_dim3A_431 = vector.broadcast %broadcast_in_dim3A_430 : f32 to vector<16xf32>
      %broadcast_in_dim3A_432 = arith.constant 0.000000e+00 : f32
      %broadcast_in_dim3A_433 = vector.broadcast %broadcast_in_dim3A_432 : f32 to vector<16xf32>
      %broadcast_in_dim3A_434 = arith.constant 0.000000e+00 : f32
      %broadcast_in_dim3A_435 = vector.broadcast %broadcast_in_dim3A_434 : f32 to vector<16xf32>
      %broadcast_in_dim3A_436 = arith.constant 0.000000e+00 : f32
      %broadcast_in_dim3A_437 = vector.broadcast %broadcast_in_dim3A_436 : f32 to vector<16xf32>
      %broadcast_in_dim3A_438 = arith.constant 0.000000e+00 : f32
      %broadcast_in_dim3A_439 = vector.broadcast %broadcast_in_dim3A_438 : f32 to vector<16xf32>
      %broadcast_in_dim3A_440 = arith.constant 0.000000e+00 : f32
      %broadcast_in_dim3A_441 = vector.broadcast %broadcast_in_dim3A_440 : f32 to vector<16xf32>
      %broadcast_in_dim3A_442 = arith.constant 0.000000e+00 : f32
      %broadcast_in_dim3A_443 = vector.broadcast %broadcast_in_dim3A_442 : f32 to vector<16xf32>
      %broadcast_in_dim3A_444 = arith.constant 0.000000e+00 : f32
      %broadcast_in_dim3A_445 = vector.broadcast %broadcast_in_dim3A_444 : f32 to vector<16xf32>
      %broadcast_in_dim3A_446 = arith.constant 0.000000e+00 : f32
      %broadcast_in_dim3A_447 = vector.broadcast %broadcast_in_dim3A_446 : f32 to vector<16xf32>
      %broadcast_in_dim3A_448 = arith.constant 0.000000e+00 : f32
      %broadcast_in_dim3A_449 = vector.broadcast %broadcast_in_dim3A_448 : f32 to vector<16xf32>
      %broadcast_in_dim3A_450 = arith.constant 0.000000e+00 : f32
      %broadcast_in_dim3A_451 = vector.broadcast %broadcast_in_dim3A_450 : f32 to vector<16xf32>
      %broadcast_in_dim3A_452 = arith.constant 0.000000e+00 : f32
      %broadcast_in_dim3A_453 = vector.broadcast %broadcast_in_dim3A_452 : f32 to vector<16xf32>
      %broadcast_in_dim3A_454 = arith.constant 0.000000e+00 : f32
      %broadcast_in_dim3A_455 = vector.broadcast %broadcast_in_dim3A_454 : f32 to vector<16xf32>
      %broadcast_in_dim3A_456 = arith.constant 0.000000e+00 : f32
      %broadcast_in_dim3A_457 = vector.broadcast %broadcast_in_dim3A_456 : f32 to vector<16xf32>
      %broadcast_in_dim3A_458 = arith.constant 0.000000e+00 : f32
      %broadcast_in_dim3A_459 = vector.broadcast %broadcast_in_dim3A_458 : f32 to vector<16xf32>
      %broadcast_in_dim3A_460 = arith.constant 0.000000e+00 : f32
      %broadcast_in_dim3A_461 = vector.broadcast %broadcast_in_dim3A_460 : f32 to vector<16xf32>
      %broadcast_in_dim3A_462 = arith.constant 0.000000e+00 : f32
      %broadcast_in_dim3A_463 = vector.broadcast %broadcast_in_dim3A_462 : f32 to vector<16xf32>
      %broadcast_in_dim3A_464 = arith.constant 0.000000e+00 : f32
      %broadcast_in_dim3A_465 = vector.broadcast %broadcast_in_dim3A_464 : f32 to vector<16xf32>
      %broadcast_in_dim3A_466 = arith.constant 0.000000e+00 : f32
      %broadcast_in_dim3A_467 = vector.broadcast %broadcast_in_dim3A_466 : f32 to vector<16xf32>
      %broadcast_in_dim3A_468 = arith.constant 0.000000e+00 : f32
      %broadcast_in_dim3A_469 = vector.broadcast %broadcast_in_dim3A_468 : f32 to vector<16xf32>
      %broadcast_in_dim3A_470 = arith.constant 0.000000e+00 : f32
      %broadcast_in_dim3A_471 = vector.broadcast %broadcast_in_dim3A_470 : f32 to vector<16xf32>
      %scan3A_472 = arith.constant 0 : i32
      %scan3A_473 = arith.constant 64 : i32
      %scan3A_474 = arith.addi %scan3A_472, %scan3A_473 : i32
      %scan3A_475 = arith.constant 1 : i32
      %scan3A_476:32 = scf.for %scan3A_1639 = %scan3A_472 to %scan3A_474 step %scan3A_475 iter_args(%scan3A_1640 = %broadcast_in_dim3A_409, %scan3A_1641 = %broadcast_in_dim3A_411, %scan3A_1642 = %broadcast_in_dim3A_413, %scan3A_1643 = %broadcast_in_dim3A_415, %scan3A_1644 = %broadcast_in_dim3A_417, %scan3A_1645 = %broadcast_in_dim3A_419, %scan3A_1646 = %broadcast_in_dim3A_421, %scan3A_1647 = %broadcast_in_dim3A_423, %scan3A_1648 = %broadcast_in_dim3A_425, %scan3A_1649 = %broadcast_in_dim3A_427, %scan3A_1650 = %broadcast_in_dim3A_429, %scan3A_1651 = %broadcast_in_dim3A_431, %scan3A_1652 = %broadcast_in_dim3A_433, %scan3A_1653 = %broadcast_in_dim3A_435, %scan3A_1654 = %broadcast_in_dim3A_437, %scan3A_1655 = %broadcast_in_dim3A_439, %scan3A_1656 = %broadcast_in_dim3A_441, %scan3A_1657 = %broadcast_in_dim3A_443, %scan3A_1658 = %broadcast_in_dim3A_445, %scan3A_1659 = %broadcast_in_dim3A_447, %scan3A_1660 = %broadcast_in_dim3A_449, %scan3A_1661 = %broadcast_in_dim3A_451, %scan3A_1662 = %broadcast_in_dim3A_453, %scan3A_1663 = %broadcast_in_dim3A_455, %scan3A_1664 = %broadcast_in_dim3A_457, %scan3A_1665 = %broadcast_in_dim3A_459, %scan3A_1666 = %broadcast_in_dim3A_461, %scan3A_1667 = %broadcast_in_dim3A_463, %scan3A_1668 = %broadcast_in_dim3A_465, %scan3A_1669 = %broadcast_in_dim3A_467, %scan3A_1670 = %broadcast_in_dim3A_469, %scan3A_1671 = %broadcast_in_dim3A_471) -> (vector<16xf32>, vector<16xf32>, vector<16xf32>, vector<16xf32>, vector<16xf32>, vector<16xf32>, vector<16xf32>, vector<16xf32>, vector<16xf32>, vector<16xf32>, vector<16xf32>, vector<16xf32>, vector<16xf32>, vector<16xf32>, vector<16xf32>, vector<16xf32>, vector<16xf32>, vector<16xf32>, vector<16xf32>, vector<16xf32>, vector<16xf32>, vector<16xf32>, vector<16xf32>, vector<16xf32>, vector<16xf32>, vector<16xf32>, vector<16xf32>, vector<16xf32>, vector<16xf32>, vector<16xf32>, vector<16xf32>, vector<16xf32>)  : i32 {
        %mul3A_1672 = arith.constant 16 : i32
        %mul3A_1673 = arith.muli %scan3A_1639, %mul3A_1672 : i32
        %get3A_1674 = arith.constant 8 : i32
        %get3A_1675 = arith.index_cast %get3A_1674 : i32 to index
        %get3A_1676 = arith.index_cast %mul3A_1673 : i32 to index
        %get3A_1677 = tpu.vector_load %arg8[%get3A_1675, %get3A_1676] {strides = array<i32>} : memref<16x1024xf32, #tpu.memory_space<vmem>>, vector<16xf32>,
        %mul3A_1678 = arith.constant 16 : i32
        %mul3A_1679 = arith.muli %scan3A_1639, %mul3A_1678 : i32
        %get3A_1680 = arith.constant 0 : i32
        %get3A_1681 = arith.index_cast %get3A_1680 : i32 to index
        %get3A_1682 = arith.index_cast %mul3A_1679 : i32 to index
        %get3A_1683 = tpu.vector_load %arg6[%get3A_1681, %get3A_1682] {strides = array<i32>} : memref<8x1024xf32, #tpu.memory_space<vmem>>, vector<16xf32>,
        %mul3A_1684 = arith.mulf %get3A_1677, %get3A_1683 : vector<16xf32>
        %add3A_1685 = arith.addf %scan3A_1640, %mul3A_1684 : vector<16xf32>
        %mul3A_1686 = arith.constant 16 : i32
        %mul3A_1687 = arith.muli %scan3A_1639, %mul3A_1686 : i32
        %get3A_1688 = arith.constant 1 : i32
        %get3A_1689 = arith.index_cast %get3A_1688 : i32 to index
        %get3A_1690 = arith.index_cast %mul3A_1687 : i32 to index
        %get3A_1691 = tpu.vector_load %arg6[%get3A_1689, %get3A_1690] {strides = array<i32>} : memref<8x1024xf32, #tpu.memory_space<vmem>>, vector<16xf32>,
        %mul3A_1692 = arith.mulf %get3A_1677, %get3A_1691 : vector<16xf32>
        %add3A_1693 = arith.addf %scan3A_1641, %mul3A_1692 : vector<16xf32>
        %mul3A_1694 = arith.constant 16 : i32
        %mul3A_1695 = arith.muli %scan3A_1639, %mul3A_1694 : i32
        %get3A_1696 = arith.constant 2 : i32
        %get3A_1697 = arith.index_cast %get3A_1696 : i32 to index
        %get3A_1698 = arith.index_cast %mul3A_1695 : i32 to index
        %get3A_1699 = tpu.vector_load %arg6[%get3A_1697, %get3A_1698] {strides = array<i32>} : memref<8x1024xf32, #tpu.memory_space<vmem>>, vector<16xf32>,
        %mul3A_1700 = arith.mulf %get3A_1677, %get3A_1699 : vector<16xf32>
        %add3A_1701 = arith.addf %scan3A_1642, %mul3A_1700 : vector<16xf32>
        %mul3A_1702 = arith.constant 16 : i32
        %mul3A_1703 = arith.muli %scan3A_1639, %mul3A_1702 : i32
        %get3A_1704 = arith.constant 3 : i32
        %get3A_1705 = arith.index_cast %get3A_1704 : i32 to index
        %get3A_1706 = arith.index_cast %mul3A_1703 : i32 to index
        %get3A_1707 = tpu.vector_load %arg6[%get3A_1705, %get3A_1706] {strides = array<i32>} : memref<8x1024xf32, #tpu.memory_space<vmem>>, vector<16xf32>,
        %mul3A_1708 = arith.mulf %get3A_1677, %get3A_1707 : vector<16xf32>
        %add3A_1709 = arith.addf %scan3A_1643, %mul3A_1708 : vector<16xf32>
        %mul3A_1710 = arith.constant 16 : i32
        %mul3A_1711 = arith.muli %scan3A_1639, %mul3A_1710 : i32
        %get3A_1712 = arith.constant 4 : i32
        %get3A_1713 = arith.index_cast %get3A_1712 : i32 to index
        %get3A_1714 = arith.index_cast %mul3A_1711 : i32 to index
        %get3A_1715 = tpu.vector_load %arg6[%get3A_1713, %get3A_1714] {strides = array<i32>} : memref<8x1024xf32, #tpu.memory_space<vmem>>, vector<16xf32>,
        %mul3A_1716 = arith.mulf %get3A_1677, %get3A_1715 : vector<16xf32>
        %add3A_1717 = arith.addf %scan3A_1644, %mul3A_1716 : vector<16xf32>
        %mul3A_1718 = arith.constant 16 : i32
        %mul3A_1719 = arith.muli %scan3A_1639, %mul3A_1718 : i32
        %get3A_1720 = arith.constant 5 : i32
        %get3A_1721 = arith.index_cast %get3A_1720 : i32 to index
        %get3A_1722 = arith.index_cast %mul3A_1719 : i32 to index
        %get3A_1723 = tpu.vector_load %arg6[%get3A_1721, %get3A_1722] {strides = array<i32>} : memref<8x1024xf32, #tpu.memory_space<vmem>>, vector<16xf32>,
        %mul3A_1724 = arith.mulf %get3A_1677, %get3A_1723 : vector<16xf32>
        %add3A_1725 = arith.addf %scan3A_1645, %mul3A_1724 : vector<16xf32>
        %mul3A_1726 = arith.constant 16 : i32
        %mul3A_1727 = arith.muli %scan3A_1639, %mul3A_1726 : i32
        %get3A_1728 = arith.constant 6 : i32
        %get3A_1729 = arith.index_cast %get3A_1728 : i32 to index
        %get3A_1730 = arith.index_cast %mul3A_1727 : i32 to index
        %get3A_1731 = tpu.vector_load %arg6[%get3A_1729, %get3A_1730] {strides = array<i32>} : memref<8x1024xf32, #tpu.memory_space<vmem>>, vector<16xf32>,
        %mul3A_1732 = arith.mulf %get3A_1677, %get3A_1731 : vector<16xf32>
        %add3A_1733 = arith.addf %scan3A_1646, %mul3A_1732 : vector<16xf32>
        %mul3A_1734 = arith.constant 16 : i32
        %mul3A_1735 = arith.muli %scan3A_1639, %mul3A_1734 : i32
        %get3A_1736 = arith.constant 7 : i32
        %get3A_1737 = arith.index_cast %get3A_1736 : i32 to index
        %get3A_1738 = arith.index_cast %mul3A_1735 : i32 to index
        %get3A_1739 = tpu.vector_load %arg6[%get3A_1737, %get3A_1738] {strides = array<i32>} : memref<8x1024xf32, #tpu.memory_space<vmem>>, vector<16xf32>,
        %mul3A_1740 = arith.mulf %get3A_1677, %get3A_1739 : vector<16xf32>
        %add3A_1741 = arith.addf %scan3A_1647, %mul3A_1740 : vector<16xf32>
        %mul3A_1742 = arith.constant 16 : i32
        %mul3A_1743 = arith.muli %scan3A_1639, %mul3A_1742 : i32
        %get3A_1744 = arith.constant 9 : i32
        %get3A_1745 = arith.index_cast %get3A_1744 : i32 to index
        %get3A_1746 = arith.index_cast %mul3A_1743 : i32 to index
        %get3A_1747 = tpu.vector_load %arg8[%get3A_1745, %get3A_1746] {strides = array<i32>} : memref<16x1024xf32, #tpu.memory_space<vmem>>, vector<16xf32>,
        %mul3A_1748 = arith.constant 16 : i32
        %mul3A_1749 = arith.muli %scan3A_1639, %mul3A_1748 : i32
        %get3A_1750 = arith.constant 0 : i32
        %get3A_1751 = arith.index_cast %get3A_1750 : i32 to index
        %get3A_1752 = arith.index_cast %mul3A_1749 : i32 to index
        %get3A_1753 = tpu.vector_load %arg6[%get3A_1751, %get3A_1752] {strides = array<i32>} : memref<8x1024xf32, #tpu.memory_space<vmem>>, vector<16xf32>,
        %mul3A_1754 = arith.mulf %get3A_1747, %get3A_1753 : vector<16xf32>
        %add3A_1755 = arith.addf %scan3A_1648, %mul3A_1754 : vector<16xf32>
        %mul3A_1756 = arith.constant 16 : i32
        %mul3A_1757 = arith.muli %scan3A_1639, %mul3A_1756 : i32
        %get3A_1758 = arith.constant 1 : i32
        %get3A_1759 = arith.index_cast %get3A_1758 : i32 to index
        %get3A_1760 = arith.index_cast %mul3A_1757 : i32 to index
        %get3A_1761 = tpu.vector_load %arg6[%get3A_1759, %get3A_1760] {strides = array<i32>} : memref<8x1024xf32, #tpu.memory_space<vmem>>, vector<16xf32>,
        %mul3A_1762 = arith.mulf %get3A_1747, %get3A_1761 : vector<16xf32>
        %add3A_1763 = arith.addf %scan3A_1649, %mul3A_1762 : vector<16xf32>
        %mul3A_1764 = arith.constant 16 : i32
        %mul3A_1765 = arith.muli %scan3A_1639, %mul3A_1764 : i32
        %get3A_1766 = arith.constant 2 : i32
        %get3A_1767 = arith.index_cast %get3A_1766 : i32 to index
        %get3A_1768 = arith.index_cast %mul3A_1765 : i32 to index
        %get3A_1769 = tpu.vector_load %arg6[%get3A_1767, %get3A_1768] {strides = array<i32>} : memref<8x1024xf32, #tpu.memory_space<vmem>>, vector<16xf32>,
        %mul3A_1770 = arith.mulf %get3A_1747, %get3A_1769 : vector<16xf32>
        %add3A_1771 = arith.addf %scan3A_1650, %mul3A_1770 : vector<16xf32>
        %mul3A_1772 = arith.constant 16 : i32
        %mul3A_1773 = arith.muli %scan3A_1639, %mul3A_1772 : i32
        %get3A_1774 = arith.constant 3 : i32
        %get3A_1775 = arith.index_cast %get3A_1774 : i32 to index
        %get3A_1776 = arith.index_cast %mul3A_1773 : i32 to index
        %get3A_1777 = tpu.vector_load %arg6[%get3A_1775, %get3A_1776] {strides = array<i32>} : memref<8x1024xf32, #tpu.memory_space<vmem>>, vector<16xf32>,
        %mul3A_1778 = arith.mulf %get3A_1747, %get3A_1777 : vector<16xf32>
        %add3A_1779 = arith.addf %scan3A_1651, %mul3A_1778 : vector<16xf32>
        %mul3A_1780 = arith.constant 16 : i32
        %mul3A_1781 = arith.muli %scan3A_1639, %mul3A_1780 : i32
        %get3A_1782 = arith.constant 4 : i32
        %get3A_1783 = arith.index_cast %get3A_1782 : i32 to index
        %get3A_1784 = arith.index_cast %mul3A_1781 : i32 to index
        %get3A_1785 = tpu.vector_load %arg6[%get3A_1783, %get3A_1784] {strides = array<i32>} : memref<8x1024xf32, #tpu.memory_space<vmem>>, vector<16xf32>,
        %mul3A_1786 = arith.mulf %get3A_1747, %get3A_1785 : vector<16xf32>
        %add3A_1787 = arith.addf %scan3A_1652, %mul3A_1786 : vector<16xf32>
        %mul3A_1788 = arith.constant 16 : i32
        %mul3A_1789 = arith.muli %scan3A_1639, %mul3A_1788 : i32
        %get3A_1790 = arith.constant 5 : i32
        %get3A_1791 = arith.index_cast %get3A_1790 : i32 to index
        %get3A_1792 = arith.index_cast %mul3A_1789 : i32 to index
        %get3A_1793 = tpu.vector_load %arg6[%get3A_1791, %get3A_1792] {strides = array<i32>} : memref<8x1024xf32, #tpu.memory_space<vmem>>, vector<16xf32>,
        %mul3A_1794 = arith.mulf %get3A_1747, %get3A_1793 : vector<16xf32>
        %add3A_1795 = arith.addf %scan3A_1653, %mul3A_1794 : vector<16xf32>
        %mul3A_1796 = arith.constant 16 : i32
        %mul3A_1797 = arith.muli %scan3A_1639, %mul3A_1796 : i32
        %get3A_1798 = arith.constant 6 : i32
        %get3A_1799 = arith.index_cast %get3A_1798 : i32 to index
        %get3A_1800 = arith.index_cast %mul3A_1797 : i32 to index
        %get3A_1801 = tpu.vector_load %arg6[%get3A_1799, %get3A_1800] {strides = array<i32>} : memref<8x1024xf32, #tpu.memory_space<vmem>>, vector<16xf32>,
        %mul3A_1802 = arith.mulf %get3A_1747, %get3A_1801 : vector<16xf32>
        %add3A_1803 = arith.addf %scan3A_1654, %mul3A_1802 : vector<16xf32>
        %mul3A_1804 = arith.constant 16 : i32
        %mul3A_1805 = arith.muli %scan3A_1639, %mul3A_1804 : i32
        %get3A_1806 = arith.constant 7 : i32
        %get3A_1807 = arith.index_cast %get3A_1806 : i32 to index
        %get3A_1808 = arith.index_cast %mul3A_1805 : i32 to index
        %get3A_1809 = tpu.vector_load %arg6[%get3A_1807, %get3A_1808] {strides = array<i32>} : memref<8x1024xf32, #tpu.memory_space<vmem>>, vector<16xf32>,
        %mul3A_1810 = arith.mulf %get3A_1747, %get3A_1809 : vector<16xf32>
        %add3A_1811 = arith.addf %scan3A_1655, %mul3A_1810 : vector<16xf32>
        %mul3A_1812 = arith.constant 16 : i32
        %mul3A_1813 = arith.muli %scan3A_1639, %mul3A_1812 : i32
        %get3A_1814 = arith.constant 10 : i32
        %get3A_1815 = arith.index_cast %get3A_1814 : i32 to index
        %get3A_1816 = arith.index_cast %mul3A_1813 : i32 to index
        %get3A_1817 = tpu.vector_load %arg8[%get3A_1815, %get3A_1816] {strides = array<i32>} : memref<16x1024xf32, #tpu.memory_space<vmem>>, vector<16xf32>,
        %mul3A_1818 = arith.constant 16 : i32
        %mul3A_1819 = arith.muli %scan3A_1639, %mul3A_1818 : i32
        %get3A_1820 = arith.constant 0 : i32
        %get3A_1821 = arith.index_cast %get3A_1820 : i32 to index
        %get3A_1822 = arith.index_cast %mul3A_1819 : i32 to index
        %get3A_1823 = tpu.vector_load %arg6[%get3A_1821, %get3A_1822] {strides = array<i32>} : memref<8x1024xf32, #tpu.memory_space<vmem>>, vector<16xf32>,
        %mul3A_1824 = arith.mulf %get3A_1817, %get3A_1823 : vector<16xf32>
        %add3A_1825 = arith.addf %scan3A_1656, %mul3A_1824 : vector<16xf32>
        %mul3A_1826 = arith.constant 16 : i32
        %mul3A_1827 = arith.muli %scan3A_1639, %mul3A_1826 : i32
        %get3A_1828 = arith.constant 1 : i32
        %get3A_1829 = arith.index_cast %get3A_1828 : i32 to index
        %get3A_1830 = arith.index_cast %mul3A_1827 : i32 to index
        %get3A_1831 = tpu.vector_load %arg6[%get3A_1829, %get3A_1830] {strides = array<i32>} : memref<8x1024xf32, #tpu.memory_space<vmem>>, vector<16xf32>,
        %mul3A_1832 = arith.mulf %get3A_1817, %get3A_1831 : vector<16xf32>
        %add3A_1833 = arith.addf %scan3A_1657, %mul3A_1832 : vector<16xf32>
        %mul3A_1834 = arith.constant 16 : i32
        %mul3A_1835 = arith.muli %scan3A_1639, %mul3A_1834 : i32
        %get3A_1836 = arith.constant 2 : i32
        %get3A_1837 = arith.index_cast %get3A_1836 : i32 to index
        %get3A_1838 = arith.index_cast %mul3A_1835 : i32 to index
        %get3A_1839 = tpu.vector_load %arg6[%get3A_1837, %get3A_1838] {strides = array<i32>} : memref<8x1024xf32, #tpu.memory_space<vmem>>, vector<16xf32>,
        %mul3A_1840 = arith.mulf %get3A_1817, %get3A_1839 : vector<16xf32>
        %add3A_1841 = arith.addf %scan3A_1658, %mul3A_1840 : vector<16xf32>
        %mul3A_1842 = arith.constant 16 : i32
        %mul3A_1843 = arith.muli %scan3A_1639, %mul3A_1842 : i32
        %get3A_1844 = arith.constant 3 : i32
        %get3A_1845 = arith.index_cast %get3A_1844 : i32 to index
        %get3A_1846 = arith.index_cast %mul3A_1843 : i32 to index
        %get3A_1847 = tpu.vector_load %arg6[%get3A_1845, %get3A_1846] {strides = array<i32>} : memref<8x1024xf32, #tpu.memory_space<vmem>>, vector<16xf32>,
        %mul3A_1848 = arith.mulf %get3A_1817, %get3A_1847 : vector<16xf32>
        %add3A_1849 = arith.addf %scan3A_1659, %mul3A_1848 : vector<16xf32>
        %mul3A_1850 = arith.constant 16 : i32
        %mul3A_1851 = arith.muli %scan3A_1639, %mul3A_1850 : i32
        %get3A_1852 = arith.constant 4 : i32
        %get3A_1853 = arith.index_cast %get3A_1852 : i32 to index
        %get3A_1854 = arith.index_cast %mul3A_1851 : i32 to index
        %get3A_1855 = tpu.vector_load %arg6[%get3A_1853, %get3A_1854] {strides = array<i32>} : memref<8x1024xf32, #tpu.memory_space<vmem>>, vector<16xf32>,
        %mul3A_1856 = arith.mulf %get3A_1817, %get3A_1855 : vector<16xf32>
        %add3A_1857 = arith.addf %scan3A_1660, %mul3A_1856 : vector<16xf32>
        %mul3A_1858 = arith.constant 16 : i32
        %mul3A_1859 = arith.muli %scan3A_1639, %mul3A_1858 : i32
        %get3A_1860 = arith.constant 5 : i32
        %get3A_1861 = arith.index_cast %get3A_1860 : i32 to index
        %get3A_1862 = arith.index_cast %mul3A_1859 : i32 to index
        %get3A_1863 = tpu.vector_load %arg6[%get3A_1861, %get3A_1862] {strides = array<i32>} : memref<8x1024xf32, #tpu.memory_space<vmem>>, vector<16xf32>,
        %mul3A_1864 = arith.mulf %get3A_1817, %get3A_1863 : vector<16xf32>
        %add3A_1865 = arith.addf %scan3A_1661, %mul3A_1864 : vector<16xf32>
        %mul3A_1866 = arith.constant 16 : i32
        %mul3A_1867 = arith.muli %scan3A_1639, %mul3A_1866 : i32
        %get3A_1868 = arith.constant 6 : i32
        %get3A_1869 = arith.index_cast %get3A_1868 : i32 to index
        %get3A_1870 = arith.index_cast %mul3A_1867 : i32 to index
        %get3A_1871 = tpu.vector_load %arg6[%get3A_1869, %get3A_1870] {strides = array<i32>} : memref<8x1024xf32, #tpu.memory_space<vmem>>, vector<16xf32>,
        %mul3A_1872 = arith.mulf %get3A_1817, %get3A_1871 : vector<16xf32>
        %add3A_1873 = arith.addf %scan3A_1662, %mul3A_1872 : vector<16xf32>
        %mul3A_1874 = arith.constant 16 : i32
        %mul3A_1875 = arith.muli %scan3A_1639, %mul3A_1874 : i32
        %get3A_1876 = arith.constant 7 : i32
        %get3A_1877 = arith.index_cast %get3A_1876 : i32 to index
        %get3A_1878 = arith.index_cast %mul3A_1875 : i32 to index
        %get3A_1879 = tpu.vector_load %arg6[%get3A_1877, %get3A_1878] {strides = array<i32>} : memref<8x1024xf32, #tpu.memory_space<vmem>>, vector<16xf32>,
        %mul3A_1880 = arith.mulf %get3A_1817, %get3A_1879 : vector<16xf32>
        %add3A_1881 = arith.addf %scan3A_1663, %mul3A_1880 : vector<16xf32>
        %mul3A_1882 = arith.constant 16 : i32
        %mul3A_1883 = arith.muli %scan3A_1639, %mul3A_1882 : i32
        %get3A_1884 = arith.constant 11 : i32
        %get3A_1885 = arith.index_cast %get3A_1884 : i32 to index
        %get3A_1886 = arith.index_cast %mul3A_1883 : i32 to index
        %get3A_1887 = tpu.vector_load %arg8[%get3A_1885, %get3A_1886] {strides = array<i32>} : memref<16x1024xf32, #tpu.memory_space<vmem>>, vector<16xf32>,
        %mul3A_1888 = arith.constant 16 : i32
        %mul3A_1889 = arith.muli %scan3A_1639, %mul3A_1888 : i32
        %get3A_1890 = arith.constant 0 : i32
        %get3A_1891 = arith.index_cast %get3A_1890 : i32 to index
        %get3A_1892 = arith.index_cast %mul3A_1889 : i32 to index
        %get3A_1893 = tpu.vector_load %arg6[%get3A_1891, %get3A_1892] {strides = array<i32>} : memref<8x1024xf32, #tpu.memory_space<vmem>>, vector<16xf32>,
        %mul3A_1894 = arith.mulf %get3A_1887, %get3A_1893 : vector<16xf32>
        %add3A_1895 = arith.addf %scan3A_1664, %mul3A_1894 : vector<16xf32>
        %mul3A_1896 = arith.constant 16 : i32
        %mul3A_1897 = arith.muli %scan3A_1639, %mul3A_1896 : i32
        %get3A_1898 = arith.constant 1 : i32
        %get3A_1899 = arith.index_cast %get3A_1898 : i32 to index
        %get3A_1900 = arith.index_cast %mul3A_1897 : i32 to index
        %get3A_1901 = tpu.vector_load %arg6[%get3A_1899, %get3A_1900] {strides = array<i32>} : memref<8x1024xf32, #tpu.memory_space<vmem>>, vector<16xf32>,
        %mul3A_1902 = arith.mulf %get3A_1887, %get3A_1901 : vector<16xf32>
        %add3A_1903 = arith.addf %scan3A_1665, %mul3A_1902 : vector<16xf32>
        %mul3A_1904 = arith.constant 16 : i32
        %mul3A_1905 = arith.muli %scan3A_1639, %mul3A_1904 : i32
        %get3A_1906 = arith.constant 2 : i32
        %get3A_1907 = arith.index_cast %get3A_1906 : i32 to index
        %get3A_1908 = arith.index_cast %mul3A_1905 : i32 to index
        %get3A_1909 = tpu.vector_load %arg6[%get3A_1907, %get3A_1908] {strides = array<i32>} : memref<8x1024xf32, #tpu.memory_space<vmem>>, vector<16xf32>,
        %mul3A_1910 = arith.mulf %get3A_1887, %get3A_1909 : vector<16xf32>
        %add3A_1911 = arith.addf %scan3A_1666, %mul3A_1910 : vector<16xf32>
        %mul3A_1912 = arith.constant 16 : i32
        %mul3A_1913 = arith.muli %scan3A_1639, %mul3A_1912 : i32
        %get3A_1914 = arith.constant 3 : i32
        %get3A_1915 = arith.index_cast %get3A_1914 : i32 to index
        %get3A_1916 = arith.index_cast %mul3A_1913 : i32 to index
        %get3A_1917 = tpu.vector_load %arg6[%get3A_1915, %get3A_1916] {strides = array<i32>} : memref<8x1024xf32, #tpu.memory_space<vmem>>, vector<16xf32>,
        %mul3A_1918 = arith.mulf %get3A_1887, %get3A_1917 : vector<16xf32>
        %add3A_1919 = arith.addf %scan3A_1667, %mul3A_1918 : vector<16xf32>
        %mul3A_1920 = arith.constant 16 : i32
        %mul3A_1921 = arith.muli %scan3A_1639, %mul3A_1920 : i32
        %get3A_1922 = arith.constant 4 : i32
        %get3A_1923 = arith.index_cast %get3A_1922 : i32 to index
        %get3A_1924 = arith.index_cast %mul3A_1921 : i32 to index
        %get3A_1925 = tpu.vector_load %arg6[%get3A_1923, %get3A_1924] {strides = array<i32>} : memref<8x1024xf32, #tpu.memory_space<vmem>>, vector<16xf32>,
        %mul3A_1926 = arith.mulf %get3A_1887, %get3A_1925 : vector<16xf32>
        %add3A_1927 = arith.addf %scan3A_1668, %mul3A_1926 : vector<16xf32>
        %mul3A_1928 = arith.constant 16 : i32
        %mul3A_1929 = arith.muli %scan3A_1639, %mul3A_1928 : i32
        %get3A_1930 = arith.constant 5 : i32
        %get3A_1931 = arith.index_cast %get3A_1930 : i32 to index
        %get3A_1932 = arith.index_cast %mul3A_1929 : i32 to index
        %get3A_1933 = tpu.vector_load %arg6[%get3A_1931, %get3A_1932] {strides = array<i32>} : memref<8x1024xf32, #tpu.memory_space<vmem>>, vector<16xf32>,
        %mul3A_1934 = arith.mulf %get3A_1887, %get3A_1933 : vector<16xf32>
        %add3A_1935 = arith.addf %scan3A_1669, %mul3A_1934 : vector<16xf32>
        %mul3A_1936 = arith.constant 16 : i32
        %mul3A_1937 = arith.muli %scan3A_1639, %mul3A_1936 : i32
        %get3A_1938 = arith.constant 6 : i32
        %get3A_1939 = arith.index_cast %get3A_1938 : i32 to index
        %get3A_1940 = arith.index_cast %mul3A_1937 : i32 to index
        %get3A_1941 = tpu.vector_load %arg6[%get3A_1939, %get3A_1940] {strides = array<i32>} : memref<8x1024xf32, #tpu.memory_space<vmem>>, vector<16xf32>,
        %mul3A_1942 = arith.mulf %get3A_1887, %get3A_1941 : vector<16xf32>
        %add3A_1943 = arith.addf %scan3A_1670, %mul3A_1942 : vector<16xf32>
        %mul3A_1944 = arith.constant 16 : i32
        %mul3A_1945 = arith.muli %scan3A_1639, %mul3A_1944 : i32
        %get3A_1946 = arith.constant 7 : i32
        %get3A_1947 = arith.index_cast %get3A_1946 : i32 to index
        %get3A_1948 = arith.index_cast %mul3A_1945 : i32 to index
        %get3A_1949 = tpu.vector_load %arg6[%get3A_1947, %get3A_1948] {strides = array<i32>} : memref<8x1024xf32, #tpu.memory_space<vmem>>, vector<16xf32>,
        %mul3A_1950 = arith.mulf %get3A_1887, %get3A_1949 : vector<16xf32>
        %add3A_1951 = arith.addf %scan3A_1671, %mul3A_1950 : vector<16xf32>
        scf.yield %add3A_1685, %add3A_1693, %add3A_1701, %add3A_1709, %add3A_1717, %add3A_1725, %add3A_1733, %add3A_1741, %add3A_1755, %add3A_1763, %add3A_1771, %add3A_1779, %add3A_1787, %add3A_1795, %add3A_1803, %add3A_1811, %add3A_1825, %add3A_1833, %add3A_1841, %add3A_1849, %add3A_1857, %add3A_1865, %add3A_1873, %add3A_1881, %add3A_1895, %add3A_1903, %add3A_1911, %add3A_1919, %add3A_1927, %add3A_1935, %add3A_1943, %add3A_1951 : vector<16xf32>, vector<16xf32>, vector<16xf32>, vector<16xf32>, vector<16xf32>, vector<16xf32>, vector<16xf32>, vector<16xf32>, vector<16xf32>, vector<16xf32>, vector<16xf32>, vector<16xf32>, vector<16xf32>, vector<16xf32>, vector<16xf32>, vector<16xf32>, vector<16xf32>, vector<16xf32>, vector<16xf32>, vector<16xf32>, vector<16xf32>, vector<16xf32>, vector<16xf32>, vector<16xf32>, vector<16xf32>, vector<16xf32>, vector<16xf32>, vector<16xf32>, vector<16xf32>, vector<16xf32>, vector<16xf32>, vector<16xf32>
      }
      %scan3A_477 = arith.constant 64 : i32
      %reduce_sum3A_478 = arith.constant true
      %reduce_sum3A_479 = vector.broadcast %reduce_sum3A_478 : i1 to vector<16xi1>
      %reduce_sum3A_480 = tpu.scan <sum>, %scan3A_476#0 masked %reduce_sum3A_479 : vector<16xf32>, vector<16xi1> -> vector<16xf32>
      %reduce_sum3A_481 = vector.extract %reduce_sum3A_480[15] : f32 from vector<16xf32>
      %reduce_sum3A_482 = arith.constant true
      %reduce_sum3A_483 = vector.broadcast %reduce_sum3A_482 : i1 to vector<16xi1>
      %reduce_sum3A_484 = tpu.scan <sum>, %scan3A_476#1 masked %reduce_sum3A_483 : vector<16xf32>, vector<16xi1> -> vector<16xf32>
      %reduce_sum3A_485 = vector.extract %reduce_sum3A_484[15] : f32 from vector<16xf32>
      %reduce_sum3A_486 = arith.constant true
      %reduce_sum3A_487 = vector.broadcast %reduce_sum3A_486 : i1 to vector<16xi1>
      %reduce_sum3A_488 = tpu.scan <sum>, %scan3A_476#2 masked %reduce_sum3A_487 : vector<16xf32>, vector<16xi1> -> vector<16xf32>
      %reduce_sum3A_489 = vector.extract %reduce_sum3A_488[15] : f32 from vector<16xf32>
      %reduce_sum3A_490 = arith.constant true
      %reduce_sum3A_491 = vector.broadcast %reduce_sum3A_490 : i1 to vector<16xi1>
      %reduce_sum3A_492 = tpu.scan <sum>, %scan3A_476#3 masked %reduce_sum3A_491 : vector<16xf32>, vector<16xi1> -> vector<16xf32>
      %reduce_sum3A_493 = vector.extract %reduce_sum3A_492[15] : f32 from vector<16xf32>
      %reduce_sum3A_494 = arith.constant true
      %reduce_sum3A_495 = vector.broadcast %reduce_sum3A_494 : i1 to vector<16xi1>
      %reduce_sum3A_496 = tpu.scan <sum>, %scan3A_476#4 masked %reduce_sum3A_495 : vector<16xf32>, vector<16xi1> -> vector<16xf32>
      %reduce_sum3A_497 = vector.extract %reduce_sum3A_496[15] : f32 from vector<16xf32>
      %reduce_sum3A_498 = arith.constant true
      %reduce_sum3A_499 = vector.broadcast %reduce_sum3A_498 : i1 to vector<16xi1>
      %reduce_sum3A_500 = tpu.scan <sum>, %scan3A_476#5 masked %reduce_sum3A_499 : vector<16xf32>, vector<16xi1> -> vector<16xf32>
      %reduce_sum3A_501 = vector.extract %reduce_sum3A_500[15] : f32 from vector<16xf32>
      %reduce_sum3A_502 = arith.constant true
      %reduce_sum3A_503 = vector.broadcast %reduce_sum3A_502 : i1 to vector<16xi1>
      %reduce_sum3A_504 = tpu.scan <sum>, %scan3A_476#6 masked %reduce_sum3A_503 : vector<16xf32>, vector<16xi1> -> vector<16xf32>
      %reduce_sum3A_505 = vector.extract %reduce_sum3A_504[15] : f32 from vector<16xf32>
      %reduce_sum3A_506 = arith.constant true
      %reduce_sum3A_507 = vector.broadcast %reduce_sum3A_506 : i1 to vector<16xi1>
      %reduce_sum3A_508 = tpu.scan <sum>, %scan3A_476#7 masked %reduce_sum3A_507 : vector<16xf32>, vector<16xi1> -> vector<16xf32>
      %reduce_sum3A_509 = vector.extract %reduce_sum3A_508[15] : f32 from vector<16xf32>
      %reduce_sum3A_510 = arith.constant true
      %reduce_sum3A_511 = vector.broadcast %reduce_sum3A_510 : i1 to vector<16xi1>
      %reduce_sum3A_512 = tpu.scan <sum>, %scan3A_476#8 masked %reduce_sum3A_511 : vector<16xf32>, vector<16xi1> -> vector<16xf32>
      %reduce_sum3A_513 = vector.extract %reduce_sum3A_512[15] : f32 from vector<16xf32>
      %reduce_sum3A_514 = arith.constant true
      %reduce_sum3A_515 = vector.broadcast %reduce_sum3A_514 : i1 to vector<16xi1>
      %reduce_sum3A_516 = tpu.scan <sum>, %scan3A_476#9 masked %reduce_sum3A_515 : vector<16xf32>, vector<16xi1> -> vector<16xf32>
      %reduce_sum3A_517 = vector.extract %reduce_sum3A_516[15] : f32 from vector<16xf32>
      %reduce_sum3A_518 = arith.constant true
      %reduce_sum3A_519 = vector.broadcast %reduce_sum3A_518 : i1 to vector<16xi1>
      %reduce_sum3A_520 = tpu.scan <sum>, %scan3A_476#10 masked %reduce_sum3A_519 : vector<16xf32>, vector<16xi1> -> vector<16xf32>
      %reduce_sum3A_521 = vector.extract %reduce_sum3A_520[15] : f32 from vector<16xf32>
      %reduce_sum3A_522 = arith.constant true
      %reduce_sum3A_523 = vector.broadcast %reduce_sum3A_522 : i1 to vector<16xi1>
      %reduce_sum3A_524 = tpu.scan <sum>, %scan3A_476#11 masked %reduce_sum3A_523 : vector<16xf32>, vector<16xi1> -> vector<16xf32>
      %reduce_sum3A_525 = vector.extract %reduce_sum3A_524[15] : f32 from vector<16xf32>
      %reduce_sum3A_526 = arith.constant true
      %reduce_sum3A_527 = vector.broadcast %reduce_sum3A_526 : i1 to vector<16xi1>
      %reduce_sum3A_528 = tpu.scan <sum>, %scan3A_476#12 masked %reduce_sum3A_527 : vector<16xf32>, vector<16xi1> -> vector<16xf32>
      %reduce_sum3A_529 = vector.extract %reduce_sum3A_528[15] : f32 from vector<16xf32>
      %reduce_sum3A_530 = arith.constant true
      %reduce_sum3A_531 = vector.broadcast %reduce_sum3A_530 : i1 to vector<16xi1>
      %reduce_sum3A_532 = tpu.scan <sum>, %scan3A_476#13 masked %reduce_sum3A_531 : vector<16xf32>, vector<16xi1> -> vector<16xf32>
      %reduce_sum3A_533 = vector.extract %reduce_sum3A_532[15] : f32 from vector<16xf32>
      %reduce_sum3A_534 = arith.constant true
      %reduce_sum3A_535 = vector.broadcast %reduce_sum3A_534 : i1 to vector<16xi1>
      %reduce_sum3A_536 = tpu.scan <sum>, %scan3A_476#14 masked %reduce_sum3A_535 : vector<16xf32>, vector<16xi1> -> vector<16xf32>
      %reduce_sum3A_537 = vector.extract %reduce_sum3A_536[15] : f32 from vector<16xf32>
      %reduce_sum3A_538 = arith.constant true
      %reduce_sum3A_539 = vector.broadcast %reduce_sum3A_538 : i1 to vector<16xi1>
      %reduce_sum3A_540 = tpu.scan <sum>, %scan3A_476#15 masked %reduce_sum3A_539 : vector<16xf32>, vector<16xi1> -> vector<16xf32>
      %reduce_sum3A_541 = vector.extract %reduce_sum3A_540[15] : f32 from vector<16xf32>
      %reduce_sum3A_542 = arith.constant true
      %reduce_sum3A_543 = vector.broadcast %reduce_sum3A_542 : i1 to vector<16xi1>
      %reduce_sum3A_544 = tpu.scan <sum>, %scan3A_476#16 masked %reduce_sum3A_543 : vector<16xf32>, vector<16xi1> -> vector<16xf32>
      %reduce_sum3A_545 = vector.extract %reduce_sum3A_544[15] : f32 from vector<16xf32>
      %reduce_sum3A_546 = arith.constant true
      %reduce_sum3A_547 = vector.broadcast %reduce_sum3A_546 : i1 to vector<16xi1>
      %reduce_sum3A_548 = tpu.scan <sum>, %scan3A_476#17 masked %reduce_sum3A_547 : vector<16xf32>, vector<16xi1> -> vector<16xf32>
      %reduce_sum3A_549 = vector.extract %reduce_sum3A_548[15] : f32 from vector<16xf32>
      %reduce_sum3A_550 = arith.constant true
      %reduce_sum3A_551 = vector.broadcast %reduce_sum3A_550 : i1 to vector<16xi1>
      %reduce_sum3A_552 = tpu.scan <sum>, %scan3A_476#18 masked %reduce_sum3A_551 : vector<16xf32>, vector<16xi1> -> vector<16xf32>
      %reduce_sum3A_553 = vector.extract %reduce_sum3A_552[15] : f32 from vector<16xf32>
      %reduce_sum3A_554 = arith.constant true
      %reduce_sum3A_555 = vector.broadcast %reduce_sum3A_554 : i1 to vector<16xi1>
      %reduce_sum3A_556 = tpu.scan <sum>, %scan3A_476#19 masked %reduce_sum3A_555 : vector<16xf32>, vector<16xi1> -> vector<16xf32>
      %reduce_sum3A_557 = vector.extract %reduce_sum3A_556[15] : f32 from vector<16xf32>
      %reduce_sum3A_558 = arith.constant true
      %reduce_sum3A_559 = vector.broadcast %reduce_sum3A_558 : i1 to vector<16xi1>
      %reduce_sum3A_560 = tpu.scan <sum>, %scan3A_476#20 masked %reduce_sum3A_559 : vector<16xf32>, vector<16xi1> -> vector<16xf32>
      %reduce_sum3A_561 = vector.extract %reduce_sum3A_560[15] : f32 from vector<16xf32>
      %reduce_sum3A_562 = arith.constant true
      %reduce_sum3A_563 = vector.broadcast %reduce_sum3A_562 : i1 to vector<16xi1>
      %reduce_sum3A_564 = tpu.scan <sum>, %scan3A_476#21 masked %reduce_sum3A_563 : vector<16xf32>, vector<16xi1> -> vector<16xf32>
      %reduce_sum3A_565 = vector.extract %reduce_sum3A_564[15] : f32 from vector<16xf32>
      %reduce_sum3A_566 = arith.constant true
      %reduce_sum3A_567 = vector.broadcast %reduce_sum3A_566 : i1 to vector<16xi1>
      %reduce_sum3A_568 = tpu.scan <sum>, %scan3A_476#22 masked %reduce_sum3A_567 : vector<16xf32>, vector<16xi1> -> vector<16xf32>
      %reduce_sum3A_569 = vector.extract %reduce_sum3A_568[15] : f32 from vector<16xf32>
      %reduce_sum3A_570 = arith.constant true
      %reduce_sum3A_571 = vector.broadcast %reduce_sum3A_570 : i1 to vector<16xi1>
      %reduce_sum3A_572 = tpu.scan <sum>, %scan3A_476#23 masked %reduce_sum3A_571 : vector<16xf32>, vector<16xi1> -> vector<16xf32>
      %reduce_sum3A_573 = vector.extract %reduce_sum3A_572[15] : f32 from vector<16xf32>
      %reduce_sum3A_574 = arith.constant true
      %reduce_sum3A_575 = vector.broadcast %reduce_sum3A_574 : i1 to vector<16xi1>
      %reduce_sum3A_576 = tpu.scan <sum>, %scan3A_476#24 masked %reduce_sum3A_575 : vector<16xf32>, vector<16xi1> -> vector<16xf32>
      %reduce_sum3A_577 = vector.extract %reduce_sum3A_576[15] : f32 from vector<16xf32>
      %reduce_sum3A_578 = arith.constant true
      %reduce_sum3A_579 = vector.broadcast %reduce_sum3A_578 : i1 to vector<16xi1>
      %reduce_sum3A_580 = tpu.scan <sum>, %scan3A_476#25 masked %reduce_sum3A_579 : vector<16xf32>, vector<16xi1> -> vector<16xf32>
      %reduce_sum3A_581 = vector.extract %reduce_sum3A_580[15] : f32 from vector<16xf32>
      %reduce_sum3A_582 = arith.constant true
      %reduce_sum3A_583 = vector.broadcast %reduce_sum3A_582 : i1 to vector<16xi1>
      %reduce_sum3A_584 = tpu.scan <sum>, %scan3A_476#26 masked %reduce_sum3A_583 : vector<16xf32>, vector<16xi1> -> vector<16xf32>
      %reduce_sum3A_585 = vector.extract %reduce_sum3A_584[15] : f32 from vector<16xf32>
      %reduce_sum3A_586 = arith.constant true
      %reduce_sum3A_587 = vector.broadcast %reduce_sum3A_586 : i1 to vector<16xi1>
      %reduce_sum3A_588 = tpu.scan <sum>, %scan3A_476#27 masked %reduce_sum3A_587 : vector<16xf32>, vector<16xi1> -> vector<16xf32>
      %reduce_sum3A_589 = vector.extract %reduce_sum3A_588[15] : f32 from vector<16xf32>
      %reduce_sum3A_590 = arith.constant true
      %reduce_sum3A_591 = vector.broadcast %reduce_sum3A_590 : i1 to vector<16xi1>
      %reduce_sum3A_592 = tpu.scan <sum>, %scan3A_476#28 masked %reduce_sum3A_591 : vector<16xf32>, vector<16xi1> -> vector<16xf32>
      %reduce_sum3A_593 = vector.extract %reduce_sum3A_592[15] : f32 from vector<16xf32>
      %reduce_sum3A_594 = arith.constant true
      %reduce_sum3A_595 = vector.broadcast %reduce_sum3A_594 : i1 to vector<16xi1>
      %reduce_sum3A_596 = tpu.scan <sum>, %scan3A_476#29 masked %reduce_sum3A_595 : vector<16xf32>, vector<16xi1> -> vector<16xf32>
      %reduce_sum3A_597 = vector.extract %reduce_sum3A_596[15] : f32 from vector<16xf32>
      %reduce_sum3A_598 = arith.constant true
      %reduce_sum3A_599 = vector.broadcast %reduce_sum3A_598 : i1 to vector<16xi1>
      %reduce_sum3A_600 = tpu.scan <sum>, %scan3A_476#30 masked %reduce_sum3A_599 : vector<16xf32>, vector<16xi1> -> vector<16xf32>
      %reduce_sum3A_601 = vector.extract %reduce_sum3A_600[15] : f32 from vector<16xf32>
      %reduce_sum3A_602 = arith.constant true
      %reduce_sum3A_603 = vector.broadcast %reduce_sum3A_602 : i1 to vector<16xi1>
      %reduce_sum3A_604 = tpu.scan <sum>, %scan3A_476#31 masked %reduce_sum3A_603 : vector<16xf32>, vector<16xi1> -> vector<16xf32>
      %reduce_sum3A_605 = vector.extract %reduce_sum3A_604[15] : f32 from vector<16xf32>
      %broadcast_in_dim3A_606 = arith.constant 0.000000e+00 : f32
      %broadcast_in_dim3A_607 = vector.broadcast %broadcast_in_dim3A_606 : f32 to vector<16xf32>
      %broadcast_in_dim3A_608 = arith.constant 0.000000e+00 : f32
      %broadcast_in_dim3A_609 = vector.broadcast %broadcast_in_dim3A_608 : f32 to vector<16xf32>
      %broadcast_in_dim3A_610 = arith.constant 0.000000e+00 : f32
      %broadcast_in_dim3A_611 = vector.broadcast %broadcast_in_dim3A_610 : f32 to vector<16xf32>
      %broadcast_in_dim3A_612 = arith.constant 0.000000e+00 : f32
      %broadcast_in_dim3A_613 = vector.broadcast %broadcast_in_dim3A_612 : f32 to vector<16xf32>
      %broadcast_in_dim3A_614 = arith.constant 0.000000e+00 : f32
      %broadcast_in_dim3A_615 = vector.broadcast %broadcast_in_dim3A_614 : f32 to vector<16xf32>
      %broadcast_in_dim3A_616 = arith.constant 0.000000e+00 : f32
      %broadcast_in_dim3A_617 = vector.broadcast %broadcast_in_dim3A_616 : f32 to vector<16xf32>
      %broadcast_in_dim3A_618 = arith.constant 0.000000e+00 : f32
      %broadcast_in_dim3A_619 = vector.broadcast %broadcast_in_dim3A_618 : f32 to vector<16xf32>
      %broadcast_in_dim3A_620 = arith.constant 0.000000e+00 : f32
      %broadcast_in_dim3A_621 = vector.broadcast %broadcast_in_dim3A_620 : f32 to vector<16xf32>
      %broadcast_in_dim3A_622 = arith.constant 0.000000e+00 : f32
      %broadcast_in_dim3A_623 = vector.broadcast %broadcast_in_dim3A_622 : f32 to vector<16xf32>
      %broadcast_in_dim3A_624 = arith.constant 0.000000e+00 : f32
      %broadcast_in_dim3A_625 = vector.broadcast %broadcast_in_dim3A_624 : f32 to vector<16xf32>
      %broadcast_in_dim3A_626 = arith.constant 0.000000e+00 : f32
      %broadcast_in_dim3A_627 = vector.broadcast %broadcast_in_dim3A_626 : f32 to vector<16xf32>
      %broadcast_in_dim3A_628 = arith.constant 0.000000e+00 : f32
      %broadcast_in_dim3A_629 = vector.broadcast %broadcast_in_dim3A_628 : f32 to vector<16xf32>
      %broadcast_in_dim3A_630 = arith.constant 0.000000e+00 : f32
      %broadcast_in_dim3A_631 = vector.broadcast %broadcast_in_dim3A_630 : f32 to vector<16xf32>
      %broadcast_in_dim3A_632 = arith.constant 0.000000e+00 : f32
      %broadcast_in_dim3A_633 = vector.broadcast %broadcast_in_dim3A_632 : f32 to vector<16xf32>
      %broadcast_in_dim3A_634 = arith.constant 0.000000e+00 : f32
      %broadcast_in_dim3A_635 = vector.broadcast %broadcast_in_dim3A_634 : f32 to vector<16xf32>
      %broadcast_in_dim3A_636 = arith.constant 0.000000e+00 : f32
      %broadcast_in_dim3A_637 = vector.broadcast %broadcast_in_dim3A_636 : f32 to vector<16xf32>
      %broadcast_in_dim3A_638 = arith.constant 0.000000e+00 : f32
      %broadcast_in_dim3A_639 = vector.broadcast %broadcast_in_dim3A_638 : f32 to vector<16xf32>
      %broadcast_in_dim3A_640 = arith.constant 0.000000e+00 : f32
      %broadcast_in_dim3A_641 = vector.broadcast %broadcast_in_dim3A_640 : f32 to vector<16xf32>
      %broadcast_in_dim3A_642 = arith.constant 0.000000e+00 : f32
      %broadcast_in_dim3A_643 = vector.broadcast %broadcast_in_dim3A_642 : f32 to vector<16xf32>
      %broadcast_in_dim3A_644 = arith.constant 0.000000e+00 : f32
      %broadcast_in_dim3A_645 = vector.broadcast %broadcast_in_dim3A_644 : f32 to vector<16xf32>
      %broadcast_in_dim3A_646 = arith.constant 0.000000e+00 : f32
      %broadcast_in_dim3A_647 = vector.broadcast %broadcast_in_dim3A_646 : f32 to vector<16xf32>
      %broadcast_in_dim3A_648 = arith.constant 0.000000e+00 : f32
      %broadcast_in_dim3A_649 = vector.broadcast %broadcast_in_dim3A_648 : f32 to vector<16xf32>
      %broadcast_in_dim3A_650 = arith.constant 0.000000e+00 : f32
      %broadcast_in_dim3A_651 = vector.broadcast %broadcast_in_dim3A_650 : f32 to vector<16xf32>
      %broadcast_in_dim3A_652 = arith.constant 0.000000e+00 : f32
      %broadcast_in_dim3A_653 = vector.broadcast %broadcast_in_dim3A_652 : f32 to vector<16xf32>
      %broadcast_in_dim3A_654 = arith.constant 0.000000e+00 : f32
      %broadcast_in_dim3A_655 = vector.broadcast %broadcast_in_dim3A_654 : f32 to vector<16xf32>
      %broadcast_in_dim3A_656 = arith.constant 0.000000e+00 : f32
      %broadcast_in_dim3A_657 = vector.broadcast %broadcast_in_dim3A_656 : f32 to vector<16xf32>
      %broadcast_in_dim3A_658 = arith.constant 0.000000e+00 : f32
      %broadcast_in_dim3A_659 = vector.broadcast %broadcast_in_dim3A_658 : f32 to vector<16xf32>
      %broadcast_in_dim3A_660 = arith.constant 0.000000e+00 : f32
      %broadcast_in_dim3A_661 = vector.broadcast %broadcast_in_dim3A_660 : f32 to vector<16xf32>
      %broadcast_in_dim3A_662 = arith.constant 0.000000e+00 : f32
      %broadcast_in_dim3A_663 = vector.broadcast %broadcast_in_dim3A_662 : f32 to vector<16xf32>
      %broadcast_in_dim3A_664 = arith.constant 0.000000e+00 : f32
      %broadcast_in_dim3A_665 = vector.broadcast %broadcast_in_dim3A_664 : f32 to vector<16xf32>
      %broadcast_in_dim3A_666 = arith.constant 0.000000e+00 : f32
      %broadcast_in_dim3A_667 = vector.broadcast %broadcast_in_dim3A_666 : f32 to vector<16xf32>
      %broadcast_in_dim3A_668 = arith.constant 0.000000e+00 : f32
      %broadcast_in_dim3A_669 = vector.broadcast %broadcast_in_dim3A_668 : f32 to vector<16xf32>
      %scan3A_670 = arith.constant 0 : i32
      %scan3A_671 = arith.constant 64 : i32
      %scan3A_672 = arith.addi %scan3A_670, %scan3A_671 : i32
      %scan3A_673 = arith.constant 1 : i32
      %scan3A_674:32 = scf.for %scan3A_1639 = %scan3A_670 to %scan3A_672 step %scan3A_673 iter_args(%scan3A_1640 = %broadcast_in_dim3A_607, %scan3A_1641 = %broadcast_in_dim3A_609, %scan3A_1642 = %broadcast_in_dim3A_611, %scan3A_1643 = %broadcast_in_dim3A_613, %scan3A_1644 = %broadcast_in_dim3A_615, %scan3A_1645 = %broadcast_in_dim3A_617, %scan3A_1646 = %broadcast_in_dim3A_619, %scan3A_1647 = %broadcast_in_dim3A_621, %scan3A_1648 = %broadcast_in_dim3A_623, %scan3A_1649 = %broadcast_in_dim3A_625, %scan3A_1650 = %broadcast_in_dim3A_627, %scan3A_1651 = %broadcast_in_dim3A_629, %scan3A_1652 = %broadcast_in_dim3A_631, %scan3A_1653 = %broadcast_in_dim3A_633, %scan3A_1654 = %broadcast_in_dim3A_635, %scan3A_1655 = %broadcast_in_dim3A_637, %scan3A_1656 = %broadcast_in_dim3A_639, %scan3A_1657 = %broadcast_in_dim3A_641, %scan3A_1658 = %broadcast_in_dim3A_643, %scan3A_1659 = %broadcast_in_dim3A_645, %scan3A_1660 = %broadcast_in_dim3A_647, %scan3A_1661 = %broadcast_in_dim3A_649, %scan3A_1662 = %broadcast_in_dim3A_651, %scan3A_1663 = %broadcast_in_dim3A_653, %scan3A_1664 = %broadcast_in_dim3A_655, %scan3A_1665 = %broadcast_in_dim3A_657, %scan3A_1666 = %broadcast_in_dim3A_659, %scan3A_1667 = %broadcast_in_dim3A_661, %scan3A_1668 = %broadcast_in_dim3A_663, %scan3A_1669 = %broadcast_in_dim3A_665, %scan3A_1670 = %broadcast_in_dim3A_667, %scan3A_1671 = %broadcast_in_dim3A_669) -> (vector<16xf32>, vector<16xf32>, vector<16xf32>, vector<16xf32>, vector<16xf32>, vector<16xf32>, vector<16xf32>, vector<16xf32>, vector<16xf32>, vector<16xf32>, vector<16xf32>, vector<16xf32>, vector<16xf32>, vector<16xf32>, vector<16xf32>, vector<16xf32>, vector<16xf32>, vector<16xf32>, vector<16xf32>, vector<16xf32>, vector<16xf32>, vector<16xf32>, vector<16xf32>, vector<16xf32>, vector<16xf32>, vector<16xf32>, vector<16xf32>, vector<16xf32>, vector<16xf32>, vector<16xf32>, vector<16xf32>, vector<16xf32>)  : i32 {
        %mul3A_1672 = arith.constant 16 : i32
        %mul3A_1673 = arith.muli %scan3A_1639, %mul3A_1672 : i32
        %get3A_1674 = arith.constant 12 : i32
        %get3A_1675 = arith.index_cast %get3A_1674 : i32 to index
        %get3A_1676 = arith.index_cast %mul3A_1673 : i32 to index
        %get3A_1677 = tpu.vector_load %arg8[%get3A_1675, %get3A_1676] {strides = array<i32>} : memref<16x1024xf32, #tpu.memory_space<vmem>>, vector<16xf32>,
        %mul3A_1678 = arith.constant 16 : i32
        %mul3A_1679 = arith.muli %scan3A_1639, %mul3A_1678 : i32
        %get3A_1680 = arith.constant 0 : i32
        %get3A_1681 = arith.index_cast %get3A_1680 : i32 to index
        %get3A_1682 = arith.index_cast %mul3A_1679 : i32 to index
        %get3A_1683 = tpu.vector_load %arg6[%get3A_1681, %get3A_1682] {strides = array<i32>} : memref<8x1024xf32, #tpu.memory_space<vmem>>, vector<16xf32>,
        %mul3A_1684 = arith.mulf %get3A_1677, %get3A_1683 : vector<16xf32>
        %add3A_1685 = arith.addf %scan3A_1640, %mul3A_1684 : vector<16xf32>
        %mul3A_1686 = arith.constant 16 : i32
        %mul3A_1687 = arith.muli %scan3A_1639, %mul3A_1686 : i32
        %get3A_1688 = arith.constant 1 : i32
        %get3A_1689 = arith.index_cast %get3A_1688 : i32 to index
        %get3A_1690 = arith.index_cast %mul3A_1687 : i32 to index
        %get3A_1691 = tpu.vector_load %arg6[%get3A_1689, %get3A_1690] {strides = array<i32>} : memref<8x1024xf32, #tpu.memory_space<vmem>>, vector<16xf32>,
        %mul3A_1692 = arith.mulf %get3A_1677, %get3A_1691 : vector<16xf32>
        %add3A_1693 = arith.addf %scan3A_1641, %mul3A_1692 : vector<16xf32>
        %mul3A_1694 = arith.constant 16 : i32
        %mul3A_1695 = arith.muli %scan3A_1639, %mul3A_1694 : i32
        %get3A_1696 = arith.constant 2 : i32
        %get3A_1697 = arith.index_cast %get3A_1696 : i32 to index
        %get3A_1698 = arith.index_cast %mul3A_1695 : i32 to index
        %get3A_1699 = tpu.vector_load %arg6[%get3A_1697, %get3A_1698] {strides = array<i32>} : memref<8x1024xf32, #tpu.memory_space<vmem>>, vector<16xf32>,
        %mul3A_1700 = arith.mulf %get3A_1677, %get3A_1699 : vector<16xf32>
        %add3A_1701 = arith.addf %scan3A_1642, %mul3A_1700 : vector<16xf32>
        %mul3A_1702 = arith.constant 16 : i32
        %mul3A_1703 = arith.muli %scan3A_1639, %mul3A_1702 : i32
        %get3A_1704 = arith.constant 3 : i32
        %get3A_1705 = arith.index_cast %get3A_1704 : i32 to index
        %get3A_1706 = arith.index_cast %mul3A_1703 : i32 to index
        %get3A_1707 = tpu.vector_load %arg6[%get3A_1705, %get3A_1706] {strides = array<i32>} : memref<8x1024xf32, #tpu.memory_space<vmem>>, vector<16xf32>,
        %mul3A_1708 = arith.mulf %get3A_1677, %get3A_1707 : vector<16xf32>
        %add3A_1709 = arith.addf %scan3A_1643, %mul3A_1708 : vector<16xf32>
        %mul3A_1710 = arith.constant 16 : i32
        %mul3A_1711 = arith.muli %scan3A_1639, %mul3A_1710 : i32
        %get3A_1712 = arith.constant 4 : i32
        %get3A_1713 = arith.index_cast %get3A_1712 : i32 to index
        %get3A_1714 = arith.index_cast %mul3A_1711 : i32 to index
        %get3A_1715 = tpu.vector_load %arg6[%get3A_1713, %get3A_1714] {strides = array<i32>} : memref<8x1024xf32, #tpu.memory_space<vmem>>, vector<16xf32>,
        %mul3A_1716 = arith.mulf %get3A_1677, %get3A_1715 : vector<16xf32>
        %add3A_1717 = arith.addf %scan3A_1644, %mul3A_1716 : vector<16xf32>
        %mul3A_1718 = arith.constant 16 : i32
        %mul3A_1719 = arith.muli %scan3A_1639, %mul3A_1718 : i32
        %get3A_1720 = arith.constant 5 : i32
        %get3A_1721 = arith.index_cast %get3A_1720 : i32 to index
        %get3A_1722 = arith.index_cast %mul3A_1719 : i32 to index
        %get3A_1723 = tpu.vector_load %arg6[%get3A_1721, %get3A_1722] {strides = array<i32>} : memref<8x1024xf32, #tpu.memory_space<vmem>>, vector<16xf32>,
        %mul3A_1724 = arith.mulf %get3A_1677, %get3A_1723 : vector<16xf32>
        %add3A_1725 = arith.addf %scan3A_1645, %mul3A_1724 : vector<16xf32>
        %mul3A_1726 = arith.constant 16 : i32
        %mul3A_1727 = arith.muli %scan3A_1639, %mul3A_1726 : i32
        %get3A_1728 = arith.constant 6 : i32
        %get3A_1729 = arith.index_cast %get3A_1728 : i32 to index
        %get3A_1730 = arith.index_cast %mul3A_1727 : i32 to index
        %get3A_1731 = tpu.vector_load %arg6[%get3A_1729, %get3A_1730] {strides = array<i32>} : memref<8x1024xf32, #tpu.memory_space<vmem>>, vector<16xf32>,
        %mul3A_1732 = arith.mulf %get3A_1677, %get3A_1731 : vector<16xf32>
        %add3A_1733 = arith.addf %scan3A_1646, %mul3A_1732 : vector<16xf32>
        %mul3A_1734 = arith.constant 16 : i32
        %mul3A_1735 = arith.muli %scan3A_1639, %mul3A_1734 : i32
        %get3A_1736 = arith.constant 7 : i32
        %get3A_1737 = arith.index_cast %get3A_1736 : i32 to index
        %get3A_1738 = arith.index_cast %mul3A_1735 : i32 to index
        %get3A_1739 = tpu.vector_load %arg6[%get3A_1737, %get3A_1738] {strides = array<i32>} : memref<8x1024xf32, #tpu.memory_space<vmem>>, vector<16xf32>,
        %mul3A_1740 = arith.mulf %get3A_1677, %get3A_1739 : vector<16xf32>
        %add3A_1741 = arith.addf %scan3A_1647, %mul3A_1740 : vector<16xf32>
        %mul3A_1742 = arith.constant 16 : i32
        %mul3A_1743 = arith.muli %scan3A_1639, %mul3A_1742 : i32
        %get3A_1744 = arith.constant 13 : i32
        %get3A_1745 = arith.index_cast %get3A_1744 : i32 to index
        %get3A_1746 = arith.index_cast %mul3A_1743 : i32 to index
        %get3A_1747 = tpu.vector_load %arg8[%get3A_1745, %get3A_1746] {strides = array<i32>} : memref<16x1024xf32, #tpu.memory_space<vmem>>, vector<16xf32>,
        %mul3A_1748 = arith.constant 16 : i32
        %mul3A_1749 = arith.muli %scan3A_1639, %mul3A_1748 : i32
        %get3A_1750 = arith.constant 0 : i32
        %get3A_1751 = arith.index_cast %get3A_1750 : i32 to index
        %get3A_1752 = arith.index_cast %mul3A_1749 : i32 to index
        %get3A_1753 = tpu.vector_load %arg6[%get3A_1751, %get3A_1752] {strides = array<i32>} : memref<8x1024xf32, #tpu.memory_space<vmem>>, vector<16xf32>,
        %mul3A_1754 = arith.mulf %get3A_1747, %get3A_1753 : vector<16xf32>
        %add3A_1755 = arith.addf %scan3A_1648, %mul3A_1754 : vector<16xf32>
        %mul3A_1756 = arith.constant 16 : i32
        %mul3A_1757 = arith.muli %scan3A_1639, %mul3A_1756 : i32
        %get3A_1758 = arith.constant 1 : i32
        %get3A_1759 = arith.index_cast %get3A_1758 : i32 to index
        %get3A_1760 = arith.index_cast %mul3A_1757 : i32 to index
        %get3A_1761 = tpu.vector_load %arg6[%get3A_1759, %get3A_1760] {strides = array<i32>} : memref<8x1024xf32, #tpu.memory_space<vmem>>, vector<16xf32>,
        %mul3A_1762 = arith.mulf %get3A_1747, %get3A_1761 : vector<16xf32>
        %add3A_1763 = arith.addf %scan3A_1649, %mul3A_1762 : vector<16xf32>
        %mul3A_1764 = arith.constant 16 : i32
        %mul3A_1765 = arith.muli %scan3A_1639, %mul3A_1764 : i32
        %get3A_1766 = arith.constant 2 : i32
        %get3A_1767 = arith.index_cast %get3A_1766 : i32 to index
        %get3A_1768 = arith.index_cast %mul3A_1765 : i32 to index
        %get3A_1769 = tpu.vector_load %arg6[%get3A_1767, %get3A_1768] {strides = array<i32>} : memref<8x1024xf32, #tpu.memory_space<vmem>>, vector<16xf32>,
        %mul3A_1770 = arith.mulf %get3A_1747, %get3A_1769 : vector<16xf32>
        %add3A_1771 = arith.addf %scan3A_1650, %mul3A_1770 : vector<16xf32>
        %mul3A_1772 = arith.constant 16 : i32
        %mul3A_1773 = arith.muli %scan3A_1639, %mul3A_1772 : i32
        %get3A_1774 = arith.constant 3 : i32
        %get3A_1775 = arith.index_cast %get3A_1774 : i32 to index
        %get3A_1776 = arith.index_cast %mul3A_1773 : i32 to index
        %get3A_1777 = tpu.vector_load %arg6[%get3A_1775, %get3A_1776] {strides = array<i32>} : memref<8x1024xf32, #tpu.memory_space<vmem>>, vector<16xf32>,
        %mul3A_1778 = arith.mulf %get3A_1747, %get3A_1777 : vector<16xf32>
        %add3A_1779 = arith.addf %scan3A_1651, %mul3A_1778 : vector<16xf32>
        %mul3A_1780 = arith.constant 16 : i32
        %mul3A_1781 = arith.muli %scan3A_1639, %mul3A_1780 : i32
        %get3A_1782 = arith.constant 4 : i32
        %get3A_1783 = arith.index_cast %get3A_1782 : i32 to index
        %get3A_1784 = arith.index_cast %mul3A_1781 : i32 to index
        %get3A_1785 = tpu.vector_load %arg6[%get3A_1783, %get3A_1784] {strides = array<i32>} : memref<8x1024xf32, #tpu.memory_space<vmem>>, vector<16xf32>,
        %mul3A_1786 = arith.mulf %get3A_1747, %get3A_1785 : vector<16xf32>
        %add3A_1787 = arith.addf %scan3A_1652, %mul3A_1786 : vector<16xf32>
        %mul3A_1788 = arith.constant 16 : i32
        %mul3A_1789 = arith.muli %scan3A_1639, %mul3A_1788 : i32
        %get3A_1790 = arith.constant 5 : i32
        %get3A_1791 = arith.index_cast %get3A_1790 : i32 to index
        %get3A_1792 = arith.index_cast %mul3A_1789 : i32 to index
        %get3A_1793 = tpu.vector_load %arg6[%get3A_1791, %get3A_1792] {strides = array<i32>} : memref<8x1024xf32, #tpu.memory_space<vmem>>, vector<16xf32>,
        %mul3A_1794 = arith.mulf %get3A_1747, %get3A_1793 : vector<16xf32>
        %add3A_1795 = arith.addf %scan3A_1653, %mul3A_1794 : vector<16xf32>
        %mul3A_1796 = arith.constant 16 : i32
        %mul3A_1797 = arith.muli %scan3A_1639, %mul3A_1796 : i32
        %get3A_1798 = arith.constant 6 : i32
        %get3A_1799 = arith.index_cast %get3A_1798 : i32 to index
        %get3A_1800 = arith.index_cast %mul3A_1797 : i32 to index
        %get3A_1801 = tpu.vector_load %arg6[%get3A_1799, %get3A_1800] {strides = array<i32>} : memref<8x1024xf32, #tpu.memory_space<vmem>>, vector<16xf32>,
        %mul3A_1802 = arith.mulf %get3A_1747, %get3A_1801 : vector<16xf32>
        %add3A_1803 = arith.addf %scan3A_1654, %mul3A_1802 : vector<16xf32>
        %mul3A_1804 = arith.constant 16 : i32
        %mul3A_1805 = arith.muli %scan3A_1639, %mul3A_1804 : i32
        %get3A_1806 = arith.constant 7 : i32
        %get3A_1807 = arith.index_cast %get3A_1806 : i32 to index
        %get3A_1808 = arith.index_cast %mul3A_1805 : i32 to index
        %get3A_1809 = tpu.vector_load %arg6[%get3A_1807, %get3A_1808] {strides = array<i32>} : memref<8x1024xf32, #tpu.memory_space<vmem>>, vector<16xf32>,
        %mul3A_1810 = arith.mulf %get3A_1747, %get3A_1809 : vector<16xf32>
        %add3A_1811 = arith.addf %scan3A_1655, %mul3A_1810 : vector<16xf32>
        %mul3A_1812 = arith.constant 16 : i32
        %mul3A_1813 = arith.muli %scan3A_1639, %mul3A_1812 : i32
        %get3A_1814 = arith.constant 14 : i32
        %get3A_1815 = arith.index_cast %get3A_1814 : i32 to index
        %get3A_1816 = arith.index_cast %mul3A_1813 : i32 to index
        %get3A_1817 = tpu.vector_load %arg8[%get3A_1815, %get3A_1816] {strides = array<i32>} : memref<16x1024xf32, #tpu.memory_space<vmem>>, vector<16xf32>,
        %mul3A_1818 = arith.constant 16 : i32
        %mul3A_1819 = arith.muli %scan3A_1639, %mul3A_1818 : i32
        %get3A_1820 = arith.constant 0 : i32
        %get3A_1821 = arith.index_cast %get3A_1820 : i32 to index
        %get3A_1822 = arith.index_cast %mul3A_1819 : i32 to index
        %get3A_1823 = tpu.vector_load %arg6[%get3A_1821, %get3A_1822] {strides = array<i32>} : memref<8x1024xf32, #tpu.memory_space<vmem>>, vector<16xf32>,
        %mul3A_1824 = arith.mulf %get3A_1817, %get3A_1823 : vector<16xf32>
        %add3A_1825 = arith.addf %scan3A_1656, %mul3A_1824 : vector<16xf32>
        %mul3A_1826 = arith.constant 16 : i32
        %mul3A_1827 = arith.muli %scan3A_1639, %mul3A_1826 : i32
        %get3A_1828 = arith.constant 1 : i32
        %get3A_1829 = arith.index_cast %get3A_1828 : i32 to index
        %get3A_1830 = arith.index_cast %mul3A_1827 : i32 to index
        %get3A_1831 = tpu.vector_load %arg6[%get3A_1829, %get3A_1830] {strides = array<i32>} : memref<8x1024xf32, #tpu.memory_space<vmem>>, vector<16xf32>,
        %mul3A_1832 = arith.mulf %get3A_1817, %get3A_1831 : vector<16xf32>
        %add3A_1833 = arith.addf %scan3A_1657, %mul3A_1832 : vector<16xf32>
        %mul3A_1834 = arith.constant 16 : i32
        %mul3A_1835 = arith.muli %scan3A_1639, %mul3A_1834 : i32
        %get3A_1836 = arith.constant 2 : i32
        %get3A_1837 = arith.index_cast %get3A_1836 : i32 to index
        %get3A_1838 = arith.index_cast %mul3A_1835 : i32 to index
        %get3A_1839 = tpu.vector_load %arg6[%get3A_1837, %get3A_1838] {strides = array<i32>} : memref<8x1024xf32, #tpu.memory_space<vmem>>, vector<16xf32>,
        %mul3A_1840 = arith.mulf %get3A_1817, %get3A_1839 : vector<16xf32>
        %add3A_1841 = arith.addf %scan3A_1658, %mul3A_1840 : vector<16xf32>
        %mul3A_1842 = arith.constant 16 : i32
        %mul3A_1843 = arith.muli %scan3A_1639, %mul3A_1842 : i32
        %get3A_1844 = arith.constant 3 : i32
        %get3A_1845 = arith.index_cast %get3A_1844 : i32 to index
        %get3A_1846 = arith.index_cast %mul3A_1843 : i32 to index
        %get3A_1847 = tpu.vector_load %arg6[%get3A_1845, %get3A_1846] {strides = array<i32>} : memref<8x1024xf32, #tpu.memory_space<vmem>>, vector<16xf32>,
        %mul3A_1848 = arith.mulf %get3A_1817, %get3A_1847 : vector<16xf32>
        %add3A_1849 = arith.addf %scan3A_1659, %mul3A_1848 : vector<16xf32>
        %mul3A_1850 = arith.constant 16 : i32
        %mul3A_1851 = arith.muli %scan3A_1639, %mul3A_1850 : i32
        %get3A_1852 = arith.constant 4 : i32
        %get3A_1853 = arith.index_cast %get3A_1852 : i32 to index
        %get3A_1854 = arith.index_cast %mul3A_1851 : i32 to index
        %get3A_1855 = tpu.vector_load %arg6[%get3A_1853, %get3A_1854] {strides = array<i32>} : memref<8x1024xf32, #tpu.memory_space<vmem>>, vector<16xf32>,
        %mul3A_1856 = arith.mulf %get3A_1817, %get3A_1855 : vector<16xf32>
        %add3A_1857 = arith.addf %scan3A_1660, %mul3A_1856 : vector<16xf32>
        %mul3A_1858 = arith.constant 16 : i32
        %mul3A_1859 = arith.muli %scan3A_1639, %mul3A_1858 : i32
        %get3A_1860 = arith.constant 5 : i32
        %get3A_1861 = arith.index_cast %get3A_1860 : i32 to index
        %get3A_1862 = arith.index_cast %mul3A_1859 : i32 to index
        %get3A_1863 = tpu.vector_load %arg6[%get3A_1861, %get3A_1862] {strides = array<i32>} : memref<8x1024xf32, #tpu.memory_space<vmem>>, vector<16xf32>,
        %mul3A_1864 = arith.mulf %get3A_1817, %get3A_1863 : vector<16xf32>
        %add3A_1865 = arith.addf %scan3A_1661, %mul3A_1864 : vector<16xf32>
        %mul3A_1866 = arith.constant 16 : i32
        %mul3A_1867 = arith.muli %scan3A_1639, %mul3A_1866 : i32
        %get3A_1868 = arith.constant 6 : i32
        %get3A_1869 = arith.index_cast %get3A_1868 : i32 to index
        %get3A_1870 = arith.index_cast %mul3A_1867 : i32 to index
        %get3A_1871 = tpu.vector_load %arg6[%get3A_1869, %get3A_1870] {strides = array<i32>} : memref<8x1024xf32, #tpu.memory_space<vmem>>, vector<16xf32>,
        %mul3A_1872 = arith.mulf %get3A_1817, %get3A_1871 : vector<16xf32>
        %add3A_1873 = arith.addf %scan3A_1662, %mul3A_1872 : vector<16xf32>
        %mul3A_1874 = arith.constant 16 : i32
        %mul3A_1875 = arith.muli %scan3A_1639, %mul3A_1874 : i32
        %get3A_1876 = arith.constant 7 : i32
        %get3A_1877 = arith.index_cast %get3A_1876 : i32 to index
        %get3A_1878 = arith.index_cast %mul3A_1875 : i32 to index
        %get3A_1879 = tpu.vector_load %arg6[%get3A_1877, %get3A_1878] {strides = array<i32>} : memref<8x1024xf32, #tpu.memory_space<vmem>>, vector<16xf32>,
        %mul3A_1880 = arith.mulf %get3A_1817, %get3A_1879 : vector<16xf32>
        %add3A_1881 = arith.addf %scan3A_1663, %mul3A_1880 : vector<16xf32>
        %mul3A_1882 = arith.constant 16 : i32
        %mul3A_1883 = arith.muli %scan3A_1639, %mul3A_1882 : i32
        %get3A_1884 = arith.constant 15 : i32
        %get3A_1885 = arith.index_cast %get3A_1884 : i32 to index
        %get3A_1886 = arith.index_cast %mul3A_1883 : i32 to index
        %get3A_1887 = tpu.vector_load %arg8[%get3A_1885, %get3A_1886] {strides = array<i32>} : memref<16x1024xf32, #tpu.memory_space<vmem>>, vector<16xf32>,
        %mul3A_1888 = arith.constant 16 : i32
        %mul3A_1889 = arith.muli %scan3A_1639, %mul3A_1888 : i32
        %get3A_1890 = arith.constant 0 : i32
        %get3A_1891 = arith.index_cast %get3A_1890 : i32 to index
        %get3A_1892 = arith.index_cast %mul3A_1889 : i32 to index
        %get3A_1893 = tpu.vector_load %arg6[%get3A_1891, %get3A_1892] {strides = array<i32>} : memref<8x1024xf32, #tpu.memory_space<vmem>>, vector<16xf32>,
        %mul3A_1894 = arith.mulf %get3A_1887, %get3A_1893 : vector<16xf32>
        %add3A_1895 = arith.addf %scan3A_1664, %mul3A_1894 : vector<16xf32>
        %mul3A_1896 = arith.constant 16 : i32
        %mul3A_1897 = arith.muli %scan3A_1639, %mul3A_1896 : i32
        %get3A_1898 = arith.constant 1 : i32
        %get3A_1899 = arith.index_cast %get3A_1898 : i32 to index
        %get3A_1900 = arith.index_cast %mul3A_1897 : i32 to index
        %get3A_1901 = tpu.vector_load %arg6[%get3A_1899, %get3A_1900] {strides = array<i32>} : memref<8x1024xf32, #tpu.memory_space<vmem>>, vector<16xf32>,
        %mul3A_1902 = arith.mulf %get3A_1887, %get3A_1901 : vector<16xf32>
        %add3A_1903 = arith.addf %scan3A_1665, %mul3A_1902 : vector<16xf32>
        %mul3A_1904 = arith.constant 16 : i32
        %mul3A_1905 = arith.muli %scan3A_1639, %mul3A_1904 : i32
        %get3A_1906 = arith.constant 2 : i32
        %get3A_1907 = arith.index_cast %get3A_1906 : i32 to index
        %get3A_1908 = arith.index_cast %mul3A_1905 : i32 to index
        %get3A_1909 = tpu.vector_load %arg6[%get3A_1907, %get3A_1908] {strides = array<i32>} : memref<8x1024xf32, #tpu.memory_space<vmem>>, vector<16xf32>,
        %mul3A_1910 = arith.mulf %get3A_1887, %get3A_1909 : vector<16xf32>
        %add3A_1911 = arith.addf %scan3A_1666, %mul3A_1910 : vector<16xf32>
        %mul3A_1912 = arith.constant 16 : i32
        %mul3A_1913 = arith.muli %scan3A_1639, %mul3A_1912 : i32
        %get3A_1914 = arith.constant 3 : i32
        %get3A_1915 = arith.index_cast %get3A_1914 : i32 to index
        %get3A_1916 = arith.index_cast %mul3A_1913 : i32 to index
        %get3A_1917 = tpu.vector_load %arg6[%get3A_1915, %get3A_1916] {strides = array<i32>} : memref<8x1024xf32, #tpu.memory_space<vmem>>, vector<16xf32>,
        %mul3A_1918 = arith.mulf %get3A_1887, %get3A_1917 : vector<16xf32>
        %add3A_1919 = arith.addf %scan3A_1667, %mul3A_1918 : vector<16xf32>
        %mul3A_1920 = arith.constant 16 : i32
        %mul3A_1921 = arith.muli %scan3A_1639, %mul3A_1920 : i32
        %get3A_1922 = arith.constant 4 : i32
        %get3A_1923 = arith.index_cast %get3A_1922 : i32 to index
        %get3A_1924 = arith.index_cast %mul3A_1921 : i32 to index
        %get3A_1925 = tpu.vector_load %arg6[%get3A_1923, %get3A_1924] {strides = array<i32>} : memref<8x1024xf32, #tpu.memory_space<vmem>>, vector<16xf32>,
        %mul3A_1926 = arith.mulf %get3A_1887, %get3A_1925 : vector<16xf32>
        %add3A_1927 = arith.addf %scan3A_1668, %mul3A_1926 : vector<16xf32>
        %mul3A_1928 = arith.constant 16 : i32
        %mul3A_1929 = arith.muli %scan3A_1639, %mul3A_1928 : i32
        %get3A_1930 = arith.constant 5 : i32
        %get3A_1931 = arith.index_cast %get3A_1930 : i32 to index
        %get3A_1932 = arith.index_cast %mul3A_1929 : i32 to index
        %get3A_1933 = tpu.vector_load %arg6[%get3A_1931, %get3A_1932] {strides = array<i32>} : memref<8x1024xf32, #tpu.memory_space<vmem>>, vector<16xf32>,
        %mul3A_1934 = arith.mulf %get3A_1887, %get3A_1933 : vector<16xf32>
        %add3A_1935 = arith.addf %scan3A_1669, %mul3A_1934 : vector<16xf32>
        %mul3A_1936 = arith.constant 16 : i32
        %mul3A_1937 = arith.muli %scan3A_1639, %mul3A_1936 : i32
        %get3A_1938 = arith.constant 6 : i32
        %get3A_1939 = arith.index_cast %get3A_1938 : i32 to index
        %get3A_1940 = arith.index_cast %mul3A_1937 : i32 to index
        %get3A_1941 = tpu.vector_load %arg6[%get3A_1939, %get3A_1940] {strides = array<i32>} : memref<8x1024xf32, #tpu.memory_space<vmem>>, vector<16xf32>,
        %mul3A_1942 = arith.mulf %get3A_1887, %get3A_1941 : vector<16xf32>
        %add3A_1943 = arith.addf %scan3A_1670, %mul3A_1942 : vector<16xf32>
        %mul3A_1944 = arith.constant 16 : i32
        %mul3A_1945 = arith.muli %scan3A_1639, %mul3A_1944 : i32
        %get3A_1946 = arith.constant 7 : i32
        %get3A_1947 = arith.index_cast %get3A_1946 : i32 to index
        %get3A_1948 = arith.index_cast %mul3A_1945 : i32 to index
        %get3A_1949 = tpu.vector_load %arg6[%get3A_1947, %get3A_1948] {strides = array<i32>} : memref<8x1024xf32, #tpu.memory_space<vmem>>, vector<16xf32>,
        %mul3A_1950 = arith.mulf %get3A_1887, %get3A_1949 : vector<16xf32>
        %add3A_1951 = arith.addf %scan3A_1671, %mul3A_1950 : vector<16xf32>
        scf.yield %add3A_1685, %add3A_1693, %add3A_1701, %add3A_1709, %add3A_1717, %add3A_1725, %add3A_1733, %add3A_1741, %add3A_1755, %add3A_1763, %add3A_1771, %add3A_1779, %add3A_1787, %add3A_1795, %add3A_1803, %add3A_1811, %add3A_1825, %add3A_1833, %add3A_1841, %add3A_1849, %add3A_1857, %add3A_1865, %add3A_1873, %add3A_1881, %add3A_1895, %add3A_1903, %add3A_1911, %add3A_1919, %add3A_1927, %add3A_1935, %add3A_1943, %add3A_1951 : vector<16xf32>, vector<16xf32>, vector<16xf32>, vector<16xf32>, vector<16xf32>, vector<16xf32>, vector<16xf32>, vector<16xf32>, vector<16xf32>, vector<16xf32>, vector<16xf32>, vector<16xf32>, vector<16xf32>, vector<16xf32>, vector<16xf32>, vector<16xf32>, vector<16xf32>, vector<16xf32>, vector<16xf32>, vector<16xf32>, vector<16xf32>, vector<16xf32>, vector<16xf32>, vector<16xf32>, vector<16xf32>, vector<16xf32>, vector<16xf32>, vector<16xf32>, vector<16xf32>, vector<16xf32>, vector<16xf32>, vector<16xf32>
      }
      %scan3A_675 = arith.constant 64 : i32
      %reduce_sum3A_676 = arith.constant true
      %reduce_sum3A_677 = vector.broadcast %reduce_sum3A_676 : i1 to vector<16xi1>
      %reduce_sum3A_678 = tpu.scan <sum>, %scan3A_674#0 masked %reduce_sum3A_677 : vector<16xf32>, vector<16xi1> -> vector<16xf32>
      %reduce_sum3A_679 = vector.extract %reduce_sum3A_678[15] : f32 from vector<16xf32>
      %reduce_sum3A_680 = arith.constant true
      %reduce_sum3A_681 = vector.broadcast %reduce_sum3A_680 : i1 to vector<16xi1>
      %reduce_sum3A_682 = tpu.scan <sum>, %scan3A_674#1 masked %reduce_sum3A_681 : vector<16xf32>, vector<16xi1> -> vector<16xf32>
      %reduce_sum3A_683 = vector.extract %reduce_sum3A_682[15] : f32 from vector<16xf32>
      %reduce_sum3A_684 = arith.constant true
      %reduce_sum3A_685 = vector.broadcast %reduce_sum3A_684 : i1 to vector<16xi1>
      %reduce_sum3A_686 = tpu.scan <sum>, %scan3A_674#2 masked %reduce_sum3A_685 : vector<16xf32>, vector<16xi1> -> vector<16xf32>
      %reduce_sum3A_687 = vector.extract %reduce_sum3A_686[15] : f32 from vector<16xf32>
      %reduce_sum3A_688 = arith.constant true
      %reduce_sum3A_689 = vector.broadcast %reduce_sum3A_688 : i1 to vector<16xi1>
      %reduce_sum3A_690 = tpu.scan <sum>, %scan3A_674#3 masked %reduce_sum3A_689 : vector<16xf32>, vector<16xi1> -> vector<16xf32>
      %reduce_sum3A_691 = vector.extract %reduce_sum3A_690[15] : f32 from vector<16xf32>
      %reduce_sum3A_692 = arith.constant true
      %reduce_sum3A_693 = vector.broadcast %reduce_sum3A_692 : i1 to vector<16xi1>
      %reduce_sum3A_694 = tpu.scan <sum>, %scan3A_674#4 masked %reduce_sum3A_693 : vector<16xf32>, vector<16xi1> -> vector<16xf32>
      %reduce_sum3A_695 = vector.extract %reduce_sum3A_694[15] : f32 from vector<16xf32>
      %reduce_sum3A_696 = arith.constant true
      %reduce_sum3A_697 = vector.broadcast %reduce_sum3A_696 : i1 to vector<16xi1>
      %reduce_sum3A_698 = tpu.scan <sum>, %scan3A_674#5 masked %reduce_sum3A_697 : vector<16xf32>, vector<16xi1> -> vector<16xf32>
      %reduce_sum3A_699 = vector.extract %reduce_sum3A_698[15] : f32 from vector<16xf32>
      %reduce_sum3A_700 = arith.constant true
      %reduce_sum3A_701 = vector.broadcast %reduce_sum3A_700 : i1 to vector<16xi1>
      %reduce_sum3A_702 = tpu.scan <sum>, %scan3A_674#6 masked %reduce_sum3A_701 : vector<16xf32>, vector<16xi1> -> vector<16xf32>
      %reduce_sum3A_703 = vector.extract %reduce_sum3A_702[15] : f32 from vector<16xf32>
      %reduce_sum3A_704 = arith.constant true
      %reduce_sum3A_705 = vector.broadcast %reduce_sum3A_704 : i1 to vector<16xi1>
      %reduce_sum3A_706 = tpu.scan <sum>, %scan3A_674#7 masked %reduce_sum3A_705 : vector<16xf32>, vector<16xi1> -> vector<16xf32>
      %reduce_sum3A_707 = vector.extract %reduce_sum3A_706[15] : f32 from vector<16xf32>
      %reduce_sum3A_708 = arith.constant true
      %reduce_sum3A_709 = vector.broadcast %reduce_sum3A_708 : i1 to vector<16xi1>
      %reduce_sum3A_710 = tpu.scan <sum>, %scan3A_674#8 masked %reduce_sum3A_709 : vector<16xf32>, vector<16xi1> -> vector<16xf32>
      %reduce_sum3A_711 = vector.extract %reduce_sum3A_710[15] : f32 from vector<16xf32>
      %reduce_sum3A_712 = arith.constant true
      %reduce_sum3A_713 = vector.broadcast %reduce_sum3A_712 : i1 to vector<16xi1>
      %reduce_sum3A_714 = tpu.scan <sum>, %scan3A_674#9 masked %reduce_sum3A_713 : vector<16xf32>, vector<16xi1> -> vector<16xf32>
      %reduce_sum3A_715 = vector.extract %reduce_sum3A_714[15] : f32 from vector<16xf32>
      %reduce_sum3A_716 = arith.constant true
      %reduce_sum3A_717 = vector.broadcast %reduce_sum3A_716 : i1 to vector<16xi1>
      %reduce_sum3A_718 = tpu.scan <sum>, %scan3A_674#10 masked %reduce_sum3A_717 : vector<16xf32>, vector<16xi1> -> vector<16xf32>
      %reduce_sum3A_719 = vector.extract %reduce_sum3A_718[15] : f32 from vector<16xf32>
      %reduce_sum3A_720 = arith.constant true
      %reduce_sum3A_721 = vector.broadcast %reduce_sum3A_720 : i1 to vector<16xi1>
      %reduce_sum3A_722 = tpu.scan <sum>, %scan3A_674#11 masked %reduce_sum3A_721 : vector<16xf32>, vector<16xi1> -> vector<16xf32>
      %reduce_sum3A_723 = vector.extract %reduce_sum3A_722[15] : f32 from vector<16xf32>
      %reduce_sum3A_724 = arith.constant true
      %reduce_sum3A_725 = vector.broadcast %reduce_sum3A_724 : i1 to vector<16xi1>
      %reduce_sum3A_726 = tpu.scan <sum>, %scan3A_674#12 masked %reduce_sum3A_725 : vector<16xf32>, vector<16xi1> -> vector<16xf32>
      %reduce_sum3A_727 = vector.extract %reduce_sum3A_726[15] : f32 from vector<16xf32>
      %reduce_sum3A_728 = arith.constant true
      %reduce_sum3A_729 = vector.broadcast %reduce_sum3A_728 : i1 to vector<16xi1>
      %reduce_sum3A_730 = tpu.scan <sum>, %scan3A_674#13 masked %reduce_sum3A_729 : vector<16xf32>, vector<16xi1> -> vector<16xf32>
      %reduce_sum3A_731 = vector.extract %reduce_sum3A_730[15] : f32 from vector<16xf32>
      %reduce_sum3A_732 = arith.constant true
      %reduce_sum3A_733 = vector.broadcast %reduce_sum3A_732 : i1 to vector<16xi1>
      %reduce_sum3A_734 = tpu.scan <sum>, %scan3A_674#14 masked %reduce_sum3A_733 : vector<16xf32>, vector<16xi1> -> vector<16xf32>
      %reduce_sum3A_735 = vector.extract %reduce_sum3A_734[15] : f32 from vector<16xf32>
      %reduce_sum3A_736 = arith.constant true
      %reduce_sum3A_737 = vector.broadcast %reduce_sum3A_736 : i1 to vector<16xi1>
      %reduce_sum3A_738 = tpu.scan <sum>, %scan3A_674#15 masked %reduce_sum3A_737 : vector<16xf32>, vector<16xi1> -> vector<16xf32>
      %reduce_sum3A_739 = vector.extract %reduce_sum3A_738[15] : f32 from vector<16xf32>
      %reduce_sum3A_740 = arith.constant true
      %reduce_sum3A_741 = vector.broadcast %reduce_sum3A_740 : i1 to vector<16xi1>
      %reduce_sum3A_742 = tpu.scan <sum>, %scan3A_674#16 masked %reduce_sum3A_741 : vector<16xf32>, vector<16xi1> -> vector<16xf32>
      %reduce_sum3A_743 = vector.extract %reduce_sum3A_742[15] : f32 from vector<16xf32>
      %reduce_sum3A_744 = arith.constant true
      %reduce_sum3A_745 = vector.broadcast %reduce_sum3A_744 : i1 to vector<16xi1>
      %reduce_sum3A_746 = tpu.scan <sum>, %scan3A_674#17 masked %reduce_sum3A_745 : vector<16xf32>, vector<16xi1> -> vector<16xf32>
      %reduce_sum3A_747 = vector.extract %reduce_sum3A_746[15] : f32 from vector<16xf32>
      %reduce_sum3A_748 = arith.constant true
      %reduce_sum3A_749 = vector.broadcast %reduce_sum3A_748 : i1 to vector<16xi1>
      %reduce_sum3A_750 = tpu.scan <sum>, %scan3A_674#18 masked %reduce_sum3A_749 : vector<16xf32>, vector<16xi1> -> vector<16xf32>
      %reduce_sum3A_751 = vector.extract %reduce_sum3A_750[15] : f32 from vector<16xf32>
      %reduce_sum3A_752 = arith.constant true
      %reduce_sum3A_753 = vector.broadcast %reduce_sum3A_752 : i1 to vector<16xi1>
      %reduce_sum3A_754 = tpu.scan <sum>, %scan3A_674#19 masked %reduce_sum3A_753 : vector<16xf32>, vector<16xi1> -> vector<16xf32>
      %reduce_sum3A_755 = vector.extract %reduce_sum3A_754[15] : f32 from vector<16xf32>
      %reduce_sum3A_756 = arith.constant true
      %reduce_sum3A_757 = vector.broadcast %reduce_sum3A_756 : i1 to vector<16xi1>
      %reduce_sum3A_758 = tpu.scan <sum>, %scan3A_674#20 masked %reduce_sum3A_757 : vector<16xf32>, vector<16xi1> -> vector<16xf32>
      %reduce_sum3A_759 = vector.extract %reduce_sum3A_758[15] : f32 from vector<16xf32>
      %reduce_sum3A_760 = arith.constant true
      %reduce_sum3A_761 = vector.broadcast %reduce_sum3A_760 : i1 to vector<16xi1>
      %reduce_sum3A_762 = tpu.scan <sum>, %scan3A_674#21 masked %reduce_sum3A_761 : vector<16xf32>, vector<16xi1> -> vector<16xf32>
      %reduce_sum3A_763 = vector.extract %reduce_sum3A_762[15] : f32 from vector<16xf32>
      %reduce_sum3A_764 = arith.constant true
      %reduce_sum3A_765 = vector.broadcast %reduce_sum3A_764 : i1 to vector<16xi1>
      %reduce_sum3A_766 = tpu.scan <sum>, %scan3A_674#22 masked %reduce_sum3A_765 : vector<16xf32>, vector<16xi1> -> vector<16xf32>
      %reduce_sum3A_767 = vector.extract %reduce_sum3A_766[15] : f32 from vector<16xf32>
      %reduce_sum3A_768 = arith.constant true
      %reduce_sum3A_769 = vector.broadcast %reduce_sum3A_768 : i1 to vector<16xi1>
      %reduce_sum3A_770 = tpu.scan <sum>, %scan3A_674#23 masked %reduce_sum3A_769 : vector<16xf32>, vector<16xi1> -> vector<16xf32>
      %reduce_sum3A_771 = vector.extract %reduce_sum3A_770[15] : f32 from vector<16xf32>
      %reduce_sum3A_772 = arith.constant true
      %reduce_sum3A_773 = vector.broadcast %reduce_sum3A_772 : i1 to vector<16xi1>
      %reduce_sum3A_774 = tpu.scan <sum>, %scan3A_674#24 masked %reduce_sum3A_773 : vector<16xf32>, vector<16xi1> -> vector<16xf32>
      %reduce_sum3A_775 = vector.extract %reduce_sum3A_774[15] : f32 from vector<16xf32>
      %reduce_sum3A_776 = arith.constant true
      %reduce_sum3A_777 = vector.broadcast %reduce_sum3A_776 : i1 to vector<16xi1>
      %reduce_sum3A_778 = tpu.scan <sum>, %scan3A_674#25 masked %reduce_sum3A_777 : vector<16xf32>, vector<16xi1> -> vector<16xf32>
      %reduce_sum3A_779 = vector.extract %reduce_sum3A_778[15] : f32 from vector<16xf32>
      %reduce_sum3A_780 = arith.constant true
      %reduce_sum3A_781 = vector.broadcast %reduce_sum3A_780 : i1 to vector<16xi1>
      %reduce_sum3A_782 = tpu.scan <sum>, %scan3A_674#26 masked %reduce_sum3A_781 : vector<16xf32>, vector<16xi1> -> vector<16xf32>
      %reduce_sum3A_783 = vector.extract %reduce_sum3A_782[15] : f32 from vector<16xf32>
      %reduce_sum3A_784 = arith.constant true
      %reduce_sum3A_785 = vector.broadcast %reduce_sum3A_784 : i1 to vector<16xi1>
      %reduce_sum3A_786 = tpu.scan <sum>, %scan3A_674#27 masked %reduce_sum3A_785 : vector<16xf32>, vector<16xi1> -> vector<16xf32>
      %reduce_sum3A_787 = vector.extract %reduce_sum3A_786[15] : f32 from vector<16xf32>
      %reduce_sum3A_788 = arith.constant true
      %reduce_sum3A_789 = vector.broadcast %reduce_sum3A_788 : i1 to vector<16xi1>
      %reduce_sum3A_790 = tpu.scan <sum>, %scan3A_674#28 masked %reduce_sum3A_789 : vector<16xf32>, vector<16xi1> -> vector<16xf32>
      %reduce_sum3A_791 = vector.extract %reduce_sum3A_790[15] : f32 from vector<16xf32>
      %reduce_sum3A_792 = arith.constant true
      %reduce_sum3A_793 = vector.broadcast %reduce_sum3A_792 : i1 to vector<16xi1>
      %reduce_sum3A_794 = tpu.scan <sum>, %scan3A_674#29 masked %reduce_sum3A_793 : vector<16xf32>, vector<16xi1> -> vector<16xf32>
      %reduce_sum3A_795 = vector.extract %reduce_sum3A_794[15] : f32 from vector<16xf32>
      %reduce_sum3A_796 = arith.constant true
      %reduce_sum3A_797 = vector.broadcast %reduce_sum3A_796 : i1 to vector<16xi1>
      %reduce_sum3A_798 = tpu.scan <sum>, %scan3A_674#30 masked %reduce_sum3A_797 : vector<16xf32>, vector<16xi1> -> vector<16xf32>
      %reduce_sum3A_799 = vector.extract %reduce_sum3A_798[15] : f32 from vector<16xf32>
      %reduce_sum3A_800 = arith.constant true
      %reduce_sum3A_801 = vector.broadcast %reduce_sum3A_800 : i1 to vector<16xi1>
      %reduce_sum3A_802 = tpu.scan <sum>, %scan3A_674#31 masked %reduce_sum3A_801 : vector<16xf32>, vector<16xi1> -> vector<16xf32>
      %reduce_sum3A_803 = vector.extract %reduce_sum3A_802[15] : f32 from vector<16xf32>
      %broadcast_in_dim3A_804 = arith.constant 0.000000e+00 : f32
      %broadcast_in_dim3A_805 = vector.broadcast %broadcast_in_dim3A_804 : f32 to vector<16xf32>
      %eq3A = arith.constant 0 : i32
      %eq3A_806 = vector.broadcast %eq3A : i32 to vector<16xi32>
      %eq3A_807 = arith.cmpi eq, %iota3A, %eq3A_806 : vector<16xi32>
      %broadcast_in_dim3A_808 = vector.broadcast %reduce_sum3A_85 : f32 to vector<16xf32>
      %select_n3A = arith.select %eq3A_807, %broadcast_in_dim3A_808, %broadcast_in_dim3A_805 : vector<16xi1>, vector<16xf32>
      %eq3A_809 = arith.constant 8 : i32
      %eq3A_810 = vector.broadcast %eq3A_809 : i32 to vector<16xi32>
      %eq3A_811 = arith.cmpi eq, %iota3A, %eq3A_810 : vector<16xi32>
      %broadcast_in_dim3A_812 = vector.broadcast %reduce_sum3A_117 : f32 to vector<16xf32>
      %select_n3A_813 = arith.select %eq3A_811, %broadcast_in_dim3A_812, %select_n3A : vector<16xi1>, vector<16xf32>
      %eq3A_814 = arith.constant 1 : i32
      %eq3A_815 = vector.broadcast %eq3A_814 : i32 to vector<16xi32>
      %eq3A_816 = arith.cmpi eq, %iota3A, %eq3A_815 : vector<16xi32>
      %broadcast_in_dim3A_817 = vector.broadcast %reduce_sum3A_89 : f32 to vector<16xf32>
      %select_n3A_818 = arith.select %eq3A_816, %broadcast_in_dim3A_817, %select_n3A_813 : vector<16xi1>, vector<16xf32>
      %eq3A_819 = arith.constant 9 : i32
      %eq3A_820 = vector.broadcast %eq3A_819 : i32 to vector<16xi32>
      %eq3A_821 = arith.cmpi eq, %iota3A, %eq3A_820 : vector<16xi32>
      %broadcast_in_dim3A_822 = vector.broadcast %reduce_sum3A_121 : f32 to vector<16xf32>
      %select_n3A_823 = arith.select %eq3A_821, %broadcast_in_dim3A_822, %select_n3A_818 : vector<16xi1>, vector<16xf32>
      %eq3A_824 = arith.constant 2 : i32
      %eq3A_825 = vector.broadcast %eq3A_824 : i32 to vector<16xi32>
      %eq3A_826 = arith.cmpi eq, %iota3A, %eq3A_825 : vector<16xi32>
      %broadcast_in_dim3A_827 = vector.broadcast %reduce_sum3A_93 : f32 to vector<16xf32>
      %select_n3A_828 = arith.select %eq3A_826, %broadcast_in_dim3A_827, %select_n3A_823 : vector<16xi1>, vector<16xf32>
      %eq3A_829 = arith.constant 10 : i32
      %eq3A_830 = vector.broadcast %eq3A_829 : i32 to vector<16xi32>
      %eq3A_831 = arith.cmpi eq, %iota3A, %eq3A_830 : vector<16xi32>
      %broadcast_in_dim3A_832 = vector.broadcast %reduce_sum3A_125 : f32 to vector<16xf32>
      %select_n3A_833 = arith.select %eq3A_831, %broadcast_in_dim3A_832, %select_n3A_828 : vector<16xi1>, vector<16xf32>
      %eq3A_834 = arith.constant 3 : i32
      %eq3A_835 = vector.broadcast %eq3A_834 : i32 to vector<16xi32>
      %eq3A_836 = arith.cmpi eq, %iota3A, %eq3A_835 : vector<16xi32>
      %broadcast_in_dim3A_837 = vector.broadcast %reduce_sum3A_97 : f32 to vector<16xf32>
      %select_n3A_838 = arith.select %eq3A_836, %broadcast_in_dim3A_837, %select_n3A_833 : vector<16xi1>, vector<16xf32>
      %eq3A_839 = arith.constant 11 : i32
      %eq3A_840 = vector.broadcast %eq3A_839 : i32 to vector<16xi32>
      %eq3A_841 = arith.cmpi eq, %iota3A, %eq3A_840 : vector<16xi32>
      %broadcast_in_dim3A_842 = vector.broadcast %reduce_sum3A_129 : f32 to vector<16xf32>
      %select_n3A_843 = arith.select %eq3A_841, %broadcast_in_dim3A_842, %select_n3A_838 : vector<16xi1>, vector<16xf32>
      %eq3A_844 = arith.constant 4 : i32
      %eq3A_845 = vector.broadcast %eq3A_844 : i32 to vector<16xi32>
      %eq3A_846 = arith.cmpi eq, %iota3A, %eq3A_845 : vector<16xi32>
      %broadcast_in_dim3A_847 = vector.broadcast %reduce_sum3A_101 : f32 to vector<16xf32>
      %select_n3A_848 = arith.select %eq3A_846, %broadcast_in_dim3A_847, %select_n3A_843 : vector<16xi1>, vector<16xf32>
      %eq3A_849 = arith.constant 12 : i32
      %eq3A_850 = vector.broadcast %eq3A_849 : i32 to vector<16xi32>
      %eq3A_851 = arith.cmpi eq, %iota3A, %eq3A_850 : vector<16xi32>
      %broadcast_in_dim3A_852 = vector.broadcast %reduce_sum3A_133 : f32 to vector<16xf32>
      %select_n3A_853 = arith.select %eq3A_851, %broadcast_in_dim3A_852, %select_n3A_848 : vector<16xi1>, vector<16xf32>
      %eq3A_854 = arith.constant 5 : i32
      %eq3A_855 = vector.broadcast %eq3A_854 : i32 to vector<16xi32>
      %eq3A_856 = arith.cmpi eq, %iota3A, %eq3A_855 : vector<16xi32>
      %broadcast_in_dim3A_857 = vector.broadcast %reduce_sum3A_105 : f32 to vector<16xf32>
      %select_n3A_858 = arith.select %eq3A_856, %broadcast_in_dim3A_857, %select_n3A_853 : vector<16xi1>, vector<16xf32>
      %eq3A_859 = arith.constant 13 : i32
      %eq3A_860 = vector.broadcast %eq3A_859 : i32 to vector<16xi32>
      %eq3A_861 = arith.cmpi eq, %iota3A, %eq3A_860 : vector<16xi32>
      %broadcast_in_dim3A_862 = vector.broadcast %reduce_sum3A_137 : f32 to vector<16xf32>
      %select_n3A_863 = arith.select %eq3A_861, %broadcast_in_dim3A_862, %select_n3A_858 : vector<16xi1>, vector<16xf32>
      %eq3A_864 = arith.constant 6 : i32
      %eq3A_865 = vector.broadcast %eq3A_864 : i32 to vector<16xi32>
      %eq3A_866 = arith.cmpi eq, %iota3A, %eq3A_865 : vector<16xi32>
      %broadcast_in_dim3A_867 = vector.broadcast %reduce_sum3A_109 : f32 to vector<16xf32>
      %select_n3A_868 = arith.select %eq3A_866, %broadcast_in_dim3A_867, %select_n3A_863 : vector<16xi1>, vector<16xf32>
      %eq3A_869 = arith.constant 14 : i32
      %eq3A_870 = vector.broadcast %eq3A_869 : i32 to vector<16xi32>
      %eq3A_871 = arith.cmpi eq, %iota3A, %eq3A_870 : vector<16xi32>
      %broadcast_in_dim3A_872 = vector.broadcast %reduce_sum3A_141 : f32 to vector<16xf32>
      %select_n3A_873 = arith.select %eq3A_871, %broadcast_in_dim3A_872, %select_n3A_868 : vector<16xi1>, vector<16xf32>
      %eq3A_874 = arith.constant 7 : i32
      %eq3A_875 = vector.broadcast %eq3A_874 : i32 to vector<16xi32>
      %eq3A_876 = arith.cmpi eq, %iota3A, %eq3A_875 : vector<16xi32>
      %broadcast_in_dim3A_877 = vector.broadcast %reduce_sum3A_113 : f32 to vector<16xf32>
      %select_n3A_878 = arith.select %eq3A_876, %broadcast_in_dim3A_877, %select_n3A_873 : vector<16xi1>, vector<16xf32>
      %eq3A_879 = arith.constant 15 : i32
      %eq3A_880 = vector.broadcast %eq3A_879 : i32 to vector<16xi32>
      %eq3A_881 = arith.cmpi eq, %iota3A, %eq3A_880 : vector<16xi32>
      %broadcast_in_dim3A_882 = vector.broadcast %reduce_sum3A_145 : f32 to vector<16xf32>
      %select_n3A_883 = arith.select %eq3A_881, %broadcast_in_dim3A_882, %select_n3A_878 : vector<16xi1>, vector<16xf32>
      %add3A_884 = arith.addf %select_n3A_883, %get3A_5 : vector<16xf32>
      %exp3A = math.exp %add3A_884 : vector<16xf32>
      %broadcast_in_dim3A_885 = arith.constant true
      %broadcast_in_dim3A_886 = vector.broadcast %broadcast_in_dim3A_885 : i1 to vector<16xi1>
      %masked_cumsum3A = tpu.scan <sum>, %exp3A masked %broadcast_in_dim3A_886 : vector<16xf32>, vector<16xi1> -> vector<16xf32>
      %slice3A = vector.extract_strided_slice %masked_cumsum3A {offsets = [7], sizes = [1], strides = [1]} : vector<16xf32> to vector<1xf32>
      %squeeze3A = vector.extract %slice3A[0] : f32 from vector<1xf32>
      %slice3A_887 = vector.extract_strided_slice %masked_cumsum3A {offsets = [15], sizes = [1], strides = [1]} : vector<16xf32> to vector<1xf32>
      %squeeze3A_888 = vector.extract %slice3A_887[0] : f32 from vector<1xf32>
      %sub3A = arith.subf %squeeze3A_888, %squeeze3A : f32
      %lt3A = arith.constant 8 : i32
      %lt3A_889 = vector.broadcast %lt3A : i32 to vector<16xi32>
      %lt3A_890 = arith.cmpi slt, %iota3A, %lt3A_889 : vector<16xi32>
      %broadcast_in_dim3A_891 = vector.broadcast %squeeze3A : f32 to vector<16xf32>
      %broadcast_in_dim3A_892 = vector.broadcast %sub3A : f32 to vector<16xf32>
      %select_n3A_893 = arith.select %lt3A_890, %broadcast_in_dim3A_891, %broadcast_in_dim3A_892 : vector<16xi1>, vector<16xf32>
      %div3A = arith.divf %exp3A, %select_n3A_893 : vector<16xf32>
      %swap3A = arith.constant 0 : i32
      %swap3A_894 = arith.index_cast %swap3A : i32 to index
      %swap3A_895 = arith.constant 0 : index
      %swap3A_896 = tpu.vector_load %arg9[%swap3A_894, %swap3A_895] {strides = array<i32>} : memref<8x16xf32, #tpu.memory_space<vmem>>, vector<16xf32>,
      tpu.vector_store %arg9[%swap3A_894, %swap3A_895], %div3A {strides = array<i32>} : memref<8x16xf32, #tpu.memory_space<vmem>>, vector<16xf32>,
      %broadcast_in_dim3A_897 = arith.constant 0.000000e+00 : f32
      %broadcast_in_dim3A_898 = vector.broadcast %broadcast_in_dim3A_897 : f32 to vector<16xf32>
      %eq3A_899 = arith.constant 0 : i32
      %eq3A_900 = vector.broadcast %eq3A_899 : i32 to vector<16xi32>
      %eq3A_901 = arith.cmpi eq, %iota3A, %eq3A_900 : vector<16xi32>
      %broadcast_in_dim3A_902 = vector.broadcast %reduce_sum3A_149 : f32 to vector<16xf32>
      %select_n3A_903 = arith.select %eq3A_901, %broadcast_in_dim3A_902, %broadcast_in_dim3A_898 : vector<16xi1>, vector<16xf32>
      %eq3A_904 = arith.constant 8 : i32
      %eq3A_905 = vector.broadcast %eq3A_904 : i32 to vector<16xi32>
      %eq3A_906 = arith.cmpi eq, %iota3A, %eq3A_905 : vector<16xi32>
      %broadcast_in_dim3A_907 = vector.broadcast %reduce_sum3A_181 : f32 to vector<16xf32>
      %select_n3A_908 = arith.select %eq3A_906, %broadcast_in_dim3A_907, %select_n3A_903 : vector<16xi1>, vector<16xf32>
      %eq3A_909 = arith.constant 1 : i32
      %eq3A_910 = vector.broadcast %eq3A_909 : i32 to vector<16xi32>
      %eq3A_911 = arith.cmpi eq, %iota3A, %eq3A_910 : vector<16xi32>
      %broadcast_in_dim3A_912 = vector.broadcast %reduce_sum3A_153 : f32 to vector<16xf32>
      %select_n3A_913 = arith.select %eq3A_911, %broadcast_in_dim3A_912, %select_n3A_908 : vector<16xi1>, vector<16xf32>
      %eq3A_914 = arith.constant 9 : i32
      %eq3A_915 = vector.broadcast %eq3A_914 : i32 to vector<16xi32>
      %eq3A_916 = arith.cmpi eq, %iota3A, %eq3A_915 : vector<16xi32>
      %broadcast_in_dim3A_917 = vector.broadcast %reduce_sum3A_185 : f32 to vector<16xf32>
      %select_n3A_918 = arith.select %eq3A_916, %broadcast_in_dim3A_917, %select_n3A_913 : vector<16xi1>, vector<16xf32>
      %eq3A_919 = arith.constant 2 : i32
      %eq3A_920 = vector.broadcast %eq3A_919 : i32 to vector<16xi32>
      %eq3A_921 = arith.cmpi eq, %iota3A, %eq3A_920 : vector<16xi32>
      %broadcast_in_dim3A_922 = vector.broadcast %reduce_sum3A_157 : f32 to vector<16xf32>
      %select_n3A_923 = arith.select %eq3A_921, %broadcast_in_dim3A_922, %select_n3A_918 : vector<16xi1>, vector<16xf32>
      %eq3A_924 = arith.constant 10 : i32
      %eq3A_925 = vector.broadcast %eq3A_924 : i32 to vector<16xi32>
      %eq3A_926 = arith.cmpi eq, %iota3A, %eq3A_925 : vector<16xi32>
      %broadcast_in_dim3A_927 = vector.broadcast %reduce_sum3A_189 : f32 to vector<16xf32>
      %select_n3A_928 = arith.select %eq3A_926, %broadcast_in_dim3A_927, %select_n3A_923 : vector<16xi1>, vector<16xf32>
      %eq3A_929 = arith.constant 3 : i32
      %eq3A_930 = vector.broadcast %eq3A_929 : i32 to vector<16xi32>
      %eq3A_931 = arith.cmpi eq, %iota3A, %eq3A_930 : vector<16xi32>
      %broadcast_in_dim3A_932 = vector.broadcast %reduce_sum3A_161 : f32 to vector<16xf32>
      %select_n3A_933 = arith.select %eq3A_931, %broadcast_in_dim3A_932, %select_n3A_928 : vector<16xi1>, vector<16xf32>
      %eq3A_934 = arith.constant 11 : i32
      %eq3A_935 = vector.broadcast %eq3A_934 : i32 to vector<16xi32>
      %eq3A_936 = arith.cmpi eq, %iota3A, %eq3A_935 : vector<16xi32>
      %broadcast_in_dim3A_937 = vector.broadcast %reduce_sum3A_193 : f32 to vector<16xf32>
      %select_n3A_938 = arith.select %eq3A_936, %broadcast_in_dim3A_937, %select_n3A_933 : vector<16xi1>, vector<16xf32>
      %eq3A_939 = arith.constant 4 : i32
      %eq3A_940 = vector.broadcast %eq3A_939 : i32 to vector<16xi32>
      %eq3A_941 = arith.cmpi eq, %iota3A, %eq3A_940 : vector<16xi32>
      %broadcast_in_dim3A_942 = vector.broadcast %reduce_sum3A_165 : f32 to vector<16xf32>
      %select_n3A_943 = arith.select %eq3A_941, %broadcast_in_dim3A_942, %select_n3A_938 : vector<16xi1>, vector<16xf32>
      %eq3A_944 = arith.constant 12 : i32
      %eq3A_945 = vector.broadcast %eq3A_944 : i32 to vector<16xi32>
      %eq3A_946 = arith.cmpi eq, %iota3A, %eq3A_945 : vector<16xi32>
      %broadcast_in_dim3A_947 = vector.broadcast %reduce_sum3A_197 : f32 to vector<16xf32>
      %select_n3A_948 = arith.select %eq3A_946, %broadcast_in_dim3A_947, %select_n3A_943 : vector<16xi1>, vector<16xf32>
      %eq3A_949 = arith.constant 5 : i32
      %eq3A_950 = vector.broadcast %eq3A_949 : i32 to vector<16xi32>
      %eq3A_951 = arith.cmpi eq, %iota3A, %eq3A_950 : vector<16xi32>
      %broadcast_in_dim3A_952 = vector.broadcast %reduce_sum3A_169 : f32 to vector<16xf32>
      %select_n3A_953 = arith.select %eq3A_951, %broadcast_in_dim3A_952, %select_n3A_948 : vector<16xi1>, vector<16xf32>
      %eq3A_954 = arith.constant 13 : i32
      %eq3A_955 = vector.broadcast %eq3A_954 : i32 to vector<16xi32>
      %eq3A_956 = arith.cmpi eq, %iota3A, %eq3A_955 : vector<16xi32>
      %broadcast_in_dim3A_957 = vector.broadcast %reduce_sum3A_201 : f32 to vector<16xf32>
      %select_n3A_958 = arith.select %eq3A_956, %broadcast_in_dim3A_957, %select_n3A_953 : vector<16xi1>, vector<16xf32>
      %eq3A_959 = arith.constant 6 : i32
      %eq3A_960 = vector.broadcast %eq3A_959 : i32 to vector<16xi32>
      %eq3A_961 = arith.cmpi eq, %iota3A, %eq3A_960 : vector<16xi32>
      %broadcast_in_dim3A_962 = vector.broadcast %reduce_sum3A_173 : f32 to vector<16xf32>
      %select_n3A_963 = arith.select %eq3A_961, %broadcast_in_dim3A_962, %select_n3A_958 : vector<16xi1>, vector<16xf32>
      %eq3A_964 = arith.constant 14 : i32
      %eq3A_965 = vector.broadcast %eq3A_964 : i32 to vector<16xi32>
      %eq3A_966 = arith.cmpi eq, %iota3A, %eq3A_965 : vector<16xi32>
      %broadcast_in_dim3A_967 = vector.broadcast %reduce_sum3A_205 : f32 to vector<16xf32>
      %select_n3A_968 = arith.select %eq3A_966, %broadcast_in_dim3A_967, %select_n3A_963 : vector<16xi1>, vector<16xf32>
      %eq3A_969 = arith.constant 7 : i32
      %eq3A_970 = vector.broadcast %eq3A_969 : i32 to vector<16xi32>
      %eq3A_971 = arith.cmpi eq, %iota3A, %eq3A_970 : vector<16xi32>
      %broadcast_in_dim3A_972 = vector.broadcast %reduce_sum3A_177 : f32 to vector<16xf32>
      %select_n3A_973 = arith.select %eq3A_971, %broadcast_in_dim3A_972, %select_n3A_968 : vector<16xi1>, vector<16xf32>
      %eq3A_974 = arith.constant 15 : i32
      %eq3A_975 = vector.broadcast %eq3A_974 : i32 to vector<16xi32>
      %eq3A_976 = arith.cmpi eq, %iota3A, %eq3A_975 : vector<16xi32>
      %broadcast_in_dim3A_977 = vector.broadcast %reduce_sum3A_209 : f32 to vector<16xf32>
      %select_n3A_978 = arith.select %eq3A_976, %broadcast_in_dim3A_977, %select_n3A_973 : vector<16xi1>, vector<16xf32>
      %add3A_979 = arith.addf %select_n3A_978, %get3A_5 : vector<16xf32>
      %exp3A_980 = math.exp %add3A_979 : vector<16xf32>
      %broadcast_in_dim3A_981 = arith.constant true
      %broadcast_in_dim3A_982 = vector.broadcast %broadcast_in_dim3A_981 : i1 to vector<16xi1>
      %masked_cumsum3A_983 = tpu.scan <sum>, %exp3A_980 masked %broadcast_in_dim3A_982 : vector<16xf32>, vector<16xi1> -> vector<16xf32>
      %slice3A_984 = vector.extract_strided_slice %masked_cumsum3A_983 {offsets = [7], sizes = [1], strides = [1]} : vector<16xf32> to vector<1xf32>
      %squeeze3A_985 = vector.extract %slice3A_984[0] : f32 from vector<1xf32>
      %slice3A_986 = vector.extract_strided_slice %masked_cumsum3A_983 {offsets = [15], sizes = [1], strides = [1]} : vector<16xf32> to vector<1xf32>
      %squeeze3A_987 = vector.extract %slice3A_986[0] : f32 from vector<1xf32>
      %sub3A_988 = arith.subf %squeeze3A_987, %squeeze3A_985 : f32
      %lt3A_989 = arith.constant 8 : i32
      %lt3A_990 = vector.broadcast %lt3A_989 : i32 to vector<16xi32>
      %lt3A_991 = arith.cmpi slt, %iota3A, %lt3A_990 : vector<16xi32>
      %broadcast_in_dim3A_992 = vector.broadcast %squeeze3A_985 : f32 to vector<16xf32>
      %broadcast_in_dim3A_993 = vector.broadcast %sub3A_988 : f32 to vector<16xf32>
      %select_n3A_994 = arith.select %lt3A_991, %broadcast_in_dim3A_992, %broadcast_in_dim3A_993 : vector<16xi1>, vector<16xf32>
      %div3A_995 = arith.divf %exp3A_980, %select_n3A_994 : vector<16xf32>
      %swap3A_996 = arith.constant 1 : i32
      %swap3A_997 = arith.index_cast %swap3A_996 : i32 to index
      %swap3A_998 = arith.constant 0 : index
      %swap3A_999 = tpu.vector_load %arg9[%swap3A_997, %swap3A_998] {strides = array<i32>} : memref<8x16xf32, #tpu.memory_space<vmem>>, vector<16xf32>,
      tpu.vector_store %arg9[%swap3A_997, %swap3A_998], %div3A_995 {strides = array<i32>} : memref<8x16xf32, #tpu.memory_space<vmem>>, vector<16xf32>,
      %broadcast_in_dim3A_1000 = arith.constant 0.000000e+00 : f32
      %broadcast_in_dim3A_1001 = vector.broadcast %broadcast_in_dim3A_1000 : f32 to vector<16xf32>
      %eq3A_1002 = arith.constant 0 : i32
      %eq3A_1003 = vector.broadcast %eq3A_1002 : i32 to vector<16xi32>
      %eq3A_1004 = arith.cmpi eq, %iota3A, %eq3A_1003 : vector<16xi32>
      %broadcast_in_dim3A_1005 = vector.broadcast %reduce_sum3A_283 : f32 to vector<16xf32>
      %select_n3A_1006 = arith.select %eq3A_1004, %broadcast_in_dim3A_1005, %broadcast_in_dim3A_1001 : vector<16xi1>, vector<16xf32>
      %eq3A_1007 = arith.constant 8 : i32
      %eq3A_1008 = vector.broadcast %eq3A_1007 : i32 to vector<16xi32>
      %eq3A_1009 = arith.cmpi eq, %iota3A, %eq3A_1008 : vector<16xi32>
      %broadcast_in_dim3A_1010 = vector.broadcast %reduce_sum3A_315 : f32 to vector<16xf32>
      %select_n3A_1011 = arith.select %eq3A_1009, %broadcast_in_dim3A_1010, %select_n3A_1006 : vector<16xi1>, vector<16xf32>
      %eq3A_1012 = arith.constant 1 : i32
      %eq3A_1013 = vector.broadcast %eq3A_1012 : i32 to vector<16xi32>
      %eq3A_1014 = arith.cmpi eq, %iota3A, %eq3A_1013 : vector<16xi32>
      %broadcast_in_dim3A_1015 = vector.broadcast %reduce_sum3A_287 : f32 to vector<16xf32>
      %select_n3A_1016 = arith.select %eq3A_1014, %broadcast_in_dim3A_1015, %select_n3A_1011 : vector<16xi1>, vector<16xf32>
      %eq3A_1017 = arith.constant 9 : i32
      %eq3A_1018 = vector.broadcast %eq3A_1017 : i32 to vector<16xi32>
      %eq3A_1019 = arith.cmpi eq, %iota3A, %eq3A_1018 : vector<16xi32>
      %broadcast_in_dim3A_1020 = vector.broadcast %reduce_sum3A_319 : f32 to vector<16xf32>
      %select_n3A_1021 = arith.select %eq3A_1019, %broadcast_in_dim3A_1020, %select_n3A_1016 : vector<16xi1>, vector<16xf32>
      %eq3A_1022 = arith.constant 2 : i32
      %eq3A_1023 = vector.broadcast %eq3A_1022 : i32 to vector<16xi32>
      %eq3A_1024 = arith.cmpi eq, %iota3A, %eq3A_1023 : vector<16xi32>
      %broadcast_in_dim3A_1025 = vector.broadcast %reduce_sum3A_291 : f32 to vector<16xf32>
      %select_n3A_1026 = arith.select %eq3A_1024, %broadcast_in_dim3A_1025, %select_n3A_1021 : vector<16xi1>, vector<16xf32>
      %eq3A_1027 = arith.constant 10 : i32
      %eq3A_1028 = vector.broadcast %eq3A_1027 : i32 to vector<16xi32>
      %eq3A_1029 = arith.cmpi eq, %iota3A, %eq3A_1028 : vector<16xi32>
      %broadcast_in_dim3A_1030 = vector.broadcast %reduce_sum3A_323 : f32 to vector<16xf32>
      %select_n3A_1031 = arith.select %eq3A_1029, %broadcast_in_dim3A_1030, %select_n3A_1026 : vector<16xi1>, vector<16xf32>
      %eq3A_1032 = arith.constant 3 : i32
      %eq3A_1033 = vector.broadcast %eq3A_1032 : i32 to vector<16xi32>
      %eq3A_1034 = arith.cmpi eq, %iota3A, %eq3A_1033 : vector<16xi32>
      %broadcast_in_dim3A_1035 = vector.broadcast %reduce_sum3A_295 : f32 to vector<16xf32>
      %select_n3A_1036 = arith.select %eq3A_1034, %broadcast_in_dim3A_1035, %select_n3A_1031 : vector<16xi1>, vector<16xf32>
      %eq3A_1037 = arith.constant 11 : i32
      %eq3A_1038 = vector.broadcast %eq3A_1037 : i32 to vector<16xi32>
      %eq3A_1039 = arith.cmpi eq, %iota3A, %eq3A_1038 : vector<16xi32>
      %broadcast_in_dim3A_1040 = vector.broadcast %reduce_sum3A_327 : f32 to vector<16xf32>
      %select_n3A_1041 = arith.select %eq3A_1039, %broadcast_in_dim3A_1040, %select_n3A_1036 : vector<16xi1>, vector<16xf32>
      %eq3A_1042 = arith.constant 4 : i32
      %eq3A_1043 = vector.broadcast %eq3A_1042 : i32 to vector<16xi32>
      %eq3A_1044 = arith.cmpi eq, %iota3A, %eq3A_1043 : vector<16xi32>
      %broadcast_in_dim3A_1045 = vector.broadcast %reduce_sum3A_299 : f32 to vector<16xf32>
      %select_n3A_1046 = arith.select %eq3A_1044, %broadcast_in_dim3A_1045, %select_n3A_1041 : vector<16xi1>, vector<16xf32>
      %eq3A_1047 = arith.constant 12 : i32
      %eq3A_1048 = vector.broadcast %eq3A_1047 : i32 to vector<16xi32>
      %eq3A_1049 = arith.cmpi eq, %iota3A, %eq3A_1048 : vector<16xi32>
      %broadcast_in_dim3A_1050 = vector.broadcast %reduce_sum3A_331 : f32 to vector<16xf32>
      %select_n3A_1051 = arith.select %eq3A_1049, %broadcast_in_dim3A_1050, %select_n3A_1046 : vector<16xi1>, vector<16xf32>
      %eq3A_1052 = arith.constant 5 : i32
      %eq3A_1053 = vector.broadcast %eq3A_1052 : i32 to vector<16xi32>
      %eq3A_1054 = arith.cmpi eq, %iota3A, %eq3A_1053 : vector<16xi32>
      %broadcast_in_dim3A_1055 = vector.broadcast %reduce_sum3A_303 : f32 to vector<16xf32>
      %select_n3A_1056 = arith.select %eq3A_1054, %broadcast_in_dim3A_1055, %select_n3A_1051 : vector<16xi1>, vector<16xf32>
      %eq3A_1057 = arith.constant 13 : i32
      %eq3A_1058 = vector.broadcast %eq3A_1057 : i32 to vector<16xi32>
      %eq3A_1059 = arith.cmpi eq, %iota3A, %eq3A_1058 : vector<16xi32>
      %broadcast_in_dim3A_1060 = vector.broadcast %reduce_sum3A_335 : f32 to vector<16xf32>
      %select_n3A_1061 = arith.select %eq3A_1059, %broadcast_in_dim3A_1060, %select_n3A_1056 : vector<16xi1>, vector<16xf32>
      %eq3A_1062 = arith.constant 6 : i32
      %eq3A_1063 = vector.broadcast %eq3A_1062 : i32 to vector<16xi32>
      %eq3A_1064 = arith.cmpi eq, %iota3A, %eq3A_1063 : vector<16xi32>
      %broadcast_in_dim3A_1065 = vector.broadcast %reduce_sum3A_307 : f32 to vector<16xf32>
      %select_n3A_1066 = arith.select %eq3A_1064, %broadcast_in_dim3A_1065, %select_n3A_1061 : vector<16xi1>, vector<16xf32>
      %eq3A_1067 = arith.constant 14 : i32
      %eq3A_1068 = vector.broadcast %eq3A_1067 : i32 to vector<16xi32>
      %eq3A_1069 = arith.cmpi eq, %iota3A, %eq3A_1068 : vector<16xi32>
      %broadcast_in_dim3A_1070 = vector.broadcast %reduce_sum3A_339 : f32 to vector<16xf32>
      %select_n3A_1071 = arith.select %eq3A_1069, %broadcast_in_dim3A_1070, %select_n3A_1066 : vector<16xi1>, vector<16xf32>
      %eq3A_1072 = arith.constant 7 : i32
      %eq3A_1073 = vector.broadcast %eq3A_1072 : i32 to vector<16xi32>
      %eq3A_1074 = arith.cmpi eq, %iota3A, %eq3A_1073 : vector<16xi32>
      %broadcast_in_dim3A_1075 = vector.broadcast %reduce_sum3A_311 : f32 to vector<16xf32>
      %select_n3A_1076 = arith.select %eq3A_1074, %broadcast_in_dim3A_1075, %select_n3A_1071 : vector<16xi1>, vector<16xf32>
      %eq3A_1077 = arith.constant 15 : i32
      %eq3A_1078 = vector.broadcast %eq3A_1077 : i32 to vector<16xi32>
      %eq3A_1079 = arith.cmpi eq, %iota3A, %eq3A_1078 : vector<16xi32>
      %broadcast_in_dim3A_1080 = vector.broadcast %reduce_sum3A_343 : f32 to vector<16xf32>
      %select_n3A_1081 = arith.select %eq3A_1079, %broadcast_in_dim3A_1080, %select_n3A_1076 : vector<16xi1>, vector<16xf32>
      %add3A_1082 = arith.addf %select_n3A_1081, %get3A_5 : vector<16xf32>
      %exp3A_1083 = math.exp %add3A_1082 : vector<16xf32>
      %broadcast_in_dim3A_1084 = arith.constant true
      %broadcast_in_dim3A_1085 = vector.broadcast %broadcast_in_dim3A_1084 : i1 to vector<16xi1>
      %masked_cumsum3A_1086 = tpu.scan <sum>, %exp3A_1083 masked %broadcast_in_dim3A_1085 : vector<16xf32>, vector<16xi1> -> vector<16xf32>
      %slice3A_1087 = vector.extract_strided_slice %masked_cumsum3A_1086 {offsets = [7], sizes = [1], strides = [1]} : vector<16xf32> to vector<1xf32>
      %squeeze3A_1088 = vector.extract %slice3A_1087[0] : f32 from vector<1xf32>
      %slice3A_1089 = vector.extract_strided_slice %masked_cumsum3A_1086 {offsets = [15], sizes = [1], strides = [1]} : vector<16xf32> to vector<1xf32>
      %squeeze3A_1090 = vector.extract %slice3A_1089[0] : f32 from vector<1xf32>
      %sub3A_1091 = arith.subf %squeeze3A_1090, %squeeze3A_1088 : f32
      %lt3A_1092 = arith.constant 8 : i32
      %lt3A_1093 = vector.broadcast %lt3A_1092 : i32 to vector<16xi32>
      %lt3A_1094 = arith.cmpi slt, %iota3A, %lt3A_1093 : vector<16xi32>
      %broadcast_in_dim3A_1095 = vector.broadcast %squeeze3A_1088 : f32 to vector<16xf32>
      %broadcast_in_dim3A_1096 = vector.broadcast %sub3A_1091 : f32 to vector<16xf32>
      %select_n3A_1097 = arith.select %lt3A_1094, %broadcast_in_dim3A_1095, %broadcast_in_dim3A_1096 : vector<16xi1>, vector<16xf32>
      %div3A_1098 = arith.divf %exp3A_1083, %select_n3A_1097 : vector<16xf32>
      %swap3A_1099 = arith.constant 2 : i32
      %swap3A_1100 = arith.index_cast %swap3A_1099 : i32 to index
      %swap3A_1101 = arith.constant 0 : index
      %swap3A_1102 = tpu.vector_load %arg9[%swap3A_1100, %swap3A_1101] {strides = array<i32>} : memref<8x16xf32, #tpu.memory_space<vmem>>, vector<16xf32>,
      tpu.vector_store %arg9[%swap3A_1100, %swap3A_1101], %div3A_1098 {strides = array<i32>} : memref<8x16xf32, #tpu.memory_space<vmem>>, vector<16xf32>,
      %broadcast_in_dim3A_1103 = arith.constant 0.000000e+00 : f32
      %broadcast_in_dim3A_1104 = vector.broadcast %broadcast_in_dim3A_1103 : f32 to vector<16xf32>
      %eq3A_1105 = arith.constant 0 : i32
      %eq3A_1106 = vector.broadcast %eq3A_1105 : i32 to vector<16xi32>
      %eq3A_1107 = arith.cmpi eq, %iota3A, %eq3A_1106 : vector<16xi32>
      %broadcast_in_dim3A_1108 = vector.broadcast %reduce_sum3A_347 : f32 to vector<16xf32>
      %select_n3A_1109 = arith.select %eq3A_1107, %broadcast_in_dim3A_1108, %broadcast_in_dim3A_1104 : vector<16xi1>, vector<16xf32>
      %eq3A_1110 = arith.constant 8 : i32
      %eq3A_1111 = vector.broadcast %eq3A_1110 : i32 to vector<16xi32>
      %eq3A_1112 = arith.cmpi eq, %iota3A, %eq3A_1111 : vector<16xi32>
      %broadcast_in_dim3A_1113 = vector.broadcast %reduce_sum3A_379 : f32 to vector<16xf32>
      %select_n3A_1114 = arith.select %eq3A_1112, %broadcast_in_dim3A_1113, %select_n3A_1109 : vector<16xi1>, vector<16xf32>
      %eq3A_1115 = arith.constant 1 : i32
      %eq3A_1116 = vector.broadcast %eq3A_1115 : i32 to vector<16xi32>
      %eq3A_1117 = arith.cmpi eq, %iota3A, %eq3A_1116 : vector<16xi32>
      %broadcast_in_dim3A_1118 = vector.broadcast %reduce_sum3A_351 : f32 to vector<16xf32>
      %select_n3A_1119 = arith.select %eq3A_1117, %broadcast_in_dim3A_1118, %select_n3A_1114 : vector<16xi1>, vector<16xf32>
      %eq3A_1120 = arith.constant 9 : i32
      %eq3A_1121 = vector.broadcast %eq3A_1120 : i32 to vector<16xi32>
      %eq3A_1122 = arith.cmpi eq, %iota3A, %eq3A_1121 : vector<16xi32>
      %broadcast_in_dim3A_1123 = vector.broadcast %reduce_sum3A_383 : f32 to vector<16xf32>
      %select_n3A_1124 = arith.select %eq3A_1122, %broadcast_in_dim3A_1123, %select_n3A_1119 : vector<16xi1>, vector<16xf32>
      %eq3A_1125 = arith.constant 2 : i32
      %eq3A_1126 = vector.broadcast %eq3A_1125 : i32 to vector<16xi32>
      %eq3A_1127 = arith.cmpi eq, %iota3A, %eq3A_1126 : vector<16xi32>
      %broadcast_in_dim3A_1128 = vector.broadcast %reduce_sum3A_355 : f32 to vector<16xf32>
      %select_n3A_1129 = arith.select %eq3A_1127, %broadcast_in_dim3A_1128, %select_n3A_1124 : vector<16xi1>, vector<16xf32>
      %eq3A_1130 = arith.constant 10 : i32
      %eq3A_1131 = vector.broadcast %eq3A_1130 : i32 to vector<16xi32>
      %eq3A_1132 = arith.cmpi eq, %iota3A, %eq3A_1131 : vector<16xi32>
      %broadcast_in_dim3A_1133 = vector.broadcast %reduce_sum3A_387 : f32 to vector<16xf32>
      %select_n3A_1134 = arith.select %eq3A_1132, %broadcast_in_dim3A_1133, %select_n3A_1129 : vector<16xi1>, vector<16xf32>
      %eq3A_1135 = arith.constant 3 : i32
      %eq3A_1136 = vector.broadcast %eq3A_1135 : i32 to vector<16xi32>
      %eq3A_1137 = arith.cmpi eq, %iota3A, %eq3A_1136 : vector<16xi32>
      %broadcast_in_dim3A_1138 = vector.broadcast %reduce_sum3A_359 : f32 to vector<16xf32>
      %select_n3A_1139 = arith.select %eq3A_1137, %broadcast_in_dim3A_1138, %select_n3A_1134 : vector<16xi1>, vector<16xf32>
      %eq3A_1140 = arith.constant 11 : i32
      %eq3A_1141 = vector.broadcast %eq3A_1140 : i32 to vector<16xi32>
      %eq3A_1142 = arith.cmpi eq, %iota3A, %eq3A_1141 : vector<16xi32>
      %broadcast_in_dim3A_1143 = vector.broadcast %reduce_sum3A_391 : f32 to vector<16xf32>
      %select_n3A_1144 = arith.select %eq3A_1142, %broadcast_in_dim3A_1143, %select_n3A_1139 : vector<16xi1>, vector<16xf32>
      %eq3A_1145 = arith.constant 4 : i32
      %eq3A_1146 = vector.broadcast %eq3A_1145 : i32 to vector<16xi32>
      %eq3A_1147 = arith.cmpi eq, %iota3A, %eq3A_1146 : vector<16xi32>
      %broadcast_in_dim3A_1148 = vector.broadcast %reduce_sum3A_363 : f32 to vector<16xf32>
      %select_n3A_1149 = arith.select %eq3A_1147, %broadcast_in_dim3A_1148, %select_n3A_1144 : vector<16xi1>, vector<16xf32>
      %eq3A_1150 = arith.constant 12 : i32
      %eq3A_1151 = vector.broadcast %eq3A_1150 : i32 to vector<16xi32>
      %eq3A_1152 = arith.cmpi eq, %iota3A, %eq3A_1151 : vector<16xi32>
      %broadcast_in_dim3A_1153 = vector.broadcast %reduce_sum3A_395 : f32 to vector<16xf32>
      %select_n3A_1154 = arith.select %eq3A_1152, %broadcast_in_dim3A_1153, %select_n3A_1149 : vector<16xi1>, vector<16xf32>
      %eq3A_1155 = arith.constant 5 : i32
      %eq3A_1156 = vector.broadcast %eq3A_1155 : i32 to vector<16xi32>
      %eq3A_1157 = arith.cmpi eq, %iota3A, %eq3A_1156 : vector<16xi32>
      %broadcast_in_dim3A_1158 = vector.broadcast %reduce_sum3A_367 : f32 to vector<16xf32>
      %select_n3A_1159 = arith.select %eq3A_1157, %broadcast_in_dim3A_1158, %select_n3A_1154 : vector<16xi1>, vector<16xf32>
      %eq3A_1160 = arith.constant 13 : i32
      %eq3A_1161 = vector.broadcast %eq3A_1160 : i32 to vector<16xi32>
      %eq3A_1162 = arith.cmpi eq, %iota3A, %eq3A_1161 : vector<16xi32>
      %broadcast_in_dim3A_1163 = vector.broadcast %reduce_sum3A_399 : f32 to vector<16xf32>
      %select_n3A_1164 = arith.select %eq3A_1162, %broadcast_in_dim3A_1163, %select_n3A_1159 : vector<16xi1>, vector<16xf32>
      %eq3A_1165 = arith.constant 6 : i32
      %eq3A_1166 = vector.broadcast %eq3A_1165 : i32 to vector<16xi32>
      %eq3A_1167 = arith.cmpi eq, %iota3A, %eq3A_1166 : vector<16xi32>
      %broadcast_in_dim3A_1168 = vector.broadcast %reduce_sum3A_371 : f32 to vector<16xf32>
      %select_n3A_1169 = arith.select %eq3A_1167, %broadcast_in_dim3A_1168, %select_n3A_1164 : vector<16xi1>, vector<16xf32>
      %eq3A_1170 = arith.constant 14 : i32
      %eq3A_1171 = vector.broadcast %eq3A_1170 : i32 to vector<16xi32>
      %eq3A_1172 = arith.cmpi eq, %iota3A, %eq3A_1171 : vector<16xi32>
      %broadcast_in_dim3A_1173 = vector.broadcast %reduce_sum3A_403 : f32 to vector<16xf32>
      %select_n3A_1174 = arith.select %eq3A_1172, %broadcast_in_dim3A_1173, %select_n3A_1169 : vector<16xi1>, vector<16xf32>
      %eq3A_1175 = arith.constant 7 : i32
      %eq3A_1176 = vector.broadcast %eq3A_1175 : i32 to vector<16xi32>
      %eq3A_1177 = arith.cmpi eq, %iota3A, %eq3A_1176 : vector<16xi32>
      %broadcast_in_dim3A_1178 = vector.broadcast %reduce_sum3A_375 : f32 to vector<16xf32>
      %select_n3A_1179 = arith.select %eq3A_1177, %broadcast_in_dim3A_1178, %select_n3A_1174 : vector<16xi1>, vector<16xf32>
      %eq3A_1180 = arith.constant 15 : i32
      %eq3A_1181 = vector.broadcast %eq3A_1180 : i32 to vector<16xi32>
      %eq3A_1182 = arith.cmpi eq, %iota3A, %eq3A_1181 : vector<16xi32>
      %broadcast_in_dim3A_1183 = vector.broadcast %reduce_sum3A_407 : f32 to vector<16xf32>
      %select_n3A_1184 = arith.select %eq3A_1182, %broadcast_in_dim3A_1183, %select_n3A_1179 : vector<16xi1>, vector<16xf32>
      %add3A_1185 = arith.addf %select_n3A_1184, %get3A_5 : vector<16xf32>
      %exp3A_1186 = math.exp %add3A_1185 : vector<16xf32>
      %broadcast_in_dim3A_1187 = arith.constant true
      %broadcast_in_dim3A_1188 = vector.broadcast %broadcast_in_dim3A_1187 : i1 to vector<16xi1>
      %masked_cumsum3A_1189 = tpu.scan <sum>, %exp3A_1186 masked %broadcast_in_dim3A_1188 : vector<16xf32>, vector<16xi1> -> vector<16xf32>
      %slice3A_1190 = vector.extract_strided_slice %masked_cumsum3A_1189 {offsets = [7], sizes = [1], strides = [1]} : vector<16xf32> to vector<1xf32>
      %squeeze3A_1191 = vector.extract %slice3A_1190[0] : f32 from vector<1xf32>
      %slice3A_1192 = vector.extract_strided_slice %masked_cumsum3A_1189 {offsets = [15], sizes = [1], strides = [1]} : vector<16xf32> to vector<1xf32>
      %squeeze3A_1193 = vector.extract %slice3A_1192[0] : f32 from vector<1xf32>
      %sub3A_1194 = arith.subf %squeeze3A_1193, %squeeze3A_1191 : f32
      %lt3A_1195 = arith.constant 8 : i32
      %lt3A_1196 = vector.broadcast %lt3A_1195 : i32 to vector<16xi32>
      %lt3A_1197 = arith.cmpi slt, %iota3A, %lt3A_1196 : vector<16xi32>
      %broadcast_in_dim3A_1198 = vector.broadcast %squeeze3A_1191 : f32 to vector<16xf32>
      %broadcast_in_dim3A_1199 = vector.broadcast %sub3A_1194 : f32 to vector<16xf32>
      %select_n3A_1200 = arith.select %lt3A_1197, %broadcast_in_dim3A_1198, %broadcast_in_dim3A_1199 : vector<16xi1>, vector<16xf32>
      %div3A_1201 = arith.divf %exp3A_1186, %select_n3A_1200 : vector<16xf32>
      %swap3A_1202 = arith.constant 3 : i32
      %swap3A_1203 = arith.index_cast %swap3A_1202 : i32 to index
      %swap3A_1204 = arith.constant 0 : index
      %swap3A_1205 = tpu.vector_load %arg9[%swap3A_1203, %swap3A_1204] {strides = array<i32>} : memref<8x16xf32, #tpu.memory_space<vmem>>, vector<16xf32>,
      tpu.vector_store %arg9[%swap3A_1203, %swap3A_1204], %div3A_1201 {strides = array<i32>} : memref<8x16xf32, #tpu.memory_space<vmem>>, vector<16xf32>,
      %broadcast_in_dim3A_1206 = arith.constant 0.000000e+00 : f32
      %broadcast_in_dim3A_1207 = vector.broadcast %broadcast_in_dim3A_1206 : f32 to vector<16xf32>
      %eq3A_1208 = arith.constant 0 : i32
      %eq3A_1209 = vector.broadcast %eq3A_1208 : i32 to vector<16xi32>
      %eq3A_1210 = arith.cmpi eq, %iota3A, %eq3A_1209 : vector<16xi32>
      %broadcast_in_dim3A_1211 = vector.broadcast %reduce_sum3A_481 : f32 to vector<16xf32>
      %select_n3A_1212 = arith.select %eq3A_1210, %broadcast_in_dim3A_1211, %broadcast_in_dim3A_1207 : vector<16xi1>, vector<16xf32>
      %eq3A_1213 = arith.constant 8 : i32
      %eq3A_1214 = vector.broadcast %eq3A_1213 : i32 to vector<16xi32>
      %eq3A_1215 = arith.cmpi eq, %iota3A, %eq3A_1214 : vector<16xi32>
      %broadcast_in_dim3A_1216 = vector.broadcast %reduce_sum3A_513 : f32 to vector<16xf32>
      %select_n3A_1217 = arith.select %eq3A_1215, %broadcast_in_dim3A_1216, %select_n3A_1212 : vector<16xi1>, vector<16xf32>
      %eq3A_1218 = arith.constant 1 : i32
      %eq3A_1219 = vector.broadcast %eq3A_1218 : i32 to vector<16xi32>
      %eq3A_1220 = arith.cmpi eq, %iota3A, %eq3A_1219 : vector<16xi32>
      %broadcast_in_dim3A_1221 = vector.broadcast %reduce_sum3A_485 : f32 to vector<16xf32>
      %select_n3A_1222 = arith.select %eq3A_1220, %broadcast_in_dim3A_1221, %select_n3A_1217 : vector<16xi1>, vector<16xf32>
      %eq3A_1223 = arith.constant 9 : i32
      %eq3A_1224 = vector.broadcast %eq3A_1223 : i32 to vector<16xi32>
      %eq3A_1225 = arith.cmpi eq, %iota3A, %eq3A_1224 : vector<16xi32>
      %broadcast_in_dim3A_1226 = vector.broadcast %reduce_sum3A_517 : f32 to vector<16xf32>
      %select_n3A_1227 = arith.select %eq3A_1225, %broadcast_in_dim3A_1226, %select_n3A_1222 : vector<16xi1>, vector<16xf32>
      %eq3A_1228 = arith.constant 2 : i32
      %eq3A_1229 = vector.broadcast %eq3A_1228 : i32 to vector<16xi32>
      %eq3A_1230 = arith.cmpi eq, %iota3A, %eq3A_1229 : vector<16xi32>
      %broadcast_in_dim3A_1231 = vector.broadcast %reduce_sum3A_489 : f32 to vector<16xf32>
      %select_n3A_1232 = arith.select %eq3A_1230, %broadcast_in_dim3A_1231, %select_n3A_1227 : vector<16xi1>, vector<16xf32>
      %eq3A_1233 = arith.constant 10 : i32
      %eq3A_1234 = vector.broadcast %eq3A_1233 : i32 to vector<16xi32>
      %eq3A_1235 = arith.cmpi eq, %iota3A, %eq3A_1234 : vector<16xi32>
      %broadcast_in_dim3A_1236 = vector.broadcast %reduce_sum3A_521 : f32 to vector<16xf32>
      %select_n3A_1237 = arith.select %eq3A_1235, %broadcast_in_dim3A_1236, %select_n3A_1232 : vector<16xi1>, vector<16xf32>
      %eq3A_1238 = arith.constant 3 : i32
      %eq3A_1239 = vector.broadcast %eq3A_1238 : i32 to vector<16xi32>
      %eq3A_1240 = arith.cmpi eq, %iota3A, %eq3A_1239 : vector<16xi32>
      %broadcast_in_dim3A_1241 = vector.broadcast %reduce_sum3A_493 : f32 to vector<16xf32>
      %select_n3A_1242 = arith.select %eq3A_1240, %broadcast_in_dim3A_1241, %select_n3A_1237 : vector<16xi1>, vector<16xf32>
      %eq3A_1243 = arith.constant 11 : i32
      %eq3A_1244 = vector.broadcast %eq3A_1243 : i32 to vector<16xi32>
      %eq3A_1245 = arith.cmpi eq, %iota3A, %eq3A_1244 : vector<16xi32>
      %broadcast_in_dim3A_1246 = vector.broadcast %reduce_sum3A_525 : f32 to vector<16xf32>
      %select_n3A_1247 = arith.select %eq3A_1245, %broadcast_in_dim3A_1246, %select_n3A_1242 : vector<16xi1>, vector<16xf32>
      %eq3A_1248 = arith.constant 4 : i32
      %eq3A_1249 = vector.broadcast %eq3A_1248 : i32 to vector<16xi32>
      %eq3A_1250 = arith.cmpi eq, %iota3A, %eq3A_1249 : vector<16xi32>
      %broadcast_in_dim3A_1251 = vector.broadcast %reduce_sum3A_497 : f32 to vector<16xf32>
      %select_n3A_1252 = arith.select %eq3A_1250, %broadcast_in_dim3A_1251, %select_n3A_1247 : vector<16xi1>, vector<16xf32>
      %eq3A_1253 = arith.constant 12 : i32
      %eq3A_1254 = vector.broadcast %eq3A_1253 : i32 to vector<16xi32>
      %eq3A_1255 = arith.cmpi eq, %iota3A, %eq3A_1254 : vector<16xi32>
      %broadcast_in_dim3A_1256 = vector.broadcast %reduce_sum3A_529 : f32 to vector<16xf32>
      %select_n3A_1257 = arith.select %eq3A_1255, %broadcast_in_dim3A_1256, %select_n3A_1252 : vector<16xi1>, vector<16xf32>
      %eq3A_1258 = arith.constant 5 : i32
      %eq3A_1259 = vector.broadcast %eq3A_1258 : i32 to vector<16xi32>
      %eq3A_1260 = arith.cmpi eq, %iota3A, %eq3A_1259 : vector<16xi32>
      %broadcast_in_dim3A_1261 = vector.broadcast %reduce_sum3A_501 : f32 to vector<16xf32>
      %select_n3A_1262 = arith.select %eq3A_1260, %broadcast_in_dim3A_1261, %select_n3A_1257 : vector<16xi1>, vector<16xf32>
      %eq3A_1263 = arith.constant 13 : i32
      %eq3A_1264 = vector.broadcast %eq3A_1263 : i32 to vector<16xi32>
      %eq3A_1265 = arith.cmpi eq, %iota3A, %eq3A_1264 : vector<16xi32>
      %broadcast_in_dim3A_1266 = vector.broadcast %reduce_sum3A_533 : f32 to vector<16xf32>
      %select_n3A_1267 = arith.select %eq3A_1265, %broadcast_in_dim3A_1266, %select_n3A_1262 : vector<16xi1>, vector<16xf32>
      %eq3A_1268 = arith.constant 6 : i32
      %eq3A_1269 = vector.broadcast %eq3A_1268 : i32 to vector<16xi32>
      %eq3A_1270 = arith.cmpi eq, %iota3A, %eq3A_1269 : vector<16xi32>
      %broadcast_in_dim3A_1271 = vector.broadcast %reduce_sum3A_505 : f32 to vector<16xf32>
      %select_n3A_1272 = arith.select %eq3A_1270, %broadcast_in_dim3A_1271, %select_n3A_1267 : vector<16xi1>, vector<16xf32>
      %eq3A_1273 = arith.constant 14 : i32
      %eq3A_1274 = vector.broadcast %eq3A_1273 : i32 to vector<16xi32>
      %eq3A_1275 = arith.cmpi eq, %iota3A, %eq3A_1274 : vector<16xi32>
      %broadcast_in_dim3A_1276 = vector.broadcast %reduce_sum3A_537 : f32 to vector<16xf32>
      %select_n3A_1277 = arith.select %eq3A_1275, %broadcast_in_dim3A_1276, %select_n3A_1272 : vector<16xi1>, vector<16xf32>
      %eq3A_1278 = arith.constant 7 : i32
      %eq3A_1279 = vector.broadcast %eq3A_1278 : i32 to vector<16xi32>
      %eq3A_1280 = arith.cmpi eq, %iota3A, %eq3A_1279 : vector<16xi32>
      %broadcast_in_dim3A_1281 = vector.broadcast %reduce_sum3A_509 : f32 to vector<16xf32>
      %select_n3A_1282 = arith.select %eq3A_1280, %broadcast_in_dim3A_1281, %select_n3A_1277 : vector<16xi1>, vector<16xf32>
      %eq3A_1283 = arith.constant 15 : i32
      %eq3A_1284 = vector.broadcast %eq3A_1283 : i32 to vector<16xi32>
      %eq3A_1285 = arith.cmpi eq, %iota3A, %eq3A_1284 : vector<16xi32>
      %broadcast_in_dim3A_1286 = vector.broadcast %reduce_sum3A_541 : f32 to vector<16xf32>
      %select_n3A_1287 = arith.select %eq3A_1285, %broadcast_in_dim3A_1286, %select_n3A_1282 : vector<16xi1>, vector<16xf32>
      %add3A_1288 = arith.addf %select_n3A_1287, %get3A_5 : vector<16xf32>
      %exp3A_1289 = math.exp %add3A_1288 : vector<16xf32>
      %broadcast_in_dim3A_1290 = arith.constant true
      %broadcast_in_dim3A_1291 = vector.broadcast %broadcast_in_dim3A_1290 : i1 to vector<16xi1>
      %masked_cumsum3A_1292 = tpu.scan <sum>, %exp3A_1289 masked %broadcast_in_dim3A_1291 : vector<16xf32>, vector<16xi1> -> vector<16xf32>
      %slice3A_1293 = vector.extract_strided_slice %masked_cumsum3A_1292 {offsets = [7], sizes = [1], strides = [1]} : vector<16xf32> to vector<1xf32>
      %squeeze3A_1294 = vector.extract %slice3A_1293[0] : f32 from vector<1xf32>
      %slice3A_1295 = vector.extract_strided_slice %masked_cumsum3A_1292 {offsets = [15], sizes = [1], strides = [1]} : vector<16xf32> to vector<1xf32>
      %squeeze3A_1296 = vector.extract %slice3A_1295[0] : f32 from vector<1xf32>
      %sub3A_1297 = arith.subf %squeeze3A_1296, %squeeze3A_1294 : f32
      %lt3A_1298 = arith.constant 8 : i32
      %lt3A_1299 = vector.broadcast %lt3A_1298 : i32 to vector<16xi32>
      %lt3A_1300 = arith.cmpi slt, %iota3A, %lt3A_1299 : vector<16xi32>
      %broadcast_in_dim3A_1301 = vector.broadcast %squeeze3A_1294 : f32 to vector<16xf32>
      %broadcast_in_dim3A_1302 = vector.broadcast %sub3A_1297 : f32 to vector<16xf32>
      %select_n3A_1303 = arith.select %lt3A_1300, %broadcast_in_dim3A_1301, %broadcast_in_dim3A_1302 : vector<16xi1>, vector<16xf32>
      %div3A_1304 = arith.divf %exp3A_1289, %select_n3A_1303 : vector<16xf32>
      %swap3A_1305 = arith.constant 4 : i32
      %swap3A_1306 = arith.index_cast %swap3A_1305 : i32 to index
      %swap3A_1307 = arith.constant 0 : index
      %swap3A_1308 = tpu.vector_load %arg9[%swap3A_1306, %swap3A_1307] {strides = array<i32>} : memref<8x16xf32, #tpu.memory_space<vmem>>, vector<16xf32>,
      tpu.vector_store %arg9[%swap3A_1306, %swap3A_1307], %div3A_1304 {strides = array<i32>} : memref<8x16xf32, #tpu.memory_space<vmem>>, vector<16xf32>,
      %broadcast_in_dim3A_1309 = arith.constant 0.000000e+00 : f32
      %broadcast_in_dim3A_1310 = vector.broadcast %broadcast_in_dim3A_1309 : f32 to vector<16xf32>
      %eq3A_1311 = arith.constant 0 : i32
      %eq3A_1312 = vector.broadcast %eq3A_1311 : i32 to vector<16xi32>
      %eq3A_1313 = arith.cmpi eq, %iota3A, %eq3A_1312 : vector<16xi32>
      %broadcast_in_dim3A_1314 = vector.broadcast %reduce_sum3A_545 : f32 to vector<16xf32>
      %select_n3A_1315 = arith.select %eq3A_1313, %broadcast_in_dim3A_1314, %broadcast_in_dim3A_1310 : vector<16xi1>, vector<16xf32>
      %eq3A_1316 = arith.constant 8 : i32
      %eq3A_1317 = vector.broadcast %eq3A_1316 : i32 to vector<16xi32>
      %eq3A_1318 = arith.cmpi eq, %iota3A, %eq3A_1317 : vector<16xi32>
      %broadcast_in_dim3A_1319 = vector.broadcast %reduce_sum3A_577 : f32 to vector<16xf32>
      %select_n3A_1320 = arith.select %eq3A_1318, %broadcast_in_dim3A_1319, %select_n3A_1315 : vector<16xi1>, vector<16xf32>
      %eq3A_1321 = arith.constant 1 : i32
      %eq3A_1322 = vector.broadcast %eq3A_1321 : i32 to vector<16xi32>
      %eq3A_1323 = arith.cmpi eq, %iota3A, %eq3A_1322 : vector<16xi32>
      %broadcast_in_dim3A_1324 = vector.broadcast %reduce_sum3A_549 : f32 to vector<16xf32>
      %select_n3A_1325 = arith.select %eq3A_1323, %broadcast_in_dim3A_1324, %select_n3A_1320 : vector<16xi1>, vector<16xf32>
      %eq3A_1326 = arith.constant 9 : i32
      %eq3A_1327 = vector.broadcast %eq3A_1326 : i32 to vector<16xi32>
      %eq3A_1328 = arith.cmpi eq, %iota3A, %eq3A_1327 : vector<16xi32>
      %broadcast_in_dim3A_1329 = vector.broadcast %reduce_sum3A_581 : f32 to vector<16xf32>
      %select_n3A_1330 = arith.select %eq3A_1328, %broadcast_in_dim3A_1329, %select_n3A_1325 : vector<16xi1>, vector<16xf32>
      %eq3A_1331 = arith.constant 2 : i32
      %eq3A_1332 = vector.broadcast %eq3A_1331 : i32 to vector<16xi32>
      %eq3A_1333 = arith.cmpi eq, %iota3A, %eq3A_1332 : vector<16xi32>
      %broadcast_in_dim3A_1334 = vector.broadcast %reduce_sum3A_553 : f32 to vector<16xf32>
      %select_n3A_1335 = arith.select %eq3A_1333, %broadcast_in_dim3A_1334, %select_n3A_1330 : vector<16xi1>, vector<16xf32>
      %eq3A_1336 = arith.constant 10 : i32
      %eq3A_1337 = vector.broadcast %eq3A_1336 : i32 to vector<16xi32>
      %eq3A_1338 = arith.cmpi eq, %iota3A, %eq3A_1337 : vector<16xi32>
      %broadcast_in_dim3A_1339 = vector.broadcast %reduce_sum3A_585 : f32 to vector<16xf32>
      %select_n3A_1340 = arith.select %eq3A_1338, %broadcast_in_dim3A_1339, %select_n3A_1335 : vector<16xi1>, vector<16xf32>
      %eq3A_1341 = arith.constant 3 : i32
      %eq3A_1342 = vector.broadcast %eq3A_1341 : i32 to vector<16xi32>
      %eq3A_1343 = arith.cmpi eq, %iota3A, %eq3A_1342 : vector<16xi32>
      %broadcast_in_dim3A_1344 = vector.broadcast %reduce_sum3A_557 : f32 to vector<16xf32>
      %select_n3A_1345 = arith.select %eq3A_1343, %broadcast_in_dim3A_1344, %select_n3A_1340 : vector<16xi1>, vector<16xf32>
      %eq3A_1346 = arith.constant 11 : i32
      %eq3A_1347 = vector.broadcast %eq3A_1346 : i32 to vector<16xi32>
      %eq3A_1348 = arith.cmpi eq, %iota3A, %eq3A_1347 : vector<16xi32>
      %broadcast_in_dim3A_1349 = vector.broadcast %reduce_sum3A_589 : f32 to vector<16xf32>
      %select_n3A_1350 = arith.select %eq3A_1348, %broadcast_in_dim3A_1349, %select_n3A_1345 : vector<16xi1>, vector<16xf32>
      %eq3A_1351 = arith.constant 4 : i32
      %eq3A_1352 = vector.broadcast %eq3A_1351 : i32 to vector<16xi32>
      %eq3A_1353 = arith.cmpi eq, %iota3A, %eq3A_1352 : vector<16xi32>
      %broadcast_in_dim3A_1354 = vector.broadcast %reduce_sum3A_561 : f32 to vector<16xf32>
      %select_n3A_1355 = arith.select %eq3A_1353, %broadcast_in_dim3A_1354, %select_n3A_1350 : vector<16xi1>, vector<16xf32>
      %eq3A_1356 = arith.constant 12 : i32
      %eq3A_1357 = vector.broadcast %eq3A_1356 : i32 to vector<16xi32>
      %eq3A_1358 = arith.cmpi eq, %iota3A, %eq3A_1357 : vector<16xi32>
      %broadcast_in_dim3A_1359 = vector.broadcast %reduce_sum3A_593 : f32 to vector<16xf32>
      %select_n3A_1360 = arith.select %eq3A_1358, %broadcast_in_dim3A_1359, %select_n3A_1355 : vector<16xi1>, vector<16xf32>
      %eq3A_1361 = arith.constant 5 : i32
      %eq3A_1362 = vector.broadcast %eq3A_1361 : i32 to vector<16xi32>
      %eq3A_1363 = arith.cmpi eq, %iota3A, %eq3A_1362 : vector<16xi32>
      %broadcast_in_dim3A_1364 = vector.broadcast %reduce_sum3A_565 : f32 to vector<16xf32>
      %select_n3A_1365 = arith.select %eq3A_1363, %broadcast_in_dim3A_1364, %select_n3A_1360 : vector<16xi1>, vector<16xf32>
      %eq3A_1366 = arith.constant 13 : i32
      %eq3A_1367 = vector.broadcast %eq3A_1366 : i32 to vector<16xi32>
      %eq3A_1368 = arith.cmpi eq, %iota3A, %eq3A_1367 : vector<16xi32>
      %broadcast_in_dim3A_1369 = vector.broadcast %reduce_sum3A_597 : f32 to vector<16xf32>
      %select_n3A_1370 = arith.select %eq3A_1368, %broadcast_in_dim3A_1369, %select_n3A_1365 : vector<16xi1>, vector<16xf32>
      %eq3A_1371 = arith.constant 6 : i32
      %eq3A_1372 = vector.broadcast %eq3A_1371 : i32 to vector<16xi32>
      %eq3A_1373 = arith.cmpi eq, %iota3A, %eq3A_1372 : vector<16xi32>
      %broadcast_in_dim3A_1374 = vector.broadcast %reduce_sum3A_569 : f32 to vector<16xf32>
      %select_n3A_1375 = arith.select %eq3A_1373, %broadcast_in_dim3A_1374, %select_n3A_1370 : vector<16xi1>, vector<16xf32>
      %eq3A_1376 = arith.constant 14 : i32
      %eq3A_1377 = vector.broadcast %eq3A_1376 : i32 to vector<16xi32>
      %eq3A_1378 = arith.cmpi eq, %iota3A, %eq3A_1377 : vector<16xi32>
      %broadcast_in_dim3A_1379 = vector.broadcast %reduce_sum3A_601 : f32 to vector<16xf32>
      %select_n3A_1380 = arith.select %eq3A_1378, %broadcast_in_dim3A_1379, %select_n3A_1375 : vector<16xi1>, vector<16xf32>
      %eq3A_1381 = arith.constant 7 : i32
      %eq3A_1382 = vector.broadcast %eq3A_1381 : i32 to vector<16xi32>
      %eq3A_1383 = arith.cmpi eq, %iota3A, %eq3A_1382 : vector<16xi32>
      %broadcast_in_dim3A_1384 = vector.broadcast %reduce_sum3A_573 : f32 to vector<16xf32>
      %select_n3A_1385 = arith.select %eq3A_1383, %broadcast_in_dim3A_1384, %select_n3A_1380 : vector<16xi1>, vector<16xf32>
      %eq3A_1386 = arith.constant 15 : i32
      %eq3A_1387 = vector.broadcast %eq3A_1386 : i32 to vector<16xi32>
      %eq3A_1388 = arith.cmpi eq, %iota3A, %eq3A_1387 : vector<16xi32>
      %broadcast_in_dim3A_1389 = vector.broadcast %reduce_sum3A_605 : f32 to vector<16xf32>
      %select_n3A_1390 = arith.select %eq3A_1388, %broadcast_in_dim3A_1389, %select_n3A_1385 : vector<16xi1>, vector<16xf32>
      %add3A_1391 = arith.addf %select_n3A_1390, %get3A_5 : vector<16xf32>
      %exp3A_1392 = math.exp %add3A_1391 : vector<16xf32>
      %broadcast_in_dim3A_1393 = arith.constant true
      %broadcast_in_dim3A_1394 = vector.broadcast %broadcast_in_dim3A_1393 : i1 to vector<16xi1>
      %masked_cumsum3A_1395 = tpu.scan <sum>, %exp3A_1392 masked %broadcast_in_dim3A_1394 : vector<16xf32>, vector<16xi1> -> vector<16xf32>
      %slice3A_1396 = vector.extract_strided_slice %masked_cumsum3A_1395 {offsets = [7], sizes = [1], strides = [1]} : vector<16xf32> to vector<1xf32>
      %squeeze3A_1397 = vector.extract %slice3A_1396[0] : f32 from vector<1xf32>
      %slice3A_1398 = vector.extract_strided_slice %masked_cumsum3A_1395 {offsets = [15], sizes = [1], strides = [1]} : vector<16xf32> to vector<1xf32>
      %squeeze3A_1399 = vector.extract %slice3A_1398[0] : f32 from vector<1xf32>
      %sub3A_1400 = arith.subf %squeeze3A_1399, %squeeze3A_1397 : f32
      %lt3A_1401 = arith.constant 8 : i32
      %lt3A_1402 = vector.broadcast %lt3A_1401 : i32 to vector<16xi32>
      %lt3A_1403 = arith.cmpi slt, %iota3A, %lt3A_1402 : vector<16xi32>
      %broadcast_in_dim3A_1404 = vector.broadcast %squeeze3A_1397 : f32 to vector<16xf32>
      %broadcast_in_dim3A_1405 = vector.broadcast %sub3A_1400 : f32 to vector<16xf32>
      %select_n3A_1406 = arith.select %lt3A_1403, %broadcast_in_dim3A_1404, %broadcast_in_dim3A_1405 : vector<16xi1>, vector<16xf32>
      %div3A_1407 = arith.divf %exp3A_1392, %select_n3A_1406 : vector<16xf32>
      %swap3A_1408 = arith.constant 5 : i32
      %swap3A_1409 = arith.index_cast %swap3A_1408 : i32 to index
      %swap3A_1410 = arith.constant 0 : index
      %swap3A_1411 = tpu.vector_load %arg9[%swap3A_1409, %swap3A_1410] {strides = array<i32>} : memref<8x16xf32, #tpu.memory_space<vmem>>, vector<16xf32>,
      tpu.vector_store %arg9[%swap3A_1409, %swap3A_1410], %div3A_1407 {strides = array<i32>} : memref<8x16xf32, #tpu.memory_space<vmem>>, vector<16xf32>,
      %broadcast_in_dim3A_1412 = arith.constant 0.000000e+00 : f32
      %broadcast_in_dim3A_1413 = vector.broadcast %broadcast_in_dim3A_1412 : f32 to vector<16xf32>
      %eq3A_1414 = arith.constant 0 : i32
      %eq3A_1415 = vector.broadcast %eq3A_1414 : i32 to vector<16xi32>
      %eq3A_1416 = arith.cmpi eq, %iota3A, %eq3A_1415 : vector<16xi32>
      %broadcast_in_dim3A_1417 = vector.broadcast %reduce_sum3A_679 : f32 to vector<16xf32>
      %select_n3A_1418 = arith.select %eq3A_1416, %broadcast_in_dim3A_1417, %broadcast_in_dim3A_1413 : vector<16xi1>, vector<16xf32>
      %eq3A_1419 = arith.constant 8 : i32
      %eq3A_1420 = vector.broadcast %eq3A_1419 : i32 to vector<16xi32>
      %eq3A_1421 = arith.cmpi eq, %iota3A, %eq3A_1420 : vector<16xi32>
      %broadcast_in_dim3A_1422 = vector.broadcast %reduce_sum3A_711 : f32 to vector<16xf32>
      %select_n3A_1423 = arith.select %eq3A_1421, %broadcast_in_dim3A_1422, %select_n3A_1418 : vector<16xi1>, vector<16xf32>
      %eq3A_1424 = arith.constant 1 : i32
      %eq3A_1425 = vector.broadcast %eq3A_1424 : i32 to vector<16xi32>
      %eq3A_1426 = arith.cmpi eq, %iota3A, %eq3A_1425 : vector<16xi32>
      %broadcast_in_dim3A_1427 = vector.broadcast %reduce_sum3A_683 : f32 to vector<16xf32>
      %select_n3A_1428 = arith.select %eq3A_1426, %broadcast_in_dim3A_1427, %select_n3A_1423 : vector<16xi1>, vector<16xf32>
      %eq3A_1429 = arith.constant 9 : i32
      %eq3A_1430 = vector.broadcast %eq3A_1429 : i32 to vector<16xi32>
      %eq3A_1431 = arith.cmpi eq, %iota3A, %eq3A_1430 : vector<16xi32>
      %broadcast_in_dim3A_1432 = vector.broadcast %reduce_sum3A_715 : f32 to vector<16xf32>
      %select_n3A_1433 = arith.select %eq3A_1431, %broadcast_in_dim3A_1432, %select_n3A_1428 : vector<16xi1>, vector<16xf32>
      %eq3A_1434 = arith.constant 2 : i32
      %eq3A_1435 = vector.broadcast %eq3A_1434 : i32 to vector<16xi32>
      %eq3A_1436 = arith.cmpi eq, %iota3A, %eq3A_1435 : vector<16xi32>
      %broadcast_in_dim3A_1437 = vector.broadcast %reduce_sum3A_687 : f32 to vector<16xf32>
      %select_n3A_1438 = arith.select %eq3A_1436, %broadcast_in_dim3A_1437, %select_n3A_1433 : vector<16xi1>, vector<16xf32>
      %eq3A_1439 = arith.constant 10 : i32
      %eq3A_1440 = vector.broadcast %eq3A_1439 : i32 to vector<16xi32>
      %eq3A_1441 = arith.cmpi eq, %iota3A, %eq3A_1440 : vector<16xi32>
      %broadcast_in_dim3A_1442 = vector.broadcast %reduce_sum3A_719 : f32 to vector<16xf32>
      %select_n3A_1443 = arith.select %eq3A_1441, %broadcast_in_dim3A_1442, %select_n3A_1438 : vector<16xi1>, vector<16xf32>
      %eq3A_1444 = arith.constant 3 : i32
      %eq3A_1445 = vector.broadcast %eq3A_1444 : i32 to vector<16xi32>
      %eq3A_1446 = arith.cmpi eq, %iota3A, %eq3A_1445 : vector<16xi32>
      %broadcast_in_dim3A_1447 = vector.broadcast %reduce_sum3A_691 : f32 to vector<16xf32>
      %select_n3A_1448 = arith.select %eq3A_1446, %broadcast_in_dim3A_1447, %select_n3A_1443 : vector<16xi1>, vector<16xf32>
      %eq3A_1449 = arith.constant 11 : i32
      %eq3A_1450 = vector.broadcast %eq3A_1449 : i32 to vector<16xi32>
      %eq3A_1451 = arith.cmpi eq, %iota3A, %eq3A_1450 : vector<16xi32>
      %broadcast_in_dim3A_1452 = vector.broadcast %reduce_sum3A_723 : f32 to vector<16xf32>
      %select_n3A_1453 = arith.select %eq3A_1451, %broadcast_in_dim3A_1452, %select_n3A_1448 : vector<16xi1>, vector<16xf32>
      %eq3A_1454 = arith.constant 4 : i32
      %eq3A_1455 = vector.broadcast %eq3A_1454 : i32 to vector<16xi32>
      %eq3A_1456 = arith.cmpi eq, %iota3A, %eq3A_1455 : vector<16xi32>
      %broadcast_in_dim3A_1457 = vector.broadcast %reduce_sum3A_695 : f32 to vector<16xf32>
      %select_n3A_1458 = arith.select %eq3A_1456, %broadcast_in_dim3A_1457, %select_n3A_1453 : vector<16xi1>, vector<16xf32>
      %eq3A_1459 = arith.constant 12 : i32
      %eq3A_1460 = vector.broadcast %eq3A_1459 : i32 to vector<16xi32>
      %eq3A_1461 = arith.cmpi eq, %iota3A, %eq3A_1460 : vector<16xi32>
      %broadcast_in_dim3A_1462 = vector.broadcast %reduce_sum3A_727 : f32 to vector<16xf32>
      %select_n3A_1463 = arith.select %eq3A_1461, %broadcast_in_dim3A_1462, %select_n3A_1458 : vector<16xi1>, vector<16xf32>
      %eq3A_1464 = arith.constant 5 : i32
      %eq3A_1465 = vector.broadcast %eq3A_1464 : i32 to vector<16xi32>
      %eq3A_1466 = arith.cmpi eq, %iota3A, %eq3A_1465 : vector<16xi32>
      %broadcast_in_dim3A_1467 = vector.broadcast %reduce_sum3A_699 : f32 to vector<16xf32>
      %select_n3A_1468 = arith.select %eq3A_1466, %broadcast_in_dim3A_1467, %select_n3A_1463 : vector<16xi1>, vector<16xf32>
      %eq3A_1469 = arith.constant 13 : i32
      %eq3A_1470 = vector.broadcast %eq3A_1469 : i32 to vector<16xi32>
      %eq3A_1471 = arith.cmpi eq, %iota3A, %eq3A_1470 : vector<16xi32>
      %broadcast_in_dim3A_1472 = vector.broadcast %reduce_sum3A_731 : f32 to vector<16xf32>
      %select_n3A_1473 = arith.select %eq3A_1471, %broadcast_in_dim3A_1472, %select_n3A_1468 : vector<16xi1>, vector<16xf32>
      %eq3A_1474 = arith.constant 6 : i32
      %eq3A_1475 = vector.broadcast %eq3A_1474 : i32 to vector<16xi32>
      %eq3A_1476 = arith.cmpi eq, %iota3A, %eq3A_1475 : vector<16xi32>
      %broadcast_in_dim3A_1477 = vector.broadcast %reduce_sum3A_703 : f32 to vector<16xf32>
      %select_n3A_1478 = arith.select %eq3A_1476, %broadcast_in_dim3A_1477, %select_n3A_1473 : vector<16xi1>, vector<16xf32>
      %eq3A_1479 = arith.constant 14 : i32
      %eq3A_1480 = vector.broadcast %eq3A_1479 : i32 to vector<16xi32>
      %eq3A_1481 = arith.cmpi eq, %iota3A, %eq3A_1480 : vector<16xi32>
      %broadcast_in_dim3A_1482 = vector.broadcast %reduce_sum3A_735 : f32 to vector<16xf32>
      %select_n3A_1483 = arith.select %eq3A_1481, %broadcast_in_dim3A_1482, %select_n3A_1478 : vector<16xi1>, vector<16xf32>
      %eq3A_1484 = arith.constant 7 : i32
      %eq3A_1485 = vector.broadcast %eq3A_1484 : i32 to vector<16xi32>
      %eq3A_1486 = arith.cmpi eq, %iota3A, %eq3A_1485 : vector<16xi32>
      %broadcast_in_dim3A_1487 = vector.broadcast %reduce_sum3A_707 : f32 to vector<16xf32>
      %select_n3A_1488 = arith.select %eq3A_1486, %broadcast_in_dim3A_1487, %select_n3A_1483 : vector<16xi1>, vector<16xf32>
      %eq3A_1489 = arith.constant 15 : i32
      %eq3A_1490 = vector.broadcast %eq3A_1489 : i32 to vector<16xi32>
      %eq3A_1491 = arith.cmpi eq, %iota3A, %eq3A_1490 : vector<16xi32>
      %broadcast_in_dim3A_1492 = vector.broadcast %reduce_sum3A_739 : f32 to vector<16xf32>
      %select_n3A_1493 = arith.select %eq3A_1491, %broadcast_in_dim3A_1492, %select_n3A_1488 : vector<16xi1>, vector<16xf32>
      %add3A_1494 = arith.addf %select_n3A_1493, %get3A_5 : vector<16xf32>
      %exp3A_1495 = math.exp %add3A_1494 : vector<16xf32>
      %broadcast_in_dim3A_1496 = arith.constant true
      %broadcast_in_dim3A_1497 = vector.broadcast %broadcast_in_dim3A_1496 : i1 to vector<16xi1>
      %masked_cumsum3A_1498 = tpu.scan <sum>, %exp3A_1495 masked %broadcast_in_dim3A_1497 : vector<16xf32>, vector<16xi1> -> vector<16xf32>
      %slice3A_1499 = vector.extract_strided_slice %masked_cumsum3A_1498 {offsets = [7], sizes = [1], strides = [1]} : vector<16xf32> to vector<1xf32>
      %squeeze3A_1500 = vector.extract %slice3A_1499[0] : f32 from vector<1xf32>
      %slice3A_1501 = vector.extract_strided_slice %masked_cumsum3A_1498 {offsets = [15], sizes = [1], strides = [1]} : vector<16xf32> to vector<1xf32>
      %squeeze3A_1502 = vector.extract %slice3A_1501[0] : f32 from vector<1xf32>
      %sub3A_1503 = arith.subf %squeeze3A_1502, %squeeze3A_1500 : f32
      %lt3A_1504 = arith.constant 8 : i32
      %lt3A_1505 = vector.broadcast %lt3A_1504 : i32 to vector<16xi32>
      %lt3A_1506 = arith.cmpi slt, %iota3A, %lt3A_1505 : vector<16xi32>
      %broadcast_in_dim3A_1507 = vector.broadcast %squeeze3A_1500 : f32 to vector<16xf32>
      %broadcast_in_dim3A_1508 = vector.broadcast %sub3A_1503 : f32 to vector<16xf32>
      %select_n3A_1509 = arith.select %lt3A_1506, %broadcast_in_dim3A_1507, %broadcast_in_dim3A_1508 : vector<16xi1>, vector<16xf32>
      %div3A_1510 = arith.divf %exp3A_1495, %select_n3A_1509 : vector<16xf32>
      %swap3A_1511 = arith.constant 6 : i32
      %swap3A_1512 = arith.index_cast %swap3A_1511 : i32 to index
      %swap3A_1513 = arith.constant 0 : index
      %swap3A_1514 = tpu.vector_load %arg9[%swap3A_1512, %swap3A_1513] {strides = array<i32>} : memref<8x16xf32, #tpu.memory_space<vmem>>, vector<16xf32>,
      tpu.vector_store %arg9[%swap3A_1512, %swap3A_1513], %div3A_1510 {strides = array<i32>} : memref<8x16xf32, #tpu.memory_space<vmem>>, vector<16xf32>,
      %broadcast_in_dim3A_1515 = arith.constant 0.000000e+00 : f32
      %broadcast_in_dim3A_1516 = vector.broadcast %broadcast_in_dim3A_1515 : f32 to vector<16xf32>
      %eq3A_1517 = arith.constant 0 : i32
      %eq3A_1518 = vector.broadcast %eq3A_1517 : i32 to vector<16xi32>
      %eq3A_1519 = arith.cmpi eq, %iota3A, %eq3A_1518 : vector<16xi32>
      %broadcast_in_dim3A_1520 = vector.broadcast %reduce_sum3A_743 : f32 to vector<16xf32>
      %select_n3A_1521 = arith.select %eq3A_1519, %broadcast_in_dim3A_1520, %broadcast_in_dim3A_1516 : vector<16xi1>, vector<16xf32>
      %eq3A_1522 = arith.constant 8 : i32
      %eq3A_1523 = vector.broadcast %eq3A_1522 : i32 to vector<16xi32>
      %eq3A_1524 = arith.cmpi eq, %iota3A, %eq3A_1523 : vector<16xi32>
      %broadcast_in_dim3A_1525 = vector.broadcast %reduce_sum3A_775 : f32 to vector<16xf32>
      %select_n3A_1526 = arith.select %eq3A_1524, %broadcast_in_dim3A_1525, %select_n3A_1521 : vector<16xi1>, vector<16xf32>
      %eq3A_1527 = arith.constant 1 : i32
      %eq3A_1528 = vector.broadcast %eq3A_1527 : i32 to vector<16xi32>
      %eq3A_1529 = arith.cmpi eq, %iota3A, %eq3A_1528 : vector<16xi32>
      %broadcast_in_dim3A_1530 = vector.broadcast %reduce_sum3A_747 : f32 to vector<16xf32>
      %select_n3A_1531 = arith.select %eq3A_1529, %broadcast_in_dim3A_1530, %select_n3A_1526 : vector<16xi1>, vector<16xf32>
      %eq3A_1532 = arith.constant 9 : i32
      %eq3A_1533 = vector.broadcast %eq3A_1532 : i32 to vector<16xi32>
      %eq3A_1534 = arith.cmpi eq, %iota3A, %eq3A_1533 : vector<16xi32>
      %broadcast_in_dim3A_1535 = vector.broadcast %reduce_sum3A_779 : f32 to vector<16xf32>
      %select_n3A_1536 = arith.select %eq3A_1534, %broadcast_in_dim3A_1535, %select_n3A_1531 : vector<16xi1>, vector<16xf32>
      %eq3A_1537 = arith.constant 2 : i32
      %eq3A_1538 = vector.broadcast %eq3A_1537 : i32 to vector<16xi32>
      %eq3A_1539 = arith.cmpi eq, %iota3A, %eq3A_1538 : vector<16xi32>
      %broadcast_in_dim3A_1540 = vector.broadcast %reduce_sum3A_751 : f32 to vector<16xf32>
      %select_n3A_1541 = arith.select %eq3A_1539, %broadcast_in_dim3A_1540, %select_n3A_1536 : vector<16xi1>, vector<16xf32>
      %eq3A_1542 = arith.constant 10 : i32
      %eq3A_1543 = vector.broadcast %eq3A_1542 : i32 to vector<16xi32>
      %eq3A_1544 = arith.cmpi eq, %iota3A, %eq3A_1543 : vector<16xi32>
      %broadcast_in_dim3A_1545 = vector.broadcast %reduce_sum3A_783 : f32 to vector<16xf32>
      %select_n3A_1546 = arith.select %eq3A_1544, %broadcast_in_dim3A_1545, %select_n3A_1541 : vector<16xi1>, vector<16xf32>
      %eq3A_1547 = arith.constant 3 : i32
      %eq3A_1548 = vector.broadcast %eq3A_1547 : i32 to vector<16xi32>
      %eq3A_1549 = arith.cmpi eq, %iota3A, %eq3A_1548 : vector<16xi32>
      %broadcast_in_dim3A_1550 = vector.broadcast %reduce_sum3A_755 : f32 to vector<16xf32>
      %select_n3A_1551 = arith.select %eq3A_1549, %broadcast_in_dim3A_1550, %select_n3A_1546 : vector<16xi1>, vector<16xf32>
      %eq3A_1552 = arith.constant 11 : i32
      %eq3A_1553 = vector.broadcast %eq3A_1552 : i32 to vector<16xi32>
      %eq3A_1554 = arith.cmpi eq, %iota3A, %eq3A_1553 : vector<16xi32>
      %broadcast_in_dim3A_1555 = vector.broadcast %reduce_sum3A_787 : f32 to vector<16xf32>
      %select_n3A_1556 = arith.select %eq3A_1554, %broadcast_in_dim3A_1555, %select_n3A_1551 : vector<16xi1>, vector<16xf32>
      %eq3A_1557 = arith.constant 4 : i32
      %eq3A_1558 = vector.broadcast %eq3A_1557 : i32 to vector<16xi32>
      %eq3A_1559 = arith.cmpi eq, %iota3A, %eq3A_1558 : vector<16xi32>
      %broadcast_in_dim3A_1560 = vector.broadcast %reduce_sum3A_759 : f32 to vector<16xf32>
      %select_n3A_1561 = arith.select %eq3A_1559, %broadcast_in_dim3A_1560, %select_n3A_1556 : vector<16xi1>, vector<16xf32>
      %eq3A_1562 = arith.constant 12 : i32
      %eq3A_1563 = vector.broadcast %eq3A_1562 : i32 to vector<16xi32>
      %eq3A_1564 = arith.cmpi eq, %iota3A, %eq3A_1563 : vector<16xi32>
      %broadcast_in_dim3A_1565 = vector.broadcast %reduce_sum3A_791 : f32 to vector<16xf32>
      %select_n3A_1566 = arith.select %eq3A_1564, %broadcast_in_dim3A_1565, %select_n3A_1561 : vector<16xi1>, vector<16xf32>
      %eq3A_1567 = arith.constant 5 : i32
      %eq3A_1568 = vector.broadcast %eq3A_1567 : i32 to vector<16xi32>
      %eq3A_1569 = arith.cmpi eq, %iota3A, %eq3A_1568 : vector<16xi32>
      %broadcast_in_dim3A_1570 = vector.broadcast %reduce_sum3A_763 : f32 to vector<16xf32>
      %select_n3A_1571 = arith.select %eq3A_1569, %broadcast_in_dim3A_1570, %select_n3A_1566 : vector<16xi1>, vector<16xf32>
      %eq3A_1572 = arith.constant 13 : i32
      %eq3A_1573 = vector.broadcast %eq3A_1572 : i32 to vector<16xi32>
      %eq3A_1574 = arith.cmpi eq, %iota3A, %eq3A_1573 : vector<16xi32>
      %broadcast_in_dim3A_1575 = vector.broadcast %reduce_sum3A_795 : f32 to vector<16xf32>
      %select_n3A_1576 = arith.select %eq3A_1574, %broadcast_in_dim3A_1575, %select_n3A_1571 : vector<16xi1>, vector<16xf32>
      %eq3A_1577 = arith.constant 6 : i32
      %eq3A_1578 = vector.broadcast %eq3A_1577 : i32 to vector<16xi32>
      %eq3A_1579 = arith.cmpi eq, %iota3A, %eq3A_1578 : vector<16xi32>
      %broadcast_in_dim3A_1580 = vector.broadcast %reduce_sum3A_767 : f32 to vector<16xf32>
      %select_n3A_1581 = arith.select %eq3A_1579, %broadcast_in_dim3A_1580, %select_n3A_1576 : vector<16xi1>, vector<16xf32>
      %eq3A_1582 = arith.constant 14 : i32
      %eq3A_1583 = vector.broadcast %eq3A_1582 : i32 to vector<16xi32>
      %eq3A_1584 = arith.cmpi eq, %iota3A, %eq3A_1583 : vector<16xi32>
      %broadcast_in_dim3A_1585 = vector.broadcast %reduce_sum3A_799 : f32 to vector<16xf32>
      %select_n3A_1586 = arith.select %eq3A_1584, %broadcast_in_dim3A_1585, %select_n3A_1581 : vector<16xi1>, vector<16xf32>
      %eq3A_1587 = arith.constant 7 : i32
      %eq3A_1588 = vector.broadcast %eq3A_1587 : i32 to vector<16xi32>
      %eq3A_1589 = arith.cmpi eq, %iota3A, %eq3A_1588 : vector<16xi32>
      %broadcast_in_dim3A_1590 = vector.broadcast %reduce_sum3A_771 : f32 to vector<16xf32>
      %select_n3A_1591 = arith.select %eq3A_1589, %broadcast_in_dim3A_1590, %select_n3A_1586 : vector<16xi1>, vector<16xf32>
      %eq3A_1592 = arith.constant 15 : i32
      %eq3A_1593 = vector.broadcast %eq3A_1592 : i32 to vector<16xi32>
      %eq3A_1594 = arith.cmpi eq, %iota3A, %eq3A_1593 : vector<16xi32>
      %broadcast_in_dim3A_1595 = vector.broadcast %reduce_sum3A_803 : f32 to vector<16xf32>
      %select_n3A_1596 = arith.select %eq3A_1594, %broadcast_in_dim3A_1595, %select_n3A_1591 : vector<16xi1>, vector<16xf32>
      %add3A_1597 = arith.addf %select_n3A_1596, %get3A_5 : vector<16xf32>
      %exp3A_1598 = math.exp %add3A_1597 : vector<16xf32>
      %broadcast_in_dim3A_1599 = arith.constant true
      %broadcast_in_dim3A_1600 = vector.broadcast %broadcast_in_dim3A_1599 : i1 to vector<16xi1>
      %masked_cumsum3A_1601 = tpu.scan <sum>, %exp3A_1598 masked %broadcast_in_dim3A_1600 : vector<16xf32>, vector<16xi1> -> vector<16xf32>
      %slice3A_1602 = vector.extract_strided_slice %masked_cumsum3A_1601 {offsets = [7], sizes = [1], strides = [1]} : vector<16xf32> to vector<1xf32>
      %squeeze3A_1603 = vector.extract %slice3A_1602[0] : f32 from vector<1xf32>
      %slice3A_1604 = vector.extract_strided_slice %masked_cumsum3A_1601 {offsets = [15], sizes = [1], strides = [1]} : vector<16xf32> to vector<1xf32>
      %squeeze3A_1605 = vector.extract %slice3A_1604[0] : f32 from vector<1xf32>
      %sub3A_1606 = arith.subf %squeeze3A_1605, %squeeze3A_1603 : f32
      %lt3A_1607 = arith.constant 8 : i32
      %lt3A_1608 = vector.broadcast %lt3A_1607 : i32 to vector<16xi32>
      %lt3A_1609 = arith.cmpi slt, %iota3A, %lt3A_1608 : vector<16xi32>
      %broadcast_in_dim3A_1610 = vector.broadcast %squeeze3A_1603 : f32 to vector<16xf32>
      %broadcast_in_dim3A_1611 = vector.broadcast %sub3A_1606 : f32 to vector<16xf32>
      %select_n3A_1612 = arith.select %lt3A_1609, %broadcast_in_dim3A_1610, %broadcast_in_dim3A_1611 : vector<16xi1>, vector<16xf32>
      %div3A_1613 = arith.divf %exp3A_1598, %select_n3A_1612 : vector<16xf32>
      %swap3A_1614 = arith.constant 7 : i32
      %swap3A_1615 = arith.index_cast %swap3A_1614 : i32 to index
      %swap3A_1616 = arith.constant 0 : index
      %swap3A_1617 = tpu.vector_load %arg9[%swap3A_1615, %swap3A_1616] {strides = array<i32>} : memref<8x16xf32, #tpu.memory_space<vmem>>, vector<16xf32>,
      tpu.vector_store %arg9[%swap3A_1615, %swap3A_1616], %div3A_1613 {strides = array<i32>} : memref<8x16xf32, #tpu.memory_space<vmem>>, vector<16xf32>,
      %sub3A_1618 = arith.constant 31744 : i32
      %sub3A_1619 = arith.subi %add3A_13, %sub3A_1618 : i32
      %jit3A = arith.constant 2 : i32
      %div3A_1620 = arith.divsi %sub3A_1619, %jit3A : i32
      %sign3A = arith.constant 0 : i32
      %sign3A_1621 = arith.cmpi sgt, %sub3A_1619, %sign3A : i32
      %sign3A_1622 = arith.extui %sign3A_1621 : i1 to i32
      %sign3A_1623 = arith.constant 0 : i32
      %sign3A_1624 = arith.cmpi slt, %sub3A_1619, %sign3A_1623 : i32
      %sign3A_1625 = arith.extui %sign3A_1624 : i1 to i32
      %sign3A_1626 = arith.subi %sign3A_1622, %sign3A_1625 : i32
      %sign3A_1627 = arith.constant 0 : i32
      %sign3A_1628 = arith.cmpi sgt, %jit3A, %sign3A_1627 : i32
      %sign3A_1629 = arith.extui %sign3A_1628 : i1 to i32
      %sign3A_1630 = arith.constant 0 : i32
      %sign3A_1631 = arith.cmpi slt, %jit3A, %sign3A_1630 : i32
      %sign3A_1632 = arith.extui %sign3A_1631 : i1 to i32
      %sign3A_1633 = arith.subi %sign3A_1629, %sign3A_1632 : i32
      %ne3A = arith.cmpi ne, %sign3A_1626, %sign3A_1633 : i32
      %rem3A = arith.remsi %sub3A_1619, %jit3A : i32
      %ne3A_1634 = arith.constant 0 : i32
      %ne3A_1635 = arith.cmpi ne, %rem3A, %ne3A_1634 : i32
      %and3A = arith.andi %ne3A, %ne3A_1635 : i1
      %sub3A_1636 = arith.constant 1 : i32
      %sub3A_1637 = arith.subi %div3A_1620, %sub3A_1636 : i32
      %select_n3A_1638 = arith.select %and3A, %sub3A_1637, %div3A_1620 : i32
      %multiple_of3A = tpu.assume_multiple %select_n3A_1638, 8 : i32
      "tpu.region"() ({
        %run_scoped3A = tpu.sem_alloc : memref<!tpu.dma_semaphore, #tpu.memory_space<semaphore_mem>>
        %dma_start3A = arith.constant 0 : i32
        %dma_start3A_1639 = tpu.memref_slice %arg5[%multiple_of3A, %dma_start3A] : memref<512x16xf32, #tpu.memory_space<hbm>> -> memref<8x16xf32, #tpu.memory_space<hbm>>
        %dma_start3A_1640 = arith.constant 0 : i32
        %dma_start3A_1641 = tpu.memref_slice %arg5[%multiple_of3A, %dma_start3A_1640] : memref<512x16xf32, #tpu.memory_space<hbm>> -> memref<8x16xf32, #tpu.memory_space<hbm>>
        tpu.enqueue_dma source(%arg9 : memref<8x16xf32, #tpu.memory_space<vmem>>) target(%dma_start3A_1641 : memref<8x16xf32, #tpu.memory_space<hbm>>) target_semaphore(%run_scoped3A : memref<!tpu.dma_semaphore, #tpu.memory_space<semaphore_mem>>)
        %dma_wait3A = arith.constant 0 : i32
        %dma_wait3A_1642 = tpu.memref_slice %arg5[%multiple_of3A, %dma_wait3A] : memref<512x16xf32, #tpu.memory_space<hbm>> -> memref<8x16xf32, #tpu.memory_space<hbm>>
        %dma_wait3A_1643 = arith.constant 0 : i32
        %dma_wait3A_1644 = tpu.memref_slice %arg5[%multiple_of3A, %dma_wait3A_1643] : memref<512x16xf32, #tpu.memory_space<hbm>> -> memref<8x16xf32, #tpu.memory_space<hbm>>
        tpu.wait_dma2 semaphore(%run_scoped3A : memref<!tpu.dma_semaphore, #tpu.memory_space<semaphore_mem>>) src(%arg9 : memref<8x16xf32, #tpu.memory_space<vmem>>) dst(%dma_wait3A_1644 : memref<8x16xf32, #tpu.memory_space<hbm>>)
        tpu.yield
      }) : () -> ()
    }
    %scan3A_9 = arith.constant 2 : i32
    return
  }
}

module attributes {stable_mosaic.version = 14 : i64} {
  func.func @_router_block(%arg0: i32, %arg1: memref<1024x1024xf32, #tpu.memory_space<vmem>>, %arg2: memref<1024x8xf32, #tpu.memory_space<vmem>>, %arg3: memref<1x8xf32, #tpu.memory_space<vmem>>, %arg4: memref<1024x8xf32, #tpu.memory_space<vmem>>) attributes {dimension_semantics = [#tpu.dimension_semantics<arbitrary>], iteration_bounds = array<i64: 31>, scalar_prefetch = 0 : i64, scratch_operands = 0 : i64, tpu.core_type = #tpu.core_type<tc>, window_params = [{transform_indices = @transform_0, window_bounds = array<i64: 1024, 1024>}, {pipeline_mode = #tpu.pipeline_mode<synchronous>, transform_indices = @transform_1, window_bounds = array<i64: 1024, 8>}, {pipeline_mode = #tpu.pipeline_mode<synchronous>, transform_indices = @transform_2, window_bounds = array<i64: 1, 8>}, {transform_indices = @transform_3, window_bounds = array<i64: 1024, 8>}]} {
    %get3A = arith.constant 0 : index
    %get3A_0 = arith.constant 0 : index
    %get3A_1 = vector.load %arg1[%get3A, %get3A_0] : memref<1024x1024xf32, #tpu.memory_space<vmem>>, vector<1024x1024xf32>
    %get3A_2 = arith.constant 0 : index
    %get3A_3 = arith.constant 0 : index
    %get3A_4 = vector.load %arg2[%get3A_2, %get3A_3] : memref<1024x8xf32, #tpu.memory_space<vmem>>, vector<1024x8xf32>
    %dot_general3A = arith.constant dense<0.000000e+00> : vector<1024x8xf32>
    %dot_general3A_5 = tpu.matmul %get3A_1, %get3A_4, %dot_general3A {dimension_numbers = #tpu.dot_dimension_numbers<[1], [0], [0], [1], [0, 0, 1, 1], [], []>, transpose_lhs_hint = false} : vector<1024x1024xf32>, vector<1024x8xf32>, vector<1024x8xf32> -> vector<1024x8xf32>
    %get3A_6 = arith.constant 0 : index
    %get3A_7 = arith.constant 0 : index
    %get3A_8 = vector.load %arg3[%get3A_6, %get3A_7] : memref<1x8xf32, #tpu.memory_space<vmem>>, vector<1x8xf32>
    %add3A = vector.broadcast %get3A_8 : vector<1x8xf32> to vector<1024x8xf32>
    %add3A_9 = arith.addf %dot_general3A_5, %add3A : vector<1024x8xf32>
    %reduce_max3A = arith.constant dense<0xFF800000> : vector<1024xf32>
    %reduce_max3A_10 = vector.multi_reduction <maximumf>, %add3A_9, %reduce_max3A [1] : vector<1024x8xf32> to vector<1024xf32>
    %broadcast_in_dim3A = vector.shape_cast %reduce_max3A_10 : vector<1024xf32> to vector<1024x1xf32>
    %sub3A = vector.broadcast %broadcast_in_dim3A : vector<1024x1xf32> to vector<1024x8xf32>
    %sub3A_11 = arith.subf %add3A_9, %sub3A : vector<1024x8xf32>
    %exp3A = math.exp %sub3A_11 : vector<1024x8xf32>
    %reduce_sum3A = arith.constant dense<0.000000e+00> : vector<1024xf32>
    %reduce_sum3A_12 = vector.multi_reduction <add>, %exp3A, %reduce_sum3A [1] : vector<1024x8xf32> to vector<1024xf32>
    %broadcast_in_dim3A_13 = vector.shape_cast %reduce_sum3A_12 : vector<1024xf32> to vector<1024x1xf32>
    %div3A = vector.broadcast %broadcast_in_dim3A_13 : vector<1024x1xf32> to vector<1024x8xf32>
    %div3A_14 = arith.divf %exp3A, %div3A : vector<1024x8xf32>
    %swap3A = arith.constant 0 : index
    %swap3A_15 = arith.constant 0 : index
    %swap3A_16 = vector.load %arg4[%swap3A, %swap3A_15] : memref<1024x8xf32, #tpu.memory_space<vmem>>, vector<1024x8xf32>
    tpu.vector_store %arg4[%swap3A, %swap3A_15], %div3A_14 {strides = array<i32>} : memref<1024x8xf32, #tpu.memory_space<vmem>>, vector<1024x8xf32>,
    return
  }
  func.func @transform_0(%arg0: i32) -> (i32, i32) {
    %c0_i32 = arith.constant 0 : i32
    %c0_i32_0 = arith.constant 0 : i32
    return %arg0, %c0_i32 : i32, i32
  }
  func.func @transform_1(%arg0: i32) -> (i32, i32) {
    %c0_i32 = arith.constant 0 : i32
    %c0_i32_0 = arith.constant 0 : i32
    %c0_i32_1 = arith.constant 0 : i32
    return %c0_i32, %c0_i32_0 : i32, i32
  }
  func.func @transform_2(%arg0: i32) -> (i32, i32) {
    %c0_i32 = arith.constant 0 : i32
    %c0_i32_0 = arith.constant 0 : i32
    %c0_i32_1 = arith.constant 0 : i32
    return %c0_i32, %c0_i32_0 : i32, i32
  }
  func.func @transform_3(%arg0: i32) -> (i32, i32) {
    %c0_i32 = arith.constant 0 : i32
    %c0_i32_0 = arith.constant 0 : i32
    return %arg0, %c0_i32 : i32, i32
  }
}

</mosaic_0001>

<sc_bundles>
// kernel: kernel.4.cloned.1.call-start
scs
__scs_entry_jumppad:
0x0: {  	(pc) =	sbr.rel $0x88, $3  }
0x1: {  	(tag) =	ssettag $0x0;
	lr =	simm.s32 $0x1  }
0x2: {  	[smem:$0x3F9E] =	sst lr;
	_ =	strace $0xD0000000  }
0x3: {  	_ = 	snop  }
0x4: {  	_ = 	snop  }
0x5: {  	_ = 	snop  }
0x6: {  	_ = 	snop  }
0x7: {  	_ = 	snop  }
__scs_overlays_trampoline_lowered:
0x8: {  	[smem:$0x3FAD] =	sst s0  }
0x9: {  	[smem:$0x3FAE] =	sst s1  }
0xa: {  	[smem:$0x3FAF] =	sst s2  }
0xb: {  	[smem:$0x3FB0] =	sst s3  }
0xc: {  	[smem:$0x3FB1] =	sst s4  }
0xd: {  	[smem:$0x3FB2] =	sst s5  }
0xe: {  	[smem:$0x3FB3] =	sst s6  }
0xf: {  	[smem:$0x3FB4] =	sst s7  }
0x10: {  	[smem:$0x3FB5] =	sst s8  }
0x11: {  	[smem:$0x3FB6] =	sst s9;
	s0 =	simm.s32 @!p0 $0x0  }
0x12: {  	s1 =	sld [smem:$0x3F9C];
	s0 =	simm.s32 @p0 $0x1  }
0x13: {  	[smem:$0x3FB7] =	sst s0;
	s0 =	simm.s32 @!p1 $0x0  }
0x14: {  	s2 =	sld [smem:$0x3F9B];
	s0 =	simm.s32 @p1 $0x1  }
0x15: {  	[smem:$0x3FB8] =	sst s0;
	s0 =	simm.s32 @!p2 $0x0  }
0x16: {  	s3 =	sld [smem:$0x3FDB];
	s0 =	simm.s32 @p2 $0x1  }
0x17: {  	s4 =	simm.s32 $0x1BF5;
	[smem:$0x3FBA] =	sst s0  }
0x18: {  	s0 =	sld [smem:$0x3F9D];
	_ =	swait.ge [sflag:s4], $0x0  }
0x19: {  	s7 =	sld [smem:$0x3F9E]  }
0x1a: {  	s8 =	sadd.s32 $0xFFFFE003, lr  }
0x1b: {  	s9 =	sadd.s32 $0xFFFFFEF7, lr;
	s5 =	simm.s32 $0xFFFFFFFF;
	p2 =	slt.u32 s8, $0xFFFFF086  }
0x1c: {  	p1 =	slt.u32 s9, $0xF7A;
	s5 =	simm.s32 @!p2 $0x0  }
0x1d: {  	s5 =	simm.s32 @p1 $0x1;
	p0 =	seq.s32 s7, s2  }
0x1e: {  	s7 =	smul.u32 @!p0 $0xF7A, s2;
	p2 =	seq.s32 @!p0 s5, $0x0  }
0x1f: {  	s9 =	smul.u32 $0xF7A, s1;
	s8 =	simm.s32 @!p0 $0x1BF5;
	p2 =	por !p2, p0  }
0x20: {  	[sflag:s8] =	ssyncset.s32 @!p0 $0xFFFFF086;
	s6 =	sadd.s32 @!p0 s3, s7;
	s7 =	simm.s32 @!p0 $0x108  }
0x21: {  	s3 =	sadd.s32 s3, s9;
	s6 =	sadd.s32 @!p0 $0x88, s6;
	s7 =	simm.s32 @p2 $0x1082  }
0x22: {  	[simem:s7], [sflag:s8] =	dma.local @!p0 [hbm:s6], $0xF7A  }
0x23: {  	s9 =	sor.u32 $0xD0000000, s2;
	s6 =	simm.s32 $0x108;
	_ =	swait.ge @!p0 [sflag:s8], $0x0  }
0x24: {  	s3 =	sadd.s32 $0x88, s3;
	s6 =	simm.s32 @!p1 $0x1082;
	[sflag:s4] =	ssyncset.s32 $0xFFFFF086  }
0x25: {  	[simem:s6], [sflag:s4] =	dma.local [hbm:s3], $0xF7A  }
0x26: {  	[smem:$0x3F9E] =	sst s1;
	(tag) =	ssettag s2;
	_ =	strace s9  }
0x27: {  	s1 =	sld [smem:$0x3FAE]  }
0x28: {  	s2 =	sld [smem:$0x3FAF]  }
0x29: {  	s4 =	sld [smem:$0x3FB1]  }
0x2a: {  	p0 =	seq.s32 s5, $0x0;
	s5 =	sld [smem:$0x3FB2]  }
0x2b: {  	s6 =	sld [smem:$0x3FB3]  }
0x2c: {  	s7 =	sld [smem:$0x3FB4]  }
0x2d: {  	s3 =	simm.s32 $0x108;
	s8 =	sld [smem:$0x3FB5]  }
0x2e: {  	s3 =	simm.s32 @!p0 $0x1082;
	s9 =	sld [smem:$0x3FB6]  }
0x2f: {  	lr =	sadd.s32 s0, s3;
	s0 =	sld [smem:$0x3FAD]  }
0x30: {  	s3 =	sld [smem:$0x3FB0]  }
0x31: {  	[smem:$0x3FB9] =	sst s10  }
0x32: {  	s10 =	sld [smem:$0x3FB7];
	_ =	sdelay $0x3  }
0x33: {  	p0 =	seq.s32 s10, $0x1;
	s10 =	sld [smem:$0x3FB9];
	_ =	sdelay $0x3  }
0x34: {  	[smem:$0x3FB9] =	sst s10  }
0x35: {  	s10 =	sld [smem:$0x3FB8];
	_ =	sdelay $0x3  }
0x36: {  	p1 =	seq.s32 s10, $0x1;
	s10 =	sld [smem:$0x3FB9];
	_ =	sdelay $0x3  }
0x37: {  	[smem:$0x3FB9] =	sst s10  }
0x38: {  	s10 =	sld [smem:$0x3FBA]  }
0x39: {  	_ = 	snop;
	(pc) =	sbr.ind lr, $3  }
0x3a: {  	_ = 	snop  }
0x3b: {  	_ = 	snop  }
0x3c: {  	p2 =	seq.s32 s10, $0x1;
	s10 =	sld [smem:$0x3FB9]  }
0x3d: {  	_ =	shalt  }
0x3e: {  	_ =	shalt  }
0x3f: {  	_ =	shalt  }
0x40: {  	_ =	shalt  }
0x41: {  	_ =	shalt  }
0x42: {  	_ =	shalt  }
0x43: {  	_ =	shalt  }
0x44: {  	_ =	shalt  }
0x45: {  	_ =	shalt  }
0x46: {  	_ =	shalt  }
0x47: {  	_ =	shalt  }
0x48: {  	_ =	shalt  }
0x49: {  	_ =	shalt  }
0x4a: {  	_ =	shalt  }
0x4b: {  	_ =	shalt  }
0x4c: {  	_ =	shalt  }
0x4d: {  	_ =	shalt  }
0x4e: {  	_ =	shalt  }
0x4f: {  	_ =	shalt  }
0x50: {  	_ =	shalt  }
0x51: {  	_ =	shalt  }
0x52: {  	_ =	shalt  }
0x53: {  	_ =	shalt  }
0x54: {  	_ =	shalt  }
0x55: {  	_ =	shalt  }
0x56: {  	_ =	shalt  }
0x57: {  	_ =	shalt  }
0x58: {  	_ =	shalt  }
0x59: {  	_ =	shalt  }
0x5a: {  	_ =	shalt  }
0x5b: {  	_ =	shalt  }
0x5c: {  	_ =	shalt  }
0x5d: {  	_ =	shalt  }
0x5e: {  	_ =	shalt  }
0x5f: {  	_ =	shalt  }
0x60: {  	_ =	shalt  }
0x61: {  	_ =	shalt  }
0x62: {  	_ =	shalt  }
0x63: {  	_ =	shalt  }
0x64: {  	_ =	shalt  }
0x65: {  	_ =	shalt  }
0x66: {  	_ =	shalt  }
0x67: {  	_ =	shalt  }
0x68: {  	_ =	shalt  }
0x69: {  	_ =	shalt  }
0x6a: {  	_ =	shalt  }
0x6b: {  	_ =	shalt  }
0x6c: {  	_ =	shalt  }
0x6d: {  	_ =	shalt  }
0x6e: {  	_ =	shalt  }
0x6f: {  	_ =	shalt  }
0x70: {  	_ =	shalt  }
0x71: {  	_ =	shalt  }
0x72: {  	_ =	shalt  }
0x73: {  	_ =	shalt  }
0x74: {  	_ =	shalt  }
0x75: {  	_ =	shalt  }
0x76: {  	_ =	shalt  }
0x77: {  	_ =	shalt  }
0x78: {  	_ =	shalt  }
0x79: {  	_ =	shalt  }
0x7a: {  	_ =	shalt  }
0x7b: {  	_ =	shalt  }
0x7c: {  	_ =	shalt  }
0x7d: {  	_ =	shalt  }
0x7e: {  	_ =	shalt  }
0x7f: {  	_ =	shalt  }
0x80: {  	_ =	shalt  }
0x81: {  	_ =	shalt  }
0x82: {  	_ =	shalt  }
0x83: {  	_ =	shalt  }
0x84: {  	_ =	shalt  }
0x85: {  	_ =	shalt  }
0x86: {  	_ =	shalt  }
0x87: {  	_ =	shalt  }
.Lfunc_end0:
.L_simem_size_0:
called_computation_lowered:
.L_overlay_start_0:
0x88: {  	s2 =	sld [smem:$0x3FD9]  }
0x89: {  	s3 =	sld [smem:$0x3FFE];
	_ =	sdelay $0x1  }
0x8a: {  	s1 =	srdreg.scid  }
0x8b: {  	s0 =	sand.u32 $0x1, s1  }
0x8c: {  	s17 =	sshll.u32 s0, $0xA;
	s2 =	sadd.s32 s3, s2  }
0x8d: {  	s2 =	sadd.s32 s2, s17  }
0x8e: {  	[smem:$0x3FC5] =	sst s2  }
0x8f: {  	_ = 	snop  }
0x90: {  	s2 =	sld [smem:$0x3FC9]  }
0x91: {  	s18 =	sld [smem:$0x3FC8]  }
0x92: {  	s4 =	sld [smem:$0x3FD0];
	(tm) =	ssettm $0x1  }
0x93: {  	s5 =	sld [smem:$0x3FFB];
	_ =	sdelay $0x3  }
0x94: {  	_ =	strace s5  }
0x95: {  	s5 =	sld [smem:$0x3FFC];
	_ =	sdelay $0x3  }
0x96: {  	_ =	strace s5  }
0x97: {  	s5 =	sld [smem:$0x3FFD];
	_ =	sdelay $0x3  }
0x98: {  	_ =	strace s5  }
0x99: {  	_ =	strace $0x8FFFFFFF  }
0x9a: {  	s19 =	sld [smem:$0x3FDB];
	_ =	sdelay $0x1  }
0x9b: {  	s6 =	simm.s32 $_scs_section_size  }
0x9c: {  	s7 =	simm.s32 $_size__tile_overlayer_lowered;
	s8 =	simm.s32 $_tile_overlayer_lowered  }
0x9d: {  	s22 =	simm.s32 $0x1BFF;
	s21 =	sshll.u32 s8, $0x1;
	s5 =	sadd.s32 s6, s19  }
0x9e: {  	s9 =	simm.s32 $0x0;
	s20 =	sshll.u32 s7, $0x1;
	s7 =	sadd.s32 s21, s5  }
0x9f: {  	[timem:s9], [sflag:s22] =	dma.local [hbm:s7], s20  }
0xa0: {  	_ =	swait.ge [sflag:s22], s20  }
0xa1: {  	s6 =	ssub.s32 $0x0, s20;
	[sflag:s22] =	ssyncset.done $0x0  }
0xa2: {  	[sflag:s22] =	ssyncadd.s32 s6;
	_ =	sdelay $0x1  }
0xa3: {  	s23 =	simm.s32 $0x1B8B  }
0xa4: {  	_ =	swait.ge [sflag:s23], $0x1  }
0xa5: {  	[sflag:s23] =	ssyncset.done $0x0  }
0xa6: {  	s25 =	simm.s32 $0x1B8E;
	s24 =	sld [smem:$0x3FFE];
	[sflag:s23] =	ssyncadd.s32 $0xFFFFFFFF  }
0xa7: {  	s26 =	simm.s32 $execute0_lowered;
	[smem:$0x3FD2] =	sst s25  }
0xa8: {  	s7 =	sshll.u32 s26, $0x1;
	_ =	strace $0x80000046;
	[dreg:$0x1] =	wrdreg $0xFFFFFFFF  }
0xa9: {  	s28 =	simm.s32 $_size_execute0_lowered;
	s5 =	sadd.s32 s5, s7;
	[dreg:$0x0] =	wrdreg $0x0  }
0xaa: {  	s7 =	sshll.u32 s28, $0x1;
	[dreg:$0x2] =	wrdreg s5  }
0xab: {  	[dreg:$0x3] =	wrdreg s7  }
0xac: {  	[dreg:$0x4] =	wrdreg $0xC0  }
0xad: {  	_ =	task [dreg:s9], $0x5FFFF  }
0xae: {  	[dreg:$0x1] =	wrdreg $0xFFFFFFFF  }
0xaf: {  	[dreg:$0x0] =	wrdreg $0x60  }
0xb0: {  	[dreg:$0x2] =	wrdreg s2  }
0xb1: {  	[dreg:$0x3] =	wrdreg s18  }
0xb2: {  	[dreg:$0x4] =	wrdreg s24  }
0xb3: {  	[dreg:$0x5] =	wrdreg s4  }
0xb4: {  	[dreg:$0x6] =	wrdreg $0x9  }
0xb5: {  	_ =	task.clear_ibuf [dreg:s9], $0x7FFFF;
	_ =	strace $0x90000046  }
0xb6: {  	s29 =	simm.s32 $0x9;
	_ =	strace $0x80000048  }
0xb7: {  	_ =	swait.ge [sflag:s29], $0x1  }
0xb8: {  	[sflag:s29] =	ssyncadd.s32 $0xFFFFFFFF  }
0xb9: {  	_ =	strace $0x90000048  }
0xba: {  	_ =	sfence  }
0xbb: {  	s30 =	sld [smem:$0x0];
	_ =	sdelay $0x2  }
0xbc: {  	s31 =	sshll.u32 s1, $0xD;
	s1 =	sshrl.u32 s1, $0x2  }
0xbd: {  	s3 =	sand.u32 $0x4000, s31;
	s1 =	sadd.s32 s1, s30  }
0xbe: {  	s0 =	sor.u32 s3, s0;
	s1 =	sshll.u32 s1, $0x11  }
0xbf: {  	s0 =	sor.u32 s1, s0  }
0xc0: {  	s0 =	sadd.s32 $0x8F2B, s0  }
0xc1: {  	[sflag:s0] =	ssyncadd.remote.s32 $0x1  }
0xc2: {  	_ =	sfence.sel $0xFFFF  }
0xc3: {  	[dreg:$0x0] =	wrdreg $0xFFFFFFFF;
	(pc) =	sbr.abs _section_cstart, $3  }
0xc4: {  	[dreg:$0x1] =	wrdreg $0xFFFFFFFF  }
0xc5: {  	_ =	task.clear_ibuf [dreg:s9], $0x2FFFF;
	_ =	strace $0x9FFFFFFF  }
0xc6: {  	(tm) =	ssettm $0x7FFFFFFF  }
0xc7: {  	_ =	shalt  }
tec
execute0_lowered:
.L_overlay_start_1:
0x0: {  	(tag) =	ssettag $0x1  }
0x1: {  	s7 =	rddreg [dreg:$0x0]  }
0x2: {  	s1 =	rddreg [dreg:$0x1]  }
0x3: {  	s4 =	rddreg [dreg:$0x2]  }
0x4: {  	s2 =	rddreg [dreg:$0x3]  }
0x5: {  	s0 =	rddreg [dreg:$0x4];
	s3 =	simm.s32 $0x0;
	s5 =	srdreg.scid  }
0x6: {  	s11 =	simm.s32 $0x2080;
	s12 =	simm.s32 $0x6080;
	s13 =	simm.s32 $0x0  }
0x7: {  	[smem:$0x7FF] =	sst s3;
	s6 =	sand.u32 $0x1, s5;
	s5 =	sadd.s32 $0x800, s4  }
0x8: {  	s4 =	stileid.u32;
	s7 =	sadd.s32 $0x3E0000, s7;
	s8 =	ssub.s32 $0x2, s6  }
0x9: {  	vm1 =	vcmask $0x2320;
	vm0 =	vcmask $0x300;
	s10 =	sshll.u32 s4, $0x6;
	s6 =	sshll.u32 s6, $0x5;
	s9 =	sshrl.u32 s8, $0x1  }
0xa: {  	vm2 =	vcmask $0x1B00;
	vm1 =	vmor vm0, vm1;
	vm0 =	vcmask $0x3B20;
	_ =	strace $0x80000047;
	s6 =	sor.u32 s6, s10;
	s8 =	ssub.s32 s8, s9  }
0xb: {  	vm14 =	vmmov $0x1;
	vm12 =	vmmov $0xff;
	vm13 =	vmor vm2, vm0;
	s10 =	simm.s32 $0x2000;
	s9 =	simm.s32 $0x1;
	s8 =	smax.u32 s8, $0x1  }
.LBB2_1:
0xc: {  	[tilespmem:s3], [sflag:$0x1] =	stream.linear.gather [hbm4b:s1+s3], $0x2000, $0x38;
	[tilespmem:$0x6480] =	vst v63  }
0xd: {  	_ =	swait.ge [sflag:s9], $0x2000  }
0xe: {  	[sflag:s9] =	ssyncset.done $0x0  }
0xf: {  	[sflag:s9] =	ssyncadd.s32 $0xFFFFE000  }
0x10: {  	[tilespmem:s10], [sflag:$0x1] =	stream.linear.gather [hbm4b:s5+s3], $0x80, $0x38;
	[tilespmem:$0x6480] =	vst v63  }
0x11: {  	_ =	swait.ge [sflag:s9], $0x80  }
0x12: {  	[sflag:s9] =	ssyncset.done $0x0  }
0x13: {  	[sflag:s9] =	ssyncadd.s32 $0xFFFFFF80  }
0x14: {  	v0 =	vld [tilespmem:$0x2000];
	_ =	sdelay $0x4  }
0x15: {  	p1 =	por $0x1, $0x1;
	s14 =	simm.s32 $0x0;
	[tilespmem:$0x1FFF0] =	vst v0  }
.LBB2_2:
0x16: {  	s14 =	sor.u32 s6, s14  }
0x17: {  	s15 =	sshll.u32 s14, $0x7  }
0x18: {  	s16 =	simm.s32 $0x0;
	s15 =	sadd.s32 s15, s7  }
0x19: {  	[tilespmem:s11], [sflag:$0x1] =	stream.linear.gather [hbm4b:s15+s16], $0x4000, $0x38;
	[tilespmem:$0x6480] =	vst v63  }
0x1a: {  	_ =	swait.ge [sflag:s9], $0x4000  }
0x1b: {  	s31 =	sand.u32 $0x70, s16;
	s17 =	sand.u32 $0x1C00, s16;
	[sflag:s9] =	ssyncset.done $0x0  }
0x1c: {  	s15 =	sor.u32 s31, s17;
	[sflag:s9] =	ssyncadd.s32 $0xFFFFC000  }
0x1d: {  	v1 =	vld [tilespmem:s15+$0x200]  }
0x1e: {  	v4 =	vld [tilespmem:s15+$0x2180]  }
0x1f: {  	v7 =	vld [tilespmem:s15+$0x300]  }
0x20: {  	v2 =	vld [tilespmem:s15+$0x280]  }
0x21: {  	s16 =	sor.u32 s16, s16;
	v5 =	vld [tilespmem:s15+$0x180]  }
0x22: {  	s16 =	sor.u32 $0x380, s16;
	v10 =	vld [tilespmem:s15+$0x2100]  }
0x23: {  	v0 =	vimm.f32 $0.0e+00;
	v29 =	vimm.f32 $0.0e+00;
	v27 =	vimm.f32 $0.0e+00;
	v3 =	vld [tilespmem:s16+$0x0]  }
0x24: {  	v28 =	vimm.f32 $0.0e+00;
	v25 =	vimm.f32 $0.0e+00;
	v26 =	vimm.f32 $0.0e+00;
	v6 =	vld [tilespmem:s15+$0x0]  }
0x25: {  	v22 =	vimm.f32 $0.0e+00;
	v23 =	vimm.f32 $0.0e+00;
	v21 =	vimm.f32 $0.0e+00;
	v15 =	vld [tilespmem:s15+$0x100]  }
0x26: {  	v20 =	vimm.f32 $0.0e+00;
	v11 =	vld [tilespmem:s15+$0x80];
	v8 =	vmul.f32 v4, v7;
	v9 =	vmul.f32 v4, v2  }
0x27: {  	v19 =	vimm.f32 $0.0e+00;
	v12 =	vmul.f32 v4, v5;
	v13 =	vmul.f32 v10, v1  }
0x28: {  	v18 =	vimm.f32 $0.0e+00;
	v14 =	vmul.f32 v10, v7;
	v34 =	vmul.f32 v10, v3  }
0x29: {  	v17 =	vimm.f32 $0.0e+00;
	v32 =	vmul.f32 v4, v3;
	v16 =	vmul.f32 v10, v5  }
0x2a: {  	v33 =	vmul.f32 v10, v6;
	v36 =	vmul.f32 v10, v15;
	v40 =	vadd.f32 v8, v0;
	v8 =	vld [tilespmem:s15+$0x2200]  }
0x2b: {  	v41 =	vadd.f32 v9, v0;
	v9 =	vld [tilespmem:s15+$0x2080];
	v42 =	vadd.f32 v12, v0;
	v12 =	vmul.f32 v10, v11  }
0x2c: {  	v46 =	vadd.f32 v14, v0;
	v48 =	vadd.f32 v13, v0;
	v13 =	vmul.f32 v10, v2  }
0x2d: {  	v14 =	vmul.f32 v4, v11;
	v49 =	vadd.f32 v16, v0;
	v16 =	vimm.f32 $0.0e+00  }
0x2e: {  	v10 =	vimm.f32 $0.0e+00;
	v51 =	vadd.f32 v12, v0;
	v12 =	vmul.f32 v4, v1  }
0x2f: {  	v47 =	vadd.f32 v14, v0;
	v50 =	vadd.f32 v13, v0;
	v14 =	vmul.f32 v8, v6  }
0x30: {  	v45 =	vadd.f32 v12, v0;
	v12 =	vmul.f32 v8, v11;
	v35 =	vmul.f32 v11, v9  }
0x31: {  	v13 =	vimm.f32 $0.0e+00;
	v11 =	vmul.f32 v4, v15;
	v24 =	vmul.f32 v15, v9  }
0x32: {  	v31 =	vmul.f32 v8, v15;
	v30 =	vmul.f32 v5, v9;
	v43 =	vadd.f32 v14, v0  }
0x33: {  	v15 =	vimm.f32 $0.0e+00;
	v44 =	vadd.f32 v12, v0;
	v52 =	vadd.f32 v11, v0  }
0x34: {  	p0 =	por p1, p1;
	s20 =	simm.s32 $0x10;
	s17 =	simm.s32 $0x80;
	v14 =	vimm.f32 $0.0e+00;
	v11 =	vimm.f32 $0.0e+00;
	v12 =	vimm.f32 $0.0e+00  }
.LBB2_3:
0x35: {  	s19 =	sand.u32 $0x70, s20  }
0x36: {  	s21 =	sand.u32 $0x1C00, s17;
	v29 =	vadd.f32 v34, v29;
	v4 =	vmul.f32 v4, v6;
	v5 =	vmul.f32 v8, v5;
	s22 =	smov.u32 s20;
	s18 =	sadd.s32 $0x10, s20  }
0x37: {  	p1 =	sne.s32 s20, $0x3F0;
	v34 =	vmul.f32 v1, v9;
	v37 =	vmul.f32 v2, v9;
	s19 =	sor.u32 s19, s21;
	v27 =	vadd.f32 v36, v27  }
0x38: {  	v25 =	vadd.f32 v32, v25;
	v32 =	vmul.f32 v8, v1;
	v28 =	vadd.f32 v4, v28;
	v1 =	vld [tilespmem:s19+$0x200]  }
0x39: {  	v36 =	vmul.f32 v7, v9;
	v26 =	vadd.f32 v37, v26;
	v22 =	vadd.f32 v5, v22;
	v4 =	vld [tilespmem:s19+$0x2180]  }
0x3a: {  	v23 =	vadd.f32 v35, v23;
	v21 =	vadd.f32 v33, v21;
	v33 =	vmul.f32 v8, v2;
	s20 =	sor.u32 s17, s22;
	v37 =	vld [tilespmem:s19+$0x300]  }
0x3b: {  	v7 =	vmul.f32 v8, v7;
	s20 =	sor.u32 $0x380, s20;
	v19 =	vadd.f32 v32, v19;
	v20 =	vadd.f32 v36, v20;
	v2 =	vld [tilespmem:s19+$0x280]  }
0x3c: {  	v8 =	vmul.f32 v8, v3;
	v32 =	vmul.f32 v3, v9;
	v18 =	vadd.f32 v33, v18;
	v5 =	vld [tilespmem:s19+$0x180]  }
0x3d: {  	v9 =	vmul.f32 v6, v9;
	v15 =	vadd.f32 v34, v15;
	v13 =	vadd.f32 v7, v13;
	v36 =	vld [tilespmem:s19+$0x2100]  }
0x3e: {  	v11 =	vadd.f32 v31, v11;
	v14 =	vadd.f32 v32, v14;
	v3 =	vld [tilespmem:s20+$0x0]  }
0x3f: {  	v12 =	vadd.f32 v30, v12;
	v16 =	vadd.f32 v8, v16;
	v31 =	vld [tilespmem:s19+$0x80];
	v32 =	vmul.f32 v4, v37;
	v7 =	vmovc v37  }
0x40: {  	v10 =	vadd.f32 v24, v10;
	v17 =	vadd.f32 v9, v17;
	v6 =	vld [tilespmem:s19+$0x0];
	v30 =	vmul.f32 v4, v2  }
0x41: {  	v24 =	vmul.f32 v4, v5;
	v40 =	vadd.f32 v32, v40;
	v8 =	vld [tilespmem:s19+$0x2200]  }
0x42: {  	v9 =	vld [tilespmem:s19+$0x2080];
	v33 =	vmul.f32 v36, v1;
	v35 =	vmul.f32 v36, v7;
	v41 =	vadd.f32 v30, v41  }
0x43: {  	v34 =	vmul.f32 v36, v3;
	v42 =	vadd.f32 v24, v42;
	v32 =	vmul.f32 v4, v3  }
0x44: {  	v30 =	vmul.f32 v36, v5;
	v37 =	vld [tilespmem:s19+$0x100];
	v24 =	vmul.f32 v36, v31;
	v46 =	vadd.f32 v35, v46  }
0x45: {  	v48 =	vadd.f32 v33, v48;
	v35 =	vmul.f32 v36, v2;
	v38 =	vmul.f32 v4, v31  }
0x46: {  	v49 =	vadd.f32 v30, v49;
	v51 =	vadd.f32 v24, v51;
	v24 =	vmul.f32 v4, v1  }
.Ltmp0:
0x47: {  	v33 =	vmul.f32 v36, v6;
	v47 =	vadd.f32 v38, v47;
	v30 =	vmul.f32 v8, v6;
	(pc) =	sbr.rel @p1 .LBB2_3-.Ltmp0, $4  }
0x48: {  	v50 =	vadd.f32 v35, v50;
	v38 =	vmul.f32 v8, v31;
	v45 =	vadd.f32 v24, v45  }
0x49: {  	v35 =	vmul.f32 v31, v9;
	v43 =	vadd.f32 v30, v43;
	v39 =	vmul.f32 v4, v37  }
0x4a: {  	v44 =	vadd.f32 v38, v44;
	v24 =	vmul.f32 v37, v9;
	v31 =	vmul.f32 v8, v37  }
0x4b: {  	s17 =	sadd.s32 $0x80, s17;
	s20 =	smov.u32 s18;
	v30 =	vmul.f32 v5, v9;
	v36 =	vmul.f32 v36, v37;
	v52 =	vadd.f32 v39, v52  }
0x4c: {  	[tilespmem:$0x1FE30] =	vst v51  }
0x4d: {  	[tilespmem:$0x1FE40] =	vst v50;
	v4 =	vmul.f32 v4, v6;
	v29 =	vadd.f32 v34, v29  }
0x4e: {  	[tilespmem:$0x1FE50] =	vst v46;
	v21 =	vadd.f32 v33, v21  }
0x4f: {  	[tilespmem:$0x1FEC0] =	vst v29;
	v4 =	vadd.f32 v4, v28  }
0x50: {  	v6 =	vmul.f32 v6, v9;
	v29 =	vmul.f32 v8, v5;
	v5 =	vadd.f32 v36, v27;
	[tilespmem:$0x1FF30] =	vst v21  }
0x51: {  	v62 =	vmul.f32 v2, v9;
	[tilespmem:$0x1FEE0] =	vst v4;
	v4 =	vadd.f32 v32, v25  }
0x52: {  	v6 =	vadd.f32 v6, v17;
	[tilespmem:$0x1FED0] =	vst v5  }
0x53: {  	v37 =	vmul.f32 v1, v9;
	v21 =	vmul.f32 v8, v2;
	[tilespmem:$0x1FEF0] =	vst v4;
	v4 =	vadd.f32 v62, v26  }
0x54: {  	v63 =	vld [tilespmem:s15+$0x200];
	v28 =	vimm.f32 $0.0e+00;
	[tilespmem:$0x1FFD0] =	vst v6;
	v26 =	vmul.f32 v8, v1;
	v1 =	vadd.f32 v29, v22  }
0x55: {  	v27 =	vimm.f32 $0.0e+00;
	v18 =	vadd.f32 v21, v18;
	v6 =	vld [tilespmem:s15+$0x2280];
	[tilespmem:$0x1FF00] =	vst v4;
	v4 =	vmul.f32 v7, v9  }
0x56: {  	v25 =	vld [tilespmem:s15+$0x100];
	[tilespmem:$0x1FF10] =	vst v1;
	v1 =	vadd.f32 v35, v23;
	v7 =	vmul.f32 v8, v7;
	v8 =	vmul.f32 v8, v3  }
0x57: {  	v17 =	vimm.f32 $0.0e+00;
	v32 =	vimm.f32 $0.0e+00;
	[tilespmem:$0x1FF60] =	vst v18;
	v2 =	vadd.f32 v4, v20  }
0x58: {  	v21 =	vimm.f32 $0.0e+00;
	v29 =	vimm.f32 $0.0e+00;
	[tilespmem:$0x1FF20] =	vst v1;
	v1 =	vld [tilespmem:s15+$0x2300];
	v8 =	vadd.f32 v8, v16  }
0x59: {  	v4 =	vld [tilespmem:s15+$0x280];
	[tilespmem:$0x1FF40] =	vst v2;
	v2 =	vadd.f32 v26, v19;
	v19 =	vmul.f32 v3, v9;
	v3 =	vadd.f32 v37, v15  }
0x5a: {  	v18 =	vld [tilespmem:s15+$0x180];
	v22 =	vimm.f32 $0.0e+00;
	v23 =	vimm.f32 $0.0e+00;
	v34 =	vmul.f32 v63, v6;
	[tilespmem:$0x1FFC0] =	vst v8  }
0x5b: {  	v38 =	vmul.f32 v25, v6;
	v20 =	vimm.f32 $0.0e+00;
	v15 =	vld [tilespmem:s15+$0x0];
	[tilespmem:$0x1FF70] =	vst v3;
	v3 =	vadd.f32 v7, v13  }
0x5c: {  	v9 =	vadd.f32 v24, v10;
	v26 =	vimm.f32 $0.0e+00;
	[tilespmem:$0x1FF50] =	vst v2;
	v2 =	vld [tilespmem:s16+$0x2080];
	v7 =	vadd.f32 v31, v11  }
0x5d: {  	v5 =	vld [tilespmem:s15+$0x300];
	v24 =	vimm.f32 $0.0e+00;
	v13 =	vimm.f32 $0.0e+00;
	[tilespmem:$0x1FF80] =	vst v3;
	v3 =	vadd.f32 v19, v14  }
0x5e: {  	v8 =	vmul.f32 v1, v63;
	v10 =	vmul.f32 v1, v4;
	[tilespmem:$0x1FFA0] =	vst v7;
	v7 =	vadd.f32 v30, v12  }
0x5f: {  	v11 =	vmul.f32 v1, v18;
	v35 =	vmul.f32 v4, v6;
	v19 =	vimm.f32 $0.0e+00;
	[tilespmem:$0x1FF90] =	vst v3;
	v3 =	vld [tilespmem:s15+$0x2380]  }
0x60: {  	v14 =	vimm.f32 $0.0e+00;
	v50 =	vadd.f32 v8, v0;
	[tilespmem:$0x1FFB0] =	vst v7;
	v7 =	vmul.f32 v1, v25  }
0x61: {  	[tilespmem:$0x1FE90] =	vst v42;
	v8 =	vld [tilespmem:s16+$0x0];
	v54 =	vadd.f32 v11, v0;
	v11 =	vmul.f32 v2, v15;
	v33 =	vmul.f32 v2, v18  }
0x62: {  	[tilespmem:$0x1FFE0] =	vst v9;
	v9 =	vld [tilespmem:s15+$0x80];
	v39 =	vmul.f32 v2, v5;
	v46 =	vadd.f32 v7, v0;
	v7 =	vmul.f32 v1, v5  }
0x63: {  	[tilespmem:$0x1FEA0] =	vst v41;
	v51 =	vadd.f32 v10, v0;
	v42 =	vmul.f32 v2, v25;
	v41 =	vmul.f32 v2, v63  }
0x64: {  	v53 =	vadd.f32 v7, v0;
	v7 =	vmul.f32 v2, v4;
	v10 =	vmul.f32 v3, v25  }
0x65: {  	v37 =	vadd.f32 v11, v0;
	v12 =	vmul.f32 v3, v18;
	v16 =	vmul.f32 v3, v5  }
0x66: {  	[tilespmem:$0x1FEB0] =	vst v40;
	v11 =	vimm.f32 $0.0e+00;
	v30 =	vmul.f32 v3, v8;
	v40 =	vmul.f32 v3, v63  }
0x67: {  	[tilespmem:$0x1FE60] =	vst v45;
	v25 =	vimm.f32 $0.0e+00;
	v45 =	vadd.f32 v10, v0;
	v10 =	vmul.f32 v9, v6  }
0x68: {  	[tilespmem:$0x1FE20] =	vst v52;
	v36 =	vadd.f32 v7, v0;
	v52 =	vadd.f32 v12, v0;
	v12 =	vmul.f32 v18, v6  }
0x69: {  	[tilespmem:$0x1FE70] =	vst v44;
	v7 =	vimm.f32 $0.0e+00;
	v18 =	vimm.f32 $0.0e+00;
	v55 =	vadd.f32 v10, v0  }
0x6a: {  	[tilespmem:$0x1FE80] =	vst v43;
	s18 =	simm.s32 $0x10;
	s15 =	simm.s32 $0x80;
	v56 =	vadd.f32 v12, v0;
	v12 =	vimm.f32 $0.0e+00;
	v10 =	vimm.f32 $0.0e+00  }
.LBB2_5:
0x6b: {  	s17 =	sand.u32 $0x70, s18  }
0x6c: {  	s19 =	sand.u32 $0x1C00, s15;
	v31 =	vmul.f32 v15, v6;
	v43 =	vmul.f32 v5, v6;
	v0 =	vadd.f32 v42, v0;
	s20 =	smov.u32 s18;
	s16 =	sadd.s32 $0x10, s18  }
0x6d: {  	p1 =	sne.s32 s18, $0x3F0;
	v32 =	vadd.f32 v35, v32;
	v35 =	vmul.f32 v1, v8;
	s17 =	sor.u32 s17, s19;
	v28 =	vadd.f32 v41, v28  }
0x6e: {  	v42 =	vmul.f32 v1, v15;
	v29 =	vadd.f32 v40, v29;
	v7 =	vadd.f32 v39, v7;
	v41 =	vld [tilespmem:s17+$0x200]  }
0x6f: {  	v27 =	vadd.f32 v34, v27;
	v15 =	vmul.f32 v3, v15;
	s18 =	sor.u32 s15, s20;
	v26 =	vadd.f32 v35, v26;
	v5 =	vld [tilespmem:s17+$0x300]  }
0x70: {  	v34 =	vmul.f32 v1, v9;
	v25 =	vadd.f32 v38, v25;
	s18 =	sor.u32 $0x380, s18;
	v35 =	vmul.f32 v2, v8;
	v44 =	vld [tilespmem:s17+$0x100]  }
0x71: {  	v38 =	vmul.f32 v3, v9;
	v24 =	vadd.f32 v42, v24;
	v22 =	vadd.f32 v15, v22;
	v1 =	vld [tilespmem:s17+$0x2300]  }
0x72: {  	v9 =	vmul.f32 v2, v9;
	v23 =	vadd.f32 v34, v23;
	v20 =	vadd.f32 v35, v20;
	v39 =	vld [tilespmem:s17+$0x280]  }
0x73: {  	v4 =	vmul.f32 v3, v4;
	v19 =	vadd.f32 v33, v19;
	v21 =	vadd.f32 v43, v21;
	v2 =	vld [tilespmem:s18+$0x2080]  }
0x74: {  	v6 =	vmul.f32 v8, v6;
	v18 =	vadd.f32 v16, v18;
	v11 =	vadd.f32 v9, v11;
	v40 =	vld [tilespmem:s17+$0x180]  }
0x75: {  	v10 =	vadd.f32 v30, v10;
	v12 =	vadd.f32 v4, v12;
	v3 =	vld [tilespmem:s17+$0x2380]  }
0x76: {  	v17 =	vadd.f32 v6, v17;
	v13 =	vadd.f32 v38, v13;
	v15 =	vld [tilespmem:s17+$0x0];
	v9 =	vmul.f32 v1, v44  }
0x77: {  	v14 =	vadd.f32 v31, v14;
	v16 =	vmul.f32 v1, v41;
	v6 =	vld [tilespmem:s17+$0x2280];
	v30 =	vmul.f32 v1, v39;
	v4 =	vmovc v39  }
0x78: {  	v31 =	vimm.f32 $0.0e+00;
	v33 =	vmul.f32 v1, v5;
	v8 =	vld [tilespmem:s18+$0x0];
	v46 =	vadd.f32 v9, v46  }
0x79: {  	v50 =	vadd.f32 v16, v50;
	v9 =	vld [tilespmem:s17+$0x80];
	v34 =	vmul.f32 v1, v40;
	v51 =	vadd.f32 v30, v51  }
0x7a: {  	v53 =	vadd.f32 v33, v53;
	v30 =	vmul.f32 v3, v44;
	v33 =	vmul.f32 v3, v40  }
0x7b: {  	v38 =	vmul.f32 v2, v4;
	v16 =	vmul.f32 v3, v5;
	v54 =	vadd.f32 v34, v54  }
0x7c: {  	v35 =	vmul.f32 v4, v6;
	v45 =	vadd.f32 v30, v45;
	v30 =	vmul.f32 v2, v15  }
.Ltmp1:
0x7d: {  	v34 =	vmul.f32 v41, v6;
	v52 =	vadd.f32 v33, v52;
	v33 =	vmul.f32 v2, v40;
	(pc) =	sbr.rel @p1 .LBB2_5-.Ltmp1, $4  }
0x7e: {  	v43 =	vmul.f32 v40, v6;
	v42 =	vmul.f32 v9, v6;
	v37 =	vadd.f32 v30, v37  }
0x7f: {  	v39 =	vmul.f32 v2, v5;
	v36 =	vadd.f32 v38, v36;
	v30 =	vmul.f32 v3, v8  }
0x80: {  	v40 =	vmul.f32 v3, v41;
	v55 =	vadd.f32 v42, v55;
	v42 =	vmul.f32 v2, v44  }
0x81: {  	s15 =	sadd.s32 $0x80, s15;
	s18 =	smov.u32 s16;
	s17 =	simm.s32 $0x0;
	v38 =	vmul.f32 v44, v6;
	v41 =	vmul.f32 v2, v41;
	v56 =	vadd.f32 v43, v56  }
0x82: {  	v0 =	vadd.f32 v42, v0  }
0x83: {  	[tilespmem:$0x1FC90] =	vst v45;
	v7 =	vadd.f32 v39, v7  }
0x84: {  	v44 =	vmul.f32 v5, v6;
	v5 =	vmul.f32 v1, v8;
	[tilespmem:$0x1FCD0] =	vst v0;
	v0 =	vadd.f32 v35, v32  }
0x85: {  	v4 =	vmul.f32 v3, v4;
	[tilespmem:$0x1FD10] =	vst v7;
	v7 =	vadd.f32 v34, v27  }
0x86: {  	v5 =	vadd.f32 v5, v26;
	[tilespmem:$0x1FCE0] =	vst v0  }
0x87: {  	v4 =	vadd.f32 v4, v12;
	[tilespmem:$0x1FD20] =	vst v7  }
0x88: {  	v0 =	vadd.f32 v41, v28;
	[tilespmem:$0x1FD30] =	vst v5  }
0x89: {  	v26 =	vmul.f32 v1, v9;
	v28 =	vmul.f32 v1, v15;
	v1 =	vadd.f32 v38, v25;
	[tilespmem:$0x1FDD0] =	vst v4  }
0x8a: {  	v4 =	vadd.f32 v30, v10;
	[tilespmem:$0x1FCF0] =	vst v0  }
0x8b: {  	v43 =	vmul.f32 v15, v6;
	s15 =	sand.u32 $0x70, s17;
	s16 =	sand.u32 $0x1C00, s17;
	v15 =	vmul.f32 v3, v15;
	v0 =	vadd.f32 v40, v29;
	[tilespmem:$0x1FD40] =	vst v1  }
0x8c: {  	s15 =	sor.u32 s15, s16;
	v25 =	vmul.f32 v2, v8;
	v1 =	vadd.f32 v28, v24;
	[tilespmem:$0x1FDE0] =	vst v4  }
0x8d: {  	v6 =	vmul.f32 v8, v6;
	v7 =	vld [tilespmem:s15+$0x4180];
	v15 =	vadd.f32 v15, v22;
	[tilespmem:$0x1FD00] =	vst v0  }
0x8e: {  	v5 =	vld [tilespmem:s15+$0x300];
	v3 =	vmul.f32 v3, v9;
	v22 =	vmul.f32 v2, v9;
	v2 =	vadd.f32 v25, v20;
	[tilespmem:$0x1FD50] =	vst v1  }
0x8f: {  	v20 =	vld [tilespmem:s15+$0x4100];
	v4 =	vadd.f32 v6, v17;
	[tilespmem:$0x1FD60] =	vst v15  }
0x90: {  	v27 =	vimm.f32 $0.0e+00;
	v9 =	vld [tilespmem:s15+$0x80];
	v3 =	vadd.f32 v3, v13;
	v29 =	vimm.f32 $0.0e+00;
	[tilespmem:$0x1FD80] =	vst v2  }
0x91: {  	v28 =	vimm.f32 $0.0e+00;
	v25 =	vimm.f32 $0.0e+00;
	v0 =	vld [tilespmem:s15+$0x200];
	v15 =	vadd.f32 v26, v23;
	[tilespmem:$0x1FDF0] =	vst v4  }
0x92: {  	v24 =	vimm.f32 $0.0e+00;
	v17 =	vimm.f32 $0.0e+00;
	v1 =	vld [tilespmem:s15+$0x280];
	v2 =	vadd.f32 v44, v21;
	[tilespmem:$0x1FE00] =	vst v3  }
0x93: {  	v8 =	vadd.f32 v22, v11;
	v3 =	vadd.f32 v43, v14;
	v4 =	vld [tilespmem:s15+$0x0];
	v6 =	vmul.f32 v7, v5;
	[tilespmem:$0x1FD70] =	vst v15  }
0x94: {  	v23 =	vimm.f32 $0.0e+00;
	v22 =	vimm.f32 $0.0e+00;
	v15 =	vld [tilespmem:s15+$0x180];
	[tilespmem:$0x1FD90] =	vst v2;
	v2 =	vadd.f32 v33, v19  }
0x95: {  	v14 =	vimm.f32 $0.0e+00;
	[tilespmem:$0x1FDC0] =	vst v8;
	v19 =	vimm.f32 $0.0e+00;
	v45 =	vadd.f32 v6, v31  }
0x96: {  	v8 =	vld [tilespmem:s15+$0x4080];
	v12 =	vmul.f32 v20, v5;
	[tilespmem:$0x1FDA0] =	vst v2;
	v2 =	vadd.f32 v16, v18;
	v18 =	vimm.f32 $0.0e+00  }
0x97: {  	[tilespmem:$0x1FE10] =	vst v3;
	v16 =	vimm.f32 $0.0e+00;
	v3 =	vmul.f32 v7, v1;
	v11 =	vmul.f32 v20, v0  }
0x98: {  	[tilespmem:$0x1FC10] =	vst v56;
	v6 =	vld [tilespmem:s15+$0x4200];
	v56 =	vadd.f32 v12, v31;
	v12 =	vmul.f32 v7, v9;
	v34 =	vmul.f32 v20, v4  }
0x99: {  	[tilespmem:$0x1FC80] =	vst v46;
	s31 =	sor.u32 s17, s17;
	v10 =	vmul.f32 v7, v15;
	v46 =	vadd.f32 v3, v31;
	v3 =	vmul.f32 v20, v9  }
0x9a: {  	[tilespmem:$0x1FC20] =	vst v55;
	s16 =	sor.u32 $0x380, s31;
	v13 =	vmul.f32 v20, v15;
	v58 =	vadd.f32 v11, v31;
	v11 =	vmul.f32 v20, v1  }
0x9b: {  	[tilespmem:$0x1FDB0] =	vst v2;
	v2 =	vld [tilespmem:s16+$0x0];
	v57 =	vadd.f32 v12, v31;
	v38 =	vmul.f32 v9, v8;
	v30 =	vmul.f32 v15, v8  }
0x9c: {  	[tilespmem:$0x1FC70] =	vst v50;
	v50 =	vadd.f32 v10, v31;
	v10 =	vld [tilespmem:s15+$0x100];
	v21 =	vadd.f32 v3, v31;
	v3 =	vmul.f32 v7, v0  }
0x9d: {  	[tilespmem:$0x1FC30] =	vst v54;
	v12 =	vmul.f32 v6, v4;
	v60 =	vadd.f32 v13, v31;
	v62 =	vadd.f32 v11, v31  }
0x9e: {  	[tilespmem:$0x1FC40] =	vst v53;
	v11 =	vimm.f32 $0.0e+00;
	v54 =	vadd.f32 v3, v31;
	v3 =	vmul.f32 v6, v9  }
0x9f: {  	[tilespmem:$0x1FC60] =	vst v51;
	v13 =	vimm.f32 $0.0e+00;
	v51 =	vadd.f32 v12, v31;
	v12 =	vimm.f32 $0.0e+00  }
0xa0: {  	[tilespmem:$0x1FC50] =	vst v52;
	v35 =	vmul.f32 v20, v2;
	v33 =	vmul.f32 v7, v2;
	v52 =	vadd.f32 v3, v31  }
0xa1: {  	[tilespmem:$0x1FCA0] =	vst v49;
	v3 =	vimm.f32 $0.0e+00;
	v9 =	vmul.f32 v7, v10;
	v26 =	vmul.f32 v10, v8  }
0xa2: {  	[tilespmem:$0x1FCB0] =	vst v48;
	v32 =	vmul.f32 v6, v10;
	v39 =	vmul.f32 v20, v10;
	v20 =	vimm.f32 $0.0e+00  }
0xa3: {  	[tilespmem:$0x1FCC0] =	vst v47;
	s20 =	simm.s32 $0x10;
	s17 =	simm.s32 $0x80;
	v10 =	vimm.f32 $0.0e+00;
	v63 =	vadd.f32 v9, v31;
	v9 =	vimm.f32 $0.0e+00  }
.LBB2_7:
0xa4: {  	s19 =	sand.u32 $0x70, s20  }
0xa5: {  	s21 =	sand.u32 $0x1C00, s17;
	v29 =	vadd.f32 v35, v29;
	v7 =	vmul.f32 v7, v4;
	v15 =	vmul.f32 v6, v15;
	s22 =	smov.u32 s20;
	s18 =	sadd.s32 $0x10, s20  }
0xa6: {  	p1 =	sne.s32 s20, $0x3F0;
	v35 =	vmul.f32 v0, v8;
	v40 =	vmul.f32 v1, v8;
	s19 =	sor.u32 s19, s21;
	v27 =	vadd.f32 v39, v27  }
0xa7: {  	v3 =	vadd.f32 v33, v3;
	v33 =	vmul.f32 v6, v0;
	v28 =	vadd.f32 v7, v28;
	v0 =	vld [tilespmem:s19+$0x200]  }
0xa8: {  	v39 =	vmul.f32 v5, v8;
	v25 =	vadd.f32 v40, v25;
	v23 =	vadd.f32 v15, v23;
	v7 =	vld [tilespmem:s19+$0x4180]  }
0xa9: {  	v24 =	vadd.f32 v38, v24;
	v22 =	vadd.f32 v34, v22;
	v34 =	vmul.f32 v6, v1;
	s20 =	sor.u32 s17, s22;
	v40 =	vld [tilespmem:s19+$0x300]  }
0xaa: {  	v5 =	vmul.f32 v6, v5;
	s20 =	sor.u32 $0x380, s20;
	v19 =	vadd.f32 v33, v19;
	v20 =	vadd.f32 v39, v20;
	v1 =	vld [tilespmem:s19+$0x280]  }
0xab: {  	v6 =	vmul.f32 v6, v2;
	v33 =	vmul.f32 v2, v8;
	v18 =	vadd.f32 v34, v18;
	v15 =	vld [tilespmem:s19+$0x180]  }
0xac: {  	v8 =	vmul.f32 v4, v8;
	v17 =	vadd.f32 v35, v17;
	v14 =	vadd.f32 v5, v14;
	v39 =	vld [tilespmem:s19+$0x4100]  }
0xad: {  	v10 =	vadd.f32 v32, v10;
	v16 =	vadd.f32 v33, v16;
	v2 =	vld [tilespmem:s20+$0x0]  }
0xae: {  	v11 =	vadd.f32 v30, v11;
	v12 =	vadd.f32 v6, v12;
	v32 =	vld [tilespmem:s19+$0x80];
	v33 =	vmul.f32 v7, v40;
	v5 =	vmovc v40  }
0xaf: {  	v9 =	vadd.f32 v26, v9;
	v13 =	vadd.f32 v8, v13;
	v4 =	vld [tilespmem:s19+$0x0];
	v30 =	vmul.f32 v7, v1  }
0xb0: {  	v26 =	vmul.f32 v7, v15;
	v45 =	vadd.f32 v33, v45;
	v6 =	vld [tilespmem:s19+$0x4200]  }
0xb1: {  	v8 =	vld [tilespmem:s19+$0x4080];
	v34 =	vmul.f32 v39, v0;
	v38 =	vmul.f32 v39, v5;
	v46 =	vadd.f32 v30, v46  }
0xb2: {  	v35 =	vmul.f32 v39, v2;
	v50 =	vadd.f32 v26, v50;
	v33 =	vmul.f32 v7, v2  }
0xb3: {  	v30 =	vmul.f32 v39, v15;
	v40 =	vld [tilespmem:s19+$0x100];
	v26 =	vmul.f32 v39, v32;
	v56 =	vadd.f32 v38, v56  }
0xb4: {  	v58 =	vadd.f32 v34, v58;
	v38 =	vmul.f32 v39, v1;
	v41 =	vmul.f32 v7, v32  }
0xb5: {  	v60 =	vadd.f32 v30, v60;
	v21 =	vadd.f32 v26, v21;
	v26 =	vmul.f32 v7, v0  }
.Ltmp2:
0xb6: {  	v34 =	vmul.f32 v39, v4;
	v57 =	vadd.f32 v41, v57;
	v30 =	vmul.f32 v6, v4;
	(pc) =	sbr.rel @p1 .LBB2_7-.Ltmp2, $4  }
0xb7: {  	v62 =	vadd.f32 v38, v62;
	v41 =	vmul.f32 v6, v32;
	v54 =	vadd.f32 v26, v54  }
0xb8: {  	v38 =	vmul.f32 v32, v8;
	v51 =	vadd.f32 v30, v51;
	v42 =	vmul.f32 v7, v40  }
0xb9: {  	v52 =	vadd.f32 v41, v52;
	v26 =	vmul.f32 v40, v8;
	v32 =	vmul.f32 v6, v40  }
0xba: {  	s17 =	sadd.s32 $0x80, s17;
	s20 =	smov.u32 s18;
	v30 =	vmul.f32 v15, v8;
	v39 =	vmul.f32 v39, v40;
	v63 =	vadd.f32 v42, v63  }
0xbb: {  	v29 =	vadd.f32 v35, v29  }
0xbc: {  	v7 =	vmul.f32 v7, v4;
	v3 =	vadd.f32 v33, v3  }
0xbd: {  	v15 =	vmul.f32 v6, v15;
	v27 =	vadd.f32 v39, v27;
	[tilespmem:$0x1FAD0] =	vst v29  }
0xbe: {  	v59 =	vmul.f32 v0, v8;
	v0 =	vmul.f32 v6, v0;
	v7 =	vadd.f32 v7, v28;
	[tilespmem:$0x1FB00] =	vst v3  }
0xbf: {  	v29 =	vmul.f32 v1, v8;
	v15 =	vadd.f32 v15, v23;
	[tilespmem:$0x1FAE0] =	vst v27  }
0xc0: {  	v0 =	vadd.f32 v0, v19;
	[tilespmem:$0x1FAF0] =	vst v7  }
0xc1: {  	v1 =	vmul.f32 v6, v1;
	v3 =	vadd.f32 v29, v25;
	[tilespmem:$0x1FB20] =	vst v15  }
0xc2: {  	v15 =	vadd.f32 v38, v24;
	[tilespmem:$0x1FB60] =	vst v0  }
0xc3: {  	v61 =	vld [tilespmem:s15+$0x200];
	v7 =	vmul.f32 v5, v8;
	v1 =	vadd.f32 v1, v18;
	[tilespmem:$0x1FB10] =	vst v3  }
0xc4: {  	v33 =	vld [tilespmem:s15+$0x300];
	v0 =	vmul.f32 v6, v5;
	[tilespmem:$0x1FB30] =	vst v15;
	v15 =	vadd.f32 v34, v22  }
0xc5: {  	v48 =	vld [tilespmem:s15+$0x180];
	v7 =	vadd.f32 v7, v20;
	[tilespmem:$0x1FB70] =	vst v1  }
0xc6: {  	v39 =	vimm.f32 $0.0e+00;
	v25 =	vld [tilespmem:s15+$0x280];
	v5 =	vmul.f32 v2, v8;
	v0 =	vadd.f32 v0, v14;
	[tilespmem:$0x1FB40] =	vst v15  }
0xc7: {  	v28 =	vimm.f32 $0.0e+00;
	v1 =	vmul.f32 v6, v2;
	v2 =	vadd.f32 v59, v17;
	v6 =	vld [tilespmem:s15+$0x4300];
	[tilespmem:$0x1FB50] =	vst v7  }
0xc8: {  	v27 =	vimm.f32 $0.0e+00;
	v38 =	vimm.f32 $0.0e+00;
	v34 =	vld [tilespmem:s16+$0x0];
	[tilespmem:$0x1FB90] =	vst v0;
	v0 =	vadd.f32 v5, v16  }
0xc9: {  	v29 =	vimm.f32 $0.0e+00;
	v3 =	vld [tilespmem:s15+$0x4380];
	[tilespmem:$0x1FB80] =	vst v2;
	v2 =	vmul.f32 v4, v8;
	v1 =	vadd.f32 v1, v12  }
0xca: {  	v24 =	vimm.f32 $0.0e+00;
	v14 =	vimm.f32 $0.0e+00;
	v5 =	vld [tilespmem:s15+$0x80];
	[tilespmem:$0x1FBA0] =	vst v0;
	v0 =	vadd.f32 v32, v10  }
0xcb: {  	v7 =	vld [tilespmem:s15+$0x0];
	v12 =	vimm.f32 $0.0e+00;
	v16 =	vimm.f32 $0.0e+00;
	[tilespmem:$0x1FBD0] =	vst v1;
	v1 =	vadd.f32 v2, v13  }
0xcc: {  	v4 =	vld [tilespmem:s15+$0x4280];
	v15 =	vimm.f32 $0.0e+00;
	v2 =	vadd.f32 v26, v9;
	v8 =	vmul.f32 v6, v61;
	[tilespmem:$0x1FBB0] =	vst v0  }
0xcd: {  	v13 =	vimm.f32 $0.0e+00;
	v9 =	vmul.f32 v6, v33;
	v20 =	vmul.f32 v6, v34;
	[tilespmem:$0x1FBE0] =	vst v1  }
0xce: {  	v47 =	vld [tilespmem:s15+$0x4400];
	v0 =	vadd.f32 v30, v11;
	v1 =	vmul.f32 v3, v25;
	[tilespmem:$0x1FBF0] =	vst v2;
	v2 =	vmul.f32 v3, v48  }
0xcf: {  	v10 =	vld [tilespmem:s15+$0x100];
	v11 =	vimm.f32 $0.0e+00;
	v42 =	vadd.f32 v8, v31;
	v8 =	vmul.f32 v6, v25  }
0xd0: {  	v40 =	vadd.f32 v9, v31;
	v9 =	vmul.f32 v3, v5;
	v19 =	vmul.f32 v6, v7  }
0xd1: {  	v30 =	vimm.f32 $0.0e+00;
	v22 =	vmul.f32 v5, v4;
	v18 =	vmul.f32 v48, v4  }
0xd2: {  	[tilespmem:$0x1FBC0] =	vst v0;
	v0 =	vmul.f32 v3, v33;
	v49 =	vadd.f32 v1, v31;
	v53 =	vadd.f32 v2, v31  }
0xd3: {  	v1 =	vmul.f32 v6, v5;
	v2 =	vmul.f32 v6, v48;
	v35 =	vadd.f32 v9, v31  }
0xd4: {  	v9 =	vmul.f32 v47, v7;
	v44 =	vadd.f32 v8, v31;
	v17 =	vmul.f32 v10, v4  }
0xd5: {  	v26 =	vmul.f32 v6, v10;
	v23 =	vadd.f32 v2, v31;
	v2 =	vmul.f32 v3, v61  }
0xd6: {  	v8 =	vimm.f32 $0.0e+00;
	v6 =	vimm.f32 $0.0e+00;
	v43 =	vadd.f32 v0, v31  }
0xd7: {  	v0 =	vmul.f32 v3, v34;
	v32 =	vadd.f32 v2, v31;
	v2 =	vmul.f32 v47, v5  }
0xd8: {  	[tilespmem:$0x1FAB0] =	vst v37;
	v1 =	vadd.f32 v1, v31;
	v59 =	vadd.f32 v9, v31;
	v5 =	vmul.f32 v3, v10  }
0xd9: {  	[tilespmem:$0x1FAC0] =	vst v36;
	v9 =	vimm.f32 $0.0e+00;
	v55 =	vadd.f32 v2, v31;
	v2 =	vmul.f32 v47, v10  }
0xda: {  	s18 =	simm.s32 $0x10;
	s15 =	simm.s32 $0x80;
	[tilespmem:$0x1FC00] =	vst v0;
	v41 =	vadd.f32 v5, v31;
	v10 =	vimm.f32 $0.0e+00;
	v5 =	vimm.f32 $0.0e+00  }
.LBB2_9:
0xdb: {  	s17 =	sand.u32 $0x70, s18;
	s19 =	sand.u32 $0x1C00, s15;
	v3 =	vmul.f32 v3, v7  }
0xdc: {  	v0 =	vld [tilespmem:$0x1FC00];
	v31 =	vadd.f32 v20, v31;
	v20 =	vmul.f32 v47, v48;
	s17 =	sor.u32 s17, s19  }
0xdd: {  	v48 =	vmul.f32 v25, v4;
	v14 =	vadd.f32 v26, v14;
	v12 =	vadd.f32 v3, v12;
	v3 =	vld [tilespmem:s17+$0x4380]  }
0xde: {  	v11 =	vadd.f32 v22, v11;
	v9 =	vadd.f32 v19, v9;
	v19 =	vmul.f32 v47, v25;
	v25 =	vld [tilespmem:s17+$0x280]  }
0xdf: {  	v36 =	vmul.f32 v61, v4;
	v39 =	vadd.f32 v2, v39;
	v13 =	vadd.f32 v18, v13;
	v2 =	vld [tilespmem:s17+$0x80]  }
0xe0: {  	s20 =	smov.u32 s18;
	v26 =	vmul.f32 v33, v4;
	v15 =	vadd.f32 v17, v15;
	v29 =	vadd.f32 v20, v29;
	v20 =	vld [tilespmem:s17+$0x300]  }
0xe1: {  	s31 =	sor.u32 s15, s20;
	v22 =	vmul.f32 v34, v4;
	v8 =	vadd.f32 v36, v8;
	v10 =	vadd.f32 v48, v10;
	v48 =	vld [tilespmem:s17+$0x180]  }
0xe2: {  	s16 =	sadd.s32 $0x10, s18;
	p1 =	sne.s32 s18, $0x3F0;
	v4 =	vmul.f32 v7, v4;
	s18 =	sor.u32 $0x380, s31;
	v5 =	vadd.f32 v26, v5;
	v27 =	vadd.f32 v19, v27;
	v26 =	vld [tilespmem:s17+$0x4300]  }
0xe3: {  	v19 =	vmul.f32 v47, v34;
	v34 =	vld [tilespmem:s18+$0x0];
	v38 =	vadd.f32 v0, v38;
	v0 =	vmul.f32 v47, v61  }
0xe4: {  	v6 =	vadd.f32 v22, v6;
	v16 =	vadd.f32 v4, v16;
	v61 =	vld [tilespmem:s17+$0x200]  }
0xe5: {  	v30 =	vadd.f32 v0, v30;
	v0 =	vmul.f32 v47, v33;
	v18 =	vmul.f32 v3, v25  }
0xe6: {  	v7 =	vld [tilespmem:s17+$0x0];
	v28 =	vadd.f32 v19, v28;
	v37 =	vmul.f32 v3, v2;
	v33 =	vmovc v20;
	v17 =	vmul.f32 v3, v48  }
0xe7: {  	v36 =	vld [tilespmem:s17+$0x100];
	v24 =	vadd.f32 v0, v24;
	v0 =	vmul.f32 v3, v20;
	v22 =	vmul.f32 v26, v33  }
0xe8: {  	v47 =	vld [tilespmem:s17+$0x4400];
	v49 =	vadd.f32 v18, v49;
	v20 =	vmul.f32 v26, v34;
	v18 =	vmul.f32 v26, v48  }
0xe9: {  	v4 =	vld [tilespmem:s17+$0x4280];
	v35 =	vadd.f32 v37, v35;
	v19 =	vmul.f32 v26, v61;
	v53 =	vadd.f32 v17, v53  }
0xea: {  	v17 =	vmul.f32 v26, v2;
	v43 =	vadd.f32 v0, v43;
	v0 =	vmul.f32 v3, v34  }
0xeb: {  	v40 =	vadd.f32 v22, v40;
	v22 =	vmul.f32 v26, v25;
	v42 =	vadd.f32 v19, v42  }
0xec: {  	v1 =	vadd.f32 v17, v1;
	v17 =	vmul.f32 v3, v61;
	v19 =	vmul.f32 v26, v7  }
.Ltmp3:
0xed: {  	v23 =	vadd.f32 v18, v23;
	v18 =	vmul.f32 v47, v7;
	v37 =	vmul.f32 v47, v2;
	(pc) =	sbr.rel @p1 .LBB2_9-.Ltmp3, $4  }
0xee: {  	v26 =	vmul.f32 v26, v36;
	v44 =	vadd.f32 v22, v44;
	v22 =	vmul.f32 v2, v4  }
0xef: {  	[tilespmem:$0x1FC00] =	vst v0;
	v0 =	vmul.f32 v3, v36;
	v2 =	vmul.f32 v47, v36  }
0xf0: {  	v32 =	vadd.f32 v17, v32;
	v59 =	vadd.f32 v18, v59;
	v17 =	vmul.f32 v36, v4  }
0xf1: {  	s15 =	sadd.s32 $0x80, s15;
	s18 =	smov.u32 s16;
	v55 =	vadd.f32 v37, v55;
	v18 =	vmul.f32 v48, v4;
	v41 =	vadd.f32 v0, v41  }
0xf2: {  	v0 =	vld [tilespmem:$0x1FFD0]  }
0xf3: {  	v36 =	vld [tilespmem:$0x1FF20]  }
0xf4: {  	v37 =	vld [tilespmem:$0x1FFE0];
	_ =	sdelay $0x2  }
0xf5: {  	(xrf2) =	vadd.scan.msk.f32 $0xffff, v0  }
0xf6: {  	(xrf2) =	vadd.scan.msk.f32 $0xffff, v36;
	v36 =	vld [tilespmem:$0x1FFB0]  }
0xf7: {  	(xrf2) =	vadd.scan.msk.f32 $0xffff, v37;
	v37 =	vld [tilespmem:$0x1FF70];
	_ =	sdelay $0x3  }
0xf8: {  	(xrf2) =	vadd.scan.msk.f32 $0xffff, v36;
	v36 =	vld [tilespmem:$0x1FF00]  }
0xf9: {  	(xrf2) =	vadd.scan.msk.f32 $0xffff, v37;
	v37 =	vld [tilespmem:$0x1FF40];
	_ =	sdelay $0x3  }
0xfa: {  	(xrf2) =	vadd.scan.msk.f32 $0xffff, v36;
	v36 =	vld [tilespmem:$0x1FF90]  }
0xfb: {  	(xrf2) =	vadd.scan.msk.f32 $0xffff, v37;
	v37 =	vld [tilespmem:$0x1FF30];
	_ =	sdelay $0x3  }
0xfc: {  	(xrf2) =	vadd.scan.msk.f32 $0xffff, v36;
	v36 =	vld [tilespmem:$0x1FE30]  }
0xfd: {  	(xrf2) =	vadd.scan.msk.f32 $0xffff, v37;
	v37 =	vld [tilespmem:$0x1FED0];
	_ =	sdelay $0x3  }
0xfe: {  	(xrf2) =	vadd.scan.msk.f32 $0xffff, v36  }
0xff: {  	(xrf2) =	vadd.scan.msk.f32 $0xffff, v37;
	v37 =	vld [tilespmem:$0x1FCA0];
	_ =	sdelay $0x4  }
0x100: {  	(xrf2) =	vadd.scan.msk.f32 $0xffff, v37;
	v37 =	vld [tilespmem:$0x1FCB0];
	_ =	sdelay $0x4  }
0x101: {  	v36, _, _ =	vpop (xrf2);
	(xrf2) =	vadd.scan.msk.f32 $0xffff, v37;
	v37 =	vld [tilespmem:$0x1FE40];
	_ =	sdelay $0x4  }
0x102: {  	[tilespmem:$0x1F620] =	vst v36;
	v36, _, _ =	vpop (xrf2);
	(xrf2) =	vadd.scan.msk.f32 $0xffff, v37;
	v37 =	vld [tilespmem:$0x1FE50];
	_ =	sdelay $0x3  }
0x103: {  	[tilespmem:$0x1F640] =	vst v36;
	v36, _, _ =	vpop (xrf2)  }
0x104: {  	[tilespmem:$0x1F660] =	vst v36;
	v36, _, _ =	vpop (xrf2);
	(xrf2) =	vadd.scan.msk.f32 $0xffff, v37;
	v37 =	vld [tilespmem:$0x1FEC0];
	_ =	sdelay $0x4  }
0x105: {  	(xrf2) =	vadd.scan.msk.f32 $0xffff, v37;
	v37 =	vld [tilespmem:$0x1FEE0];
	_ =	sdelay $0x3  }
0x106: {  	[tilespmem:$0x1F680] =	vst v36;
	v36, _, _ =	vpop (xrf2)  }
0x107: {  	[tilespmem:$0x1F6A0] =	vst v36;
	v36, _, _ =	vpop (xrf2);
	(xrf2) =	vadd.scan.msk.f32 $0xffff, v37;
	v37 =	vld [tilespmem:$0x1FCC0];
	_ =	sdelay $0x4  }
0x108: {  	[tilespmem:$0x1F6C0] =	vst v36;
	v36, _, _ =	vpop (xrf2);
	(xrf2) =	vadd.scan.msk.f32 $0xffff, v37;
	v37 =	vld [tilespmem:$0x1FE20];
	_ =	sdelay $0x4  }
0x109: {  	[tilespmem:$0x1F6E0] =	vst v36;
	v36, _, _ =	vpop (xrf2);
	(xrf2) =	vadd.scan.msk.f32 $0xffff, v37;
	v37 =	vld [tilespmem:$0x1FE90];
	_ =	sdelay $0x4  }
0x10a: {  	[tilespmem:$0x1F700] =	vst v36;
	v36, _, _ =	vpop (xrf2);
	(xrf2) =	vadd.scan.msk.f32 $0xffff, v37;
	v37 =	vld [tilespmem:$0x1FE60];
	_ =	sdelay $0x4  }
0x10b: {  	[tilespmem:$0x1F630] =	vst v36;
	v36, _, _ =	vpop (xrf2);
	(xrf2) =	vadd.scan.msk.f32 $0xffff, v37;
	v37 =	vld [tilespmem:$0x1FEA0];
	_ =	sdelay $0x4  }
0x10c: {  	[tilespmem:$0x1F650] =	vst v36;
	v36, _, _ =	vpop (xrf2);
	(xrf2) =	vadd.scan.msk.f32 $0xffff, v37;
	v37 =	vld [tilespmem:$0x1FEB0];
	_ =	sdelay $0x4  }
0x10d: {  	[tilespmem:$0x1F670] =	vst v36;
	v36, _, _ =	vpop (xrf2);
	(xrf2) =	vadd.scan.msk.f32 $0xffff, v37;
	v37 =	vld [tilespmem:$0x1FEF0];
	_ =	sdelay $0x4  }
0x10e: {  	[tilespmem:$0x1F690] =	vst v36;
	v36, _, _ =	vpop (xrf2);
	(xrf2) =	vadd.scan.msk.f32 $0xffff, v37;
	v37 =	vld [tilespmem:$0x1FE80];
	_ =	sdelay $0x3  }
0x10f: {  	[tilespmem:$0x1F6B0] =	vst v36;
	v36, _, _ =	vpop (xrf2)  }
0x110: {  	[tilespmem:$0x1F6D0] =	vst v36;
	(xrf2) =	vadd.scan.msk.f32 $0xffff, v37  }
0x111: {  	v0, _, _ =	vpop (xrf2)  }
0x112: {  	v36 =	vld [tilespmem:$0x1FE70];
	_ =	sdelay $0x4  }
0x113: {  	(xrf2) =	vadd.scan.msk.f32 $0xffff, v36;
	v36 =	vld [tilespmem:$0x1FFA0];
	_ =	sdelay $0x4  }
0x114: {  	v37, _, _ =	vpop (xrf2);
	(xrf2) =	vadd.scan.msk.f32 $0xffff, v36;
	v36 =	vld [tilespmem:$0x1FF10];
	_ =	sdelay $0x4  }
0x115: {  	[tilespmem:$0x1F710] =	vst v37;
	v37, _, _ =	vpop (xrf2);
	(xrf2) =	vadd.scan.msk.f32 $0xffff, v36;
	v36 =	vld [tilespmem:$0x1FF50];
	_ =	sdelay $0x4  }
0x116: {  	[tilespmem:$0x1F720] =	vst v37;
	v37, _, _ =	vpop (xrf2);
	(xrf2) =	vadd.scan.msk.f32 $0xffff, v36;
	v36 =	vld [tilespmem:$0x1FF60];
	_ =	sdelay $0x4  }
0x117: {  	[tilespmem:$0x1F730] =	vst v37;
	v37, _, _ =	vpop (xrf2);
	(xrf2) =	vadd.scan.msk.f32 $0xffff, v36;
	v36 =	vld [tilespmem:$0x1FF80];
	_ =	sdelay $0x4  }
0x118: {  	[tilespmem:$0x1F740] =	vst v37;
	v37, _, _ =	vpop (xrf2);
	(xrf2) =	vadd.scan.msk.f32 $0xffff, v36;
	v36 =	vld [tilespmem:$0x1FFC0];
	_ =	sdelay $0x4  }
0x119: {  	[tilespmem:$0x1F760] =	vst v37;
	v37, _, _ =	vpop (xrf2);
	(xrf2) =	vadd.scan.msk.f32 $0xffff, v36;
	v36 =	vld [tilespmem:$0x1FE10];
	_ =	sdelay $0x4  }
0x11a: {  	[tilespmem:$0x1F780] =	vst v37;
	v37, _, _ =	vpop (xrf2);
	(xrf2) =	vadd.scan.msk.f32 $0xffff, v36;
	v36 =	vld [tilespmem:$0x1FC20];
	_ =	sdelay $0x3  }
0x11b: {  	[tilespmem:$0x1F7A0] =	vst v37;
	v37, _, _ =	vpop (xrf2)  }
0x11c: {  	[tilespmem:$0x1F7C0] =	vst v37;
	v37, _, _ =	vpop (xrf2);
	(xrf2) =	vadd.scan.msk.f32 $0xffff, v36;
	v36 =	vld [tilespmem:$0x1FD40]  }
0x11d: {  	[tilespmem:$0x1F7E0] =	vst v37;
	v37 =	vld [tilespmem:$0x1FC10]  }
0x11e: {  	[tilespmem:$0x1F6F0] =	vst v0;
	v0 =	vld [tilespmem:$0x1FD20];
	_ =	sdelay $0x2  }
0x11f: {  	(xrf2) =	vadd.scan.msk.f32 $0xffff, v36;
	v36, _, _ =	vpop (xrf2)  }
0x120: {  	(xrf2) =	vadd.scan.msk.f32 $0xffff, v37;
	v37, _, _ =	vpop (xrf2)  }
0x121: {  	(xrf2) =	vadd.scan.msk.f32 $0xffff, v0;
	v0, _, _ =	vpop (xrf2)  }
0x122: {  	[tilespmem:$0x1F750] =	vst v0;
	v0 =	vld [tilespmem:$0x1FCE0];
	_ =	sdelay $0x4  }
0x123: {  	(xrf2) =	vadd.scan.msk.f32 $0xffff, v0;
	v0, _, _ =	vpop (xrf2)  }
0x124: {  	[tilespmem:$0x1F770] =	vst v0;
	v0 =	vld [tilespmem:$0x1FD90];
	_ =	sdelay $0x4  }
0x125: {  	(xrf2) =	vadd.scan.msk.f32 $0xffff, v0;
	v0, _, _ =	vpop (xrf2)  }
0x126: {  	[tilespmem:$0x1F790] =	vst v0;
	v0 =	vld [tilespmem:$0x1FDF0];
	_ =	sdelay $0x4  }
0x127: {  	(xrf2) =	vadd.scan.msk.f32 $0xffff, v0;
	v0, _, _ =	vpop (xrf2)  }
0x128: {  	[tilespmem:$0x1F7B0] =	vst v0;
	v0 =	vld [tilespmem:$0x1FD50];
	_ =	sdelay $0x4  }
0x129: {  	(xrf2) =	vadd.scan.msk.f32 $0xffff, v0;
	v0, _, _ =	vpop (xrf2)  }
0x12a: {  	[tilespmem:$0x1F7D0] =	vst v0;
	v0 =	vld [tilespmem:$0x1FD70];
	_ =	sdelay $0x4  }
0x12b: {  	(xrf2) =	vadd.scan.msk.f32 $0xffff, v0;
	v0, _, _ =	vpop (xrf2)  }
0x12c: {  	[tilespmem:$0x1F7F0] =	vst v0;
	v0 =	vld [tilespmem:$0x1FC80];
	_ =	sdelay $0x4  }
0x12d: {  	(xrf2) =	vadd.scan.msk.f32 $0xffff, v0;
	v0, _, _ =	vpop (xrf2)  }
0x12e: {  	[tilespmem:$0x1F800] =	vst v0;
	v0 =	vld [tilespmem:$0x1FC30];
	_ =	sdelay $0x4  }
0x12f: {  	(xrf2) =	vadd.scan.msk.f32 $0xffff, v0;
	v0, _, _ =	vpop (xrf2)  }
0x130: {  	[tilespmem:$0x1F820] =	vst v0;
	v0 =	vld [tilespmem:$0x1FC70];
	_ =	sdelay $0x4  }
0x131: {  	(xrf2) =	vadd.scan.msk.f32 $0xffff, v0;
	v0, _, _ =	vpop (xrf2)  }
0x132: {  	[tilespmem:$0x1F840] =	vst v0;
	v0 =	vld [tilespmem:$0x1FC60];
	_ =	sdelay $0x4  }
0x133: {  	(xrf2) =	vadd.scan.msk.f32 $0xffff, v0;
	v0, _, _ =	vpop (xrf2)  }
0x134: {  	[tilespmem:$0x1F860] =	vst v0;
	v0 =	vld [tilespmem:$0x1FC40];
	_ =	sdelay $0x4  }
0x135: {  	(xrf2) =	vadd.scan.msk.f32 $0xffff, v0;
	v0, _, _ =	vpop (xrf2)  }
0x136: {  	[tilespmem:$0x1F880] =	vst v0;
	v0 =	vld [tilespmem:$0x1FD30];
	_ =	sdelay $0x4  }
0x137: {  	(xrf2) =	vadd.scan.msk.f32 $0xffff, v0;
	v0, _, _ =	vpop (xrf2)  }
0x138: {  	[tilespmem:$0x1F8A0] =	vst v0;
	v0 =	vld [tilespmem:$0x1FD60];
	_ =	sdelay $0x4  }
0x139: {  	(xrf2) =	vadd.scan.msk.f32 $0xffff, v0;
	v0, _, _ =	vpop (xrf2)  }
0x13a: {  	[tilespmem:$0x1F8C0] =	vst v0;
	v0 =	vld [tilespmem:$0x1FE00];
	_ =	sdelay $0x4  }
0x13b: {  	(xrf2) =	vadd.scan.msk.f32 $0xffff, v0;
	v0, _, _ =	vpop (xrf2)  }
0x13c: {  	[tilespmem:$0x1F8E0] =	vst v0;
	v0 =	vld [tilespmem:$0x1FC90];
	_ =	sdelay $0x4  }
0x13d: {  	(xrf2) =	vadd.scan.msk.f32 $0xffff, v0;
	v0, _, _ =	vpop (xrf2)  }
0x13e: {  	[tilespmem:$0x1F810] =	vst v0;
	v0 =	vld [tilespmem:$0x1FC50];
	_ =	sdelay $0x4  }
0x13f: {  	(xrf2) =	vadd.scan.msk.f32 $0xffff, v0;
	v0, _, _ =	vpop (xrf2)  }
0x140: {  	[tilespmem:$0x1F830] =	vst v0;
	v0 =	vld [tilespmem:$0x1FD00];
	_ =	sdelay $0x4  }
0x141: {  	(xrf2) =	vadd.scan.msk.f32 $0xffff, v0;
	v0, _, _ =	vpop (xrf2)  }
0x142: {  	[tilespmem:$0x1F850] =	vst v0;
	v0 =	vld [tilespmem:$0x1FDD0];
	_ =	sdelay $0x4  }
0x143: {  	(xrf2) =	vadd.scan.msk.f32 $0xffff, v0;
	v0, _, _ =	vpop (xrf2)  }
0x144: {  	[tilespmem:$0x1F870] =	vst v0;
	v0 =	vld [tilespmem:$0x1FDB0];
	_ =	sdelay $0x4  }
0x145: {  	(xrf2) =	vadd.scan.msk.f32 $0xffff, v0;
	v0, _, _ =	vpop (xrf2)  }
0x146: {  	[tilespmem:$0x1F890] =	vst v0;
	v0 =	vld [tilespmem:$0x1FDE0];
	_ =	sdelay $0x4  }
0x147: {  	(xrf2) =	vadd.scan.msk.f32 $0xffff, v0;
	v0, _, _ =	vpop (xrf2)  }
0x148: {  	[tilespmem:$0x1F8B0] =	vst v0;
	v0 =	vld [tilespmem:$0x1FAB0];
	_ =	sdelay $0x4  }
0x149: {  	(xrf2) =	vadd.scan.msk.f32 $0xffff, v0;
	v0, _, _ =	vpop (xrf2)  }
0x14a: {  	[tilespmem:$0x1F8D0] =	vst v0;
	v0 =	vld [tilespmem:$0x1FDC0];
	_ =	sdelay $0x4  }
0x14b: {  	(xrf2) =	vadd.scan.msk.f32 $0xffff, v0;
	v0, _, _ =	vpop (xrf2)  }
0x14c: {  	[tilespmem:$0x1F8F0] =	vst v0;
	v0 =	vld [tilespmem:$0x1FCD0];
	_ =	sdelay $0x4  }
0x14d: {  	(xrf2) =	vadd.scan.msk.f32 $0xffff, v0;
	v0, _, _ =	vpop (xrf2)  }
0x14e: {  	[tilespmem:$0x1F900] =	vst v0;
	v0 =	vld [tilespmem:$0x1FDA0];
	_ =	sdelay $0x4  }
0x14f: {  	(xrf2) =	vadd.scan.msk.f32 $0xffff, v0;
	v0, _, _ =	vpop (xrf2)  }
0x150: {  	[tilespmem:$0x1F920] =	vst v0;
	v0 =	vld [tilespmem:$0x1FCF0];
	_ =	sdelay $0x4  }
0x151: {  	(xrf2) =	vadd.scan.msk.f32 $0xffff, v0;
	v0, _, _ =	vpop (xrf2)  }
0x152: {  	[tilespmem:$0x1F940] =	vst v0;
	v0 =	vld [tilespmem:$0x1FAC0];
	_ =	sdelay $0x4  }
0x153: {  	(xrf2) =	vadd.scan.msk.f32 $0xffff, v0;
	v0, _, _ =	vpop (xrf2)  }
0x154: {  	[tilespmem:$0x1F960] =	vst v0;
	v0 =	vld [tilespmem:$0x1FD10];
	_ =	sdelay $0x4  }
0x155: {  	(xrf2) =	vadd.scan.msk.f32 $0xffff, v0;
	v0, _, _ =	vpop (xrf2)  }
0x156: {  	[tilespmem:$0x1F980] =	vst v0;
	v0 =	vld [tilespmem:$0x1FD80];
	_ =	sdelay $0x4  }
0x157: {  	(xrf2) =	vadd.scan.msk.f32 $0xffff, v0;
	v0, _, _ =	vpop (xrf2)  }
0x158: {  	[tilespmem:$0x1F9A0] =	vst v0;
	v0 =	vld [tilespmem:$0x1FBE0];
	_ =	sdelay $0x4  }
0x159: {  	(xrf2) =	vadd.scan.msk.f32 $0xffff, v0;
	v0, _, _ =	vpop (xrf2)  }
0x15a: {  	[tilespmem:$0x1F9C0] =	vst v0;
	v0 =	vld [tilespmem:$0x1FB30];
	_ =	sdelay $0x4  }
0x15b: {  	(xrf2) =	vadd.scan.msk.f32 $0xffff, v0;
	v0, _, _ =	vpop (xrf2)  }
0x15c: {  	[tilespmem:$0x1F9E0] =	vst v0;
	v0 =	vld [tilespmem:$0x1FBF0];
	_ =	sdelay $0x4  }
0x15d: {  	(xrf2) =	vadd.scan.msk.f32 $0xffff, v0;
	v0, _, _ =	vpop (xrf2)  }
0x15e: {  	[tilespmem:$0x1F910] =	vst v0;
	v0 =	vld [tilespmem:$0x1FBC0];
	_ =	sdelay $0x4  }
0x15f: {  	(xrf2) =	vadd.scan.msk.f32 $0xffff, v0;
	v0, _, _ =	vpop (xrf2)  }
0x160: {  	[tilespmem:$0x1F930] =	vst v0;
	v0 =	vld [tilespmem:$0x1FB80];
	_ =	sdelay $0x4  }
0x161: {  	(xrf2) =	vadd.scan.msk.f32 $0xffff, v0;
	v0, _, _ =	vpop (xrf2)  }
0x162: {  	[tilespmem:$0x1F950] =	vst v0;
	v0 =	vld [tilespmem:$0x1FB10];
	_ =	sdelay $0x4  }
0x163: {  	(xrf2) =	vadd.scan.msk.f32 $0xffff, v0;
	v0, _, _ =	vpop (xrf2)  }
0x164: {  	[tilespmem:$0x1F970] =	vst v0;
	v0 =	vld [tilespmem:$0x1FB50];
	_ =	sdelay $0x4  }
0x165: {  	(xrf2) =	vadd.scan.msk.f32 $0xffff, v0;
	v0, _, _ =	vpop (xrf2)  }
0x166: {  	[tilespmem:$0x1F990] =	vst v0;
	v0 =	vld [tilespmem:$0x1FBA0];
	_ =	sdelay $0x4  }
0x167: {  	(xrf2) =	vadd.scan.msk.f32 $0xffff, v0;
	v0, _, _ =	vpop (xrf2)  }
0x168: {  	[tilespmem:$0x1F9B0] =	vst v0;
	v0 =	vld [tilespmem:$0x1FB40];
	_ =	sdelay $0x4  }
0x169: {  	(xrf2) =	vadd.scan.msk.f32 $0xffff, v0;
	v0, _, _ =	vpop (xrf2)  }
0x16a: {  	(xrf2) =	vadd.scan.msk.f32 $0xffff, v21;
	v21, _, _ =	vpop (xrf2)  }
0x16b: {  	[tilespmem:$0x1F9F0] =	vst v21;
	v21 =	vld [tilespmem:$0x1FAE0];
	_ =	sdelay $0x4  }
0x16c: {  	(xrf2) =	vadd.scan.msk.f32 $0xffff, v21;
	v21, _, _ =	vpop (xrf2)  }
0x16d: {  	[tilespmem:$0x1FA00] =	vst v21;
	v21 =	vld [tilespmem:$0x1FAD0]  }
0x16e: {  	(xrf2) =	vadd.scan.msk.f32 $0xffff, v60;
	v60, _, _ =	vpop (xrf2)  }
0x16f: {  	(xrf2) =	vadd.scan.msk.f32 $0xffff, v58;
	v58, _, _ =	vpop (xrf2)  }
0x170: {  	(xrf2) =	vadd.scan.msk.f32 $0xffff, v62;
	v62, _, _ =	vpop (xrf2)  }
0x171: {  	(xrf2) =	vadd.scan.msk.f32 $0xffff, v56;
	v56, _, _ =	vpop (xrf2)  }
0x172: {  	(xrf2) =	vadd.scan.msk.f32 $0xffff, v21;
	v21, _, _ =	vpop (xrf2)  }
0x173: {  	[tilespmem:$0x1FA10] =	vst v21;
	v21 =	vld [tilespmem:$0x1FAF0];
	_ =	sdelay $0x4  }
0x174: {  	(xrf2) =	vadd.scan.msk.f32 $0xffff, v21  }
0x175: {  	v21, _, _ =	vpop (xrf2);
	(xrf2) =	vadd.scan.msk.f32 $0xffff, v57  }
0x176: {  	[tilespmem:$0x1FA20] =	vst v21;
	v21, _, _ =	vpop (xrf2);
	(xrf2) =	vadd.scan.msk.f32 $0xffff, v63  }
0x177: {  	[tilespmem:$0x1FA30] =	vst v21;
	v21, _, _ =	vpop (xrf2);
	(xrf2) =	vadd.scan.msk.f32 $0xffff, v50  }
0x178: {  	v63, _, _ =	vpop (xrf2);
	(xrf2) =	vadd.scan.msk.f32 $0xffff, v54  }
0x179: {  	v57, _, _ =	vpop (xrf2);
	(xrf2) =	vadd.scan.msk.f32 $0xffff, v46;
	v46 =	vld [tilespmem:$0x1FB00];
	_ =	sdelay $0x3  }
0x17a: {  	v54, _, _ =	vpop (xrf2);
	(xrf2) =	vadd.scan.msk.f32 $0xffff, v45  }
0x17b: {  	v50, _, _ =	vpop (xrf2);
	(xrf2) =	vadd.scan.msk.f32 $0xffff, v46  }
0x17c: {  	v46, _, _ =	vpop (xrf2);
	(xrf2) =	vadd.scan.msk.f32 $0xffff, v51  }
0x17d: {  	v51, _, _ =	vpop (xrf2);
	(xrf2) =	vadd.scan.msk.f32 $0xffff, v52;
	v52 =	vld [tilespmem:$0x1FBB0];
	_ =	sdelay $0x3  }
0x17e: {  	v45, _, _ =	vpop (xrf2)  }
0x17f: {  	(xrf2) =	vadd.scan.msk.f32 $0xffff, v52;
	v52, _, _ =	vpop (xrf2)  }
0x180: {  	[tilespmem:$0x1FA40] =	vst v52;
	v52 =	vld [tilespmem:$0x1FB20];
	_ =	sdelay $0x4  }
0x181: {  	(xrf2) =	vadd.scan.msk.f32 $0xffff, v52;
	v52, _, _ =	vpop (xrf2)  }
0x182: {  	[tilespmem:$0x1FA50] =	vst v52;
	v52 =	vld [tilespmem:$0x1FB60];
	_ =	sdelay $0x3  }
0x183: {  	[tilespmem:$0x1F9D0] =	vst v0;
	v0 =	vmul.f32 v3, v7;
	v3 =	vmul.f32 v7, v4;
	v7 =	vadd.f32 v26, v14;
	v26 =	vld [tilespmem:$0x1FB70]  }
0x184: {  	(xrf2) =	vadd.scan.msk.f32 $0xffff, v52;
	v52, _, _ =	vpop (xrf2)  }
0x185: {  	[tilespmem:$0x1FA60] =	vst v52;
	v52 =	vld [tilespmem:$0x1FB90]  }
0x186: {  	v20 =	vadd.f32 v20, v31;
	v11 =	vadd.f32 v22, v11;
	v22 =	vld [tilespmem:$0x1FBD0];
	v31, _, _ =	vpop (xrf2)  }
0x187: {  	v3 =	vadd.f32 v3, v16;
	v16, _, _ =	vpop (xrf2)  }
0x188: {  	v0 =	vadd.f32 v0, v12;
	v12 =	vadd.f32 v19, v9;
	v19 =	vld [tilespmem:$0x1F620];
	(xrf2) =	vadd.scan.msk.f32 $0xffff, v26;
	v26, _, _ =	vpop (xrf2)  }
0x189: {  	[tilespmem:$0x1FA90] =	vst v26;
	v26 =	vld [tilespmem:$0x1F630]  }
0x18a: {  	(xrf2) =	vadd.scan.msk.f32 $0xffff, v52  }
0x18b: {  	(xrf2) =	vadd.scan.msk.f32 $0xffff, v22  }
0x18c: {  	[tilespmem:$0x1FA70] =	vst v31;
	v31 =	vadd.f32 v17, v15;
	(xrf2) =	vadd.scan.msk.f32 $0xffff, v3  }
0x18d: {  	v13 =	vadd.f32 v18, v13;
	v18 =	vmul.f32 v33, v4;
	(xrf2) =	vadd.scan.msk.f32 $0xffff, v11  }
0x18e: {  	v17, _, _ =	vpop (xrf2);
	v22 =	vbroadcast v19, $0xF;
	(xrf2) =	vadd.scan.msk.f32 $0xffff, v31;
	v31 =	vbroadcast v26, $0xF  }
0x18f: {  	v15 =	vadd.f32 v18, v5;
	v18 =	vld [tilespmem:$0x1F640]  }
0x190: {  	v19 =	vsel vm14, v22, v31;
	v22 =	vld [tilespmem:$0x1F650]  }
0x191: {  	[tilespmem:$0x1FA80] =	vst v16;
	v16 =	vmul.f32 v61, v4;
	v26 =	vld [tilespmem:$0x1F660]  }
0x192: {  	v14 =	vmul.f32 v25, v4  }
0x193: {  	vm0 =	vcmask $0x2320;
	v4 =	vmul.f32 v34, v4;
	v3 =	vadd.f32 v16, v8;
	v16 =	vld [tilespmem:$0x1F680]  }
0x194: {  	vm2 =	vcmask $0x700;
	v10 =	vadd.f32 v14, v10;
	v52, _, _ =	vpop (xrf2);
	v5 =	vbroadcast v18, $0xF;
	(xrf2) =	vadd.scan.msk.f32 $0xffff, v13;
	v13 =	vld [tilespmem:$0x1F670]  }
0x195: {  	vm3 =	vcmask $0x2720;
	v4 =	vadd.f32 v4, v6;
	v8, _, _ =	vpop (xrf2);
	(xrf2) =	vadd.scan.msk.f32 $0xffff, v3;
	v6 =	vbroadcast v22, $0xF  }
0x196: {  	vm15 =	vmor vm2, vm0;
	v11, _, _ =	vpop (xrf2);
	(xrf2) =	vadd.scan.msk.f32 $0xffff, v10;
	v3 =	vsel vm1, v19, v5;
	v31 =	vbroadcast v26, $0xF  }
0x197: {  	vm0 =	vmor vm2, vm3;
	[tilespmem:$0x1FAA0] =	vst v17;
	v17 =	vld [tilespmem:$0x1F690];
	v14, _, _ =	vpop (xrf2);
	(xrf2) =	vadd.scan.msk.f32 $0xffff, v15;
	v3 =	vsel vm15, v3, v6  }
0x198: {  	v5, _, _ =	vpop (xrf2);
	(xrf2) =	vadd.scan.msk.f32 $0xffff, v4;
	v4 =	vbroadcast v16, $0xF;
	v3 =	vsel vm0, v3, v31;
	v31 =	vld [tilespmem:$0x1F6B0]  }
0x199: {  	vm2 =	vcmask $0xB00;
	v15 =	vbroadcast v13, $0xF;
	v6, _, _ =	vpop (xrf2)  }
0x19a: {  	vm10 =	vmor vm2, vm3;
	vm3 =	vcmask $0x2B20;
	v22 =	vld [tilespmem:$0x1F6A0];
	v9, _, _ =	vpop (xrf2);
	(xrf2) =	vadd.scan.msk.f32 $0xffff, v12  }
0x19b: {  	vm2 =	vmor vm2, vm3;
	v10 =	vsel vm10, v3, v15;
	v3, _, _ =	vpop (xrf2);
	(xrf2) =	vadd.scan.msk.f32 $0xffff, v1  }
0x19c: {  	vm4 =	vcmask $0xF00;
	v18 =	vbroadcast v17, $0xF;
	v15 =	vld [tilespmem:$0x1F6C0];
	v19 =	vsel vm2, v10, v4;
	v4, _, _ =	vpop (xrf2);
	(xrf2) =	vadd.scan.msk.f32 $0xffff, v7  }
0x19d: {  	vm3 =	vmor vm4, vm3;
	v17 =	vld [tilespmem:$0x1F6D0];
	v10 =	vbroadcast v31, $0xF;
	v31, _, _ =	vpop (xrf2);
	(xrf2) =	vadd.scan.msk.f32 $0xffff, v23  }
0x19e: {  	vm5 =	vcmask $0x2F20;
	vm6 =	vcmask $0x1300;
	v1 =	vsel vm3, v19, v18;
	v19 =	vld [tilespmem:$0x1F6E0];
	v7, _, _ =	vpop (xrf2);
	(xrf2) =	vadd.scan.msk.f32 $0xffff, v42  }
0x19f: {  	vm7 =	vcmask $0x3320;
	vm8 =	vcmask $0x1700;
	v26 =	vbroadcast v22, $0xF;
	v23 =	vld [tilespmem:$0x1F6F0];
	v42, _, _ =	vpop (xrf2);
	(xrf2) =	vadd.scan.msk.f32 $0xffff, v44  }
0x1a0: {  	vm11 =	vcmask $0x3720;
	vm9 =	vcmask $0x1B00;
	vm4 =	vmor vm4, vm5;
	v44, _, _ =	vpop (xrf2);
	(xrf2) =	vadd.scan.msk.f32 $0xffff, v40;
	v40 =	vld [tilespmem:$0x1F700]  }
0x1a1: {  	vm5 =	vmor vm6, vm5;
	v1 =	vsel vm4, v1, v26;
	v16 =	vbroadcast v15, $0xF  }
0x1a2: {  	vm6 =	vmor vm6, vm7;
	v18 =	vbroadcast v17, $0xF;
	v1 =	vsel vm5, v1, v10  }
0x1a3: {  	vm7 =	vmor vm8, vm7;
	v1 =	vsel vm6, v1, v16;
	v22 =	vbroadcast v19, $0xF  }
0x1a4: {  	vm8 =	vmor vm8, vm11;
	v1 =	vsel vm7, v1, v18;
	v26 =	vbroadcast v23, $0xF  }
0x1a5: {  	vm9 =	vmor vm9, vm11;
	v1 =	vsel vm8, v1, v22;
	v10 =	vbroadcast v40, $0xF  }
0x1a6: {  	v12, _, _ =	vpop (xrf2);
	(xrf2) =	vadd.scan.msk.f32 $0xffff, v20;
	v20 =	vld [tilespmem:$0x1F710];
	v19 =	vsel vm9, v1, v26  }
0x1a7: {  	v40, _, _ =	vpop (xrf2);
	(xrf2) =	vadd.scan.msk.f32 $0xffff, v0;
	v0 =	vsel vm13, v19, v10;
	v10 =	vld [tilespmem:$0x1FFF0];
	_ =	sdelay $0x1  }
0x1a8: {  	v13, _, _ =	vpop (xrf2)  }
0x1a9: {  	vm11 =	vmmov $0x7fff;
	v22 =	vld [tilespmem:$0x1FC00];
	(xrf2) =	vadd.scan.msk.f32 $0xffff, v35;
	v23, _, _ =	vpop (xrf2)  }
0x1aa: {  	(xrf2) =	vadd.scan.msk.f32 $0xffff, v41;
	v0 =	vsel vm11, v0, v20;
	v15, _, _ =	vpop (xrf2)  }
0x1ab: {  	(xrf2) =	vadd.scan.msk.f32 $0xffff, v53;
	v1, _, _ =	vpop (xrf2);
	v0 =	vadd.f32 v0, v10  }
0x1ac: {  	(xrf2) =	vadd.scan.msk.f32 $0xffff, v32;
	v53, _, _ =	vpop (xrf2)  }
0x1ad: {  	(xrf2) =	vadd.scan.msk.f32 $0xffff, v49;
	v49, _, _ =	vpop (xrf2);
	v0 =	vmul.f32 $1.442695020e+00, v0  }
0x1ae: {  	v16 =	vadd.f32 v22, v38;
	v41, _, _ =	vpop (xrf2)  }
0x1af: {  	(xrf2) =	vadd.scan.msk.f32 $0xffff, v43;
	v17, _, _ =	vpop (xrf2);
	(erf) = vpow2.f32 v0  }
0x1b0: {  	v26 =	vmul.f32 v47, v48;
	(xrf2) =	vadd.scan.msk.f32 $0xffff, v16;
	v38, _, _ =	vpop (xrf2)  }
0x1b1: {  	v2 =	vadd.f32 v2, v39;
	v43 =	vmul.f32 v47, v61;
	(xrf2) =	vadd.scan.msk.f32 $0xffff, v59;
	v35, _, _ =	vpop (xrf2)  }
0x1b2: {  	v48 =	vmul.f32 v47, v25;
	(xrf2) =	vadd.scan.msk.f32 $0xffff, v55;
	v0 =	vadd.f32 v26, v29;
	v29, _, _ =	vpop (xrf2)  }
0x1b3: {  	v16 =	vadd.f32 v43, v30;
	v55 =	vmul.f32 v47, v33;
	(xrf2) =	vadd.scan.msk.f32 $0xffff, v2;
	v32, _, _ =	vpop (xrf2)  }
0x1b4: {  	v18 =	vadd.f32 v48, v27;
	v59 =	vmul.f32 v47, v34;
	(xrf2) =	vadd.scan.msk.f32 $0xffff, v0;
	v33, _, _ =	vpop (xrf2)  }
0x1b5: {  	v61 =	vadd.f32 v55, v24;
	(xrf2) =	vadd.scan.msk.f32 $0xffff, v16;
	v30, _, _ =	vpop (xrf2)  }
0x1b6: {  	v20 =	vadd.f32 v59, v28;
	(xrf2) =	vadd.scan.msk.f32 $0xffff, v18;
	v27, _, _ =	vpop (xrf2)  }
0x1b7: {  	(xrf2) =	vadd.scan.msk.f32 $0xffff, v61;
	v24, _, _ =	vpop (xrf2)  }
0x1b8: {  	(xrf2) =	vadd.scan.msk.f32 $0xffff, v20;
	v0 =	vpop (erf)  }
0x1b9: {  	v25, _, _ =	vpop (xrf2);
	(xrf2) =	vadd.scan.msk.f32 $0xffff, v0  }
0x1ba: {  	v2, _, _ =	vpop (xrf2)  }
0x1bb: {  	v55, _, _ =	vpop (xrf2)  }
0x1bc: {  	v47, _, _ =	vpop (xrf2)  }
0x1bd: {  	v22 =	vld [tilespmem:$0x1F720];
	v43, _, _ =	vpop (xrf2)  }
0x1be: {  	v26 =	vbroadcast v36, $0xF;
	v36 =	vld [tilespmem:$0x1F730];
	v39, _, _ =	vpop (xrf2)  }
0x1bf: {  	v34, _, _ =	vpop (xrf2)  }
0x1c0: {  	v16, _, _ =	vpop (xrf2)  }
0x1c1: {  	v28, _, _ =	vpop (xrf2)  }
0x1c2: {  	v19 =	vbroadcast v22, $0xF;
	v59 =	vld [tilespmem:$0x1F740];
	v48, _, _ =	vpop (xrf2)  }
0x1c3: {  	v22 =	vbroadcast v36, $0xF;
	v61 =	vld [tilespmem:$0x1F750];
	v18, _, _ =	vpop (xrf2)  }
0x1c4: {  	v37 =	vbroadcast v37, $0xF;
	v19 =	vsel vm14, v19, v26;
	v26 =	vld [tilespmem:$0x1F760];
	(v2sf) =	vpush v18, $0x7  }
0x1c5: {  	v36 =	vld [tilespmem:$0x1F770];
	v19 =	vsel vm1, v19, v22;
	(v2sf) =	vpush v18, $0xF  }
0x1c6: {  	v19 =	vsel vm15, v19, v37;
	v37 =	vld [tilespmem:$0x1F780]  }
0x1c7: {  	v22 =	vbroadcast v59, $0xF;
	v59 =	vld [tilespmem:$0x1F790]  }
0x1c8: {  	v20 =	vbroadcast v61, $0xF;
	v61 =	vld [tilespmem:$0x1F7A0]  }
0x1c9: {  	v19 =	vsel vm0, v19, v22;
	v22 =	vbroadcast v26, $0xF;
	v26 =	vld [tilespmem:$0x1F7B0]  }
0x1ca: {  	v19 =	vsel vm10, v19, v20;
	v20 =	vbroadcast v36, $0xF;
	v36 =	vld [tilespmem:$0x1F7C0]  }
0x1cb: {  	v19 =	vsel vm2, v19, v22;
	v22 =	vbroadcast v37, $0xF;
	v37 =	vld [tilespmem:$0x1F7D0]  }
0x1cc: {  	v19 =	vsel vm3, v19, v20;
	v20 =	vbroadcast v59, $0xF;
	v59 =	vld [tilespmem:$0x1F7E0]  }
0x1cd: {  	v19 =	vsel vm4, v19, v22;
	v22 =	vbroadcast v61, $0xF  }
0x1ce: {  	v19 =	vsel vm5, v19, v20;
	v20 =	vbroadcast v26, $0xF  }
0x1cf: {  	v61 =	vld [tilespmem:$0x1F7F0];
	v19 =	vsel vm6, v19, v22;
	v22 =	vbroadcast v36, $0xF  }
0x1d0: {  	v19 =	vsel vm7, v19, v20;
	v20 =	vbroadcast v37, $0xF  }
0x1d1: {  	v19 =	vsel vm8, v19, v22;
	v22 =	vbroadcast v59, $0xF  }
0x1d2: {  	v19 =	vsel vm9, v19, v20  }
0x1d3: {  	v26 =	vld [tilespmem:$0x1F810];
	v19 =	vsel vm13, v19, v22;
	s15 =	spop (v2sf)  }
0x1d4: {  	v59 =	vld [tilespmem:$0x1F820];
	v19 =	vsel vm11, v19, v61;
	s16 =	spop (v2sf)  }
0x1d5: {  	v22 =	vld [tilespmem:$0x1F800];
	v18 =	vbroadcast v18, $0x7;
	v19 =	vadd.f32 v19, v10;
	s15 =	ssub.f32 s16, s15;
	_ =	sdelay $0x1  }
0x1d6: {  	v19 =	vmul.f32 $1.442695020e+00, v19;
	v18 =	vnsel vm12, s15, v18  }
0x1d7: {  	v61 =	vld [tilespmem:$0x1F830];
	(erf) = vrcp.f32 v18  }
0x1d8: {  	v20 =	vbroadcast v26, $0xF;
	v26 =	vld [tilespmem:$0x1F840];
	(erf) = vpow2.f32 v19  }
0x1d9: {  	v19 =	vbroadcast v22, $0xF;
	v22 =	vbroadcast v59, $0xF;
	v59 =	vld [tilespmem:$0x1F850];
	_ =	sdelay $0x2  }
0x1da: {  	v19 =	vsel vm14, v19, v20;
	v20 =	vbroadcast v61, $0xF;
	v61 =	vld [tilespmem:$0x1F860]  }
0x1db: {  	v19 =	vsel vm1, v19, v22;
	v22 =	vbroadcast v26, $0xF;
	v26 =	vld [tilespmem:$0x1F870]  }
0x1dc: {  	v19 =	vsel vm15, v19, v20;
	v20 =	vbroadcast v59, $0xF;
	v59 =	vld [tilespmem:$0x1F880];
	_ =	sdelay $0x2  }
0x1dd: {  	v19 =	vsel vm0, v19, v22;
	v22 =	vbroadcast v61, $0xF;
	v61 =	vld [tilespmem:$0x1F890]  }
0x1de: {  	v19 =	vsel vm10, v19, v20;
	v20 =	vbroadcast v26, $0xF;
	v26 =	vld [tilespmem:$0x1F8A0]  }
0x1df: {  	v19 =	vsel vm2, v19, v22;
	v22 =	vbroadcast v59, $0xF;
	v59 =	vld [tilespmem:$0x1F8B0];
	_ =	sdelay $0x2  }
0x1e0: {  	v19 =	vsel vm3, v19, v20;
	v20 =	vbroadcast v61, $0xF;
	v61 =	vld [tilespmem:$0x1F8C0]  }
0x1e1: {  	v19 =	vsel vm4, v19, v22;
	v22 =	vbroadcast v26, $0xF;
	v26 =	vld [tilespmem:$0x1F8D0]  }
0x1e2: {  	v19 =	vsel vm5, v19, v20;
	v20 =	vbroadcast v59, $0xF;
	v59 =	vld [tilespmem:$0x1F8E0];
	_ =	sdelay $0x2  }
0x1e3: {  	v19 =	vsel vm6, v19, v22;
	v22 =	vbroadcast v61, $0xF;
	v61 =	vld [tilespmem:$0x1F8F0]  }
0x1e4: {  	v19 =	vsel vm7, v19, v20;
	v20 =	vbroadcast v26, $0xF  }
0x1e5: {  	v19 =	vsel vm8, v19, v22;
	v22 =	vbroadcast v59, $0xF  }
0x1e6: {  	v26 =	vld [tilespmem:$0x1F900];
	v19 =	vsel vm9, v19, v20  }
0x1e7: {  	v59 =	vld [tilespmem:$0x1F910];
	v19 =	vsel vm13, v19, v22  }
0x1e8: {  	v19 =	vsel vm11, v19, v61;
	v61 =	vld [tilespmem:$0x1F920]  }
0x1e9: {  	v36 =	vpop (erf)  }
0x1ea: {  	v37 =	vpop (erf)  }
0x1eb: {  	(xrf2) =	vadd.scan.msk.f32 $0xffff, v37  }
0x1ec: {  	v22 =	vbroadcast v26, $0xF  }
0x1ed: {  	v26 =	vbroadcast v59, $0xF;
	v59 =	vbroadcast v61, $0xF;
	v61 =	vld [tilespmem:$0x1F930];
	_ =	sdelay $0x4  }
0x1ee: {  	v22 =	vsel vm14, v22, v26;
	v26 =	vbroadcast v61, $0xF;
	v61 =	vld [tilespmem:$0x1F940];
	_ =	sdelay $0x2  }
0x1ef: {  	v18, _, _ =	vpop (xrf2)  }
0x1f0: {  	(v2sf) =	vpush v18, $0x7  }
0x1f1: {  	(v2sf) =	vpush v18, $0xF;
	v22 =	vsel vm1, v22, v59;
	v59 =	vbroadcast v61, $0xF;
	v61 =	vld [tilespmem:$0x1F950];
	_ =	sdelay $0x4  }
0x1f2: {  	v22 =	vsel vm15, v22, v26;
	v26 =	vbroadcast v61, $0xF;
	v61 =	vld [tilespmem:$0x1F960];
	_ =	sdelay $0x4  }
0x1f3: {  	v22 =	vsel vm0, v22, v59;
	v59 =	vbroadcast v61, $0xF;
	v61 =	vld [tilespmem:$0x1F970];
	_ =	sdelay $0x3  }
0x1f4: {  	s17 =	spop (v2sf)  }
0x1f5: {  	s18 =	spop (v2sf);
	v22 =	vsel vm10, v22, v26;
	v26 =	vbroadcast v61, $0xF;
	v61 =	vld [tilespmem:$0x1F980]  }
0x1f6: {  	v18 =	vbroadcast v18, $0x7;
	v19 =	vadd.f32 v19, v10;
	s15 =	ssub.f32 s18, s17;
	_ =	sdelay $0x1  }
0x1f7: {  	v19 =	vmul.f32 $1.442695020e+00, v19;
	v18 =	vnsel vm12, s15, v18  }
0x1f8: {  	(erf) = vrcp.f32 v18  }
0x1f9: {  	(erf) = vpow2.f32 v19;
	v22 =	vsel vm2, v22, v59;
	v59 =	vbroadcast v61, $0xF;
	v61 =	vld [tilespmem:$0x1F990];
	_ =	sdelay $0x4  }
0x1fa: {  	v22 =	vsel vm3, v22, v26;
	v26 =	vbroadcast v61, $0xF;
	v61 =	vld [tilespmem:$0x1F9A0];
	_ =	sdelay $0x2  }
0x1fb: {  	v19 =	vpop (erf)  }
0x1fc: {  	v18 =	vpop (erf)  }
0x1fd: {  	(xrf2) =	vadd.scan.msk.f32 $0xffff, v18;
	v22 =	vsel vm4, v22, v59;
	v59 =	vbroadcast v61, $0xF;
	v61 =	vld [tilespmem:$0x1F9B0];
	_ =	sdelay $0x4  }
0x1fe: {  	v22 =	vsel vm5, v22, v26;
	v26 =	vbroadcast v61, $0xF;
	v61 =	vld [tilespmem:$0x1F9C0];
	_ =	sdelay $0x4  }
0x1ff: {  	v20, _, _ =	vpop (xrf2);
	v22 =	vsel vm6, v22, v59;
	v59 =	vbroadcast v61, $0xF;
	v61 =	vld [tilespmem:$0x1F9D0]  }
0x200: {  	(v2sf) =	vpush v20, $0x7  }
0x201: {  	(v2sf) =	vpush v20, $0xF;
	_ =	sdelay $0x2  }
0x202: {  	v22 =	vsel vm7, v22, v26;
	v26 =	vbroadcast v61, $0xF;
	v61 =	vld [tilespmem:$0x1F9E0];
	_ =	sdelay $0x4  }
0x203: {  	v22 =	vsel vm8, v22, v59;
	v59 =	vbroadcast v61, $0xF  }
0x204: {  	v22 =	vsel vm9, v22, v26  }
0x205: {  	v22 =	vsel vm13, v22, v59;
	v59 =	vld [tilespmem:$0x1F9F0];
	_ =	sdelay $0x3  }
0x206: {  	s19 =	spop (v2sf)  }
0x207: {  	s20 =	spop (v2sf);
	v22 =	vsel vm11, v22, v59  }
0x208: {  	v20 =	vbroadcast v20, $0x7;
	s15 =	ssub.f32 s20, s19;
	v22 =	vadd.f32 v22, v10;
	_ =	sdelay $0x1  }
0x209: {  	v20 =	vnsel vm12, s15, v20;
	v22 =	vmul.f32 $1.442695020e+00, v22  }
0x20a: {  	(erf) = vrcp.f32 v20  }
0x20b: {  	(erf) = vpow2.f32 v22;
	_ =	sdelay $0x7  }
0x20c: {  	v22 =	vpop (erf)  }
0x20d: {  	v20 =	vpop (erf)  }
0x20e: {  	(xrf2) =	vadd.scan.msk.f32 $0xffff, v20  }
0x20f: {  	v61 =	vld [tilespmem:$0x1FA00];
	_ =	sdelay $0x4  }
0x210: {  	v21 =	vbroadcast v21, $0xF;
	v59 =	vbroadcast v61, $0xF  }
0x211: {  	v60 =	vbroadcast v60, $0xF  }
0x212: {  	v61 =	vbroadcast v63, $0xF;
	v21 =	vsel vm14, v59, v21  }
0x213: {  	v58 =	vbroadcast v58, $0xF;
	v21 =	vsel vm1, v21, v60  }
0x214: {  	v57 =	vbroadcast v57, $0xF;
	v63 =	vld [tilespmem:$0x1FA10];
	v21 =	vsel vm15, v21, v61;
	v26, _, _ =	vpop (xrf2)  }
0x215: {  	v62 =	vbroadcast v62, $0xF;
	v21 =	vsel vm0, v21, v58;
	(v2sf) =	vpush v26, $0x7  }
0x216: {  	v54 =	vbroadcast v54, $0xF;
	v21 =	vsel vm10, v21, v57;
	(v2sf) =	vpush v26, $0xF  }
0x217: {  	v56 =	vbroadcast v56, $0xF;
	v21 =	vsel vm2, v21, v62  }
0x218: {  	v50 =	vbroadcast v50, $0xF;
	v21 =	vsel vm3, v21, v54  }
0x219: {  	v54 =	vbroadcast v63, $0xF;
	v21 =	vsel vm4, v21, v56  }
0x21a: {  	v21 =	vsel vm5, v21, v50  }
0x21b: {  	v21 =	vsel vm6, v21, v54;
	v54 =	vld [tilespmem:$0x1FA20];
	_ =	sdelay $0x1  }
0x21c: {  	v57 =	vld [tilespmem:$0x1FA30];
	_ =	sdelay $0x1  }
0x21d: {  	v46 =	vbroadcast v46, $0xF  }
0x21e: {  	v50 =	vbroadcast v54, $0xF  }
0x21f: {  	v56 =	vbroadcast v51, $0xF;
	v21 =	vsel vm7, v21, v46  }
0x220: {  	v21 =	vsel vm8, v21, v50;
	v50 =	vbroadcast v57, $0xF  }
0x221: {  	v21 =	vsel vm9, v21, v56  }
0x222: {  	v21 =	vsel vm13, v21, v50;
	s21 =	spop (v2sf)  }
0x223: {  	v21 =	vsel vm11, v21, v45;
	s22 =	spop (v2sf)  }
0x224: {  	v21 =	vadd.f32 v21, v10;
	v26 =	vbroadcast v26, $0x7;
	s15 =	ssub.f32 s22, s21;
	_ =	sdelay $0x1  }
0x225: {  	v21 =	vmul.f32 $1.442695020e+00, v21;
	v26 =	vnsel vm12, s15, v26  }
0x226: {  	(erf) = vrcp.f32 v26  }
0x227: {  	(erf) = vpow2.f32 v21;
	_ =	sdelay $0x7  }
0x228: {  	v26 =	vpop (erf)  }
0x229: {  	v21 =	vpop (erf)  }
0x22a: {  	(xrf2) =	vadd.scan.msk.f32 $0xffff, v21  }
0x22b: {  	v59 =	vld [tilespmem:$0x1FA40]  }
0x22c: {  	v60 =	vld [tilespmem:$0x1FA50];
	_ =	sdelay $0x1  }
0x22d: {  	v61 =	vld [tilespmem:$0x1FA60];
	_ =	sdelay $0x1  }
0x22e: {  	v8 =	vbroadcast v8, $0xF;
	v63 =	vld [tilespmem:$0x1FA70];
	v46 =	vbroadcast v59, $0xF  }
0x22f: {  	v50 =	vbroadcast v60, $0xF  }
0x230: {  	v11 =	vbroadcast v11, $0xF;
	v8 =	vsel vm14, v46, v8  }
0x231: {  	v46 =	vbroadcast v61, $0xF;
	v8 =	vsel vm1, v8, v50  }
0x232: {  	v62 =	vbroadcast v14, $0xF;
	v8 =	vsel vm15, v8, v11;
	v58, _, _ =	vpop (xrf2)  }
0x233: {  	v14 =	vbroadcast v63, $0xF;
	v8 =	vsel vm0, v8, v46;
	(v2sf) =	vpush v58, $0x7  }
0x234: {  	v8 =	vsel vm10, v8, v62;
	(v2sf) =	vpush v58, $0xF  }
0x235: {  	v8 =	vsel vm2, v8, v14;
	v14 =	vld [tilespmem:$0x1FA80];
	_ =	sdelay $0x1  }
0x236: {  	v46 =	vld [tilespmem:$0x1FA90];
	_ =	sdelay $0x1  }
0x237: {  	v5 =	vbroadcast v5, $0xF;
	v51 =	vld [tilespmem:$0x1FAA0]  }
0x238: {  	v11 =	vbroadcast v14, $0xF  }
0x239: {  	v6 =	vbroadcast v6, $0xF;
	v5 =	vsel vm3, v8, v5  }
0x23a: {  	v8 =	vbroadcast v46, $0xF;
	v5 =	vsel vm4, v5, v11  }
0x23b: {  	v50 =	vbroadcast v9, $0xF;
	v5 =	vsel vm5, v5, v6  }
0x23c: {  	v5 =	vsel vm6, v5, v8;
	v8 =	vbroadcast v51, $0xF  }
0x23d: {  	v3 =	vbroadcast v3, $0xF;
	v5 =	vsel vm7, v5, v50  }
0x23e: {  	v52 =	vbroadcast v52, $0xF;
	v5 =	vsel vm8, v5, v8  }
0x23f: {  	v3 =	vsel vm9, v5, v3  }
0x240: {  	v3 =	vsel vm13, v3, v52;
	s23 =	spop (v2sf)  }
0x241: {  	v3 =	vsel vm11, v3, v4;
	s24 =	spop (v2sf)  }
0x242: {  	v3 =	vadd.f32 v3, v10;
	v54 =	vbroadcast v58, $0x7;
	s15 =	ssub.f32 s24, s23;
	_ =	sdelay $0x1  }
0x243: {  	v3 =	vmul.f32 $1.442695020e+00, v3;
	v4 =	vnsel vm12, s15, v54  }
0x244: {  	(erf) = vrcp.f32 v4  }
0x245: {  	(erf) = vpow2.f32 v3;
	_ =	sdelay $0x7  }
0x246: {  	v3 =	vpop (erf)  }
0x247: {  	v4 =	vpop (erf)  }
0x248: {  	(xrf2) =	vadd.scan.msk.f32 $0xffff, v4;
	_ =	sdelay $0x9  }
0x249: {  	v56, _, _ =	vpop (xrf2)  }
0x24a: {  	v57 =	vbroadcast v31, $0xF;
	v58 =	vbroadcast v15, $0xF;
	(v2sf) =	vpush v56, $0x7  }
0x24b: {  	v7 =	vbroadcast v7, $0xF;
	(v2sf) =	vpush v56, $0xF  }
0x24c: {  	v1 =	vbroadcast v1, $0xF;
	v6 =	vsel vm14, v57, v58  }
0x24d: {  	v59 =	vbroadcast v42, $0xF;
	v6 =	vsel vm1, v6, v7  }
0x24e: {  	v60 =	vbroadcast v53, $0xF;
	v1 =	vsel vm15, v6, v1  }
0x24f: {  	v61 =	vbroadcast v44, $0xF;
	v1 =	vsel vm0, v1, v59  }
0x250: {  	v62 =	vbroadcast v49, $0xF;
	v1 =	vsel vm10, v1, v60  }
0x251: {  	v63 =	vbroadcast v12, $0xF;
	v1 =	vsel vm2, v1, v61  }
0x252: {  	v9 =	vbroadcast v41, $0xF;
	v1 =	vsel vm3, v1, v62  }
0x253: {  	v11 =	vbroadcast v40, $0xF;
	v1 =	vsel vm4, v1, v63  }
0x254: {  	v12 =	vbroadcast v17, $0xF;
	v1 =	vsel vm5, v1, v9  }
0x255: {  	v13 =	vbroadcast v13, $0xF;
	v1 =	vsel vm6, v1, v11  }
0x256: {  	v14 =	vbroadcast v38, $0xF;
	v1 =	vsel vm7, v1, v12  }
0x257: {  	v15 =	vbroadcast v23, $0xF;
	v1 =	vsel vm8, v1, v13  }
0x258: {  	v1 =	vsel vm9, v1, v14  }
0x259: {  	v1 =	vsel vm13, v1, v15;
	s25 =	spop (v2sf)  }
0x25a: {  	v1 =	vsel vm11, v1, v35;
	s26 =	spop (v2sf)  }
0x25b: {  	v1 =	vadd.f32 v1, v10;
	v5 =	vbroadcast v56, $0x7;
	s15 =	ssub.f32 s26, s25;
	_ =	sdelay $0x1  }
0x25c: {  	v1 =	vmul.f32 $1.442695020e+00, v1;
	v5 =	vnsel vm12, s15, v5  }
0x25d: {  	(erf) = vrcp.f32 v5  }
0x25e: {  	(erf) = vpow2.f32 v1;
	_ =	sdelay $0x7  }
0x25f: {  	v17 =	vpop (erf)  }
0x260: {  	v23 =	vpop (erf)  }
0x261: {  	(xrf2) =	vadd.scan.msk.f32 $0xffff, v23;
	_ =	sdelay $0x9  }
0x262: {  	v31, _, _ =	vpop (xrf2)  }
0x263: {  	v38 =	vbroadcast v55, $0xF;
	v35 =	vbroadcast v29, $0xF;
	(v2sf) =	vpush v31, $0x7  }
0x264: {  	v40 =	vbroadcast v32, $0xF;
	(v2sf) =	vpush v31, $0xF  }
0x265: {  	v41 =	vbroadcast v47, $0xF;
	v7 =	vsel vm14, v35, v38  }
0x266: {  	v42 =	vbroadcast v33, $0xF;
	v7 =	vsel vm1, v7, v40  }
0x267: {  	v44 =	vbroadcast v43, $0xF;
	v7 =	vsel vm15, v7, v41  }
0x268: {  	v45 =	vbroadcast v30, $0xF;
	v7 =	vsel vm0, v7, v42  }
0x269: {  	v46 =	vbroadcast v39, $0xF;
	v7 =	vsel vm10, v7, v44  }
0x26a: {  	v47 =	vbroadcast v27, $0xF;
	v7 =	vsel vm2, v7, v45  }
0x26b: {  	v49 =	vbroadcast v34, $0xF;
	v7 =	vsel vm3, v7, v46  }
0x26c: {  	v50 =	vbroadcast v24, $0xF;
	v7 =	vsel vm4, v7, v47  }
0x26d: {  	v51 =	vbroadcast v16, $0xF;
	v7 =	vsel vm5, v7, v49  }
0x26e: {  	v52 =	vbroadcast v25, $0xF;
	v7 =	vsel vm6, v7, v50  }
0x26f: {  	v53 =	vbroadcast v28, $0xF;
	v7 =	vsel vm7, v7, v51  }
0x270: {  	v2 =	vbroadcast v2, $0xF;
	v7 =	vsel vm8, v7, v52  }
0x271: {  	v7 =	vsel vm9, v7, v53  }
0x272: {  	v2 =	vsel vm13, v7, v2;
	s28 =	spop (v2sf)  }
0x273: {  	v2 =	vsel vm11, v2, v48;
	s29 =	spop (v2sf)  }
0x274: {  	v2 =	vadd.f32 v2, v10;
	v6 =	vbroadcast v31, $0x7;
	s15 =	ssub.f32 s29, s28;
	_ =	sdelay $0x1  }
0x275: {  	v2 =	vmul.f32 $1.442695020e+00, v2;
	v6 =	vnsel vm12, s15, v6  }
0x276: {  	(erf) = vrcp.f32 v6  }
0x277: {  	(erf) = vpow2.f32 v2;
	_ =	sdelay $0x7  }
0x278: {  	v54 =	vpop (erf)  }
0x279: {  	v55 =	vpop (erf)  }
0x27a: {  	(xrf2) =	vadd.scan.msk.f32 $0xffff, v55;
	_ =	sdelay $0x9  }
0x27b: {  	v56, _, _ =	vpop (xrf2)  }
0x27c: {  	(v2sf) =	vpush v56, $0x7  }
0x27d: {  	(v2sf) =	vpush v56, $0xF;
	_ =	sdelay $0xd  }
0x27e: {  	s30 =	spop (v2sf)  }
0x27f: {  	s31 =	spop (v2sf)  }
0x280: {  	v7 =	vbroadcast v56, $0x7;
	s15 =	ssub.f32 s31, s30;
	_ =	sdelay $0x1  }
0x281: {  	v7 =	vnsel vm12, s15, v7  }
0x282: {  	(erf) = vrcp.f32 v7;
	_ =	sdelay $0x2  }
0x283: {  	v0 =	vmul.f32 v36, v0  }
0x284: {  	v57 =	vmul.f32 v19, v37  }
0x285: {  	[tilespmem:$0x6080] =	vst v0;
	v58 =	vmul.f32 v22, v18  }
0x286: {  	[tilespmem:$0x6100] =	vst v57;
	v59 =	vmul.f32 v26, v20  }
0x287: {  	[tilespmem:$0x6180] =	vst v58;
	v60 =	vmul.f32 v3, v21  }
0x288: {  	[tilespmem:$0x6200] =	vst v59;
	v1 =	vmul.f32 v17, v4  }
0x289: {  	[tilespmem:$0x6280] =	vst v60;
	v61 =	vmul.f32 v54, v23;
	v62 =	vpop (erf)  }
0x28a: {  	[tilespmem:$0x6300] =	vst v1;
	v63 =	vmul.f32 v62, v55  }
0x28b: {  	s14 =	sshll.u32 s14, $0x3;
	[tilespmem:$0x6380] =	vst v61  }
.Ltmp4:
0x28c: {  	s14 =	sadd.s32 s2, s14;
	[tilespmem:$0x6400] =	vst v63;
	(pc) =	sbr.rel @p0 .LBB2_2-.Ltmp4, $4  }
0x28d: {  	[hbm4b:s14+s3] =	stream.linear.scatter [tilespmem:s12], [sflag:$0x1], $0x400, $0x38;
	[tilespmem:$0x6480] =	vst v63  }
0x28e: {  	_ =	swait.ge [sflag:s9], $0x400  }
0x28f: {  	[sflag:s9] =	ssyncset.done $0x0  }
0x290: {  	p1 =	por $0x0, $0x0;
	s14 =	simm.s32 $0x10;
	[sflag:s9] =	ssyncadd.s32 $0xFFFFFC00  }
0x291: {  	s13 =	sadd.s32 $0x1, s13  }
0x292: {  	p0 =	sne.s32 s13, s8  }
.Ltmp5:
0x293: {  	_ = 	snop;
	(pc) =	sbr.rel @p0 .LBB2_1-.Ltmp5, $1  }
0x294: {  	_ =	sdelay $0x3  }
0x295: {  	_ =	sfence.sel $0x180000  }
0x296: {  	[bflag:$0x0] =	sbarrier.arrive $0xFFFF  }
0x297: {  	p0 =	sne.s32 s4, $0x0;
	_ =	strace $0x90000047  }
0x298: {  	s0 =	sadd.s32 @!p0 $0x100000, s0;
	[bflag:$0x2] =	sbarrier.arrive $0xFFFF  }
0x299: {  	[sflag:s0] =	ssyncadd.tile.s32 @!p0 $0x1;
	_ =	shalt  }
.Lfunc_end2:
_tile_overlayer_lowered:
.L_overlay_start_2:
0x29a: {  	(tag) =	ssettag $0x2  }
0x29b: {  	s0 =	rddreg [dreg:$0x0];
	s2 =	stileid.u32  }
0x29c: {  	s1 =	rddreg [dreg:$0x1];
	p0 =	sne.s32 s2, $0x0  }
0x29d: {  	s3 =	rddreg [dreg:$0x2];
	[bflag:$0x3] =	sbarrier.arrive $0xFFFF;
	s2 =	simm.s32 @!p0 $0x1C01  }
0x29e: {  	[timem:s3], [sflag:s2] =	dma.local @!p0 [hbm:s0], s1  }
0x29f: {  	s0 =	simm.s32 @!p0 $0x1  }
0x2a0: {  	_ =	swait.ge @!p0 [sflag:s0], s1  }
0x2a1: {  	s1 =	ssub.s32 @!p0 $0x0, s1;
	[sflag:s0] =	ssyncset.done @!p0 $0x0  }
0x2a2: {  	[sflag:s0] =	ssyncadd.s32 @!p0 s1  }
0x2a3: {  	[bflag:$0x3] =	sbarrier.arrive $0xFFFF  }
0x2a4: {  	_ =	shalt  }

</sc_bundles>
